<compile_context>
chip_gen: v7x
topology: tpu7x:2x2x1
jax: 0.10.2.dev20260603
libtpu: 0.0.44.dev20260713+nightly
codegen_flags: <defaults>
</compile_context>

<pallas_src>
import functools

import jax
import jax.numpy as jnp
from jax import lax
from jax.experimental import pallas as pl
from jax.experimental.pallas import tpu as pltpu
from jax.experimental.pallas import tpu_sc as plsc

NUM_EMBEDDINGS = 1000000
D = 64
BATCH = 4096
SEQ_LEN = 200
B = BATCH * SEQ_LEN

NC = 2
NS = 16
NW = NC * NS

Q = 80

VCT = NUM_EMBEDDINGS // 128
VREM = NUM_EMBEDDINGS - VCT * 128
AMAX = (VCT + NW - 1) // NW

BLOCK = 256
BLOCKS_PER_T = BATCH // BLOCK
NBLOCKS = SEQ_LEN * BLOCKS_PER_T
NBLK = NBLOCKS // NW
NPAIR = NBLK // 2


def _make_phase_a():
    mesh = plsc.VectorSubcoreMesh(core_axis_name="c", subcore_axis_name="s")

    @functools.partial(
        pl.kernel,
        out_type=jax.ShapeDtypeStruct((NUM_EMBEDDINGS * Q,), jnp.float32),
        mesh=mesh,
        scratch_types=[
            pltpu.VMEM((D, 128), jnp.float32),
            pltpu.VMEM((D, 128), jnp.float32),
            pltpu.VMEM((D * 129,), jnp.float32),
            pltpu.VMEM((128 * Q,), jnp.float32),
            pltpu.VMEM((128 * Q,), jnp.float32),
            pltpu.VMEM((VREM * D,), jnp.float32),
            pltpu.SemaphoreType.DMA,
            pltpu.SemaphoreType.DMA,
            pltpu.SemaphoreType.DMA,
            pltpu.SemaphoreType.DMA,
        ],
        compiler_params=pltpu.CompilerParams(use_tc_tiling_on_sc=True,
                                             needs_layout_passes=False),
    )
    def phase_a(wt_hbm, wtail_hbm, out_hbm, tin0, tin1, tpad, tout0, tout1,
                tin_tail, isem0, isem1, osem0, osem1):
        wid = lax.axis_index("s") * NC + lax.axis_index("c")
        tin = (tin0, tin1)
        tout = (tout0, tout1)
        isem = (isem0, isem1)
        osem = (osem0, osem1)

        iota = lax.iota(jnp.int32, 16)
        iq = iota * Q

        def vc_of(r):
            return r * NW + wid

        def in_copies(r, b):
            vc = vc_of(r)
            return [
                pltpu.make_async_copy(
                    wt_hbm.at[pl.ds(dr * 8, 8), pl.ds(vc * 128, 128)],
                    tin[b].at[pl.ds(dr * 8, 8), :],
                    isem[b])
                for dr in range(8)
            ]

        def out_copy(r, b):
            vc = vc_of(r)
            return pltpu.make_async_copy(
                tout[b], out_hbm.at[pl.ds(vc * 128 * Q, 128 * Q)], osem[b])

        rc129 = [(lax.iota(jnp.int32, 16) + 16 * c) * 129 for c in range(4)]

        def transpose_tile(src, dst):
            def pbody(d, carry):
                o = d * 129
                for i in range(8):
                    tpad[pl.ds(o + 16 * i, 16)] = src[d, pl.ds(16 * i, 16)]
                return carry

            lax.fori_loop(0, D, pbody, None, unroll=4)

            def body(vl, carry):
                o = vl * Q
                for c in range(4):
                    vals = plsc.load_gather(tpad, [rc129[c] + vl])
                    dst[pl.ds(o + 16 * c, 16)] = vals
                return carry

            lax.fori_loop(0, 128, body, None, unroll=2)

        def valid(r):
            return vc_of(r) < VCT

        def process(r, b):
            @pl.when(valid(r + 1))
            def _start_next():
                for c in in_copies(r + 1, 1 - b):
                    c.start()

            @pl.when(valid(r))
            def _process():
                @pl.when(r >= 2)
                def _():
                    out_copy(r - 2, b).wait()
                for c in in_copies(r, b):
                    c.wait()
                transpose_tile(tin[b], tout[b])
                out_copy(r, b).start()

        @pl.when(valid(0))
        def _():
            for c in in_copies(0, 0):
                c.start()

        def pair_body(p, carry):
            process(2 * p, 0)
            process(2 * p + 1, 1)
            return carry

        lax.fori_loop(0, (AMAX + 1) // 2, pair_body, None)

        nv = (VCT - wid + NW - 1) // NW
        r1 = nv - 1
        r2 = nv - 2

        def _drain(rbuf0, rbuf1):
            out_copy(rbuf0, 0).wait()
            out_copy(rbuf1, 1).wait()

        lax.cond(lax.rem(r1, 2) == 0,
                 lambda: _drain(r1, r2),
                 lambda: _drain(r2, r1))

        @pl.when(wid == NW - 1)
        def _tail():
            pltpu.async_copy(wtail_hbm, tin_tail, isem0)
            pltpu.make_async_copy(wtail_hbm, tin_tail, isem0).wait()

            def tbody(d, carry):
                for i in range(VREM // 16):
                    vals = tin_tail[pl.ds(d * VREM + 16 * i, 16)]
                    plsc.store_scatter(tout0, [iq + (16 * i * Q + d)], vals)
                return carry

            lax.fori_loop(0, D, tbody, None, unroll=4)
            pltpu.async_copy(
                tout0.at[pl.ds(0, VREM * Q)],
                out_hbm.at[pl.ds(VCT * 128 * Q, VREM * Q)],
                osem0)
            pltpu.make_async_copy(
                tout0.at[pl.ds(0, VREM * Q)],
                out_hbm.at[pl.ds(VCT * 128 * Q, VREM * Q)],
                osem0).wait()

    return phase_a


def _make_phase_b():
    mesh = plsc.VectorSubcoreMesh(core_axis_name="c", subcore_axis_name="s")

    @functools.partial(
        pl.kernel,
        out_type=jax.ShapeDtypeStruct((SEQ_LEN, 8, BATCH // 128, 8, 128),
                                      jnp.float32),
        mesh=mesh,
        scratch_types=[
            pltpu.VMEM((BLOCK,), jnp.int32),
            pltpu.VMEM((BLOCK,), jnp.int32),
            pltpu.VMEM((BLOCK, Q), jnp.float32),
            pltpu.VMEM((BLOCK, Q), jnp.float32),
            pltpu.VMEM((8, 2, 8, 128), jnp.float32),
            pltpu.VMEM((8, 2, 8, 128), jnp.float32),
            pltpu.VMEM((BLOCK * 65,), jnp.float32),
            pltpu.SemaphoreType.DMA,
            pltpu.SemaphoreType.DMA,
            pltpu.SemaphoreType.DMA,
            pltpu.SemaphoreType.DMA,
            pltpu.SemaphoreType.DMA,
            pltpu.SemaphoreType.DMA,
        ],
        compiler_params=pltpu.CompilerParams(use_tc_tiling_on_sc=False,
                                             needs_layout_passes=False),
    )
    def phase_b(idxT_hbm, table_hbm, out_hbm,
                idx0, idx1, grows0, grows1, gt0, gt1, gp,
                isem0, isem1, gsem0, gsem1, wsem0, wsem1):
        wid = lax.axis_index("s") * NC + lax.axis_index("c")
        base = wid * NBLK
        idx_v = (idx0, idx1)
        grows = (grows0, grows1)
        gt = (gt0, gt1)
        isem = (isem0, isem1)
        gsem = (gsem0, gsem1)
        wsem = (wsem0, wsem1)

        iota = lax.iota(jnp.int32, 16)

        def idx_copy(g, b):
            t = g // BLOCKS_PER_T
            bk = g % BLOCKS_PER_T
            return pltpu.make_async_copy(
                idxT_hbm.at[t, pl.ds(bk * BLOCK, BLOCK)], idx_v[b], isem[b])

        def gather(b):
            return pltpu.make_async_copy(
                table_hbm.at[idx_v[b]], grows[b], gsem[b])

        def writeback(g, b):
            t = g // BLOCKS_PER_T
            bk = g % BLOCKS_PER_T
            return pltpu.make_async_copy(
                gt[b], out_hbm.at[t, :, pl.ds(2 * bk, 2), :, :], wsem[b])

        i65 = iota * 65

        def transpose_block(src, dst):
            def rbody(l, carry):
                o = l * 65
                for c in range(4):
                    gp[pl.ds(o + 16 * c, 16)] = src[l, pl.ds(16 * c, 16)]
                return carry

            lax.fori_loop(0, BLOCK, rbody, None, unroll=4)

            def body(r, carry):
                dr = r // 16
                rem = r - dr * 16
                bc2 = rem // 8
                ds = rem - bc2 * 8
                d = dr * 8 + ds
                rb = bc2 * 128
                for j in range(8):
                    pos = i65 + ((rb + 16 * j) * 65 + d)
                    vals = plsc.load_gather(gp, [pos])
                    dst[dr, bc2, ds, pl.ds(16 * j, 16)] = vals
                return carry

            lax.fori_loop(0, 128, body, None, unroll=2)

        idx_copy(base + 0, 0).start()
        idx_copy(base + 1, 1).start()

        def pair(p, carry):
            for b in range(2):
                k = 2 * p + b
                g = base + k
                o = b ^ 1

                @pl.when(k >= 2)
                def _wait_prev_wb():
                    writeback(g - 2, b).wait()

                idx_copy(g, b).wait()
                gather(b).start()

                @pl.when(k >= 1)
                def _drain_and_flush_prev():
                    gather(o).wait()

                    @pl.when(k + 1 < NBLK)
                    def _prefetch_idx():
                        idx_copy(g + 1, o).start()

                    transpose_block(grows[o], gt[o])
                    writeback(g - 1, o).start()

            return carry

        lax.fori_loop(0, NPAIR, pair, None)

        last = base + NBLK - 1
        gather(1).wait()
        transpose_block(grows[1], gt[1])
        writeback(last, 1).start()
        writeback(last - 1, 0).wait()
        writeback(last, 1).wait()

    return phase_b


_phase_a = _make_phase_a()
_phase_b = _make_phase_b()


def kernel(input_, W):
    idxT = input_.T.astype(jnp.int32)
    wtail = W[VCT * 128:, :].T.reshape(VREM * D)
    wr = _phase_a(W.T, wtail)
    ot5 = _phase_b(idxT, wr.reshape(NUM_EMBEDDINGS, Q))
    return ot5.transpose(2, 4, 0, 1, 3).reshape(BATCH, SEQ_LEN, D)

# --- scband reference (transcript-rebuilt; emitter-appended) ---
"""Pipeline reference for scband-vocab-parallel-embedding-7318624272937 (READ-ONLY COPY).

The authoritative reference and input builder live on the scoring server;
editing this copy changes nothing except your own understanding.
"""

import jax, jax.numpy as jnp
import numpy as np

NUM_EMBEDDINGS = 1000000
EMBEDDING_DIM = 64
PADDING_IDX = 0
BATCH = 4096
SEQ_LEN = 200

def setup_inputs(seed: int = 0) -> dict:
    key = jax.random.key(seed)
    k1, k2 = jax.random.split(key)
    input_ = jax.random.randint(k1, (BATCH, SEQ_LEN), 0, NUM_EMBEDDINGS)
    W = jax.random.normal(k2, (NUM_EMBEDDINGS, EMBEDDING_DIM), dtype=jnp.float32) * 0.02
    # padding_idx row is zeroed at init (matches torch VocabParallelEmbedding init)
    W = W.at[PADDING_IDX].set(0.0)
    return {"input_": input_, "W": W}

def reference(input_, W):
    # tp_world_size == 1 path: plain embedding lookup (F.embedding).
    # padding_idx semantics: the padding row of W is zero, so the gather
    # naturally returns zeros for padding tokens.
    return jnp.take(W, input_, axis=0)

if __name__ == "__main__":
    import jax
    _d = setup_inputs()
    print(jax.jit(kernel)(*tuple(_d.values())))

</pallas_src>

<mosaic_0001>
#map = affine_map<(d0, d1) -> (0, 0)>
#map1 = affine_map<(d0, d1) -> (0, 0, 0, 0, 0)>
module attributes {stable_mosaic.version = 14 : i64} {
  func.func @phase_b(%arg0: i32, %arg1: i32, %arg2: memref<200x4096xi32, #tpu.memory_space<hbm>>, %arg3: memref<1000000x80xf32, #tpu.memory_space<hbm>>, %arg4: memref<200x8x32x8x128xf32, #tpu.memory_space<hbm>>, %arg5: memref<256xi32, #tpu.memory_space<vmem>>, %arg6: memref<256xi32, #tpu.memory_space<vmem>>, %arg7: memref<256x80xf32, #tpu.memory_space<vmem>>, %arg8: memref<256x80xf32, #tpu.memory_space<vmem>>, %arg9: memref<8x2x8x128xf32, #tpu.memory_space<vmem>>, %arg10: memref<8x2x8x128xf32, #tpu.memory_space<vmem>>, %arg11: memref<16640xf32, #tpu.memory_space<vmem>>, %arg12: memref<!tpu.dma_semaphore, #tpu.memory_space<semaphore_mem>>, %arg13: memref<!tpu.dma_semaphore, #tpu.memory_space<semaphore_mem>>, %arg14: memref<!tpu.dma_semaphore, #tpu.memory_space<semaphore_mem>>, %arg15: memref<!tpu.dma_semaphore, #tpu.memory_space<semaphore_mem>>, %arg16: memref<!tpu.dma_semaphore, #tpu.memory_space<semaphore_mem>>, %arg17: memref<!tpu.dma_semaphore, #tpu.memory_space<semaphore_mem>>) attributes {dimension_semantics = [#tpu.dimension_semantics<core_parallel>, #tpu.dimension_semantics<subcore_parallel>], iteration_bounds = array<i64: 2, 16>, scalar_prefetch = 0 : i64, scratch_operands = 13 : i64, tpu.core_type = #tpu.core_type<sc_vector_subcore>, window_params = [{transform_indices = #map}, {transform_indices = #map}, {transform_indices = #map1}]} {
    %mul3A = arith.constant 2 : i32
    %mul3A_0 = arith.muli %arg1, %mul3A : i32
    %add3A = arith.addi %mul3A_0, %arg0 : i32
    %mul3A_1 = arith.constant 100 : i32
    %mul3A_2 = arith.muli %add3A, %mul3A_1 : i32
    %iota3A = tpu.iota {dimensions = array<i32: 0>} : vector<16xi32>
    %mul3A_3 = arith.constant 65 : i32
    %mul3A_4 = vector.broadcast %mul3A_3 : i32 to vector<16xi32>
    %mul3A_5 = arith.muli %iota3A, %mul3A_4 : vector<16xi32>
    %add3A_6 = arith.constant 0 : i32
    %add3A_7 = arith.addi %mul3A_2, %add3A_6 : i32
    %jit3A = arith.constant 16 : i32
    %div3A = arith.divsi %add3A_7, %jit3A : i32
    %sign3A = arith.constant 0 : i32
    %sign3A_8 = arith.cmpi sgt, %add3A_7, %sign3A : i32
    %sign3A_9 = arith.extui %sign3A_8 : i1 to i32
    %sign3A_10 = arith.constant 0 : i32
    %sign3A_11 = arith.cmpi slt, %add3A_7, %sign3A_10 : i32
    %sign3A_12 = arith.extui %sign3A_11 : i1 to i32
    %sign3A_13 = arith.subi %sign3A_9, %sign3A_12 : i32
    %sign3A_14 = arith.constant 0 : i32
    %sign3A_15 = arith.cmpi sgt, %jit3A, %sign3A_14 : i32
    %sign3A_16 = arith.extui %sign3A_15 : i1 to i32
    %sign3A_17 = arith.constant 0 : i32
    %sign3A_18 = arith.cmpi slt, %jit3A, %sign3A_17 : i32
    %sign3A_19 = arith.extui %sign3A_18 : i1 to i32
    %sign3A_20 = arith.subi %sign3A_16, %sign3A_19 : i32
    %ne3A = arith.cmpi ne, %sign3A_13, %sign3A_20 : i32
    %rem3A = arith.remsi %add3A_7, %jit3A : i32
    %ne3A_21 = arith.constant 0 : i32
    %ne3A_22 = arith.cmpi ne, %rem3A, %ne3A_21 : i32
    %and3A = arith.andi %ne3A, %ne3A_22 : i1
    %sub3A = arith.constant 1 : i32
    %sub3A_23 = arith.subi %div3A, %sub3A : i32
    %select_n3A = arith.select %and3A, %sub3A_23, %div3A : i32
    %jit3A_24 = arith.constant 16 : i32
    %eq3A = arith.constant 0 : i32
    %eq3A_25 = arith.cmpi eq, %jit3A_24, %eq3A : i32
    %jit3A_26 = arith.constant 1 : i32
    %select_n3A_27 = arith.select %eq3A_25, %jit3A_26, %jit3A_24 : i32
    %rem3A_28 = arith.remsi %add3A_7, %select_n3A_27 : i32
    %ne3A_29 = arith.constant 0 : i32
    %ne3A_30 = arith.cmpi ne, %rem3A_28, %ne3A_29 : i32
    %lt3A = arith.constant 0 : i32
    %lt3A_31 = arith.cmpi slt, %rem3A_28, %lt3A : i32
    %lt3A_32 = arith.constant 0 : i32
    %lt3A_33 = arith.cmpi slt, %select_n3A_27, %lt3A_32 : i32
    %ne3A_34 = arith.xori %lt3A_31, %lt3A_33 : i1
    %and3A_35 = arith.andi %ne3A_34, %ne3A_30 : i1
    %add3A_36 = arith.addi %rem3A_28, %select_n3A_27 : i32
    %select_n3A_37 = arith.select %and3A_35, %add3A_36, %rem3A_28 : i32
    %mul3A_38 = arith.constant 256 : i32
    %mul3A_39 = arith.muli %select_n3A_37, %mul3A_38 : i32
    %dma_start3A = tpu.memref_slice %arg2[%select_n3A, %mul3A_39] : memref<200x4096xi32, #tpu.memory_space<hbm>> -> memref<1x256xi32, #tpu.memory_space<hbm>>
    %dma_start3A_40 = tpu.memref_squeeze %dma_start3A : memref<1x256xi32, #tpu.memory_space<hbm>> -> memref<256xi32, #tpu.memory_space<hbm>>
    %dma_start3A_41 = tpu.memref_slice %arg2[%select_n3A, %mul3A_39] : memref<200x4096xi32, #tpu.memory_space<hbm>> -> memref<1x256xi32, #tpu.memory_space<hbm>>
    %dma_start3A_42 = tpu.memref_squeeze %dma_start3A_41 : memref<1x256xi32, #tpu.memory_space<hbm>> -> memref<256xi32, #tpu.memory_space<hbm>>
    tpu.enqueue_dma source(%dma_start3A_42 : memref<256xi32, #tpu.memory_space<hbm>>) target(%arg5 : memref<256xi32, #tpu.memory_space<vmem>>) target_semaphore(%arg12 : memref<!tpu.dma_semaphore, #tpu.memory_space<semaphore_mem>>)
    %add3A_43 = arith.constant 1 : i32
    %add3A_44 = arith.addi %mul3A_2, %add3A_43 : i32
    %jit3A_45 = arith.constant 16 : i32
    %div3A_46 = arith.divsi %add3A_44, %jit3A_45 : i32
    %sign3A_47 = arith.constant 0 : i32
    %sign3A_48 = arith.cmpi sgt, %add3A_44, %sign3A_47 : i32
    %sign3A_49 = arith.extui %sign3A_48 : i1 to i32
    %sign3A_50 = arith.constant 0 : i32
    %sign3A_51 = arith.cmpi slt, %add3A_44, %sign3A_50 : i32
    %sign3A_52 = arith.extui %sign3A_51 : i1 to i32
    %sign3A_53 = arith.subi %sign3A_49, %sign3A_52 : i32
    %sign3A_54 = arith.constant 0 : i32
    %sign3A_55 = arith.cmpi sgt, %jit3A_45, %sign3A_54 : i32
    %sign3A_56 = arith.extui %sign3A_55 : i1 to i32
    %sign3A_57 = arith.constant 0 : i32
    %sign3A_58 = arith.cmpi slt, %jit3A_45, %sign3A_57 : i32
    %sign3A_59 = arith.extui %sign3A_58 : i1 to i32
    %sign3A_60 = arith.subi %sign3A_56, %sign3A_59 : i32
    %ne3A_61 = arith.cmpi ne, %sign3A_53, %sign3A_60 : i32
    %rem3A_62 = arith.remsi %add3A_44, %jit3A_45 : i32
    %ne3A_63 = arith.constant 0 : i32
    %ne3A_64 = arith.cmpi ne, %rem3A_62, %ne3A_63 : i32
    %and3A_65 = arith.andi %ne3A_61, %ne3A_64 : i1
    %sub3A_66 = arith.constant 1 : i32
    %sub3A_67 = arith.subi %div3A_46, %sub3A_66 : i32
    %select_n3A_68 = arith.select %and3A_65, %sub3A_67, %div3A_46 : i32
    %jit3A_69 = arith.constant 16 : i32
    %eq3A_70 = arith.constant 0 : i32
    %eq3A_71 = arith.cmpi eq, %jit3A_69, %eq3A_70 : i32
    %jit3A_72 = arith.constant 1 : i32
    %select_n3A_73 = arith.select %eq3A_71, %jit3A_72, %jit3A_69 : i32
    %rem3A_74 = arith.remsi %add3A_44, %select_n3A_73 : i32
    %ne3A_75 = arith.constant 0 : i32
    %ne3A_76 = arith.cmpi ne, %rem3A_74, %ne3A_75 : i32
    %lt3A_77 = arith.constant 0 : i32
    %lt3A_78 = arith.cmpi slt, %rem3A_74, %lt3A_77 : i32
    %lt3A_79 = arith.constant 0 : i32
    %lt3A_80 = arith.cmpi slt, %select_n3A_73, %lt3A_79 : i32
    %ne3A_81 = arith.xori %lt3A_78, %lt3A_80 : i1
    %and3A_82 = arith.andi %ne3A_81, %ne3A_76 : i1
    %add3A_83 = arith.addi %rem3A_74, %select_n3A_73 : i32
    %select_n3A_84 = arith.select %and3A_82, %add3A_83, %rem3A_74 : i32
    %mul3A_85 = arith.constant 256 : i32
    %mul3A_86 = arith.muli %select_n3A_84, %mul3A_85 : i32
    %dma_start3A_87 = tpu.memref_slice %arg2[%select_n3A_68, %mul3A_86] : memref<200x4096xi32, #tpu.memory_space<hbm>> -> memref<1x256xi32, #tpu.memory_space<hbm>>
    %dma_start3A_88 = tpu.memref_squeeze %dma_start3A_87 : memref<1x256xi32, #tpu.memory_space<hbm>> -> memref<256xi32, #tpu.memory_space<hbm>>
    %dma_start3A_89 = tpu.memref_slice %arg2[%select_n3A_68, %mul3A_86] : memref<200x4096xi32, #tpu.memory_space<hbm>> -> memref<1x256xi32, #tpu.memory_space<hbm>>
    %dma_start3A_90 = tpu.memref_squeeze %dma_start3A_89 : memref<1x256xi32, #tpu.memory_space<hbm>> -> memref<256xi32, #tpu.memory_space<hbm>>
    tpu.enqueue_dma source(%dma_start3A_90 : memref<256xi32, #tpu.memory_space<hbm>>) target(%arg6 : memref<256xi32, #tpu.memory_space<vmem>>) target_semaphore(%arg13 : memref<!tpu.dma_semaphore, #tpu.memory_space<semaphore_mem>>)
    %scan3A = arith.constant 0 : i32
    %scan3A_91 = arith.constant 50 : i32
    %scan3A_92 = arith.addi %scan3A, %scan3A_91 : i32
    %scan3A_93 = arith.constant 1 : i32
    scf.for %scan3A_269 = %scan3A to %scan3A_92 step %scan3A_93  : i32 {
      %mul3A_270 = arith.constant 2 : i32
      %mul3A_271 = arith.muli %mul3A_270, %scan3A_269 : i32
      %add3A_272 = arith.constant 0 : i32
      %add3A_273 = arith.addi %mul3A_271, %add3A_272 : i32
      %add3A_274 = arith.addi %mul3A_2, %add3A_273 : i32
      %ge3A = arith.constant 2 : i32
      %ge3A_275 = arith.cmpi sge, %add3A_273, %ge3A : i32
      %convert_element_type3A = arith.extui %ge3A_275 : i1 to i32
      %cond3A = arith.constant 0 : i32
      %cond3A_276 = arith.cmpi ne, %convert_element_type3A, %cond3A : i32
      scf.if %cond3A_276 {
        %sub3A_395 = arith.constant 2 : i32
        %sub3A_396 = arith.subi %add3A_274, %sub3A_395 : i32
        %jit3A_397 = arith.constant 16 : i32
        %div3A_398 = arith.divsi %sub3A_396, %jit3A_397 : i32
        %sign3A_399 = arith.constant 0 : i32
        %sign3A_400 = arith.cmpi sgt, %sub3A_396, %sign3A_399 : i32
        %sign3A_401 = arith.extui %sign3A_400 : i1 to i32
        %sign3A_402 = arith.constant 0 : i32
        %sign3A_403 = arith.cmpi slt, %sub3A_396, %sign3A_402 : i32
        %sign3A_404 = arith.extui %sign3A_403 : i1 to i32
        %sign3A_405 = arith.subi %sign3A_401, %sign3A_404 : i32
        %sign3A_406 = arith.constant 0 : i32
        %sign3A_407 = arith.cmpi sgt, %jit3A_397, %sign3A_406 : i32
        %sign3A_408 = arith.extui %sign3A_407 : i1 to i32
        %sign3A_409 = arith.constant 0 : i32
        %sign3A_410 = arith.cmpi slt, %jit3A_397, %sign3A_409 : i32
        %sign3A_411 = arith.extui %sign3A_410 : i1 to i32
        %sign3A_412 = arith.subi %sign3A_408, %sign3A_411 : i32
        %ne3A_413 = arith.cmpi ne, %sign3A_405, %sign3A_412 : i32
        %rem3A_414 = arith.remsi %sub3A_396, %jit3A_397 : i32
        %ne3A_415 = arith.constant 0 : i32
        %ne3A_416 = arith.cmpi ne, %rem3A_414, %ne3A_415 : i32
        %and3A_417 = arith.andi %ne3A_413, %ne3A_416 : i1
        %sub3A_418 = arith.constant 1 : i32
        %sub3A_419 = arith.subi %div3A_398, %sub3A_418 : i32
        %select_n3A_420 = arith.select %and3A_417, %sub3A_419, %div3A_398 : i32
        %jit3A_421 = arith.constant 16 : i32
        %eq3A_422 = arith.constant 0 : i32
        %eq3A_423 = arith.cmpi eq, %jit3A_421, %eq3A_422 : i32
        %jit3A_424 = arith.constant 1 : i32
        %select_n3A_425 = arith.select %eq3A_423, %jit3A_424, %jit3A_421 : i32
        %rem3A_426 = arith.remsi %sub3A_396, %select_n3A_425 : i32
        %ne3A_427 = arith.constant 0 : i32
        %ne3A_428 = arith.cmpi ne, %rem3A_426, %ne3A_427 : i32
        %lt3A_429 = arith.constant 0 : i32
        %lt3A_430 = arith.cmpi slt, %rem3A_426, %lt3A_429 : i32
        %lt3A_431 = arith.constant 0 : i32
        %lt3A_432 = arith.cmpi slt, %select_n3A_425, %lt3A_431 : i32
        %ne3A_433 = arith.xori %lt3A_430, %lt3A_432 : i1
        %and3A_434 = arith.andi %ne3A_433, %ne3A_428 : i1
        %add3A_435 = arith.addi %rem3A_426, %select_n3A_425 : i32
        %select_n3A_436 = arith.select %and3A_434, %add3A_435, %rem3A_426 : i32
        %mul3A_437 = arith.constant 2 : i32
        %mul3A_438 = arith.muli %mul3A_437, %select_n3A_436 : i32
        %dma_wait3A_439 = arith.constant 0 : i32
        %dma_wait3A_440 = arith.constant 0 : i32
        %dma_wait3A_441 = arith.constant 0 : i32
        %dma_wait3A_442 = tpu.memref_slice %arg4[%select_n3A_420, %dma_wait3A_439, %mul3A_438, %dma_wait3A_440, %dma_wait3A_441] : memref<200x8x32x8x128xf32, #tpu.memory_space<hbm>> -> memref<1x8x2x8x128xf32, #tpu.memory_space<hbm>>
        %dma_wait3A_443 = tpu.memref_squeeze %dma_wait3A_442 : memref<1x8x2x8x128xf32, #tpu.memory_space<hbm>> -> memref<8x2x8x128xf32, #tpu.memory_space<hbm>>
        %dma_wait3A_444 = arith.constant 0 : i32
        %dma_wait3A_445 = arith.constant 0 : i32
        %dma_wait3A_446 = arith.constant 0 : i32
        %dma_wait3A_447 = tpu.memref_slice %arg4[%select_n3A_420, %dma_wait3A_444, %mul3A_438, %dma_wait3A_445, %dma_wait3A_446] : memref<200x8x32x8x128xf32, #tpu.memory_space<hbm>> -> memref<1x8x2x8x128xf32, #tpu.memory_space<hbm>>
        %dma_wait3A_448 = tpu.memref_squeeze %dma_wait3A_447 : memref<1x8x2x8x128xf32, #tpu.memory_space<hbm>> -> memref<8x2x8x128xf32, #tpu.memory_space<hbm>>
        tpu.wait_dma2 semaphore(%arg16 : memref<!tpu.dma_semaphore, #tpu.memory_space<semaphore_mem>>) src(%arg9 : memref<8x2x8x128xf32, #tpu.memory_space<vmem>>) dst(%dma_wait3A_448 : memref<8x2x8x128xf32, #tpu.memory_space<hbm>>)
      } else {
      }
      %jit3A_277 = arith.constant 16 : i32
      %div3A_278 = arith.divsi %add3A_274, %jit3A_277 : i32
      %sign3A_279 = arith.constant 0 : i32
      %sign3A_280 = arith.cmpi sgt, %add3A_274, %sign3A_279 : i32
      %sign3A_281 = arith.extui %sign3A_280 : i1 to i32
      %sign3A_282 = arith.constant 0 : i32
      %sign3A_283 = arith.cmpi slt, %add3A_274, %sign3A_282 : i32
      %sign3A_284 = arith.extui %sign3A_283 : i1 to i32
      %sign3A_285 = arith.subi %sign3A_281, %sign3A_284 : i32
      %sign3A_286 = arith.constant 0 : i32
      %sign3A_287 = arith.cmpi sgt, %jit3A_277, %sign3A_286 : i32
      %sign3A_288 = arith.extui %sign3A_287 : i1 to i32
      %sign3A_289 = arith.constant 0 : i32
      %sign3A_290 = arith.cmpi slt, %jit3A_277, %sign3A_289 : i32
      %sign3A_291 = arith.extui %sign3A_290 : i1 to i32
      %sign3A_292 = arith.subi %sign3A_288, %sign3A_291 : i32
      %ne3A_293 = arith.cmpi ne, %sign3A_285, %sign3A_292 : i32
      %rem3A_294 = arith.remsi %add3A_274, %jit3A_277 : i32
      %ne3A_295 = arith.constant 0 : i32
      %ne3A_296 = arith.cmpi ne, %rem3A_294, %ne3A_295 : i32
      %and3A_297 = arith.andi %ne3A_293, %ne3A_296 : i1
      %sub3A_298 = arith.constant 1 : i32
      %sub3A_299 = arith.subi %div3A_278, %sub3A_298 : i32
      %select_n3A_300 = arith.select %and3A_297, %sub3A_299, %div3A_278 : i32
      %jit3A_301 = arith.constant 16 : i32
      %eq3A_302 = arith.constant 0 : i32
      %eq3A_303 = arith.cmpi eq, %jit3A_301, %eq3A_302 : i32
      %jit3A_304 = arith.constant 1 : i32
      %select_n3A_305 = arith.select %eq3A_303, %jit3A_304, %jit3A_301 : i32
      %rem3A_306 = arith.remsi %add3A_274, %select_n3A_305 : i32
      %ne3A_307 = arith.constant 0 : i32
      %ne3A_308 = arith.cmpi ne, %rem3A_306, %ne3A_307 : i32
      %lt3A_309 = arith.constant 0 : i32
      %lt3A_310 = arith.cmpi slt, %rem3A_306, %lt3A_309 : i32
      %lt3A_311 = arith.constant 0 : i32
      %lt3A_312 = arith.cmpi slt, %select_n3A_305, %lt3A_311 : i32
      %ne3A_313 = arith.xori %lt3A_310, %lt3A_312 : i1
      %and3A_314 = arith.andi %ne3A_313, %ne3A_308 : i1
      %add3A_315 = arith.addi %rem3A_306, %select_n3A_305 : i32
      %select_n3A_316 = arith.select %and3A_314, %add3A_315, %rem3A_306 : i32
      %mul3A_317 = arith.constant 256 : i32
      %mul3A_318 = arith.muli %select_n3A_316, %mul3A_317 : i32
      %dma_wait3A_319 = tpu.memref_slice %arg2[%select_n3A_300, %mul3A_318] : memref<200x4096xi32, #tpu.memory_space<hbm>> -> memref<1x256xi32, #tpu.memory_space<hbm>>
      %dma_wait3A_320 = tpu.memref_squeeze %dma_wait3A_319 : memref<1x256xi32, #tpu.memory_space<hbm>> -> memref<256xi32, #tpu.memory_space<hbm>>
      %dma_wait3A_321 = tpu.memref_slice %arg2[%select_n3A_300, %mul3A_318] : memref<200x4096xi32, #tpu.memory_space<hbm>> -> memref<1x256xi32, #tpu.memory_space<hbm>>
      %dma_wait3A_322 = tpu.memref_squeeze %dma_wait3A_321 : memref<1x256xi32, #tpu.memory_space<hbm>> -> memref<256xi32, #tpu.memory_space<hbm>>
      tpu.wait_dma2 semaphore(%arg12 : memref<!tpu.dma_semaphore, #tpu.memory_space<semaphore_mem>>) src(%dma_wait3A_322 : memref<256xi32, #tpu.memory_space<hbm>>) dst(%arg5 : memref<256xi32, #tpu.memory_space<vmem>>)
      %dma_start3A_323 = arith.constant 0 : i32
      %dma_start3A_324 = arith.constant 0 : i32
      %dma_start3A_325 = tpu.memref_slice %arg3[%dma_start3A_323, %dma_start3A_324] : memref<1000000x80xf32, #tpu.memory_space<hbm>> -> memref<1000000x80xf32, #tpu.memory_space<hbm>>
      tpu.enqueue_indirect_dma source(%dma_start3A_325 : memref<1000000x80xf32, #tpu.memory_space<hbm>>) target(%arg7 : memref<256x80xf32, #tpu.memory_space<vmem>>) offsets(%arg5 : memref<256xi32, #tpu.memory_space<vmem>>) semaphore(%arg14 : memref<!tpu.dma_semaphore, #tpu.memory_space<semaphore_mem>>)
      %ge3A_326 = arith.constant 1 : i32
      %ge3A_327 = arith.cmpi sge, %add3A_273, %ge3A_326 : i32
      %convert_element_type3A_328 = arith.extui %ge3A_327 : i1 to i32
      %cond3A_329 = arith.constant 0 : i32
      %cond3A_330 = arith.cmpi ne, %convert_element_type3A_328, %cond3A_329 : i32
      scf.if %cond3A_330 {
        %dma_wait3A_395 = arith.constant 0 : i32
        %dma_wait3A_396 = arith.constant 0 : i32
        %dma_wait3A_397 = tpu.memref_slice %arg3[%dma_wait3A_395, %dma_wait3A_396] : memref<1000000x80xf32, #tpu.memory_space<hbm>> -> memref<1000000x80xf32, #tpu.memory_space<hbm>>
        tpu.wait_indirect_dma semaphore(%arg15 : memref<!tpu.dma_semaphore, #tpu.memory_space<semaphore_mem>>) src(%dma_wait3A_397 : memref<1000000x80xf32, #tpu.memory_space<hbm>>) dst(%arg8 : memref<256x80xf32, #tpu.memory_space<vmem>>)
        %add3A_398 = arith.constant 1 : i32
        %add3A_399 = arith.addi %add3A_273, %add3A_398 : i32
        %lt3A_400 = arith.constant 100 : i32
        %lt3A_401 = arith.cmpi slt, %add3A_399, %lt3A_400 : i32
        %convert_element_type3A_402 = arith.extui %lt3A_401 : i1 to i32
        %cond3A_403 = arith.constant 0 : i32
        %cond3A_404 = arith.cmpi ne, %convert_element_type3A_402, %cond3A_403 : i32
        scf.if %cond3A_404 {
          %add3A_469 = arith.constant 1 : i32
          %add3A_470 = arith.addi %add3A_274, %add3A_469 : i32
          %jit3A_471 = arith.constant 16 : i32
          %div3A_472 = arith.divsi %add3A_470, %jit3A_471 : i32
          %sign3A_473 = arith.constant 0 : i32
          %sign3A_474 = arith.cmpi sgt, %add3A_470, %sign3A_473 : i32
          %sign3A_475 = arith.extui %sign3A_474 : i1 to i32
          %sign3A_476 = arith.constant 0 : i32
          %sign3A_477 = arith.cmpi slt, %add3A_470, %sign3A_476 : i32
          %sign3A_478 = arith.extui %sign3A_477 : i1 to i32
          %sign3A_479 = arith.subi %sign3A_475, %sign3A_478 : i32
          %sign3A_480 = arith.constant 0 : i32
          %sign3A_481 = arith.cmpi sgt, %jit3A_471, %sign3A_480 : i32
          %sign3A_482 = arith.extui %sign3A_481 : i1 to i32
          %sign3A_483 = arith.constant 0 : i32
          %sign3A_484 = arith.cmpi slt, %jit3A_471, %sign3A_483 : i32
          %sign3A_485 = arith.extui %sign3A_484 : i1 to i32
          %sign3A_486 = arith.subi %sign3A_482, %sign3A_485 : i32
          %ne3A_487 = arith.cmpi ne, %sign3A_479, %sign3A_486 : i32
          %rem3A_488 = arith.remsi %add3A_470, %jit3A_471 : i32
          %ne3A_489 = arith.constant 0 : i32
          %ne3A_490 = arith.cmpi ne, %rem3A_488, %ne3A_489 : i32
          %and3A_491 = arith.andi %ne3A_487, %ne3A_490 : i1
          %sub3A_492 = arith.constant 1 : i32
          %sub3A_493 = arith.subi %div3A_472, %sub3A_492 : i32
          %select_n3A_494 = arith.select %and3A_491, %sub3A_493, %div3A_472 : i32
          %jit3A_495 = arith.constant 16 : i32
          %eq3A_496 = arith.constant 0 : i32
          %eq3A_497 = arith.cmpi eq, %jit3A_495, %eq3A_496 : i32
          %jit3A_498 = arith.constant 1 : i32
          %select_n3A_499 = arith.select %eq3A_497, %jit3A_498, %jit3A_495 : i32
          %rem3A_500 = arith.remsi %add3A_470, %select_n3A_499 : i32
          %ne3A_501 = arith.constant 0 : i32
          %ne3A_502 = arith.cmpi ne, %rem3A_500, %ne3A_501 : i32
          %lt3A_503 = arith.constant 0 : i32
          %lt3A_504 = arith.cmpi slt, %rem3A_500, %lt3A_503 : i32
          %lt3A_505 = arith.constant 0 : i32
          %lt3A_506 = arith.cmpi slt, %select_n3A_499, %lt3A_505 : i32
          %ne3A_507 = arith.xori %lt3A_504, %lt3A_506 : i1
          %and3A_508 = arith.andi %ne3A_507, %ne3A_502 : i1
          %add3A_509 = arith.addi %rem3A_500, %select_n3A_499 : i32
          %select_n3A_510 = arith.select %and3A_508, %add3A_509, %rem3A_500 : i32
          %mul3A_511 = arith.constant 256 : i32
          %mul3A_512 = arith.muli %select_n3A_510, %mul3A_511 : i32
          %dma_start3A_513 = tpu.memref_slice %arg2[%select_n3A_494, %mul3A_512] : memref<200x4096xi32, #tpu.memory_space<hbm>> -> memref<1x256xi32, #tpu.memory_space<hbm>>
          %dma_start3A_514 = tpu.memref_squeeze %dma_start3A_513 : memref<1x256xi32, #tpu.memory_space<hbm>> -> memref<256xi32, #tpu.memory_space<hbm>>
          %dma_start3A_515 = tpu.memref_slice %arg2[%select_n3A_494, %mul3A_512] : memref<200x4096xi32, #tpu.memory_space<hbm>> -> memref<1x256xi32, #tpu.memory_space<hbm>>
          %dma_start3A_516 = tpu.memref_squeeze %dma_start3A_515 : memref<1x256xi32, #tpu.memory_space<hbm>> -> memref<256xi32, #tpu.memory_space<hbm>>
          tpu.enqueue_dma source(%dma_start3A_516 : memref<256xi32, #tpu.memory_space<hbm>>) target(%arg6 : memref<256xi32, #tpu.memory_space<vmem>>) target_semaphore(%arg13 : memref<!tpu.dma_semaphore, #tpu.memory_space<semaphore_mem>>)
        } else {
        }
        %scan3A_405 = arith.constant 0 : i32
        %scan3A_406 = arith.constant 256 : i32
        %scan3A_407 = arith.addi %scan3A_405, %scan3A_406 : i32
        %scan3A_408 = arith.constant 4 : i32
        scf.for %scan3A_469 = %scan3A_405 to %scan3A_407 step %scan3A_408  : i32 {
          %mul3A_470 = arith.constant 65 : i32
          %mul3A_471 = arith.muli %scan3A_469, %mul3A_470 : i32
          %get3A = arith.index_cast %scan3A_469 : i32 to index
          %get3A_472 = arith.constant 0 : index
          %get3A_473 = tpu.vector_load %arg8[%get3A, %get3A_472] {strides = array<i32>} : memref<256x80xf32, #tpu.memory_space<vmem>>, vector<16xf32>,
          %add3A_474 = arith.constant 0 : i32
          %add3A_475 = arith.addi %mul3A_471, %add3A_474 : i32
          %swap3A = arith.index_cast %add3A_475 : i32 to index
          %swap3A_476 = tpu.vector_load %arg11[%swap3A] {strides = array<i32>} : memref<16640xf32, #tpu.memory_space<vmem>>, vector<16xf32>,
          tpu.vector_store %arg11[%swap3A], %get3A_473 {strides = array<i32>} : memref<16640xf32, #tpu.memory_space<vmem>>, vector<16xf32>,
          %get3A_477 = arith.index_cast %scan3A_469 : i32 to index
          %get3A_478 = arith.constant 16 : index
          %get3A_479 = tpu.vector_load %arg8[%get3A_477, %get3A_478] {strides = array<i32>} : memref<256x80xf32, #tpu.memory_space<vmem>>, vector<16xf32>,
          %add3A_480 = arith.constant 16 : i32
          %add3A_481 = arith.addi %mul3A_471, %add3A_480 : i32
          %swap3A_482 = arith.index_cast %add3A_481 : i32 to index
          %swap3A_483 = tpu.vector_load %arg11[%swap3A_482] {strides = array<i32>} : memref<16640xf32, #tpu.memory_space<vmem>>, vector<16xf32>,
          tpu.vector_store %arg11[%swap3A_482], %get3A_479 {strides = array<i32>} : memref<16640xf32, #tpu.memory_space<vmem>>, vector<16xf32>,
          %get3A_484 = arith.index_cast %scan3A_469 : i32 to index
          %get3A_485 = arith.constant 32 : index
          %get3A_486 = tpu.vector_load %arg8[%get3A_484, %get3A_485] {strides = array<i32>} : memref<256x80xf32, #tpu.memory_space<vmem>>, vector<16xf32>,
          %add3A_487 = arith.constant 32 : i32
          %add3A_488 = arith.addi %mul3A_471, %add3A_487 : i32
          %swap3A_489 = arith.index_cast %add3A_488 : i32 to index
          %swap3A_490 = tpu.vector_load %arg11[%swap3A_489] {strides = array<i32>} : memref<16640xf32, #tpu.memory_space<vmem>>, vector<16xf32>,
          tpu.vector_store %arg11[%swap3A_489], %get3A_486 {strides = array<i32>} : memref<16640xf32, #tpu.memory_space<vmem>>, vector<16xf32>,
          %get3A_491 = arith.index_cast %scan3A_469 : i32 to index
          %get3A_492 = arith.constant 48 : index
          %get3A_493 = tpu.vector_load %arg8[%get3A_491, %get3A_492] {strides = array<i32>} : memref<256x80xf32, #tpu.memory_space<vmem>>, vector<16xf32>,
          %add3A_494 = arith.constant 48 : i32
          %add3A_495 = arith.addi %mul3A_471, %add3A_494 : i32
          %swap3A_496 = arith.index_cast %add3A_495 : i32 to index
          %swap3A_497 = tpu.vector_load %arg11[%swap3A_496] {strides = array<i32>} : memref<16640xf32, #tpu.memory_space<vmem>>, vector<16xf32>,
          tpu.vector_store %arg11[%swap3A_496], %get3A_493 {strides = array<i32>} : memref<16640xf32, #tpu.memory_space<vmem>>, vector<16xf32>,
          %scan3A_498 = arith.constant 1 : i32
          %scan3A_499 = arith.addi %scan3A_469, %scan3A_498 : i32
          %mul3A_500 = arith.constant 65 : i32
          %mul3A_501 = arith.muli %scan3A_499, %mul3A_500 : i32
          %get3A_502 = arith.index_cast %scan3A_499 : i32 to index
          %get3A_503 = arith.constant 0 : index
          %get3A_504 = tpu.vector_load %arg8[%get3A_502, %get3A_503] {strides = array<i32>} : memref<256x80xf32, #tpu.memory_space<vmem>>, vector<16xf32>,
          %add3A_505 = arith.constant 0 : i32
          %add3A_506 = arith.addi %mul3A_501, %add3A_505 : i32
          %swap3A_507 = arith.index_cast %add3A_506 : i32 to index
          %swap3A_508 = tpu.vector_load %arg11[%swap3A_507] {strides = array<i32>} : memref<16640xf32, #tpu.memory_space<vmem>>, vector<16xf32>,
          tpu.vector_store %arg11[%swap3A_507], %get3A_504 {strides = array<i32>} : memref<16640xf32, #tpu.memory_space<vmem>>, vector<16xf32>,
          %get3A_509 = arith.index_cast %scan3A_499 : i32 to index
          %get3A_510 = arith.constant 16 : index
          %get3A_511 = tpu.vector_load %arg8[%get3A_509, %get3A_510] {strides = array<i32>} : memref<256x80xf32, #tpu.memory_space<vmem>>, vector<16xf32>,
          %add3A_512 = arith.constant 16 : i32
          %add3A_513 = arith.addi %mul3A_501, %add3A_512 : i32
          %swap3A_514 = arith.index_cast %add3A_513 : i32 to index
          %swap3A_515 = tpu.vector_load %arg11[%swap3A_514] {strides = array<i32>} : memref<16640xf32, #tpu.memory_space<vmem>>, vector<16xf32>,
          tpu.vector_store %arg11[%swap3A_514], %get3A_511 {strides = array<i32>} : memref<16640xf32, #tpu.memory_space<vmem>>, vector<16xf32>,
          %get3A_516 = arith.index_cast %scan3A_499 : i32 to index
          %get3A_517 = arith.constant 32 : index
          %get3A_518 = tpu.vector_load %arg8[%get3A_516, %get3A_517] {strides = array<i32>} : memref<256x80xf32, #tpu.memory_space<vmem>>, vector<16xf32>,
          %add3A_519 = arith.constant 32 : i32
          %add3A_520 = arith.addi %mul3A_501, %add3A_519 : i32
          %swap3A_521 = arith.index_cast %add3A_520 : i32 to index
          %swap3A_522 = tpu.vector_load %arg11[%swap3A_521] {strides = array<i32>} : memref<16640xf32, #tpu.memory_space<vmem>>, vector<16xf32>,
          tpu.vector_store %arg11[%swap3A_521], %get3A_518 {strides = array<i32>} : memref<16640xf32, #tpu.memory_space<vmem>>, vector<16xf32>,
          %get3A_523 = arith.index_cast %scan3A_499 : i32 to index
          %get3A_524 = arith.constant 48 : index
          %get3A_525 = tpu.vector_load %arg8[%get3A_523, %get3A_524] {strides = array<i32>} : memref<256x80xf32, #tpu.memory_space<vmem>>, vector<16xf32>,
          %add3A_526 = arith.constant 48 : i32
          %add3A_527 = arith.addi %mul3A_501, %add3A_526 : i32
          %swap3A_528 = arith.index_cast %add3A_527 : i32 to index
          %swap3A_529 = tpu.vector_load %arg11[%swap3A_528] {strides = array<i32>} : memref<16640xf32, #tpu.memory_space<vmem>>, vector<16xf32>,
          tpu.vector_store %arg11[%swap3A_528], %get3A_525 {strides = array<i32>} : memref<16640xf32, #tpu.memory_space<vmem>>, vector<16xf32>,
          %scan3A_530 = arith.constant 2 : i32
          %scan3A_531 = arith.addi %scan3A_469, %scan3A_530 : i32
          %mul3A_532 = arith.constant 65 : i32
          %mul3A_533 = arith.muli %scan3A_531, %mul3A_532 : i32
          %get3A_534 = arith.index_cast %scan3A_531 : i32 to index
          %get3A_535 = arith.constant 0 : index
          %get3A_536 = tpu.vector_load %arg8[%get3A_534, %get3A_535] {strides = array<i32>} : memref<256x80xf32, #tpu.memory_space<vmem>>, vector<16xf32>,
          %add3A_537 = arith.constant 0 : i32
          %add3A_538 = arith.addi %mul3A_533, %add3A_537 : i32
          %swap3A_539 = arith.index_cast %add3A_538 : i32 to index
          %swap3A_540 = tpu.vector_load %arg11[%swap3A_539] {strides = array<i32>} : memref<16640xf32, #tpu.memory_space<vmem>>, vector<16xf32>,
          tpu.vector_store %arg11[%swap3A_539], %get3A_536 {strides = array<i32>} : memref<16640xf32, #tpu.memory_space<vmem>>, vector<16xf32>,
          %get3A_541 = arith.index_cast %scan3A_531 : i32 to index
          %get3A_542 = arith.constant 16 : index
          %get3A_543 = tpu.vector_load %arg8[%get3A_541, %get3A_542] {strides = array<i32>} : memref<256x80xf32, #tpu.memory_space<vmem>>, vector<16xf32>,
          %add3A_544 = arith.constant 16 : i32
          %add3A_545 = arith.addi %mul3A_533, %add3A_544 : i32
          %swap3A_546 = arith.index_cast %add3A_545 : i32 to index
          %swap3A_547 = tpu.vector_load %arg11[%swap3A_546] {strides = array<i32>} : memref<16640xf32, #tpu.memory_space<vmem>>, vector<16xf32>,
          tpu.vector_store %arg11[%swap3A_546], %get3A_543 {strides = array<i32>} : memref<16640xf32, #tpu.memory_space<vmem>>, vector<16xf32>,
          %get3A_548 = arith.index_cast %scan3A_531 : i32 to index
          %get3A_549 = arith.constant 32 : index
          %get3A_550 = tpu.vector_load %arg8[%get3A_548, %get3A_549] {strides = array<i32>} : memref<256x80xf32, #tpu.memory_space<vmem>>, vector<16xf32>,
          %add3A_551 = arith.constant 32 : i32
          %add3A_552 = arith.addi %mul3A_533, %add3A_551 : i32
          %swap3A_553 = arith.index_cast %add3A_552 : i32 to index
          %swap3A_554 = tpu.vector_load %arg11[%swap3A_553] {strides = array<i32>} : memref<16640xf32, #tpu.memory_space<vmem>>, vector<16xf32>,
          tpu.vector_store %arg11[%swap3A_553], %get3A_550 {strides = array<i32>} : memref<16640xf32, #tpu.memory_space<vmem>>, vector<16xf32>,
          %get3A_555 = arith.index_cast %scan3A_531 : i32 to index
          %get3A_556 = arith.constant 48 : index
          %get3A_557 = tpu.vector_load %arg8[%get3A_555, %get3A_556] {strides = array<i32>} : memref<256x80xf32, #tpu.memory_space<vmem>>, vector<16xf32>,
          %add3A_558 = arith.constant 48 : i32
          %add3A_559 = arith.addi %mul3A_533, %add3A_558 : i32
          %swap3A_560 = arith.index_cast %add3A_559 : i32 to index
          %swap3A_561 = tpu.vector_load %arg11[%swap3A_560] {strides = array<i32>} : memref<16640xf32, #tpu.memory_space<vmem>>, vector<16xf32>,
          tpu.vector_store %arg11[%swap3A_560], %get3A_557 {strides = array<i32>} : memref<16640xf32, #tpu.memory_space<vmem>>, vector<16xf32>,
          %scan3A_562 = arith.constant 3 : i32
          %scan3A_563 = arith.addi %scan3A_469, %scan3A_562 : i32
          %mul3A_564 = arith.constant 65 : i32
          %mul3A_565 = arith.muli %scan3A_563, %mul3A_564 : i32
          %get3A_566 = arith.index_cast %scan3A_563 : i32 to index
          %get3A_567 = arith.constant 0 : index
          %get3A_568 = tpu.vector_load %arg8[%get3A_566, %get3A_567] {strides = array<i32>} : memref<256x80xf32, #tpu.memory_space<vmem>>, vector<16xf32>,
          %add3A_569 = arith.constant 0 : i32
          %add3A_570 = arith.addi %mul3A_565, %add3A_569 : i32
          %swap3A_571 = arith.index_cast %add3A_570 : i32 to index
          %swap3A_572 = tpu.vector_load %arg11[%swap3A_571] {strides = array<i32>} : memref<16640xf32, #tpu.memory_space<vmem>>, vector<16xf32>,
          tpu.vector_store %arg11[%swap3A_571], %get3A_568 {strides = array<i32>} : memref<16640xf32, #tpu.memory_space<vmem>>, vector<16xf32>,
          %get3A_573 = arith.index_cast %scan3A_563 : i32 to index
          %get3A_574 = arith.constant 16 : index
          %get3A_575 = tpu.vector_load %arg8[%get3A_573, %get3A_574] {strides = array<i32>} : memref<256x80xf32, #tpu.memory_space<vmem>>, vector<16xf32>,
          %add3A_576 = arith.constant 16 : i32
          %add3A_577 = arith.addi %mul3A_565, %add3A_576 : i32
          %swap3A_578 = arith.index_cast %add3A_577 : i32 to index
          %swap3A_579 = tpu.vector_load %arg11[%swap3A_578] {strides = array<i32>} : memref<16640xf32, #tpu.memory_space<vmem>>, vector<16xf32>,
          tpu.vector_store %arg11[%swap3A_578], %get3A_575 {strides = array<i32>} : memref<16640xf32, #tpu.memory_space<vmem>>, vector<16xf32>,
          %get3A_580 = arith.index_cast %scan3A_563 : i32 to index
          %get3A_581 = arith.constant 32 : index
          %get3A_582 = tpu.vector_load %arg8[%get3A_580, %get3A_581] {strides = array<i32>} : memref<256x80xf32, #tpu.memory_space<vmem>>, vector<16xf32>,
          %add3A_583 = arith.constant 32 : i32
          %add3A_584 = arith.addi %mul3A_565, %add3A_583 : i32
          %swap3A_585 = arith.index_cast %add3A_584 : i32 to index
          %swap3A_586 = tpu.vector_load %arg11[%swap3A_585] {strides = array<i32>} : memref<16640xf32, #tpu.memory_space<vmem>>, vector<16xf32>,
          tpu.vector_store %arg11[%swap3A_585], %get3A_582 {strides = array<i32>} : memref<16640xf32, #tpu.memory_space<vmem>>, vector<16xf32>,
          %get3A_587 = arith.index_cast %scan3A_563 : i32 to index
          %get3A_588 = arith.constant 48 : index
          %get3A_589 = tpu.vector_load %arg8[%get3A_587, %get3A_588] {strides = array<i32>} : memref<256x80xf32, #tpu.memory_space<vmem>>, vector<16xf32>,
          %add3A_590 = arith.constant 48 : i32
          %add3A_591 = arith.addi %mul3A_565, %add3A_590 : i32
          %swap3A_592 = arith.index_cast %add3A_591 : i32 to index
          %swap3A_593 = tpu.vector_load %arg11[%swap3A_592] {strides = array<i32>} : memref<16640xf32, #tpu.memory_space<vmem>>, vector<16xf32>,
          tpu.vector_store %arg11[%swap3A_592], %get3A_589 {strides = array<i32>} : memref<16640xf32, #tpu.memory_space<vmem>>, vector<16xf32>,
        }
        %scan3A_409 = arith.constant 256 : i32
        %scan3A_410 = arith.constant 0 : i32
        %scan3A_411 = arith.constant 128 : i32
        %scan3A_412 = arith.addi %scan3A_410, %scan3A_411 : i32
        %scan3A_413 = arith.constant 2 : i32
        scf.for %scan3A_469 = %scan3A_410 to %scan3A_412 step %scan3A_413  : i32 {
          %jit3A_470 = arith.constant 16 : i32
          %div3A_471 = arith.divsi %scan3A_469, %jit3A_470 : i32
          %sign3A_472 = arith.constant 0 : i32
          %sign3A_473 = arith.cmpi sgt, %scan3A_469, %sign3A_472 : i32
          %sign3A_474 = arith.extui %sign3A_473 : i1 to i32
          %sign3A_475 = arith.constant 0 : i32
          %sign3A_476 = arith.cmpi slt, %scan3A_469, %sign3A_475 : i32
          %sign3A_477 = arith.extui %sign3A_476 : i1 to i32
          %sign3A_478 = arith.subi %sign3A_474, %sign3A_477 : i32
          %sign3A_479 = arith.constant 0 : i32
          %sign3A_480 = arith.cmpi sgt, %jit3A_470, %sign3A_479 : i32
          %sign3A_481 = arith.extui %sign3A_480 : i1 to i32
          %sign3A_482 = arith.constant 0 : i32
          %sign3A_483 = arith.cmpi slt, %jit3A_470, %sign3A_482 : i32
          %sign3A_484 = arith.extui %sign3A_483 : i1 to i32
          %sign3A_485 = arith.subi %sign3A_481, %sign3A_484 : i32
          %ne3A_486 = arith.cmpi ne, %sign3A_478, %sign3A_485 : i32
          %rem3A_487 = arith.remsi %scan3A_469, %jit3A_470 : i32
          %ne3A_488 = arith.constant 0 : i32
          %ne3A_489 = arith.cmpi ne, %rem3A_487, %ne3A_488 : i32
          %and3A_490 = arith.andi %ne3A_486, %ne3A_489 : i1
          %sub3A_491 = arith.constant 1 : i32
          %sub3A_492 = arith.subi %div3A_471, %sub3A_491 : i32
          %select_n3A_493 = arith.select %and3A_490, %sub3A_492, %div3A_471 : i32
          %mul3A_494 = arith.constant 16 : i32
          %mul3A_495 = arith.muli %select_n3A_493, %mul3A_494 : i32
          %sub3A_496 = arith.subi %scan3A_469, %mul3A_495 : i32
          %jit3A_497 = arith.constant 8 : i32
          %div3A_498 = arith.divsi %sub3A_496, %jit3A_497 : i32
          %sign3A_499 = arith.constant 0 : i32
          %sign3A_500 = arith.cmpi sgt, %sub3A_496, %sign3A_499 : i32
          %sign3A_501 = arith.extui %sign3A_500 : i1 to i32
          %sign3A_502 = arith.constant 0 : i32
          %sign3A_503 = arith.cmpi slt, %sub3A_496, %sign3A_502 : i32
          %sign3A_504 = arith.extui %sign3A_503 : i1 to i32
          %sign3A_505 = arith.subi %sign3A_501, %sign3A_504 : i32
          %sign3A_506 = arith.constant 0 : i32
          %sign3A_507 = arith.cmpi sgt, %jit3A_497, %sign3A_506 : i32
          %sign3A_508 = arith.extui %sign3A_507 : i1 to i32
          %sign3A_509 = arith.constant 0 : i32
          %sign3A_510 = arith.cmpi slt, %jit3A_497, %sign3A_509 : i32
          %sign3A_511 = arith.extui %sign3A_510 : i1 to i32
          %sign3A_512 = arith.subi %sign3A_508, %sign3A_511 : i32
          %ne3A_513 = arith.cmpi ne, %sign3A_505, %sign3A_512 : i32
          %rem3A_514 = arith.remsi %sub3A_496, %jit3A_497 : i32
          %ne3A_515 = arith.constant 0 : i32
          %ne3A_516 = arith.cmpi ne, %rem3A_514, %ne3A_515 : i32
          %and3A_517 = arith.andi %ne3A_513, %ne3A_516 : i1
          %sub3A_518 = arith.constant 1 : i32
          %sub3A_519 = arith.subi %div3A_498, %sub3A_518 : i32
          %select_n3A_520 = arith.select %and3A_517, %sub3A_519, %div3A_498 : i32
          %mul3A_521 = arith.constant 8 : i32
          %mul3A_522 = arith.muli %select_n3A_520, %mul3A_521 : i32
          %sub3A_523 = arith.subi %sub3A_496, %mul3A_522 : i32
          %mul3A_524 = arith.constant 8 : i32
          %mul3A_525 = arith.muli %select_n3A_493, %mul3A_524 : i32
          %add3A_526 = arith.addi %mul3A_525, %sub3A_523 : i32
          %mul3A_527 = arith.constant 128 : i32
          %mul3A_528 = arith.muli %select_n3A_520, %mul3A_527 : i32
          %add3A_529 = arith.constant 0 : i32
          %add3A_530 = arith.addi %mul3A_528, %add3A_529 : i32
          %mul3A_531 = arith.constant 65 : i32
          %mul3A_532 = arith.muli %add3A_530, %mul3A_531 : i32
          %add3A_533 = arith.addi %mul3A_532, %add3A_526 : i32
          %add3A_534 = vector.broadcast %add3A_533 : i32 to vector<16xi32>
          %add3A_535 = arith.addi %mul3A_5, %add3A_534 : vector<16xi32>
          %gather3A = tpu.vector_load_idx %arg11[%add3A_535] : memref<16640xf32, #tpu.memory_space<vmem>>[vector<16xi32>], vector<16xf32>,
          %swap3A = arith.index_cast %select_n3A_493 : i32 to index
          %swap3A_536 = arith.index_cast %select_n3A_520 : i32 to index
          %swap3A_537 = arith.index_cast %sub3A_523 : i32 to index
          %swap3A_538 = arith.constant 0 : index
          %swap3A_539 = tpu.vector_load %arg10[%swap3A, %swap3A_536, %swap3A_537, %swap3A_538] {strides = array<i32>} : memref<8x2x8x128xf32, #tpu.memory_space<vmem>>, vector<16xf32>,
          tpu.vector_store %arg10[%swap3A, %swap3A_536, %swap3A_537, %swap3A_538], %gather3A {strides = array<i32>} : memref<8x2x8x128xf32, #tpu.memory_space<vmem>>, vector<16xf32>,
          %add3A_540 = arith.constant 16 : i32
          %add3A_541 = arith.addi %mul3A_528, %add3A_540 : i32
          %mul3A_542 = arith.constant 65 : i32
          %mul3A_543 = arith.muli %add3A_541, %mul3A_542 : i32
          %add3A_544 = arith.addi %mul3A_543, %add3A_526 : i32
          %add3A_545 = vector.broadcast %add3A_544 : i32 to vector<16xi32>
          %add3A_546 = arith.addi %mul3A_5, %add3A_545 : vector<16xi32>
          %gather3A_547 = tpu.vector_load_idx %arg11[%add3A_546] : memref<16640xf32, #tpu.memory_space<vmem>>[vector<16xi32>], vector<16xf32>,
          %swap3A_548 = arith.index_cast %select_n3A_493 : i32 to index
          %swap3A_549 = arith.index_cast %select_n3A_520 : i32 to index
          %swap3A_550 = arith.index_cast %sub3A_523 : i32 to index
          %swap3A_551 = arith.constant 16 : index
          %swap3A_552 = tpu.vector_load %arg10[%swap3A_548, %swap3A_549, %swap3A_550, %swap3A_551] {strides = array<i32>} : memref<8x2x8x128xf32, #tpu.memory_space<vmem>>, vector<16xf32>,
          tpu.vector_store %arg10[%swap3A_548, %swap3A_549, %swap3A_550, %swap3A_551], %gather3A_547 {strides = array<i32>} : memref<8x2x8x128xf32, #tpu.memory_space<vmem>>, vector<16xf32>,
          %add3A_553 = arith.constant 32 : i32
          %add3A_554 = arith.addi %mul3A_528, %add3A_553 : i32
          %mul3A_555 = arith.constant 65 : i32
          %mul3A_556 = arith.muli %add3A_554, %mul3A_555 : i32
          %add3A_557 = arith.addi %mul3A_556, %add3A_526 : i32
          %add3A_558 = vector.broadcast %add3A_557 : i32 to vector<16xi32>
          %add3A_559 = arith.addi %mul3A_5, %add3A_558 : vector<16xi32>
          %gather3A_560 = tpu.vector_load_idx %arg11[%add3A_559] : memref<16640xf32, #tpu.memory_space<vmem>>[vector<16xi32>], vector<16xf32>,
          %swap3A_561 = arith.index_cast %select_n3A_493 : i32 to index
          %swap3A_562 = arith.index_cast %select_n3A_520 : i32 to index
          %swap3A_563 = arith.index_cast %sub3A_523 : i32 to index
          %swap3A_564 = arith.constant 32 : index
          %swap3A_565 = tpu.vector_load %arg10[%swap3A_561, %swap3A_562, %swap3A_563, %swap3A_564] {strides = array<i32>} : memref<8x2x8x128xf32, #tpu.memory_space<vmem>>, vector<16xf32>,
          tpu.vector_store %arg10[%swap3A_561, %swap3A_562, %swap3A_563, %swap3A_564], %gather3A_560 {strides = array<i32>} : memref<8x2x8x128xf32, #tpu.memory_space<vmem>>, vector<16xf32>,
          %add3A_566 = arith.constant 48 : i32
          %add3A_567 = arith.addi %mul3A_528, %add3A_566 : i32
          %mul3A_568 = arith.constant 65 : i32
          %mul3A_569 = arith.muli %add3A_567, %mul3A_568 : i32
          %add3A_570 = arith.addi %mul3A_569, %add3A_526 : i32
          %add3A_571 = vector.broadcast %add3A_570 : i32 to vector<16xi32>
          %add3A_572 = arith.addi %mul3A_5, %add3A_571 : vector<16xi32>
          %gather3A_573 = tpu.vector_load_idx %arg11[%add3A_572] : memref<16640xf32, #tpu.memory_space<vmem>>[vector<16xi32>], vector<16xf32>,
          %swap3A_574 = arith.index_cast %select_n3A_493 : i32 to index
          %swap3A_575 = arith.index_cast %select_n3A_520 : i32 to index
          %swap3A_576 = arith.index_cast %sub3A_523 : i32 to index
          %swap3A_577 = arith.constant 48 : index
          %swap3A_578 = tpu.vector_load %arg10[%swap3A_574, %swap3A_575, %swap3A_576, %swap3A_577] {strides = array<i32>} : memref<8x2x8x128xf32, #tpu.memory_space<vmem>>, vector<16xf32>,
          tpu.vector_store %arg10[%swap3A_574, %swap3A_575, %swap3A_576, %swap3A_577], %gather3A_573 {strides = array<i32>} : memref<8x2x8x128xf32, #tpu.memory_space<vmem>>, vector<16xf32>,
          %add3A_579 = arith.constant 64 : i32
          %add3A_580 = arith.addi %mul3A_528, %add3A_579 : i32
          %mul3A_581 = arith.constant 65 : i32
          %mul3A_582 = arith.muli %add3A_580, %mul3A_581 : i32
          %add3A_583 = arith.addi %mul3A_582, %add3A_526 : i32
          %add3A_584 = vector.broadcast %add3A_583 : i32 to vector<16xi32>
          %add3A_585 = arith.addi %mul3A_5, %add3A_584 : vector<16xi32>
          %gather3A_586 = tpu.vector_load_idx %arg11[%add3A_585] : memref<16640xf32, #tpu.memory_space<vmem>>[vector<16xi32>], vector<16xf32>,
          %swap3A_587 = arith.index_cast %select_n3A_493 : i32 to index
          %swap3A_588 = arith.index_cast %select_n3A_520 : i32 to index
          %swap3A_589 = arith.index_cast %sub3A_523 : i32 to index
          %swap3A_590 = arith.constant 64 : index
          %swap3A_591 = tpu.vector_load %arg10[%swap3A_587, %swap3A_588, %swap3A_589, %swap3A_590] {strides = array<i32>} : memref<8x2x8x128xf32, #tpu.memory_space<vmem>>, vector<16xf32>,
          tpu.vector_store %arg10[%swap3A_587, %swap3A_588, %swap3A_589, %swap3A_590], %gather3A_586 {strides = array<i32>} : memref<8x2x8x128xf32, #tpu.memory_space<vmem>>, vector<16xf32>,
          %add3A_592 = arith.constant 80 : i32
          %add3A_593 = arith.addi %mul3A_528, %add3A_592 : i32
          %mul3A_594 = arith.constant 65 : i32
          %mul3A_595 = arith.muli %add3A_593, %mul3A_594 : i32
          %add3A_596 = arith.addi %mul3A_595, %add3A_526 : i32
          %add3A_597 = vector.broadcast %add3A_596 : i32 to vector<16xi32>
          %add3A_598 = arith.addi %mul3A_5, %add3A_597 : vector<16xi32>
          %gather3A_599 = tpu.vector_load_idx %arg11[%add3A_598] : memref<16640xf32, #tpu.memory_space<vmem>>[vector<16xi32>], vector<16xf32>,
          %swap3A_600 = arith.index_cast %select_n3A_493 : i32 to index
          %swap3A_601 = arith.index_cast %select_n3A_520 : i32 to index
          %swap3A_602 = arith.index_cast %sub3A_523 : i32 to index
          %swap3A_603 = arith.constant 80 : index
          %swap3A_604 = tpu.vector_load %arg10[%swap3A_600, %swap3A_601, %swap3A_602, %swap3A_603] {strides = array<i32>} : memref<8x2x8x128xf32, #tpu.memory_space<vmem>>, vector<16xf32>,
          tpu.vector_store %arg10[%swap3A_600, %swap3A_601, %swap3A_602, %swap3A_603], %gather3A_599 {strides = array<i32>} : memref<8x2x8x128xf32, #tpu.memory_space<vmem>>, vector<16xf32>,
          %add3A_605 = arith.constant 96 : i32
          %add3A_606 = arith.addi %mul3A_528, %add3A_605 : i32
          %mul3A_607 = arith.constant 65 : i32
          %mul3A_608 = arith.muli %add3A_606, %mul3A_607 : i32
          %add3A_609 = arith.addi %mul3A_608, %add3A_526 : i32
          %add3A_610 = vector.broadcast %add3A_609 : i32 to vector<16xi32>
          %add3A_611 = arith.addi %mul3A_5, %add3A_610 : vector<16xi32>
          %gather3A_612 = tpu.vector_load_idx %arg11[%add3A_611] : memref<16640xf32, #tpu.memory_space<vmem>>[vector<16xi32>], vector<16xf32>,
          %swap3A_613 = arith.index_cast %select_n3A_493 : i32 to index
          %swap3A_614 = arith.index_cast %select_n3A_520 : i32 to index
          %swap3A_615 = arith.index_cast %sub3A_523 : i32 to index
          %swap3A_616 = arith.constant 96 : index
          %swap3A_617 = tpu.vector_load %arg10[%swap3A_613, %swap3A_614, %swap3A_615, %swap3A_616] {strides = array<i32>} : memref<8x2x8x128xf32, #tpu.memory_space<vmem>>, vector<16xf32>,
          tpu.vector_store %arg10[%swap3A_613, %swap3A_614, %swap3A_615, %swap3A_616], %gather3A_612 {strides = array<i32>} : memref<8x2x8x128xf32, #tpu.memory_space<vmem>>, vector<16xf32>,
          %add3A_618 = arith.constant 112 : i32
          %add3A_619 = arith.addi %mul3A_528, %add3A_618 : i32
          %mul3A_620 = arith.constant 65 : i32
          %mul3A_621 = arith.muli %add3A_619, %mul3A_620 : i32
          %add3A_622 = arith.addi %mul3A_621, %add3A_526 : i32
          %add3A_623 = vector.broadcast %add3A_622 : i32 to vector<16xi32>
          %add3A_624 = arith.addi %mul3A_5, %add3A_623 : vector<16xi32>
          %gather3A_625 = tpu.vector_load_idx %arg11[%add3A_624] : memref<16640xf32, #tpu.memory_space<vmem>>[vector<16xi32>], vector<16xf32>,
          %swap3A_626 = arith.index_cast %select_n3A_493 : i32 to index
          %swap3A_627 = arith.index_cast %select_n3A_520 : i32 to index
          %swap3A_628 = arith.index_cast %sub3A_523 : i32 to index
          %swap3A_629 = arith.constant 112 : index
          %swap3A_630 = tpu.vector_load %arg10[%swap3A_626, %swap3A_627, %swap3A_628, %swap3A_629] {strides = array<i32>} : memref<8x2x8x128xf32, #tpu.memory_space<vmem>>, vector<16xf32>,
          tpu.vector_store %arg10[%swap3A_626, %swap3A_627, %swap3A_628, %swap3A_629], %gather3A_625 {strides = array<i32>} : memref<8x2x8x128xf32, #tpu.memory_space<vmem>>, vector<16xf32>,
          %scan3A_631 = arith.constant 1 : i32
          %scan3A_632 = arith.addi %scan3A_469, %scan3A_631 : i32
          %jit3A_633 = arith.constant 16 : i32
          %div3A_634 = arith.divsi %scan3A_632, %jit3A_633 : i32
          %sign3A_635 = arith.constant 0 : i32
          %sign3A_636 = arith.cmpi sgt, %scan3A_632, %sign3A_635 : i32
          %sign3A_637 = arith.extui %sign3A_636 : i1 to i32
          %sign3A_638 = arith.constant 0 : i32
          %sign3A_639 = arith.cmpi slt, %scan3A_632, %sign3A_638 : i32
          %sign3A_640 = arith.extui %sign3A_639 : i1 to i32
          %sign3A_641 = arith.subi %sign3A_637, %sign3A_640 : i32
          %sign3A_642 = arith.constant 0 : i32
          %sign3A_643 = arith.cmpi sgt, %jit3A_633, %sign3A_642 : i32
          %sign3A_644 = arith.extui %sign3A_643 : i1 to i32
          %sign3A_645 = arith.constant 0 : i32
          %sign3A_646 = arith.cmpi slt, %jit3A_633, %sign3A_645 : i32
          %sign3A_647 = arith.extui %sign3A_646 : i1 to i32
          %sign3A_648 = arith.subi %sign3A_644, %sign3A_647 : i32
          %ne3A_649 = arith.cmpi ne, %sign3A_641, %sign3A_648 : i32
          %rem3A_650 = arith.remsi %scan3A_632, %jit3A_633 : i32
          %ne3A_651 = arith.constant 0 : i32
          %ne3A_652 = arith.cmpi ne, %rem3A_650, %ne3A_651 : i32
          %and3A_653 = arith.andi %ne3A_649, %ne3A_652 : i1
          %sub3A_654 = arith.constant 1 : i32
          %sub3A_655 = arith.subi %div3A_634, %sub3A_654 : i32
          %select_n3A_656 = arith.select %and3A_653, %sub3A_655, %div3A_634 : i32
          %mul3A_657 = arith.constant 16 : i32
          %mul3A_658 = arith.muli %select_n3A_656, %mul3A_657 : i32
          %sub3A_659 = arith.subi %scan3A_632, %mul3A_658 : i32
          %jit3A_660 = arith.constant 8 : i32
          %div3A_661 = arith.divsi %sub3A_659, %jit3A_660 : i32
          %sign3A_662 = arith.constant 0 : i32
          %sign3A_663 = arith.cmpi sgt, %sub3A_659, %sign3A_662 : i32
          %sign3A_664 = arith.extui %sign3A_663 : i1 to i32
          %sign3A_665 = arith.constant 0 : i32
          %sign3A_666 = arith.cmpi slt, %sub3A_659, %sign3A_665 : i32
          %sign3A_667 = arith.extui %sign3A_666 : i1 to i32
          %sign3A_668 = arith.subi %sign3A_664, %sign3A_667 : i32
          %sign3A_669 = arith.constant 0 : i32
          %sign3A_670 = arith.cmpi sgt, %jit3A_660, %sign3A_669 : i32
          %sign3A_671 = arith.extui %sign3A_670 : i1 to i32
          %sign3A_672 = arith.constant 0 : i32
          %sign3A_673 = arith.cmpi slt, %jit3A_660, %sign3A_672 : i32
          %sign3A_674 = arith.extui %sign3A_673 : i1 to i32
          %sign3A_675 = arith.subi %sign3A_671, %sign3A_674 : i32
          %ne3A_676 = arith.cmpi ne, %sign3A_668, %sign3A_675 : i32
          %rem3A_677 = arith.remsi %sub3A_659, %jit3A_660 : i32
          %ne3A_678 = arith.constant 0 : i32
          %ne3A_679 = arith.cmpi ne, %rem3A_677, %ne3A_678 : i32
          %and3A_680 = arith.andi %ne3A_676, %ne3A_679 : i1
          %sub3A_681 = arith.constant 1 : i32
          %sub3A_682 = arith.subi %div3A_661, %sub3A_681 : i32
          %select_n3A_683 = arith.select %and3A_680, %sub3A_682, %div3A_661 : i32
          %mul3A_684 = arith.constant 8 : i32
          %mul3A_685 = arith.muli %select_n3A_683, %mul3A_684 : i32
          %sub3A_686 = arith.subi %sub3A_659, %mul3A_685 : i32
          %mul3A_687 = arith.constant 8 : i32
          %mul3A_688 = arith.muli %select_n3A_656, %mul3A_687 : i32
          %add3A_689 = arith.addi %mul3A_688, %sub3A_686 : i32
          %mul3A_690 = arith.constant 128 : i32
          %mul3A_691 = arith.muli %select_n3A_683, %mul3A_690 : i32
          %add3A_692 = arith.constant 0 : i32
          %add3A_693 = arith.addi %mul3A_691, %add3A_692 : i32
          %mul3A_694 = arith.constant 65 : i32
          %mul3A_695 = arith.muli %add3A_693, %mul3A_694 : i32
          %add3A_696 = arith.addi %mul3A_695, %add3A_689 : i32
          %add3A_697 = vector.broadcast %add3A_696 : i32 to vector<16xi32>
          %add3A_698 = arith.addi %mul3A_5, %add3A_697 : vector<16xi32>
          %gather3A_699 = tpu.vector_load_idx %arg11[%add3A_698] : memref<16640xf32, #tpu.memory_space<vmem>>[vector<16xi32>], vector<16xf32>,
          %swap3A_700 = arith.index_cast %select_n3A_656 : i32 to index
          %swap3A_701 = arith.index_cast %select_n3A_683 : i32 to index
          %swap3A_702 = arith.index_cast %sub3A_686 : i32 to index
          %swap3A_703 = arith.constant 0 : index
          %swap3A_704 = tpu.vector_load %arg10[%swap3A_700, %swap3A_701, %swap3A_702, %swap3A_703] {strides = array<i32>} : memref<8x2x8x128xf32, #tpu.memory_space<vmem>>, vector<16xf32>,
          tpu.vector_store %arg10[%swap3A_700, %swap3A_701, %swap3A_702, %swap3A_703], %gather3A_699 {strides = array<i32>} : memref<8x2x8x128xf32, #tpu.memory_space<vmem>>, vector<16xf32>,
          %add3A_705 = arith.constant 16 : i32
          %add3A_706 = arith.addi %mul3A_691, %add3A_705 : i32
          %mul3A_707 = arith.constant 65 : i32
          %mul3A_708 = arith.muli %add3A_706, %mul3A_707 : i32
          %add3A_709 = arith.addi %mul3A_708, %add3A_689 : i32
          %add3A_710 = vector.broadcast %add3A_709 : i32 to vector<16xi32>
          %add3A_711 = arith.addi %mul3A_5, %add3A_710 : vector<16xi32>
          %gather3A_712 = tpu.vector_load_idx %arg11[%add3A_711] : memref<16640xf32, #tpu.memory_space<vmem>>[vector<16xi32>], vector<16xf32>,
          %swap3A_713 = arith.index_cast %select_n3A_656 : i32 to index
          %swap3A_714 = arith.index_cast %select_n3A_683 : i32 to index
          %swap3A_715 = arith.index_cast %sub3A_686 : i32 to index
          %swap3A_716 = arith.constant 16 : index
          %swap3A_717 = tpu.vector_load %arg10[%swap3A_713, %swap3A_714, %swap3A_715, %swap3A_716] {strides = array<i32>} : memref<8x2x8x128xf32, #tpu.memory_space<vmem>>, vector<16xf32>,
          tpu.vector_store %arg10[%swap3A_713, %swap3A_714, %swap3A_715, %swap3A_716], %gather3A_712 {strides = array<i32>} : memref<8x2x8x128xf32, #tpu.memory_space<vmem>>, vector<16xf32>,
          %add3A_718 = arith.constant 32 : i32
          %add3A_719 = arith.addi %mul3A_691, %add3A_718 : i32
          %mul3A_720 = arith.constant 65 : i32
          %mul3A_721 = arith.muli %add3A_719, %mul3A_720 : i32
          %add3A_722 = arith.addi %mul3A_721, %add3A_689 : i32
          %add3A_723 = vector.broadcast %add3A_722 : i32 to vector<16xi32>
          %add3A_724 = arith.addi %mul3A_5, %add3A_723 : vector<16xi32>
          %gather3A_725 = tpu.vector_load_idx %arg11[%add3A_724] : memref<16640xf32, #tpu.memory_space<vmem>>[vector<16xi32>], vector<16xf32>,
          %swap3A_726 = arith.index_cast %select_n3A_656 : i32 to index
          %swap3A_727 = arith.index_cast %select_n3A_683 : i32 to index
          %swap3A_728 = arith.index_cast %sub3A_686 : i32 to index
          %swap3A_729 = arith.constant 32 : index
          %swap3A_730 = tpu.vector_load %arg10[%swap3A_726, %swap3A_727, %swap3A_728, %swap3A_729] {strides = array<i32>} : memref<8x2x8x128xf32, #tpu.memory_space<vmem>>, vector<16xf32>,
          tpu.vector_store %arg10[%swap3A_726, %swap3A_727, %swap3A_728, %swap3A_729], %gather3A_725 {strides = array<i32>} : memref<8x2x8x128xf32, #tpu.memory_space<vmem>>, vector<16xf32>,
          %add3A_731 = arith.constant 48 : i32
          %add3A_732 = arith.addi %mul3A_691, %add3A_731 : i32
          %mul3A_733 = arith.constant 65 : i32
          %mul3A_734 = arith.muli %add3A_732, %mul3A_733 : i32
          %add3A_735 = arith.addi %mul3A_734, %add3A_689 : i32
          %add3A_736 = vector.broadcast %add3A_735 : i32 to vector<16xi32>
          %add3A_737 = arith.addi %mul3A_5, %add3A_736 : vector<16xi32>
          %gather3A_738 = tpu.vector_load_idx %arg11[%add3A_737] : memref<16640xf32, #tpu.memory_space<vmem>>[vector<16xi32>], vector<16xf32>,
          %swap3A_739 = arith.index_cast %select_n3A_656 : i32 to index
          %swap3A_740 = arith.index_cast %select_n3A_683 : i32 to index
          %swap3A_741 = arith.index_cast %sub3A_686 : i32 to index
          %swap3A_742 = arith.constant 48 : index
          %swap3A_743 = tpu.vector_load %arg10[%swap3A_739, %swap3A_740, %swap3A_741, %swap3A_742] {strides = array<i32>} : memref<8x2x8x128xf32, #tpu.memory_space<vmem>>, vector<16xf32>,
          tpu.vector_store %arg10[%swap3A_739, %swap3A_740, %swap3A_741, %swap3A_742], %gather3A_738 {strides = array<i32>} : memref<8x2x8x128xf32, #tpu.memory_space<vmem>>, vector<16xf32>,
          %add3A_744 = arith.constant 64 : i32
          %add3A_745 = arith.addi %mul3A_691, %add3A_744 : i32
          %mul3A_746 = arith.constant 65 : i32
          %mul3A_747 = arith.muli %add3A_745, %mul3A_746 : i32
          %add3A_748 = arith.addi %mul3A_747, %add3A_689 : i32
          %add3A_749 = vector.broadcast %add3A_748 : i32 to vector<16xi32>
          %add3A_750 = arith.addi %mul3A_5, %add3A_749 : vector<16xi32>
          %gather3A_751 = tpu.vector_load_idx %arg11[%add3A_750] : memref<16640xf32, #tpu.memory_space<vmem>>[vector<16xi32>], vector<16xf32>,
          %swap3A_752 = arith.index_cast %select_n3A_656 : i32 to index
          %swap3A_753 = arith.index_cast %select_n3A_683 : i32 to index
          %swap3A_754 = arith.index_cast %sub3A_686 : i32 to index
          %swap3A_755 = arith.constant 64 : index
          %swap3A_756 = tpu.vector_load %arg10[%swap3A_752, %swap3A_753, %swap3A_754, %swap3A_755] {strides = array<i32>} : memref<8x2x8x128xf32, #tpu.memory_space<vmem>>, vector<16xf32>,
          tpu.vector_store %arg10[%swap3A_752, %swap3A_753, %swap3A_754, %swap3A_755], %gather3A_751 {strides = array<i32>} : memref<8x2x8x128xf32, #tpu.memory_space<vmem>>, vector<16xf32>,
          %add3A_757 = arith.constant 80 : i32
          %add3A_758 = arith.addi %mul3A_691, %add3A_757 : i32
          %mul3A_759 = arith.constant 65 : i32
          %mul3A_760 = arith.muli %add3A_758, %mul3A_759 : i32
          %add3A_761 = arith.addi %mul3A_760, %add3A_689 : i32
          %add3A_762 = vector.broadcast %add3A_761 : i32 to vector<16xi32>
          %add3A_763 = arith.addi %mul3A_5, %add3A_762 : vector<16xi32>
          %gather3A_764 = tpu.vector_load_idx %arg11[%add3A_763] : memref<16640xf32, #tpu.memory_space<vmem>>[vector<16xi32>], vector<16xf32>,
          %swap3A_765 = arith.index_cast %select_n3A_656 : i32 to index
          %swap3A_766 = arith.index_cast %select_n3A_683 : i32 to index
          %swap3A_767 = arith.index_cast %sub3A_686 : i32 to index
          %swap3A_768 = arith.constant 80 : index
          %swap3A_769 = tpu.vector_load %arg10[%swap3A_765, %swap3A_766, %swap3A_767, %swap3A_768] {strides = array<i32>} : memref<8x2x8x128xf32, #tpu.memory_space<vmem>>, vector<16xf32>,
          tpu.vector_store %arg10[%swap3A_765, %swap3A_766, %swap3A_767, %swap3A_768], %gather3A_764 {strides = array<i32>} : memref<8x2x8x128xf32, #tpu.memory_space<vmem>>, vector<16xf32>,
          %add3A_770 = arith.constant 96 : i32
          %add3A_771 = arith.addi %mul3A_691, %add3A_770 : i32
          %mul3A_772 = arith.constant 65 : i32
          %mul3A_773 = arith.muli %add3A_771, %mul3A_772 : i32
          %add3A_774 = arith.addi %mul3A_773, %add3A_689 : i32
          %add3A_775 = vector.broadcast %add3A_774 : i32 to vector<16xi32>
          %add3A_776 = arith.addi %mul3A_5, %add3A_775 : vector<16xi32>
          %gather3A_777 = tpu.vector_load_idx %arg11[%add3A_776] : memref<16640xf32, #tpu.memory_space<vmem>>[vector<16xi32>], vector<16xf32>,
          %swap3A_778 = arith.index_cast %select_n3A_656 : i32 to index
          %swap3A_779 = arith.index_cast %select_n3A_683 : i32 to index
          %swap3A_780 = arith.index_cast %sub3A_686 : i32 to index
          %swap3A_781 = arith.constant 96 : index
          %swap3A_782 = tpu.vector_load %arg10[%swap3A_778, %swap3A_779, %swap3A_780, %swap3A_781] {strides = array<i32>} : memref<8x2x8x128xf32, #tpu.memory_space<vmem>>, vector<16xf32>,
          tpu.vector_store %arg10[%swap3A_778, %swap3A_779, %swap3A_780, %swap3A_781], %gather3A_777 {strides = array<i32>} : memref<8x2x8x128xf32, #tpu.memory_space<vmem>>, vector<16xf32>,
          %add3A_783 = arith.constant 112 : i32
          %add3A_784 = arith.addi %mul3A_691, %add3A_783 : i32
          %mul3A_785 = arith.constant 65 : i32
          %mul3A_786 = arith.muli %add3A_784, %mul3A_785 : i32
          %add3A_787 = arith.addi %mul3A_786, %add3A_689 : i32
          %add3A_788 = vector.broadcast %add3A_787 : i32 to vector<16xi32>
          %add3A_789 = arith.addi %mul3A_5, %add3A_788 : vector<16xi32>
          %gather3A_790 = tpu.vector_load_idx %arg11[%add3A_789] : memref<16640xf32, #tpu.memory_space<vmem>>[vector<16xi32>], vector<16xf32>,
          %swap3A_791 = arith.index_cast %select_n3A_656 : i32 to index
          %swap3A_792 = arith.index_cast %select_n3A_683 : i32 to index
          %swap3A_793 = arith.index_cast %sub3A_686 : i32 to index
          %swap3A_794 = arith.constant 112 : index
          %swap3A_795 = tpu.vector_load %arg10[%swap3A_791, %swap3A_792, %swap3A_793, %swap3A_794] {strides = array<i32>} : memref<8x2x8x128xf32, #tpu.memory_space<vmem>>, vector<16xf32>,
          tpu.vector_store %arg10[%swap3A_791, %swap3A_792, %swap3A_793, %swap3A_794], %gather3A_790 {strides = array<i32>} : memref<8x2x8x128xf32, #tpu.memory_space<vmem>>, vector<16xf32>,
        }
        %scan3A_414 = arith.constant 128 : i32
        %sub3A_415 = arith.constant 1 : i32
        %sub3A_416 = arith.subi %add3A_274, %sub3A_415 : i32
        %jit3A_417 = arith.constant 16 : i32
        %div3A_418 = arith.divsi %sub3A_416, %jit3A_417 : i32
        %sign3A_419 = arith.constant 0 : i32
        %sign3A_420 = arith.cmpi sgt, %sub3A_416, %sign3A_419 : i32
        %sign3A_421 = arith.extui %sign3A_420 : i1 to i32
        %sign3A_422 = arith.constant 0 : i32
        %sign3A_423 = arith.cmpi slt, %sub3A_416, %sign3A_422 : i32
        %sign3A_424 = arith.extui %sign3A_423 : i1 to i32
        %sign3A_425 = arith.subi %sign3A_421, %sign3A_424 : i32
        %sign3A_426 = arith.constant 0 : i32
        %sign3A_427 = arith.cmpi sgt, %jit3A_417, %sign3A_426 : i32
        %sign3A_428 = arith.extui %sign3A_427 : i1 to i32
        %sign3A_429 = arith.constant 0 : i32
        %sign3A_430 = arith.cmpi slt, %jit3A_417, %sign3A_429 : i32
        %sign3A_431 = arith.extui %sign3A_430 : i1 to i32
        %sign3A_432 = arith.subi %sign3A_428, %sign3A_431 : i32
        %ne3A_433 = arith.cmpi ne, %sign3A_425, %sign3A_432 : i32
        %rem3A_434 = arith.remsi %sub3A_416, %jit3A_417 : i32
        %ne3A_435 = arith.constant 0 : i32
        %ne3A_436 = arith.cmpi ne, %rem3A_434, %ne3A_435 : i32
        %and3A_437 = arith.andi %ne3A_433, %ne3A_436 : i1
        %sub3A_438 = arith.constant 1 : i32
        %sub3A_439 = arith.subi %div3A_418, %sub3A_438 : i32
        %select_n3A_440 = arith.select %and3A_437, %sub3A_439, %div3A_418 : i32
        %jit3A_441 = arith.constant 16 : i32
        %eq3A_442 = arith.constant 0 : i32
        %eq3A_443 = arith.cmpi eq, %jit3A_441, %eq3A_442 : i32
        %jit3A_444 = arith.constant 1 : i32
        %select_n3A_445 = arith.select %eq3A_443, %jit3A_444, %jit3A_441 : i32
        %rem3A_446 = arith.remsi %sub3A_416, %select_n3A_445 : i32
        %ne3A_447 = arith.constant 0 : i32
        %ne3A_448 = arith.cmpi ne, %rem3A_446, %ne3A_447 : i32
        %lt3A_449 = arith.constant 0 : i32
        %lt3A_450 = arith.cmpi slt, %rem3A_446, %lt3A_449 : i32
        %lt3A_451 = arith.constant 0 : i32
        %lt3A_452 = arith.cmpi slt, %select_n3A_445, %lt3A_451 : i32
        %ne3A_453 = arith.xori %lt3A_450, %lt3A_452 : i1
        %and3A_454 = arith.andi %ne3A_453, %ne3A_448 : i1
        %add3A_455 = arith.addi %rem3A_446, %select_n3A_445 : i32
        %select_n3A_456 = arith.select %and3A_454, %add3A_455, %rem3A_446 : i32
        %mul3A_457 = arith.constant 2 : i32
        %mul3A_458 = arith.muli %mul3A_457, %select_n3A_456 : i32
        %dma_start3A_459 = arith.constant 0 : i32
        %dma_start3A_460 = arith.constant 0 : i32
        %dma_start3A_461 = arith.constant 0 : i32
        %dma_start3A_462 = tpu.memref_slice %arg4[%select_n3A_440, %dma_start3A_459, %mul3A_458, %dma_start3A_460, %dma_start3A_461] : memref<200x8x32x8x128xf32, #tpu.memory_space<hbm>> -> memref<1x8x2x8x128xf32, #tpu.memory_space<hbm>>
        %dma_start3A_463 = tpu.memref_squeeze %dma_start3A_462 : memref<1x8x2x8x128xf32, #tpu.memory_space<hbm>> -> memref<8x2x8x128xf32, #tpu.memory_space<hbm>>
        %dma_start3A_464 = arith.constant 0 : i32
        %dma_start3A_465 = arith.constant 0 : i32
        %dma_start3A_466 = arith.constant 0 : i32
        %dma_start3A_467 = tpu.memref_slice %arg4[%select_n3A_440, %dma_start3A_464, %mul3A_458, %dma_start3A_465, %dma_start3A_466] : memref<200x8x32x8x128xf32, #tpu.memory_space<hbm>> -> memref<1x8x2x8x128xf32, #tpu.memory_space<hbm>>
        %dma_start3A_468 = tpu.memref_squeeze %dma_start3A_467 : memref<1x8x2x8x128xf32, #tpu.memory_space<hbm>> -> memref<8x2x8x128xf32, #tpu.memory_space<hbm>>
        tpu.enqueue_dma source(%arg10 : memref<8x2x8x128xf32, #tpu.memory_space<vmem>>) target(%dma_start3A_468 : memref<8x2x8x128xf32, #tpu.memory_space<hbm>>) target_semaphore(%arg17 : memref<!tpu.dma_semaphore, #tpu.memory_space<semaphore_mem>>)
      } else {
      }
      %mul3A_331 = arith.constant 2 : i32
      %mul3A_332 = arith.muli %mul3A_331, %scan3A_269 : i32
      %add3A_333 = arith.constant 1 : i32
      %add3A_334 = arith.addi %mul3A_332, %add3A_333 : i32
      %add3A_335 = arith.addi %mul3A_2, %add3A_334 : i32
      %ge3A_336 = arith.constant 2 : i32
      %ge3A_337 = arith.cmpi sge, %add3A_334, %ge3A_336 : i32
      %convert_element_type3A_338 = arith.extui %ge3A_337 : i1 to i32
      %cond3A_339 = arith.constant 0 : i32
      %cond3A_340 = arith.cmpi ne, %convert_element_type3A_338, %cond3A_339 : i32
      scf.if %cond3A_340 {
        %sub3A_395 = arith.constant 2 : i32
        %sub3A_396 = arith.subi %add3A_335, %sub3A_395 : i32
        %jit3A_397 = arith.constant 16 : i32
        %div3A_398 = arith.divsi %sub3A_396, %jit3A_397 : i32
        %sign3A_399 = arith.constant 0 : i32
        %sign3A_400 = arith.cmpi sgt, %sub3A_396, %sign3A_399 : i32
        %sign3A_401 = arith.extui %sign3A_400 : i1 to i32
        %sign3A_402 = arith.constant 0 : i32
        %sign3A_403 = arith.cmpi slt, %sub3A_396, %sign3A_402 : i32
        %sign3A_404 = arith.extui %sign3A_403 : i1 to i32
        %sign3A_405 = arith.subi %sign3A_401, %sign3A_404 : i32
        %sign3A_406 = arith.constant 0 : i32
        %sign3A_407 = arith.cmpi sgt, %jit3A_397, %sign3A_406 : i32
        %sign3A_408 = arith.extui %sign3A_407 : i1 to i32
        %sign3A_409 = arith.constant 0 : i32
        %sign3A_410 = arith.cmpi slt, %jit3A_397, %sign3A_409 : i32
        %sign3A_411 = arith.extui %sign3A_410 : i1 to i32
        %sign3A_412 = arith.subi %sign3A_408, %sign3A_411 : i32
        %ne3A_413 = arith.cmpi ne, %sign3A_405, %sign3A_412 : i32
        %rem3A_414 = arith.remsi %sub3A_396, %jit3A_397 : i32
        %ne3A_415 = arith.constant 0 : i32
        %ne3A_416 = arith.cmpi ne, %rem3A_414, %ne3A_415 : i32
        %and3A_417 = arith.andi %ne3A_413, %ne3A_416 : i1
        %sub3A_418 = arith.constant 1 : i32
        %sub3A_419 = arith.subi %div3A_398, %sub3A_418 : i32
        %select_n3A_420 = arith.select %and3A_417, %sub3A_419, %div3A_398 : i32
        %jit3A_421 = arith.constant 16 : i32
        %eq3A_422 = arith.constant 0 : i32
        %eq3A_423 = arith.cmpi eq, %jit3A_421, %eq3A_422 : i32
        %jit3A_424 = arith.constant 1 : i32
        %select_n3A_425 = arith.select %eq3A_423, %jit3A_424, %jit3A_421 : i32
        %rem3A_426 = arith.remsi %sub3A_396, %select_n3A_425 : i32
        %ne3A_427 = arith.constant 0 : i32
        %ne3A_428 = arith.cmpi ne, %rem3A_426, %ne3A_427 : i32
        %lt3A_429 = arith.constant 0 : i32
        %lt3A_430 = arith.cmpi slt, %rem3A_426, %lt3A_429 : i32
        %lt3A_431 = arith.constant 0 : i32
        %lt3A_432 = arith.cmpi slt, %select_n3A_425, %lt3A_431 : i32
        %ne3A_433 = arith.xori %lt3A_430, %lt3A_432 : i1
        %and3A_434 = arith.andi %ne3A_433, %ne3A_428 : i1
        %add3A_435 = arith.addi %rem3A_426, %select_n3A_425 : i32
        %select_n3A_436 = arith.select %and3A_434, %add3A_435, %rem3A_426 : i32
        %mul3A_437 = arith.constant 2 : i32
        %mul3A_438 = arith.muli %mul3A_437, %select_n3A_436 : i32
        %dma_wait3A_439 = arith.constant 0 : i32
        %dma_wait3A_440 = arith.constant 0 : i32
        %dma_wait3A_441 = arith.constant 0 : i32
        %dma_wait3A_442 = tpu.memref_slice %arg4[%select_n3A_420, %dma_wait3A_439, %mul3A_438, %dma_wait3A_440, %dma_wait3A_441] : memref<200x8x32x8x128xf32, #tpu.memory_space<hbm>> -> memref<1x8x2x8x128xf32, #tpu.memory_space<hbm>>
        %dma_wait3A_443 = tpu.memref_squeeze %dma_wait3A_442 : memref<1x8x2x8x128xf32, #tpu.memory_space<hbm>> -> memref<8x2x8x128xf32, #tpu.memory_space<hbm>>
        %dma_wait3A_444 = arith.constant 0 : i32
        %dma_wait3A_445 = arith.constant 0 : i32
        %dma_wait3A_446 = arith.constant 0 : i32
        %dma_wait3A_447 = tpu.memref_slice %arg4[%select_n3A_420, %dma_wait3A_444, %mul3A_438, %dma_wait3A_445, %dma_wait3A_446] : memref<200x8x32x8x128xf32, #tpu.memory_space<hbm>> -> memref<1x8x2x8x128xf32, #tpu.memory_space<hbm>>
        %dma_wait3A_448 = tpu.memref_squeeze %dma_wait3A_447 : memref<1x8x2x8x128xf32, #tpu.memory_space<hbm>> -> memref<8x2x8x128xf32, #tpu.memory_space<hbm>>
        tpu.wait_dma2 semaphore(%arg17 : memref<!tpu.dma_semaphore, #tpu.memory_space<semaphore_mem>>) src(%arg10 : memref<8x2x8x128xf32, #tpu.memory_space<vmem>>) dst(%dma_wait3A_448 : memref<8x2x8x128xf32, #tpu.memory_space<hbm>>)
      } else {
      }
      %jit3A_341 = arith.constant 16 : i32
      %div3A_342 = arith.divsi %add3A_335, %jit3A_341 : i32
      %sign3A_343 = arith.constant 0 : i32
      %sign3A_344 = arith.cmpi sgt, %add3A_335, %sign3A_343 : i32
      %sign3A_345 = arith.extui %sign3A_344 : i1 to i32
      %sign3A_346 = arith.constant 0 : i32
      %sign3A_347 = arith.cmpi slt, %add3A_335, %sign3A_346 : i32
      %sign3A_348 = arith.extui %sign3A_347 : i1 to i32
      %sign3A_349 = arith.subi %sign3A_345, %sign3A_348 : i32
      %sign3A_350 = arith.constant 0 : i32
      %sign3A_351 = arith.cmpi sgt, %jit3A_341, %sign3A_350 : i32
      %sign3A_352 = arith.extui %sign3A_351 : i1 to i32
      %sign3A_353 = arith.constant 0 : i32
      %sign3A_354 = arith.cmpi slt, %jit3A_341, %sign3A_353 : i32
      %sign3A_355 = arith.extui %sign3A_354 : i1 to i32
      %sign3A_356 = arith.subi %sign3A_352, %sign3A_355 : i32
      %ne3A_357 = arith.cmpi ne, %sign3A_349, %sign3A_356 : i32
      %rem3A_358 = arith.remsi %add3A_335, %jit3A_341 : i32
      %ne3A_359 = arith.constant 0 : i32
      %ne3A_360 = arith.cmpi ne, %rem3A_358, %ne3A_359 : i32
      %and3A_361 = arith.andi %ne3A_357, %ne3A_360 : i1
      %sub3A_362 = arith.constant 1 : i32
      %sub3A_363 = arith.subi %div3A_342, %sub3A_362 : i32
      %select_n3A_364 = arith.select %and3A_361, %sub3A_363, %div3A_342 : i32
      %jit3A_365 = arith.constant 16 : i32
      %eq3A_366 = arith.constant 0 : i32
      %eq3A_367 = arith.cmpi eq, %jit3A_365, %eq3A_366 : i32
      %jit3A_368 = arith.constant 1 : i32
      %select_n3A_369 = arith.select %eq3A_367, %jit3A_368, %jit3A_365 : i32
      %rem3A_370 = arith.remsi %add3A_335, %select_n3A_369 : i32
      %ne3A_371 = arith.constant 0 : i32
      %ne3A_372 = arith.cmpi ne, %rem3A_370, %ne3A_371 : i32
      %lt3A_373 = arith.constant 0 : i32
      %lt3A_374 = arith.cmpi slt, %rem3A_370, %lt3A_373 : i32
      %lt3A_375 = arith.constant 0 : i32
      %lt3A_376 = arith.cmpi slt, %select_n3A_369, %lt3A_375 : i32
      %ne3A_377 = arith.xori %lt3A_374, %lt3A_376 : i1
      %and3A_378 = arith.andi %ne3A_377, %ne3A_372 : i1
      %add3A_379 = arith.addi %rem3A_370, %select_n3A_369 : i32
      %select_n3A_380 = arith.select %and3A_378, %add3A_379, %rem3A_370 : i32
      %mul3A_381 = arith.constant 256 : i32
      %mul3A_382 = arith.muli %select_n3A_380, %mul3A_381 : i32
      %dma_wait3A_383 = tpu.memref_slice %arg2[%select_n3A_364, %mul3A_382] : memref<200x4096xi32, #tpu.memory_space<hbm>> -> memref<1x256xi32, #tpu.memory_space<hbm>>
      %dma_wait3A_384 = tpu.memref_squeeze %dma_wait3A_383 : memref<1x256xi32, #tpu.memory_space<hbm>> -> memref<256xi32, #tpu.memory_space<hbm>>
      %dma_wait3A_385 = tpu.memref_slice %arg2[%select_n3A_364, %mul3A_382] : memref<200x4096xi32, #tpu.memory_space<hbm>> -> memref<1x256xi32, #tpu.memory_space<hbm>>
      %dma_wait3A_386 = tpu.memref_squeeze %dma_wait3A_385 : memref<1x256xi32, #tpu.memory_space<hbm>> -> memref<256xi32, #tpu.memory_space<hbm>>
      tpu.wait_dma2 semaphore(%arg13 : memref<!tpu.dma_semaphore, #tpu.memory_space<semaphore_mem>>) src(%dma_wait3A_386 : memref<256xi32, #tpu.memory_space<hbm>>) dst(%arg6 : memref<256xi32, #tpu.memory_space<vmem>>)
      %dma_start3A_387 = arith.constant 0 : i32
      %dma_start3A_388 = arith.constant 0 : i32
      %dma_start3A_389 = tpu.memref_slice %arg3[%dma_start3A_387, %dma_start3A_388] : memref<1000000x80xf32, #tpu.memory_space<hbm>> -> memref<1000000x80xf32, #tpu.memory_space<hbm>>
      tpu.enqueue_indirect_dma source(%dma_start3A_389 : memref<1000000x80xf32, #tpu.memory_space<hbm>>) target(%arg8 : memref<256x80xf32, #tpu.memory_space<vmem>>) offsets(%arg6 : memref<256xi32, #tpu.memory_space<vmem>>) semaphore(%arg15 : memref<!tpu.dma_semaphore, #tpu.memory_space<semaphore_mem>>)
      %ge3A_390 = arith.constant 1 : i32
      %ge3A_391 = arith.cmpi sge, %add3A_334, %ge3A_390 : i32
      %convert_element_type3A_392 = arith.extui %ge3A_391 : i1 to i32
      %cond3A_393 = arith.constant 0 : i32
      %cond3A_394 = arith.cmpi ne, %convert_element_type3A_392, %cond3A_393 : i32
      scf.if %cond3A_394 {
        %dma_wait3A_395 = arith.constant 0 : i32
        %dma_wait3A_396 = arith.constant 0 : i32
        %dma_wait3A_397 = tpu.memref_slice %arg3[%dma_wait3A_395, %dma_wait3A_396] : memref<1000000x80xf32, #tpu.memory_space<hbm>> -> memref<1000000x80xf32, #tpu.memory_space<hbm>>
        tpu.wait_indirect_dma semaphore(%arg14 : memref<!tpu.dma_semaphore, #tpu.memory_space<semaphore_mem>>) src(%dma_wait3A_397 : memref<1000000x80xf32, #tpu.memory_space<hbm>>) dst(%arg7 : memref<256x80xf32, #tpu.memory_space<vmem>>)
        %add3A_398 = arith.constant 1 : i32
        %add3A_399 = arith.addi %add3A_334, %add3A_398 : i32
        %lt3A_400 = arith.constant 100 : i32
        %lt3A_401 = arith.cmpi slt, %add3A_399, %lt3A_400 : i32
        %convert_element_type3A_402 = arith.extui %lt3A_401 : i1 to i32
        %cond3A_403 = arith.constant 0 : i32
        %cond3A_404 = arith.cmpi ne, %convert_element_type3A_402, %cond3A_403 : i32
        scf.if %cond3A_404 {
          %add3A_469 = arith.constant 1 : i32
          %add3A_470 = arith.addi %add3A_335, %add3A_469 : i32
          %jit3A_471 = arith.constant 16 : i32
          %div3A_472 = arith.divsi %add3A_470, %jit3A_471 : i32
          %sign3A_473 = arith.constant 0 : i32
          %sign3A_474 = arith.cmpi sgt, %add3A_470, %sign3A_473 : i32
          %sign3A_475 = arith.extui %sign3A_474 : i1 to i32
          %sign3A_476 = arith.constant 0 : i32
          %sign3A_477 = arith.cmpi slt, %add3A_470, %sign3A_476 : i32
          %sign3A_478 = arith.extui %sign3A_477 : i1 to i32
          %sign3A_479 = arith.subi %sign3A_475, %sign3A_478 : i32
          %sign3A_480 = arith.constant 0 : i32
          %sign3A_481 = arith.cmpi sgt, %jit3A_471, %sign3A_480 : i32
          %sign3A_482 = arith.extui %sign3A_481 : i1 to i32
          %sign3A_483 = arith.constant 0 : i32
          %sign3A_484 = arith.cmpi slt, %jit3A_471, %sign3A_483 : i32
          %sign3A_485 = arith.extui %sign3A_484 : i1 to i32
          %sign3A_486 = arith.subi %sign3A_482, %sign3A_485 : i32
          %ne3A_487 = arith.cmpi ne, %sign3A_479, %sign3A_486 : i32
          %rem3A_488 = arith.remsi %add3A_470, %jit3A_471 : i32
          %ne3A_489 = arith.constant 0 : i32
          %ne3A_490 = arith.cmpi ne, %rem3A_488, %ne3A_489 : i32
          %and3A_491 = arith.andi %ne3A_487, %ne3A_490 : i1
          %sub3A_492 = arith.constant 1 : i32
          %sub3A_493 = arith.subi %div3A_472, %sub3A_492 : i32
          %select_n3A_494 = arith.select %and3A_491, %sub3A_493, %div3A_472 : i32
          %jit3A_495 = arith.constant 16 : i32
          %eq3A_496 = arith.constant 0 : i32
          %eq3A_497 = arith.cmpi eq, %jit3A_495, %eq3A_496 : i32
          %jit3A_498 = arith.constant 1 : i32
          %select_n3A_499 = arith.select %eq3A_497, %jit3A_498, %jit3A_495 : i32
          %rem3A_500 = arith.remsi %add3A_470, %select_n3A_499 : i32
          %ne3A_501 = arith.constant 0 : i32
          %ne3A_502 = arith.cmpi ne, %rem3A_500, %ne3A_501 : i32
          %lt3A_503 = arith.constant 0 : i32
          %lt3A_504 = arith.cmpi slt, %rem3A_500, %lt3A_503 : i32
          %lt3A_505 = arith.constant 0 : i32
          %lt3A_506 = arith.cmpi slt, %select_n3A_499, %lt3A_505 : i32
          %ne3A_507 = arith.xori %lt3A_504, %lt3A_506 : i1
          %and3A_508 = arith.andi %ne3A_507, %ne3A_502 : i1
          %add3A_509 = arith.addi %rem3A_500, %select_n3A_499 : i32
          %select_n3A_510 = arith.select %and3A_508, %add3A_509, %rem3A_500 : i32
          %mul3A_511 = arith.constant 256 : i32
          %mul3A_512 = arith.muli %select_n3A_510, %mul3A_511 : i32
          %dma_start3A_513 = tpu.memref_slice %arg2[%select_n3A_494, %mul3A_512] : memref<200x4096xi32, #tpu.memory_space<hbm>> -> memref<1x256xi32, #tpu.memory_space<hbm>>
          %dma_start3A_514 = tpu.memref_squeeze %dma_start3A_513 : memref<1x256xi32, #tpu.memory_space<hbm>> -> memref<256xi32, #tpu.memory_space<hbm>>
          %dma_start3A_515 = tpu.memref_slice %arg2[%select_n3A_494, %mul3A_512] : memref<200x4096xi32, #tpu.memory_space<hbm>> -> memref<1x256xi32, #tpu.memory_space<hbm>>
          %dma_start3A_516 = tpu.memref_squeeze %dma_start3A_515 : memref<1x256xi32, #tpu.memory_space<hbm>> -> memref<256xi32, #tpu.memory_space<hbm>>
          tpu.enqueue_dma source(%dma_start3A_516 : memref<256xi32, #tpu.memory_space<hbm>>) target(%arg5 : memref<256xi32, #tpu.memory_space<vmem>>) target_semaphore(%arg12 : memref<!tpu.dma_semaphore, #tpu.memory_space<semaphore_mem>>)
        } else {
        }
        %scan3A_405 = arith.constant 0 : i32
        %scan3A_406 = arith.constant 256 : i32
        %scan3A_407 = arith.addi %scan3A_405, %scan3A_406 : i32
        %scan3A_408 = arith.constant 4 : i32
        scf.for %scan3A_469 = %scan3A_405 to %scan3A_407 step %scan3A_408  : i32 {
          %mul3A_470 = arith.constant 65 : i32
          %mul3A_471 = arith.muli %scan3A_469, %mul3A_470 : i32
          %get3A = arith.index_cast %scan3A_469 : i32 to index
          %get3A_472 = arith.constant 0 : index
          %get3A_473 = tpu.vector_load %arg7[%get3A, %get3A_472] {strides = array<i32>} : memref<256x80xf32, #tpu.memory_space<vmem>>, vector<16xf32>,
          %add3A_474 = arith.constant 0 : i32
          %add3A_475 = arith.addi %mul3A_471, %add3A_474 : i32
          %swap3A = arith.index_cast %add3A_475 : i32 to index
          %swap3A_476 = tpu.vector_load %arg11[%swap3A] {strides = array<i32>} : memref<16640xf32, #tpu.memory_space<vmem>>, vector<16xf32>,
          tpu.vector_store %arg11[%swap3A], %get3A_473 {strides = array<i32>} : memref<16640xf32, #tpu.memory_space<vmem>>, vector<16xf32>,
          %get3A_477 = arith.index_cast %scan3A_469 : i32 to index
          %get3A_478 = arith.constant 16 : index
          %get3A_479 = tpu.vector_load %arg7[%get3A_477, %get3A_478] {strides = array<i32>} : memref<256x80xf32, #tpu.memory_space<vmem>>, vector<16xf32>,
          %add3A_480 = arith.constant 16 : i32
          %add3A_481 = arith.addi %mul3A_471, %add3A_480 : i32
          %swap3A_482 = arith.index_cast %add3A_481 : i32 to index
          %swap3A_483 = tpu.vector_load %arg11[%swap3A_482] {strides = array<i32>} : memref<16640xf32, #tpu.memory_space<vmem>>, vector<16xf32>,
          tpu.vector_store %arg11[%swap3A_482], %get3A_479 {strides = array<i32>} : memref<16640xf32, #tpu.memory_space<vmem>>, vector<16xf32>,
          %get3A_484 = arith.index_cast %scan3A_469 : i32 to index
          %get3A_485 = arith.constant 32 : index
          %get3A_486 = tpu.vector_load %arg7[%get3A_484, %get3A_485] {strides = array<i32>} : memref<256x80xf32, #tpu.memory_space<vmem>>, vector<16xf32>,
          %add3A_487 = arith.constant 32 : i32
          %add3A_488 = arith.addi %mul3A_471, %add3A_487 : i32
          %swap3A_489 = arith.index_cast %add3A_488 : i32 to index
          %swap3A_490 = tpu.vector_load %arg11[%swap3A_489] {strides = array<i32>} : memref<16640xf32, #tpu.memory_space<vmem>>, vector<16xf32>,
          tpu.vector_store %arg11[%swap3A_489], %get3A_486 {strides = array<i32>} : memref<16640xf32, #tpu.memory_space<vmem>>, vector<16xf32>,
          %get3A_491 = arith.index_cast %scan3A_469 : i32 to index
          %get3A_492 = arith.constant 48 : index
          %get3A_493 = tpu.vector_load %arg7[%get3A_491, %get3A_492] {strides = array<i32>} : memref<256x80xf32, #tpu.memory_space<vmem>>, vector<16xf32>,
          %add3A_494 = arith.constant 48 : i32
          %add3A_495 = arith.addi %mul3A_471, %add3A_494 : i32
          %swap3A_496 = arith.index_cast %add3A_495 : i32 to index
          %swap3A_497 = tpu.vector_load %arg11[%swap3A_496] {strides = array<i32>} : memref<16640xf32, #tpu.memory_space<vmem>>, vector<16xf32>,
          tpu.vector_store %arg11[%swap3A_496], %get3A_493 {strides = array<i32>} : memref<16640xf32, #tpu.memory_space<vmem>>, vector<16xf32>,
          %scan3A_498 = arith.constant 1 : i32
          %scan3A_499 = arith.addi %scan3A_469, %scan3A_498 : i32
          %mul3A_500 = arith.constant 65 : i32
          %mul3A_501 = arith.muli %scan3A_499, %mul3A_500 : i32
          %get3A_502 = arith.index_cast %scan3A_499 : i32 to index
          %get3A_503 = arith.constant 0 : index
          %get3A_504 = tpu.vector_load %arg7[%get3A_502, %get3A_503] {strides = array<i32>} : memref<256x80xf32, #tpu.memory_space<vmem>>, vector<16xf32>,
          %add3A_505 = arith.constant 0 : i32
          %add3A_506 = arith.addi %mul3A_501, %add3A_505 : i32
          %swap3A_507 = arith.index_cast %add3A_506 : i32 to index
          %swap3A_508 = tpu.vector_load %arg11[%swap3A_507] {strides = array<i32>} : memref<16640xf32, #tpu.memory_space<vmem>>, vector<16xf32>,
          tpu.vector_store %arg11[%swap3A_507], %get3A_504 {strides = array<i32>} : memref<16640xf32, #tpu.memory_space<vmem>>, vector<16xf32>,
          %get3A_509 = arith.index_cast %scan3A_499 : i32 to index
          %get3A_510 = arith.constant 16 : index
          %get3A_511 = tpu.vector_load %arg7[%get3A_509, %get3A_510] {strides = array<i32>} : memref<256x80xf32, #tpu.memory_space<vmem>>, vector<16xf32>,
          %add3A_512 = arith.constant 16 : i32
          %add3A_513 = arith.addi %mul3A_501, %add3A_512 : i32
          %swap3A_514 = arith.index_cast %add3A_513 : i32 to index
          %swap3A_515 = tpu.vector_load %arg11[%swap3A_514] {strides = array<i32>} : memref<16640xf32, #tpu.memory_space<vmem>>, vector<16xf32>,
          tpu.vector_store %arg11[%swap3A_514], %get3A_511 {strides = array<i32>} : memref<16640xf32, #tpu.memory_space<vmem>>, vector<16xf32>,
          %get3A_516 = arith.index_cast %scan3A_499 : i32 to index
          %get3A_517 = arith.constant 32 : index
          %get3A_518 = tpu.vector_load %arg7[%get3A_516, %get3A_517] {strides = array<i32>} : memref<256x80xf32, #tpu.memory_space<vmem>>, vector<16xf32>,
          %add3A_519 = arith.constant 32 : i32
          %add3A_520 = arith.addi %mul3A_501, %add3A_519 : i32
          %swap3A_521 = arith.index_cast %add3A_520 : i32 to index
          %swap3A_522 = tpu.vector_load %arg11[%swap3A_521] {strides = array<i32>} : memref<16640xf32, #tpu.memory_space<vmem>>, vector<16xf32>,
          tpu.vector_store %arg11[%swap3A_521], %get3A_518 {strides = array<i32>} : memref<16640xf32, #tpu.memory_space<vmem>>, vector<16xf32>,
          %get3A_523 = arith.index_cast %scan3A_499 : i32 to index
          %get3A_524 = arith.constant 48 : index
          %get3A_525 = tpu.vector_load %arg7[%get3A_523, %get3A_524] {strides = array<i32>} : memref<256x80xf32, #tpu.memory_space<vmem>>, vector<16xf32>,
          %add3A_526 = arith.constant 48 : i32
          %add3A_527 = arith.addi %mul3A_501, %add3A_526 : i32
          %swap3A_528 = arith.index_cast %add3A_527 : i32 to index
          %swap3A_529 = tpu.vector_load %arg11[%swap3A_528] {strides = array<i32>} : memref<16640xf32, #tpu.memory_space<vmem>>, vector<16xf32>,
          tpu.vector_store %arg11[%swap3A_528], %get3A_525 {strides = array<i32>} : memref<16640xf32, #tpu.memory_space<vmem>>, vector<16xf32>,
          %scan3A_530 = arith.constant 2 : i32
          %scan3A_531 = arith.addi %scan3A_469, %scan3A_530 : i32
          %mul3A_532 = arith.constant 65 : i32
          %mul3A_533 = arith.muli %scan3A_531, %mul3A_532 : i32
          %get3A_534 = arith.index_cast %scan3A_531 : i32 to index
          %get3A_535 = arith.constant 0 : index
          %get3A_536 = tpu.vector_load %arg7[%get3A_534, %get3A_535] {strides = array<i32>} : memref<256x80xf32, #tpu.memory_space<vmem>>, vector<16xf32>,
          %add3A_537 = arith.constant 0 : i32
          %add3A_538 = arith.addi %mul3A_533, %add3A_537 : i32
          %swap3A_539 = arith.index_cast %add3A_538 : i32 to index
          %swap3A_540 = tpu.vector_load %arg11[%swap3A_539] {strides = array<i32>} : memref<16640xf32, #tpu.memory_space<vmem>>, vector<16xf32>,
          tpu.vector_store %arg11[%swap3A_539], %get3A_536 {strides = array<i32>} : memref<16640xf32, #tpu.memory_space<vmem>>, vector<16xf32>,
          %get3A_541 = arith.index_cast %scan3A_531 : i32 to index
          %get3A_542 = arith.constant 16 : index
          %get3A_543 = tpu.vector_load %arg7[%get3A_541, %get3A_542] {strides = array<i32>} : memref<256x80xf32, #tpu.memory_space<vmem>>, vector<16xf32>,
          %add3A_544 = arith.constant 16 : i32
          %add3A_545 = arith.addi %mul3A_533, %add3A_544 : i32
          %swap3A_546 = arith.index_cast %add3A_545 : i32 to index
          %swap3A_547 = tpu.vector_load %arg11[%swap3A_546] {strides = array<i32>} : memref<16640xf32, #tpu.memory_space<vmem>>, vector<16xf32>,
          tpu.vector_store %arg11[%swap3A_546], %get3A_543 {strides = array<i32>} : memref<16640xf32, #tpu.memory_space<vmem>>, vector<16xf32>,
          %get3A_548 = arith.index_cast %scan3A_531 : i32 to index
          %get3A_549 = arith.constant 32 : index
          %get3A_550 = tpu.vector_load %arg7[%get3A_548, %get3A_549] {strides = array<i32>} : memref<256x80xf32, #tpu.memory_space<vmem>>, vector<16xf32>,
          %add3A_551 = arith.constant 32 : i32
          %add3A_552 = arith.addi %mul3A_533, %add3A_551 : i32
          %swap3A_553 = arith.index_cast %add3A_552 : i32 to index
          %swap3A_554 = tpu.vector_load %arg11[%swap3A_553] {strides = array<i32>} : memref<16640xf32, #tpu.memory_space<vmem>>, vector<16xf32>,
          tpu.vector_store %arg11[%swap3A_553], %get3A_550 {strides = array<i32>} : memref<16640xf32, #tpu.memory_space<vmem>>, vector<16xf32>,
          %get3A_555 = arith.index_cast %scan3A_531 : i32 to index
          %get3A_556 = arith.constant 48 : index
          %get3A_557 = tpu.vector_load %arg7[%get3A_555, %get3A_556] {strides = array<i32>} : memref<256x80xf32, #tpu.memory_space<vmem>>, vector<16xf32>,
          %add3A_558 = arith.constant 48 : i32
          %add3A_559 = arith.addi %mul3A_533, %add3A_558 : i32
          %swap3A_560 = arith.index_cast %add3A_559 : i32 to index
          %swap3A_561 = tpu.vector_load %arg11[%swap3A_560] {strides = array<i32>} : memref<16640xf32, #tpu.memory_space<vmem>>, vector<16xf32>,
          tpu.vector_store %arg11[%swap3A_560], %get3A_557 {strides = array<i32>} : memref<16640xf32, #tpu.memory_space<vmem>>, vector<16xf32>,
          %scan3A_562 = arith.constant 3 : i32
          %scan3A_563 = arith.addi %scan3A_469, %scan3A_562 : i32
          %mul3A_564 = arith.constant 65 : i32
          %mul3A_565 = arith.muli %scan3A_563, %mul3A_564 : i32
          %get3A_566 = arith.index_cast %scan3A_563 : i32 to index
          %get3A_567 = arith.constant 0 : index
          %get3A_568 = tpu.vector_load %arg7[%get3A_566, %get3A_567] {strides = array<i32>} : memref<256x80xf32, #tpu.memory_space<vmem>>, vector<16xf32>,
          %add3A_569 = arith.constant 0 : i32
          %add3A_570 = arith.addi %mul3A_565, %add3A_569 : i32
          %swap3A_571 = arith.index_cast %add3A_570 : i32 to index
          %swap3A_572 = tpu.vector_load %arg11[%swap3A_571] {strides = array<i32>} : memref<16640xf32, #tpu.memory_space<vmem>>, vector<16xf32>,
          tpu.vector_store %arg11[%swap3A_571], %get3A_568 {strides = array<i32>} : memref<16640xf32, #tpu.memory_space<vmem>>, vector<16xf32>,
          %get3A_573 = arith.index_cast %scan3A_563 : i32 to index
          %get3A_574 = arith.constant 16 : index
          %get3A_575 = tpu.vector_load %arg7[%get3A_573, %get3A_574] {strides = array<i32>} : memref<256x80xf32, #tpu.memory_space<vmem>>, vector<16xf32>,
          %add3A_576 = arith.constant 16 : i32
          %add3A_577 = arith.addi %mul3A_565, %add3A_576 : i32
          %swap3A_578 = arith.index_cast %add3A_577 : i32 to index
          %swap3A_579 = tpu.vector_load %arg11[%swap3A_578] {strides = array<i32>} : memref<16640xf32, #tpu.memory_space<vmem>>, vector<16xf32>,
          tpu.vector_store %arg11[%swap3A_578], %get3A_575 {strides = array<i32>} : memref<16640xf32, #tpu.memory_space<vmem>>, vector<16xf32>,
          %get3A_580 = arith.index_cast %scan3A_563 : i32 to index
          %get3A_581 = arith.constant 32 : index
          %get3A_582 = tpu.vector_load %arg7[%get3A_580, %get3A_581] {strides = array<i32>} : memref<256x80xf32, #tpu.memory_space<vmem>>, vector<16xf32>,
          %add3A_583 = arith.constant 32 : i32
          %add3A_584 = arith.addi %mul3A_565, %add3A_583 : i32
          %swap3A_585 = arith.index_cast %add3A_584 : i32 to index
          %swap3A_586 = tpu.vector_load %arg11[%swap3A_585] {strides = array<i32>} : memref<16640xf32, #tpu.memory_space<vmem>>, vector<16xf32>,
          tpu.vector_store %arg11[%swap3A_585], %get3A_582 {strides = array<i32>} : memref<16640xf32, #tpu.memory_space<vmem>>, vector<16xf32>,
          %get3A_587 = arith.index_cast %scan3A_563 : i32 to index
          %get3A_588 = arith.constant 48 : index
          %get3A_589 = tpu.vector_load %arg7[%get3A_587, %get3A_588] {strides = array<i32>} : memref<256x80xf32, #tpu.memory_space<vmem>>, vector<16xf32>,
          %add3A_590 = arith.constant 48 : i32
          %add3A_591 = arith.addi %mul3A_565, %add3A_590 : i32
          %swap3A_592 = arith.index_cast %add3A_591 : i32 to index
          %swap3A_593 = tpu.vector_load %arg11[%swap3A_592] {strides = array<i32>} : memref<16640xf32, #tpu.memory_space<vmem>>, vector<16xf32>,
          tpu.vector_store %arg11[%swap3A_592], %get3A_589 {strides = array<i32>} : memref<16640xf32, #tpu.memory_space<vmem>>, vector<16xf32>,
        }
        %scan3A_409 = arith.constant 256 : i32
        %scan3A_410 = arith.constant 0 : i32
        %scan3A_411 = arith.constant 128 : i32
        %scan3A_412 = arith.addi %scan3A_410, %scan3A_411 : i32
        %scan3A_413 = arith.constant 2 : i32
        scf.for %scan3A_469 = %scan3A_410 to %scan3A_412 step %scan3A_413  : i32 {
          %jit3A_470 = arith.constant 16 : i32
          %div3A_471 = arith.divsi %scan3A_469, %jit3A_470 : i32
          %sign3A_472 = arith.constant 0 : i32
          %sign3A_473 = arith.cmpi sgt, %scan3A_469, %sign3A_472 : i32
          %sign3A_474 = arith.extui %sign3A_473 : i1 to i32
          %sign3A_475 = arith.constant 0 : i32
          %sign3A_476 = arith.cmpi slt, %scan3A_469, %sign3A_475 : i32
          %sign3A_477 = arith.extui %sign3A_476 : i1 to i32
          %sign3A_478 = arith.subi %sign3A_474, %sign3A_477 : i32
          %sign3A_479 = arith.constant 0 : i32
          %sign3A_480 = arith.cmpi sgt, %jit3A_470, %sign3A_479 : i32
          %sign3A_481 = arith.extui %sign3A_480 : i1 to i32
          %sign3A_482 = arith.constant 0 : i32
          %sign3A_483 = arith.cmpi slt, %jit3A_470, %sign3A_482 : i32
          %sign3A_484 = arith.extui %sign3A_483 : i1 to i32
          %sign3A_485 = arith.subi %sign3A_481, %sign3A_484 : i32
          %ne3A_486 = arith.cmpi ne, %sign3A_478, %sign3A_485 : i32
          %rem3A_487 = arith.remsi %scan3A_469, %jit3A_470 : i32
          %ne3A_488 = arith.constant 0 : i32
          %ne3A_489 = arith.cmpi ne, %rem3A_487, %ne3A_488 : i32
          %and3A_490 = arith.andi %ne3A_486, %ne3A_489 : i1
          %sub3A_491 = arith.constant 1 : i32
          %sub3A_492 = arith.subi %div3A_471, %sub3A_491 : i32
          %select_n3A_493 = arith.select %and3A_490, %sub3A_492, %div3A_471 : i32
          %mul3A_494 = arith.constant 16 : i32
          %mul3A_495 = arith.muli %select_n3A_493, %mul3A_494 : i32
          %sub3A_496 = arith.subi %scan3A_469, %mul3A_495 : i32
          %jit3A_497 = arith.constant 8 : i32
          %div3A_498 = arith.divsi %sub3A_496, %jit3A_497 : i32
          %sign3A_499 = arith.constant 0 : i32
          %sign3A_500 = arith.cmpi sgt, %sub3A_496, %sign3A_499 : i32
          %sign3A_501 = arith.extui %sign3A_500 : i1 to i32
          %sign3A_502 = arith.constant 0 : i32
          %sign3A_503 = arith.cmpi slt, %sub3A_496, %sign3A_502 : i32
          %sign3A_504 = arith.extui %sign3A_503 : i1 to i32
          %sign3A_505 = arith.subi %sign3A_501, %sign3A_504 : i32
          %sign3A_506 = arith.constant 0 : i32
          %sign3A_507 = arith.cmpi sgt, %jit3A_497, %sign3A_506 : i32
          %sign3A_508 = arith.extui %sign3A_507 : i1 to i32
          %sign3A_509 = arith.constant 0 : i32
          %sign3A_510 = arith.cmpi slt, %jit3A_497, %sign3A_509 : i32
          %sign3A_511 = arith.extui %sign3A_510 : i1 to i32
          %sign3A_512 = arith.subi %sign3A_508, %sign3A_511 : i32
          %ne3A_513 = arith.cmpi ne, %sign3A_505, %sign3A_512 : i32
          %rem3A_514 = arith.remsi %sub3A_496, %jit3A_497 : i32
          %ne3A_515 = arith.constant 0 : i32
          %ne3A_516 = arith.cmpi ne, %rem3A_514, %ne3A_515 : i32
          %and3A_517 = arith.andi %ne3A_513, %ne3A_516 : i1
          %sub3A_518 = arith.constant 1 : i32
          %sub3A_519 = arith.subi %div3A_498, %sub3A_518 : i32
          %select_n3A_520 = arith.select %and3A_517, %sub3A_519, %div3A_498 : i32
          %mul3A_521 = arith.constant 8 : i32
          %mul3A_522 = arith.muli %select_n3A_520, %mul3A_521 : i32
          %sub3A_523 = arith.subi %sub3A_496, %mul3A_522 : i32
          %mul3A_524 = arith.constant 8 : i32
          %mul3A_525 = arith.muli %select_n3A_493, %mul3A_524 : i32
          %add3A_526 = arith.addi %mul3A_525, %sub3A_523 : i32
          %mul3A_527 = arith.constant 128 : i32
          %mul3A_528 = arith.muli %select_n3A_520, %mul3A_527 : i32
          %add3A_529 = arith.constant 0 : i32
          %add3A_530 = arith.addi %mul3A_528, %add3A_529 : i32
          %mul3A_531 = arith.constant 65 : i32
          %mul3A_532 = arith.muli %add3A_530, %mul3A_531 : i32
          %add3A_533 = arith.addi %mul3A_532, %add3A_526 : i32
          %add3A_534 = vector.broadcast %add3A_533 : i32 to vector<16xi32>
          %add3A_535 = arith.addi %mul3A_5, %add3A_534 : vector<16xi32>
          %gather3A = tpu.vector_load_idx %arg11[%add3A_535] : memref<16640xf32, #tpu.memory_space<vmem>>[vector<16xi32>], vector<16xf32>,
          %swap3A = arith.index_cast %select_n3A_493 : i32 to index
          %swap3A_536 = arith.index_cast %select_n3A_520 : i32 to index
          %swap3A_537 = arith.index_cast %sub3A_523 : i32 to index
          %swap3A_538 = arith.constant 0 : index
          %swap3A_539 = tpu.vector_load %arg9[%swap3A, %swap3A_536, %swap3A_537, %swap3A_538] {strides = array<i32>} : memref<8x2x8x128xf32, #tpu.memory_space<vmem>>, vector<16xf32>,
          tpu.vector_store %arg9[%swap3A, %swap3A_536, %swap3A_537, %swap3A_538], %gather3A {strides = array<i32>} : memref<8x2x8x128xf32, #tpu.memory_space<vmem>>, vector<16xf32>,
          %add3A_540 = arith.constant 16 : i32
          %add3A_541 = arith.addi %mul3A_528, %add3A_540 : i32
          %mul3A_542 = arith.constant 65 : i32
          %mul3A_543 = arith.muli %add3A_541, %mul3A_542 : i32
          %add3A_544 = arith.addi %mul3A_543, %add3A_526 : i32
          %add3A_545 = vector.broadcast %add3A_544 : i32 to vector<16xi32>
          %add3A_546 = arith.addi %mul3A_5, %add3A_545 : vector<16xi32>
          %gather3A_547 = tpu.vector_load_idx %arg11[%add3A_546] : memref<16640xf32, #tpu.memory_space<vmem>>[vector<16xi32>], vector<16xf32>,
          %swap3A_548 = arith.index_cast %select_n3A_493 : i32 to index
          %swap3A_549 = arith.index_cast %select_n3A_520 : i32 to index
          %swap3A_550 = arith.index_cast %sub3A_523 : i32 to index
          %swap3A_551 = arith.constant 16 : index
          %swap3A_552 = tpu.vector_load %arg9[%swap3A_548, %swap3A_549, %swap3A_550, %swap3A_551] {strides = array<i32>} : memref<8x2x8x128xf32, #tpu.memory_space<vmem>>, vector<16xf32>,
          tpu.vector_store %arg9[%swap3A_548, %swap3A_549, %swap3A_550, %swap3A_551], %gather3A_547 {strides = array<i32>} : memref<8x2x8x128xf32, #tpu.memory_space<vmem>>, vector<16xf32>,
          %add3A_553 = arith.constant 32 : i32
          %add3A_554 = arith.addi %mul3A_528, %add3A_553 : i32
          %mul3A_555 = arith.constant 65 : i32
          %mul3A_556 = arith.muli %add3A_554, %mul3A_555 : i32
          %add3A_557 = arith.addi %mul3A_556, %add3A_526 : i32
          %add3A_558 = vector.broadcast %add3A_557 : i32 to vector<16xi32>
          %add3A_559 = arith.addi %mul3A_5, %add3A_558 : vector<16xi32>
          %gather3A_560 = tpu.vector_load_idx %arg11[%add3A_559] : memref<16640xf32, #tpu.memory_space<vmem>>[vector<16xi32>], vector<16xf32>,
          %swap3A_561 = arith.index_cast %select_n3A_493 : i32 to index
          %swap3A_562 = arith.index_cast %select_n3A_520 : i32 to index
          %swap3A_563 = arith.index_cast %sub3A_523 : i32 to index
          %swap3A_564 = arith.constant 32 : index
          %swap3A_565 = tpu.vector_load %arg9[%swap3A_561, %swap3A_562, %swap3A_563, %swap3A_564] {strides = array<i32>} : memref<8x2x8x128xf32, #tpu.memory_space<vmem>>, vector<16xf32>,
          tpu.vector_store %arg9[%swap3A_561, %swap3A_562, %swap3A_563, %swap3A_564], %gather3A_560 {strides = array<i32>} : memref<8x2x8x128xf32, #tpu.memory_space<vmem>>, vector<16xf32>,
          %add3A_566 = arith.constant 48 : i32
          %add3A_567 = arith.addi %mul3A_528, %add3A_566 : i32
          %mul3A_568 = arith.constant 65 : i32
          %mul3A_569 = arith.muli %add3A_567, %mul3A_568 : i32
          %add3A_570 = arith.addi %mul3A_569, %add3A_526 : i32
          %add3A_571 = vector.broadcast %add3A_570 : i32 to vector<16xi32>
          %add3A_572 = arith.addi %mul3A_5, %add3A_571 : vector<16xi32>
          %gather3A_573 = tpu.vector_load_idx %arg11[%add3A_572] : memref<16640xf32, #tpu.memory_space<vmem>>[vector<16xi32>], vector<16xf32>,
          %swap3A_574 = arith.index_cast %select_n3A_493 : i32 to index
          %swap3A_575 = arith.index_cast %select_n3A_520 : i32 to index
          %swap3A_576 = arith.index_cast %sub3A_523 : i32 to index
          %swap3A_577 = arith.constant 48 : index
          %swap3A_578 = tpu.vector_load %arg9[%swap3A_574, %swap3A_575, %swap3A_576, %swap3A_577] {strides = array<i32>} : memref<8x2x8x128xf32, #tpu.memory_space<vmem>>, vector<16xf32>,
          tpu.vector_store %arg9[%swap3A_574, %swap3A_575, %swap3A_576, %swap3A_577], %gather3A_573 {strides = array<i32>} : memref<8x2x8x128xf32, #tpu.memory_space<vmem>>, vector<16xf32>,
          %add3A_579 = arith.constant 64 : i32
          %add3A_580 = arith.addi %mul3A_528, %add3A_579 : i32
          %mul3A_581 = arith.constant 65 : i32
          %mul3A_582 = arith.muli %add3A_580, %mul3A_581 : i32
          %add3A_583 = arith.addi %mul3A_582, %add3A_526 : i32
          %add3A_584 = vector.broadcast %add3A_583 : i32 to vector<16xi32>
          %add3A_585 = arith.addi %mul3A_5, %add3A_584 : vector<16xi32>
          %gather3A_586 = tpu.vector_load_idx %arg11[%add3A_585] : memref<16640xf32, #tpu.memory_space<vmem>>[vector<16xi32>], vector<16xf32>,
          %swap3A_587 = arith.index_cast %select_n3A_493 : i32 to index
          %swap3A_588 = arith.index_cast %select_n3A_520 : i32 to index
          %swap3A_589 = arith.index_cast %sub3A_523 : i32 to index
          %swap3A_590 = arith.constant 64 : index
          %swap3A_591 = tpu.vector_load %arg9[%swap3A_587, %swap3A_588, %swap3A_589, %swap3A_590] {strides = array<i32>} : memref<8x2x8x128xf32, #tpu.memory_space<vmem>>, vector<16xf32>,
          tpu.vector_store %arg9[%swap3A_587, %swap3A_588, %swap3A_589, %swap3A_590], %gather3A_586 {strides = array<i32>} : memref<8x2x8x128xf32, #tpu.memory_space<vmem>>, vector<16xf32>,
          %add3A_592 = arith.constant 80 : i32
          %add3A_593 = arith.addi %mul3A_528, %add3A_592 : i32
          %mul3A_594 = arith.constant 65 : i32
          %mul3A_595 = arith.muli %add3A_593, %mul3A_594 : i32
          %add3A_596 = arith.addi %mul3A_595, %add3A_526 : i32
          %add3A_597 = vector.broadcast %add3A_596 : i32 to vector<16xi32>
          %add3A_598 = arith.addi %mul3A_5, %add3A_597 : vector<16xi32>
          %gather3A_599 = tpu.vector_load_idx %arg11[%add3A_598] : memref<16640xf32, #tpu.memory_space<vmem>>[vector<16xi32>], vector<16xf32>,
          %swap3A_600 = arith.index_cast %select_n3A_493 : i32 to index
          %swap3A_601 = arith.index_cast %select_n3A_520 : i32 to index
          %swap3A_602 = arith.index_cast %sub3A_523 : i32 to index
          %swap3A_603 = arith.constant 80 : index
          %swap3A_604 = tpu.vector_load %arg9[%swap3A_600, %swap3A_601, %swap3A_602, %swap3A_603] {strides = array<i32>} : memref<8x2x8x128xf32, #tpu.memory_space<vmem>>, vector<16xf32>,
          tpu.vector_store %arg9[%swap3A_600, %swap3A_601, %swap3A_602, %swap3A_603], %gather3A_599 {strides = array<i32>} : memref<8x2x8x128xf32, #tpu.memory_space<vmem>>, vector<16xf32>,
          %add3A_605 = arith.constant 96 : i32
          %add3A_606 = arith.addi %mul3A_528, %add3A_605 : i32
          %mul3A_607 = arith.constant 65 : i32
          %mul3A_608 = arith.muli %add3A_606, %mul3A_607 : i32
          %add3A_609 = arith.addi %mul3A_608, %add3A_526 : i32
          %add3A_610 = vector.broadcast %add3A_609 : i32 to vector<16xi32>
          %add3A_611 = arith.addi %mul3A_5, %add3A_610 : vector<16xi32>
          %gather3A_612 = tpu.vector_load_idx %arg11[%add3A_611] : memref<16640xf32, #tpu.memory_space<vmem>>[vector<16xi32>], vector<16xf32>,
          %swap3A_613 = arith.index_cast %select_n3A_493 : i32 to index
          %swap3A_614 = arith.index_cast %select_n3A_520 : i32 to index
          %swap3A_615 = arith.index_cast %sub3A_523 : i32 to index
          %swap3A_616 = arith.constant 96 : index
          %swap3A_617 = tpu.vector_load %arg9[%swap3A_613, %swap3A_614, %swap3A_615, %swap3A_616] {strides = array<i32>} : memref<8x2x8x128xf32, #tpu.memory_space<vmem>>, vector<16xf32>,
          tpu.vector_store %arg9[%swap3A_613, %swap3A_614, %swap3A_615, %swap3A_616], %gather3A_612 {strides = array<i32>} : memref<8x2x8x128xf32, #tpu.memory_space<vmem>>, vector<16xf32>,
          %add3A_618 = arith.constant 112 : i32
          %add3A_619 = arith.addi %mul3A_528, %add3A_618 : i32
          %mul3A_620 = arith.constant 65 : i32
          %mul3A_621 = arith.muli %add3A_619, %mul3A_620 : i32
          %add3A_622 = arith.addi %mul3A_621, %add3A_526 : i32
          %add3A_623 = vector.broadcast %add3A_622 : i32 to vector<16xi32>
          %add3A_624 = arith.addi %mul3A_5, %add3A_623 : vector<16xi32>
          %gather3A_625 = tpu.vector_load_idx %arg11[%add3A_624] : memref<16640xf32, #tpu.memory_space<vmem>>[vector<16xi32>], vector<16xf32>,
          %swap3A_626 = arith.index_cast %select_n3A_493 : i32 to index
          %swap3A_627 = arith.index_cast %select_n3A_520 : i32 to index
          %swap3A_628 = arith.index_cast %sub3A_523 : i32 to index
          %swap3A_629 = arith.constant 112 : index
          %swap3A_630 = tpu.vector_load %arg9[%swap3A_626, %swap3A_627, %swap3A_628, %swap3A_629] {strides = array<i32>} : memref<8x2x8x128xf32, #tpu.memory_space<vmem>>, vector<16xf32>,
          tpu.vector_store %arg9[%swap3A_626, %swap3A_627, %swap3A_628, %swap3A_629], %gather3A_625 {strides = array<i32>} : memref<8x2x8x128xf32, #tpu.memory_space<vmem>>, vector<16xf32>,
          %scan3A_631 = arith.constant 1 : i32
          %scan3A_632 = arith.addi %scan3A_469, %scan3A_631 : i32
          %jit3A_633 = arith.constant 16 : i32
          %div3A_634 = arith.divsi %scan3A_632, %jit3A_633 : i32
          %sign3A_635 = arith.constant 0 : i32
          %sign3A_636 = arith.cmpi sgt, %scan3A_632, %sign3A_635 : i32
          %sign3A_637 = arith.extui %sign3A_636 : i1 to i32
          %sign3A_638 = arith.constant 0 : i32
          %sign3A_639 = arith.cmpi slt, %scan3A_632, %sign3A_638 : i32
          %sign3A_640 = arith.extui %sign3A_639 : i1 to i32
          %sign3A_641 = arith.subi %sign3A_637, %sign3A_640 : i32
          %sign3A_642 = arith.constant 0 : i32
          %sign3A_643 = arith.cmpi sgt, %jit3A_633, %sign3A_642 : i32
          %sign3A_644 = arith.extui %sign3A_643 : i1 to i32
          %sign3A_645 = arith.constant 0 : i32
          %sign3A_646 = arith.cmpi slt, %jit3A_633, %sign3A_645 : i32
          %sign3A_647 = arith.extui %sign3A_646 : i1 to i32
          %sign3A_648 = arith.subi %sign3A_644, %sign3A_647 : i32
          %ne3A_649 = arith.cmpi ne, %sign3A_641, %sign3A_648 : i32
          %rem3A_650 = arith.remsi %scan3A_632, %jit3A_633 : i32
          %ne3A_651 = arith.constant 0 : i32
          %ne3A_652 = arith.cmpi ne, %rem3A_650, %ne3A_651 : i32
          %and3A_653 = arith.andi %ne3A_649, %ne3A_652 : i1
          %sub3A_654 = arith.constant 1 : i32
          %sub3A_655 = arith.subi %div3A_634, %sub3A_654 : i32
          %select_n3A_656 = arith.select %and3A_653, %sub3A_655, %div3A_634 : i32
          %mul3A_657 = arith.constant 16 : i32
          %mul3A_658 = arith.muli %select_n3A_656, %mul3A_657 : i32
          %sub3A_659 = arith.subi %scan3A_632, %mul3A_658 : i32
          %jit3A_660 = arith.constant 8 : i32
          %div3A_661 = arith.divsi %sub3A_659, %jit3A_660 : i32
          %sign3A_662 = arith.constant 0 : i32
          %sign3A_663 = arith.cmpi sgt, %sub3A_659, %sign3A_662 : i32
          %sign3A_664 = arith.extui %sign3A_663 : i1 to i32
          %sign3A_665 = arith.constant 0 : i32
          %sign3A_666 = arith.cmpi slt, %sub3A_659, %sign3A_665 : i32
          %sign3A_667 = arith.extui %sign3A_666 : i1 to i32
          %sign3A_668 = arith.subi %sign3A_664, %sign3A_667 : i32
          %sign3A_669 = arith.constant 0 : i32
          %sign3A_670 = arith.cmpi sgt, %jit3A_660, %sign3A_669 : i32
          %sign3A_671 = arith.extui %sign3A_670 : i1 to i32
          %sign3A_672 = arith.constant 0 : i32
          %sign3A_673 = arith.cmpi slt, %jit3A_660, %sign3A_672 : i32
          %sign3A_674 = arith.extui %sign3A_673 : i1 to i32
          %sign3A_675 = arith.subi %sign3A_671, %sign3A_674 : i32
          %ne3A_676 = arith.cmpi ne, %sign3A_668, %sign3A_675 : i32
          %rem3A_677 = arith.remsi %sub3A_659, %jit3A_660 : i32
          %ne3A_678 = arith.constant 0 : i32
          %ne3A_679 = arith.cmpi ne, %rem3A_677, %ne3A_678 : i32
          %and3A_680 = arith.andi %ne3A_676, %ne3A_679 : i1
          %sub3A_681 = arith.constant 1 : i32
          %sub3A_682 = arith.subi %div3A_661, %sub3A_681 : i32
          %select_n3A_683 = arith.select %and3A_680, %sub3A_682, %div3A_661 : i32
          %mul3A_684 = arith.constant 8 : i32
          %mul3A_685 = arith.muli %select_n3A_683, %mul3A_684 : i32
          %sub3A_686 = arith.subi %sub3A_659, %mul3A_685 : i32
          %mul3A_687 = arith.constant 8 : i32
          %mul3A_688 = arith.muli %select_n3A_656, %mul3A_687 : i32
          %add3A_689 = arith.addi %mul3A_688, %sub3A_686 : i32
          %mul3A_690 = arith.constant 128 : i32
          %mul3A_691 = arith.muli %select_n3A_683, %mul3A_690 : i32
          %add3A_692 = arith.constant 0 : i32
          %add3A_693 = arith.addi %mul3A_691, %add3A_692 : i32
          %mul3A_694 = arith.constant 65 : i32
          %mul3A_695 = arith.muli %add3A_693, %mul3A_694 : i32
          %add3A_696 = arith.addi %mul3A_695, %add3A_689 : i32
          %add3A_697 = vector.broadcast %add3A_696 : i32 to vector<16xi32>
          %add3A_698 = arith.addi %mul3A_5, %add3A_697 : vector<16xi32>
          %gather3A_699 = tpu.vector_load_idx %arg11[%add3A_698] : memref<16640xf32, #tpu.memory_space<vmem>>[vector<16xi32>], vector<16xf32>,
          %swap3A_700 = arith.index_cast %select_n3A_656 : i32 to index
          %swap3A_701 = arith.index_cast %select_n3A_683 : i32 to index
          %swap3A_702 = arith.index_cast %sub3A_686 : i32 to index
          %swap3A_703 = arith.constant 0 : index
          %swap3A_704 = tpu.vector_load %arg9[%swap3A_700, %swap3A_701, %swap3A_702, %swap3A_703] {strides = array<i32>} : memref<8x2x8x128xf32, #tpu.memory_space<vmem>>, vector<16xf32>,
          tpu.vector_store %arg9[%swap3A_700, %swap3A_701, %swap3A_702, %swap3A_703], %gather3A_699 {strides = array<i32>} : memref<8x2x8x128xf32, #tpu.memory_space<vmem>>, vector<16xf32>,
          %add3A_705 = arith.constant 16 : i32
          %add3A_706 = arith.addi %mul3A_691, %add3A_705 : i32
          %mul3A_707 = arith.constant 65 : i32
          %mul3A_708 = arith.muli %add3A_706, %mul3A_707 : i32
          %add3A_709 = arith.addi %mul3A_708, %add3A_689 : i32
          %add3A_710 = vector.broadcast %add3A_709 : i32 to vector<16xi32>
          %add3A_711 = arith.addi %mul3A_5, %add3A_710 : vector<16xi32>
          %gather3A_712 = tpu.vector_load_idx %arg11[%add3A_711] : memref<16640xf32, #tpu.memory_space<vmem>>[vector<16xi32>], vector<16xf32>,
          %swap3A_713 = arith.index_cast %select_n3A_656 : i32 to index
          %swap3A_714 = arith.index_cast %select_n3A_683 : i32 to index
          %swap3A_715 = arith.index_cast %sub3A_686 : i32 to index
          %swap3A_716 = arith.constant 16 : index
          %swap3A_717 = tpu.vector_load %arg9[%swap3A_713, %swap3A_714, %swap3A_715, %swap3A_716] {strides = array<i32>} : memref<8x2x8x128xf32, #tpu.memory_space<vmem>>, vector<16xf32>,
          tpu.vector_store %arg9[%swap3A_713, %swap3A_714, %swap3A_715, %swap3A_716], %gather3A_712 {strides = array<i32>} : memref<8x2x8x128xf32, #tpu.memory_space<vmem>>, vector<16xf32>,
          %add3A_718 = arith.constant 32 : i32
          %add3A_719 = arith.addi %mul3A_691, %add3A_718 : i32
          %mul3A_720 = arith.constant 65 : i32
          %mul3A_721 = arith.muli %add3A_719, %mul3A_720 : i32
          %add3A_722 = arith.addi %mul3A_721, %add3A_689 : i32
          %add3A_723 = vector.broadcast %add3A_722 : i32 to vector<16xi32>
          %add3A_724 = arith.addi %mul3A_5, %add3A_723 : vector<16xi32>
          %gather3A_725 = tpu.vector_load_idx %arg11[%add3A_724] : memref<16640xf32, #tpu.memory_space<vmem>>[vector<16xi32>], vector<16xf32>,
          %swap3A_726 = arith.index_cast %select_n3A_656 : i32 to index
          %swap3A_727 = arith.index_cast %select_n3A_683 : i32 to index
          %swap3A_728 = arith.index_cast %sub3A_686 : i32 to index
          %swap3A_729 = arith.constant 32 : index
          %swap3A_730 = tpu.vector_load %arg9[%swap3A_726, %swap3A_727, %swap3A_728, %swap3A_729] {strides = array<i32>} : memref<8x2x8x128xf32, #tpu.memory_space<vmem>>, vector<16xf32>,
          tpu.vector_store %arg9[%swap3A_726, %swap3A_727, %swap3A_728, %swap3A_729], %gather3A_725 {strides = array<i32>} : memref<8x2x8x128xf32, #tpu.memory_space<vmem>>, vector<16xf32>,
          %add3A_731 = arith.constant 48 : i32
          %add3A_732 = arith.addi %mul3A_691, %add3A_731 : i32
          %mul3A_733 = arith.constant 65 : i32
          %mul3A_734 = arith.muli %add3A_732, %mul3A_733 : i32
          %add3A_735 = arith.addi %mul3A_734, %add3A_689 : i32
          %add3A_736 = vector.broadcast %add3A_735 : i32 to vector<16xi32>
          %add3A_737 = arith.addi %mul3A_5, %add3A_736 : vector<16xi32>
          %gather3A_738 = tpu.vector_load_idx %arg11[%add3A_737] : memref<16640xf32, #tpu.memory_space<vmem>>[vector<16xi32>], vector<16xf32>,
          %swap3A_739 = arith.index_cast %select_n3A_656 : i32 to index
          %swap3A_740 = arith.index_cast %select_n3A_683 : i32 to index
          %swap3A_741 = arith.index_cast %sub3A_686 : i32 to index
          %swap3A_742 = arith.constant 48 : index
          %swap3A_743 = tpu.vector_load %arg9[%swap3A_739, %swap3A_740, %swap3A_741, %swap3A_742] {strides = array<i32>} : memref<8x2x8x128xf32, #tpu.memory_space<vmem>>, vector<16xf32>,
          tpu.vector_store %arg9[%swap3A_739, %swap3A_740, %swap3A_741, %swap3A_742], %gather3A_738 {strides = array<i32>} : memref<8x2x8x128xf32, #tpu.memory_space<vmem>>, vector<16xf32>,
          %add3A_744 = arith.constant 64 : i32
          %add3A_745 = arith.addi %mul3A_691, %add3A_744 : i32
          %mul3A_746 = arith.constant 65 : i32
          %mul3A_747 = arith.muli %add3A_745, %mul3A_746 : i32
          %add3A_748 = arith.addi %mul3A_747, %add3A_689 : i32
          %add3A_749 = vector.broadcast %add3A_748 : i32 to vector<16xi32>
          %add3A_750 = arith.addi %mul3A_5, %add3A_749 : vector<16xi32>
          %gather3A_751 = tpu.vector_load_idx %arg11[%add3A_750] : memref<16640xf32, #tpu.memory_space<vmem>>[vector<16xi32>], vector<16xf32>,
          %swap3A_752 = arith.index_cast %select_n3A_656 : i32 to index
          %swap3A_753 = arith.index_cast %select_n3A_683 : i32 to index
          %swap3A_754 = arith.index_cast %sub3A_686 : i32 to index
          %swap3A_755 = arith.constant 64 : index
          %swap3A_756 = tpu.vector_load %arg9[%swap3A_752, %swap3A_753, %swap3A_754, %swap3A_755] {strides = array<i32>} : memref<8x2x8x128xf32, #tpu.memory_space<vmem>>, vector<16xf32>,
          tpu.vector_store %arg9[%swap3A_752, %swap3A_753, %swap3A_754, %swap3A_755], %gather3A_751 {strides = array<i32>} : memref<8x2x8x128xf32, #tpu.memory_space<vmem>>, vector<16xf32>,
          %add3A_757 = arith.constant 80 : i32
          %add3A_758 = arith.addi %mul3A_691, %add3A_757 : i32
          %mul3A_759 = arith.constant 65 : i32
          %mul3A_760 = arith.muli %add3A_758, %mul3A_759 : i32
          %add3A_761 = arith.addi %mul3A_760, %add3A_689 : i32
          %add3A_762 = vector.broadcast %add3A_761 : i32 to vector<16xi32>
          %add3A_763 = arith.addi %mul3A_5, %add3A_762 : vector<16xi32>
          %gather3A_764 = tpu.vector_load_idx %arg11[%add3A_763] : memref<16640xf32, #tpu.memory_space<vmem>>[vector<16xi32>], vector<16xf32>,
          %swap3A_765 = arith.index_cast %select_n3A_656 : i32 to index
          %swap3A_766 = arith.index_cast %select_n3A_683 : i32 to index
          %swap3A_767 = arith.index_cast %sub3A_686 : i32 to index
          %swap3A_768 = arith.constant 80 : index
          %swap3A_769 = tpu.vector_load %arg9[%swap3A_765, %swap3A_766, %swap3A_767, %swap3A_768] {strides = array<i32>} : memref<8x2x8x128xf32, #tpu.memory_space<vmem>>, vector<16xf32>,
          tpu.vector_store %arg9[%swap3A_765, %swap3A_766, %swap3A_767, %swap3A_768], %gather3A_764 {strides = array<i32>} : memref<8x2x8x128xf32, #tpu.memory_space<vmem>>, vector<16xf32>,
          %add3A_770 = arith.constant 96 : i32
          %add3A_771 = arith.addi %mul3A_691, %add3A_770 : i32
          %mul3A_772 = arith.constant 65 : i32
          %mul3A_773 = arith.muli %add3A_771, %mul3A_772 : i32
          %add3A_774 = arith.addi %mul3A_773, %add3A_689 : i32
          %add3A_775 = vector.broadcast %add3A_774 : i32 to vector<16xi32>
          %add3A_776 = arith.addi %mul3A_5, %add3A_775 : vector<16xi32>
          %gather3A_777 = tpu.vector_load_idx %arg11[%add3A_776] : memref<16640xf32, #tpu.memory_space<vmem>>[vector<16xi32>], vector<16xf32>,
          %swap3A_778 = arith.index_cast %select_n3A_656 : i32 to index
          %swap3A_779 = arith.index_cast %select_n3A_683 : i32 to index
          %swap3A_780 = arith.index_cast %sub3A_686 : i32 to index
          %swap3A_781 = arith.constant 96 : index
          %swap3A_782 = tpu.vector_load %arg9[%swap3A_778, %swap3A_779, %swap3A_780, %swap3A_781] {strides = array<i32>} : memref<8x2x8x128xf32, #tpu.memory_space<vmem>>, vector<16xf32>,
          tpu.vector_store %arg9[%swap3A_778, %swap3A_779, %swap3A_780, %swap3A_781], %gather3A_777 {strides = array<i32>} : memref<8x2x8x128xf32, #tpu.memory_space<vmem>>, vector<16xf32>,
          %add3A_783 = arith.constant 112 : i32
          %add3A_784 = arith.addi %mul3A_691, %add3A_783 : i32
          %mul3A_785 = arith.constant 65 : i32
          %mul3A_786 = arith.muli %add3A_784, %mul3A_785 : i32
          %add3A_787 = arith.addi %mul3A_786, %add3A_689 : i32
          %add3A_788 = vector.broadcast %add3A_787 : i32 to vector<16xi32>
          %add3A_789 = arith.addi %mul3A_5, %add3A_788 : vector<16xi32>
          %gather3A_790 = tpu.vector_load_idx %arg11[%add3A_789] : memref<16640xf32, #tpu.memory_space<vmem>>[vector<16xi32>], vector<16xf32>,
          %swap3A_791 = arith.index_cast %select_n3A_656 : i32 to index
          %swap3A_792 = arith.index_cast %select_n3A_683 : i32 to index
          %swap3A_793 = arith.index_cast %sub3A_686 : i32 to index
          %swap3A_794 = arith.constant 112 : index
          %swap3A_795 = tpu.vector_load %arg9[%swap3A_791, %swap3A_792, %swap3A_793, %swap3A_794] {strides = array<i32>} : memref<8x2x8x128xf32, #tpu.memory_space<vmem>>, vector<16xf32>,
          tpu.vector_store %arg9[%swap3A_791, %swap3A_792, %swap3A_793, %swap3A_794], %gather3A_790 {strides = array<i32>} : memref<8x2x8x128xf32, #tpu.memory_space<vmem>>, vector<16xf32>,
        }
        %scan3A_414 = arith.constant 128 : i32
        %sub3A_415 = arith.constant 1 : i32
        %sub3A_416 = arith.subi %add3A_335, %sub3A_415 : i32
        %jit3A_417 = arith.constant 16 : i32
        %div3A_418 = arith.divsi %sub3A_416, %jit3A_417 : i32
        %sign3A_419 = arith.constant 0 : i32
        %sign3A_420 = arith.cmpi sgt, %sub3A_416, %sign3A_419 : i32
        %sign3A_421 = arith.extui %sign3A_420 : i1 to i32
        %sign3A_422 = arith.constant 0 : i32
        %sign3A_423 = arith.cmpi slt, %sub3A_416, %sign3A_422 : i32
        %sign3A_424 = arith.extui %sign3A_423 : i1 to i32
        %sign3A_425 = arith.subi %sign3A_421, %sign3A_424 : i32
        %sign3A_426 = arith.constant 0 : i32
        %sign3A_427 = arith.cmpi sgt, %jit3A_417, %sign3A_426 : i32
        %sign3A_428 = arith.extui %sign3A_427 : i1 to i32
        %sign3A_429 = arith.constant 0 : i32
        %sign3A_430 = arith.cmpi slt, %jit3A_417, %sign3A_429 : i32
        %sign3A_431 = arith.extui %sign3A_430 : i1 to i32
        %sign3A_432 = arith.subi %sign3A_428, %sign3A_431 : i32
        %ne3A_433 = arith.cmpi ne, %sign3A_425, %sign3A_432 : i32
        %rem3A_434 = arith.remsi %sub3A_416, %jit3A_417 : i32
        %ne3A_435 = arith.constant 0 : i32
        %ne3A_436 = arith.cmpi ne, %rem3A_434, %ne3A_435 : i32
        %and3A_437 = arith.andi %ne3A_433, %ne3A_436 : i1
        %sub3A_438 = arith.constant 1 : i32
        %sub3A_439 = arith.subi %div3A_418, %sub3A_438 : i32
        %select_n3A_440 = arith.select %and3A_437, %sub3A_439, %div3A_418 : i32
        %jit3A_441 = arith.constant 16 : i32
        %eq3A_442 = arith.constant 0 : i32
        %eq3A_443 = arith.cmpi eq, %jit3A_441, %eq3A_442 : i32
        %jit3A_444 = arith.constant 1 : i32
        %select_n3A_445 = arith.select %eq3A_443, %jit3A_444, %jit3A_441 : i32
        %rem3A_446 = arith.remsi %sub3A_416, %select_n3A_445 : i32
        %ne3A_447 = arith.constant 0 : i32
        %ne3A_448 = arith.cmpi ne, %rem3A_446, %ne3A_447 : i32
        %lt3A_449 = arith.constant 0 : i32
        %lt3A_450 = arith.cmpi slt, %rem3A_446, %lt3A_449 : i32
        %lt3A_451 = arith.constant 0 : i32
        %lt3A_452 = arith.cmpi slt, %select_n3A_445, %lt3A_451 : i32
        %ne3A_453 = arith.xori %lt3A_450, %lt3A_452 : i1
        %and3A_454 = arith.andi %ne3A_453, %ne3A_448 : i1
        %add3A_455 = arith.addi %rem3A_446, %select_n3A_445 : i32
        %select_n3A_456 = arith.select %and3A_454, %add3A_455, %rem3A_446 : i32
        %mul3A_457 = arith.constant 2 : i32
        %mul3A_458 = arith.muli %mul3A_457, %select_n3A_456 : i32
        %dma_start3A_459 = arith.constant 0 : i32
        %dma_start3A_460 = arith.constant 0 : i32
        %dma_start3A_461 = arith.constant 0 : i32
        %dma_start3A_462 = tpu.memref_slice %arg4[%select_n3A_440, %dma_start3A_459, %mul3A_458, %dma_start3A_460, %dma_start3A_461] : memref<200x8x32x8x128xf32, #tpu.memory_space<hbm>> -> memref<1x8x2x8x128xf32, #tpu.memory_space<hbm>>
        %dma_start3A_463 = tpu.memref_squeeze %dma_start3A_462 : memref<1x8x2x8x128xf32, #tpu.memory_space<hbm>> -> memref<8x2x8x128xf32, #tpu.memory_space<hbm>>
        %dma_start3A_464 = arith.constant 0 : i32
        %dma_start3A_465 = arith.constant 0 : i32
        %dma_start3A_466 = arith.constant 0 : i32
        %dma_start3A_467 = tpu.memref_slice %arg4[%select_n3A_440, %dma_start3A_464, %mul3A_458, %dma_start3A_465, %dma_start3A_466] : memref<200x8x32x8x128xf32, #tpu.memory_space<hbm>> -> memref<1x8x2x8x128xf32, #tpu.memory_space<hbm>>
        %dma_start3A_468 = tpu.memref_squeeze %dma_start3A_467 : memref<1x8x2x8x128xf32, #tpu.memory_space<hbm>> -> memref<8x2x8x128xf32, #tpu.memory_space<hbm>>
        tpu.enqueue_dma source(%arg9 : memref<8x2x8x128xf32, #tpu.memory_space<vmem>>) target(%dma_start3A_468 : memref<8x2x8x128xf32, #tpu.memory_space<hbm>>) target_semaphore(%arg16 : memref<!tpu.dma_semaphore, #tpu.memory_space<semaphore_mem>>)
      } else {
      }
    }
    %scan3A_94 = arith.constant 50 : i32
    %add3A_95 = arith.constant 100 : i32
    %add3A_96 = arith.addi %mul3A_2, %add3A_95 : i32
    %sub3A_97 = arith.constant 1 : i32
    %sub3A_98 = arith.subi %add3A_96, %sub3A_97 : i32
    %dma_wait3A = arith.constant 0 : i32
    %dma_wait3A_99 = arith.constant 0 : i32
    %dma_wait3A_100 = tpu.memref_slice %arg3[%dma_wait3A, %dma_wait3A_99] : memref<1000000x80xf32, #tpu.memory_space<hbm>> -> memref<1000000x80xf32, #tpu.memory_space<hbm>>
    tpu.wait_indirect_dma semaphore(%arg15 : memref<!tpu.dma_semaphore, #tpu.memory_space<semaphore_mem>>) src(%dma_wait3A_100 : memref<1000000x80xf32, #tpu.memory_space<hbm>>) dst(%arg8 : memref<256x80xf32, #tpu.memory_space<vmem>>)
    %scan3A_101 = arith.constant 0 : i32
    %scan3A_102 = arith.constant 256 : i32
    %scan3A_103 = arith.addi %scan3A_101, %scan3A_102 : i32
    %scan3A_104 = arith.constant 4 : i32
    scf.for %scan3A_269 = %scan3A_101 to %scan3A_103 step %scan3A_104  : i32 {
      %mul3A_270 = arith.constant 65 : i32
      %mul3A_271 = arith.muli %scan3A_269, %mul3A_270 : i32
      %get3A = arith.index_cast %scan3A_269 : i32 to index
      %get3A_272 = arith.constant 0 : index
      %get3A_273 = tpu.vector_load %arg8[%get3A, %get3A_272] {strides = array<i32>} : memref<256x80xf32, #tpu.memory_space<vmem>>, vector<16xf32>,
      %add3A_274 = arith.constant 0 : i32
      %add3A_275 = arith.addi %mul3A_271, %add3A_274 : i32
      %swap3A = arith.index_cast %add3A_275 : i32 to index
      %swap3A_276 = tpu.vector_load %arg11[%swap3A] {strides = array<i32>} : memref<16640xf32, #tpu.memory_space<vmem>>, vector<16xf32>,
      tpu.vector_store %arg11[%swap3A], %get3A_273 {strides = array<i32>} : memref<16640xf32, #tpu.memory_space<vmem>>, vector<16xf32>,
      %get3A_277 = arith.index_cast %scan3A_269 : i32 to index
      %get3A_278 = arith.constant 16 : index
      %get3A_279 = tpu.vector_load %arg8[%get3A_277, %get3A_278] {strides = array<i32>} : memref<256x80xf32, #tpu.memory_space<vmem>>, vector<16xf32>,
      %add3A_280 = arith.constant 16 : i32
      %add3A_281 = arith.addi %mul3A_271, %add3A_280 : i32
      %swap3A_282 = arith.index_cast %add3A_281 : i32 to index
      %swap3A_283 = tpu.vector_load %arg11[%swap3A_282] {strides = array<i32>} : memref<16640xf32, #tpu.memory_space<vmem>>, vector<16xf32>,
      tpu.vector_store %arg11[%swap3A_282], %get3A_279 {strides = array<i32>} : memref<16640xf32, #tpu.memory_space<vmem>>, vector<16xf32>,
      %get3A_284 = arith.index_cast %scan3A_269 : i32 to index
      %get3A_285 = arith.constant 32 : index
      %get3A_286 = tpu.vector_load %arg8[%get3A_284, %get3A_285] {strides = array<i32>} : memref<256x80xf32, #tpu.memory_space<vmem>>, vector<16xf32>,
      %add3A_287 = arith.constant 32 : i32
      %add3A_288 = arith.addi %mul3A_271, %add3A_287 : i32
      %swap3A_289 = arith.index_cast %add3A_288 : i32 to index
      %swap3A_290 = tpu.vector_load %arg11[%swap3A_289] {strides = array<i32>} : memref<16640xf32, #tpu.memory_space<vmem>>, vector<16xf32>,
      tpu.vector_store %arg11[%swap3A_289], %get3A_286 {strides = array<i32>} : memref<16640xf32, #tpu.memory_space<vmem>>, vector<16xf32>,
      %get3A_291 = arith.index_cast %scan3A_269 : i32 to index
      %get3A_292 = arith.constant 48 : index
      %get3A_293 = tpu.vector_load %arg8[%get3A_291, %get3A_292] {strides = array<i32>} : memref<256x80xf32, #tpu.memory_space<vmem>>, vector<16xf32>,
      %add3A_294 = arith.constant 48 : i32
      %add3A_295 = arith.addi %mul3A_271, %add3A_294 : i32
      %swap3A_296 = arith.index_cast %add3A_295 : i32 to index
      %swap3A_297 = tpu.vector_load %arg11[%swap3A_296] {strides = array<i32>} : memref<16640xf32, #tpu.memory_space<vmem>>, vector<16xf32>,
      tpu.vector_store %arg11[%swap3A_296], %get3A_293 {strides = array<i32>} : memref<16640xf32, #tpu.memory_space<vmem>>, vector<16xf32>,
      %scan3A_298 = arith.constant 1 : i32
      %scan3A_299 = arith.addi %scan3A_269, %scan3A_298 : i32
      %mul3A_300 = arith.constant 65 : i32
      %mul3A_301 = arith.muli %scan3A_299, %mul3A_300 : i32
      %get3A_302 = arith.index_cast %scan3A_299 : i32 to index
      %get3A_303 = arith.constant 0 : index
      %get3A_304 = tpu.vector_load %arg8[%get3A_302, %get3A_303] {strides = array<i32>} : memref<256x80xf32, #tpu.memory_space<vmem>>, vector<16xf32>,
      %add3A_305 = arith.constant 0 : i32
      %add3A_306 = arith.addi %mul3A_301, %add3A_305 : i32
      %swap3A_307 = arith.index_cast %add3A_306 : i32 to index
      %swap3A_308 = tpu.vector_load %arg11[%swap3A_307] {strides = array<i32>} : memref<16640xf32, #tpu.memory_space<vmem>>, vector<16xf32>,
      tpu.vector_store %arg11[%swap3A_307], %get3A_304 {strides = array<i32>} : memref<16640xf32, #tpu.memory_space<vmem>>, vector<16xf32>,
      %get3A_309 = arith.index_cast %scan3A_299 : i32 to index
      %get3A_310 = arith.constant 16 : index
      %get3A_311 = tpu.vector_load %arg8[%get3A_309, %get3A_310] {strides = array<i32>} : memref<256x80xf32, #tpu.memory_space<vmem>>, vector<16xf32>,
      %add3A_312 = arith.constant 16 : i32
      %add3A_313 = arith.addi %mul3A_301, %add3A_312 : i32
      %swap3A_314 = arith.index_cast %add3A_313 : i32 to index
      %swap3A_315 = tpu.vector_load %arg11[%swap3A_314] {strides = array<i32>} : memref<16640xf32, #tpu.memory_space<vmem>>, vector<16xf32>,
      tpu.vector_store %arg11[%swap3A_314], %get3A_311 {strides = array<i32>} : memref<16640xf32, #tpu.memory_space<vmem>>, vector<16xf32>,
      %get3A_316 = arith.index_cast %scan3A_299 : i32 to index
      %get3A_317 = arith.constant 32 : index
      %get3A_318 = tpu.vector_load %arg8[%get3A_316, %get3A_317] {strides = array<i32>} : memref<256x80xf32, #tpu.memory_space<vmem>>, vector<16xf32>,
      %add3A_319 = arith.constant 32 : i32
      %add3A_320 = arith.addi %mul3A_301, %add3A_319 : i32
      %swap3A_321 = arith.index_cast %add3A_320 : i32 to index
      %swap3A_322 = tpu.vector_load %arg11[%swap3A_321] {strides = array<i32>} : memref<16640xf32, #tpu.memory_space<vmem>>, vector<16xf32>,
      tpu.vector_store %arg11[%swap3A_321], %get3A_318 {strides = array<i32>} : memref<16640xf32, #tpu.memory_space<vmem>>, vector<16xf32>,
      %get3A_323 = arith.index_cast %scan3A_299 : i32 to index
      %get3A_324 = arith.constant 48 : index
      %get3A_325 = tpu.vector_load %arg8[%get3A_323, %get3A_324] {strides = array<i32>} : memref<256x80xf32, #tpu.memory_space<vmem>>, vector<16xf32>,
      %add3A_326 = arith.constant 48 : i32
      %add3A_327 = arith.addi %mul3A_301, %add3A_326 : i32
      %swap3A_328 = arith.index_cast %add3A_327 : i32 to index
      %swap3A_329 = tpu.vector_load %arg11[%swap3A_328] {strides = array<i32>} : memref<16640xf32, #tpu.memory_space<vmem>>, vector<16xf32>,
      tpu.vector_store %arg11[%swap3A_328], %get3A_325 {strides = array<i32>} : memref<16640xf32, #tpu.memory_space<vmem>>, vector<16xf32>,
      %scan3A_330 = arith.constant 2 : i32
      %scan3A_331 = arith.addi %scan3A_269, %scan3A_330 : i32
      %mul3A_332 = arith.constant 65 : i32
      %mul3A_333 = arith.muli %scan3A_331, %mul3A_332 : i32
      %get3A_334 = arith.index_cast %scan3A_331 : i32 to index
      %get3A_335 = arith.constant 0 : index
      %get3A_336 = tpu.vector_load %arg8[%get3A_334, %get3A_335] {strides = array<i32>} : memref<256x80xf32, #tpu.memory_space<vmem>>, vector<16xf32>,
      %add3A_337 = arith.constant 0 : i32
      %add3A_338 = arith.addi %mul3A_333, %add3A_337 : i32
      %swap3A_339 = arith.index_cast %add3A_338 : i32 to index
      %swap3A_340 = tpu.vector_load %arg11[%swap3A_339] {strides = array<i32>} : memref<16640xf32, #tpu.memory_space<vmem>>, vector<16xf32>,
      tpu.vector_store %arg11[%swap3A_339], %get3A_336 {strides = array<i32>} : memref<16640xf32, #tpu.memory_space<vmem>>, vector<16xf32>,
      %get3A_341 = arith.index_cast %scan3A_331 : i32 to index
      %get3A_342 = arith.constant 16 : index
      %get3A_343 = tpu.vector_load %arg8[%get3A_341, %get3A_342] {strides = array<i32>} : memref<256x80xf32, #tpu.memory_space<vmem>>, vector<16xf32>,
      %add3A_344 = arith.constant 16 : i32
      %add3A_345 = arith.addi %mul3A_333, %add3A_344 : i32
      %swap3A_346 = arith.index_cast %add3A_345 : i32 to index
      %swap3A_347 = tpu.vector_load %arg11[%swap3A_346] {strides = array<i32>} : memref<16640xf32, #tpu.memory_space<vmem>>, vector<16xf32>,
      tpu.vector_store %arg11[%swap3A_346], %get3A_343 {strides = array<i32>} : memref<16640xf32, #tpu.memory_space<vmem>>, vector<16xf32>,
      %get3A_348 = arith.index_cast %scan3A_331 : i32 to index
      %get3A_349 = arith.constant 32 : index
      %get3A_350 = tpu.vector_load %arg8[%get3A_348, %get3A_349] {strides = array<i32>} : memref<256x80xf32, #tpu.memory_space<vmem>>, vector<16xf32>,
      %add3A_351 = arith.constant 32 : i32
      %add3A_352 = arith.addi %mul3A_333, %add3A_351 : i32
      %swap3A_353 = arith.index_cast %add3A_352 : i32 to index
      %swap3A_354 = tpu.vector_load %arg11[%swap3A_353] {strides = array<i32>} : memref<16640xf32, #tpu.memory_space<vmem>>, vector<16xf32>,
      tpu.vector_store %arg11[%swap3A_353], %get3A_350 {strides = array<i32>} : memref<16640xf32, #tpu.memory_space<vmem>>, vector<16xf32>,
      %get3A_355 = arith.index_cast %scan3A_331 : i32 to index
      %get3A_356 = arith.constant 48 : index
      %get3A_357 = tpu.vector_load %arg8[%get3A_355, %get3A_356] {strides = array<i32>} : memref<256x80xf32, #tpu.memory_space<vmem>>, vector<16xf32>,
      %add3A_358 = arith.constant 48 : i32
      %add3A_359 = arith.addi %mul3A_333, %add3A_358 : i32
      %swap3A_360 = arith.index_cast %add3A_359 : i32 to index
      %swap3A_361 = tpu.vector_load %arg11[%swap3A_360] {strides = array<i32>} : memref<16640xf32, #tpu.memory_space<vmem>>, vector<16xf32>,
      tpu.vector_store %arg11[%swap3A_360], %get3A_357 {strides = array<i32>} : memref<16640xf32, #tpu.memory_space<vmem>>, vector<16xf32>,
      %scan3A_362 = arith.constant 3 : i32
      %scan3A_363 = arith.addi %scan3A_269, %scan3A_362 : i32
      %mul3A_364 = arith.constant 65 : i32
      %mul3A_365 = arith.muli %scan3A_363, %mul3A_364 : i32
      %get3A_366 = arith.index_cast %scan3A_363 : i32 to index
      %get3A_367 = arith.constant 0 : index
      %get3A_368 = tpu.vector_load %arg8[%get3A_366, %get3A_367] {strides = array<i32>} : memref<256x80xf32, #tpu.memory_space<vmem>>, vector<16xf32>,
      %add3A_369 = arith.constant 0 : i32
      %add3A_370 = arith.addi %mul3A_365, %add3A_369 : i32
      %swap3A_371 = arith.index_cast %add3A_370 : i32 to index
      %swap3A_372 = tpu.vector_load %arg11[%swap3A_371] {strides = array<i32>} : memref<16640xf32, #tpu.memory_space<vmem>>, vector<16xf32>,
      tpu.vector_store %arg11[%swap3A_371], %get3A_368 {strides = array<i32>} : memref<16640xf32, #tpu.memory_space<vmem>>, vector<16xf32>,
      %get3A_373 = arith.index_cast %scan3A_363 : i32 to index
      %get3A_374 = arith.constant 16 : index
      %get3A_375 = tpu.vector_load %arg8[%get3A_373, %get3A_374] {strides = array<i32>} : memref<256x80xf32, #tpu.memory_space<vmem>>, vector<16xf32>,
      %add3A_376 = arith.constant 16 : i32
      %add3A_377 = arith.addi %mul3A_365, %add3A_376 : i32
      %swap3A_378 = arith.index_cast %add3A_377 : i32 to index
      %swap3A_379 = tpu.vector_load %arg11[%swap3A_378] {strides = array<i32>} : memref<16640xf32, #tpu.memory_space<vmem>>, vector<16xf32>,
      tpu.vector_store %arg11[%swap3A_378], %get3A_375 {strides = array<i32>} : memref<16640xf32, #tpu.memory_space<vmem>>, vector<16xf32>,
      %get3A_380 = arith.index_cast %scan3A_363 : i32 to index
      %get3A_381 = arith.constant 32 : index
      %get3A_382 = tpu.vector_load %arg8[%get3A_380, %get3A_381] {strides = array<i32>} : memref<256x80xf32, #tpu.memory_space<vmem>>, vector<16xf32>,
      %add3A_383 = arith.constant 32 : i32
      %add3A_384 = arith.addi %mul3A_365, %add3A_383 : i32
      %swap3A_385 = arith.index_cast %add3A_384 : i32 to index
      %swap3A_386 = tpu.vector_load %arg11[%swap3A_385] {strides = array<i32>} : memref<16640xf32, #tpu.memory_space<vmem>>, vector<16xf32>,
      tpu.vector_store %arg11[%swap3A_385], %get3A_382 {strides = array<i32>} : memref<16640xf32, #tpu.memory_space<vmem>>, vector<16xf32>,
      %get3A_387 = arith.index_cast %scan3A_363 : i32 to index
      %get3A_388 = arith.constant 48 : index
      %get3A_389 = tpu.vector_load %arg8[%get3A_387, %get3A_388] {strides = array<i32>} : memref<256x80xf32, #tpu.memory_space<vmem>>, vector<16xf32>,
      %add3A_390 = arith.constant 48 : i32
      %add3A_391 = arith.addi %mul3A_365, %add3A_390 : i32
      %swap3A_392 = arith.index_cast %add3A_391 : i32 to index
      %swap3A_393 = tpu.vector_load %arg11[%swap3A_392] {strides = array<i32>} : memref<16640xf32, #tpu.memory_space<vmem>>, vector<16xf32>,
      tpu.vector_store %arg11[%swap3A_392], %get3A_389 {strides = array<i32>} : memref<16640xf32, #tpu.memory_space<vmem>>, vector<16xf32>,
    }
    %scan3A_105 = arith.constant 256 : i32
    %scan3A_106 = arith.constant 0 : i32
    %scan3A_107 = arith.constant 128 : i32
    %scan3A_108 = arith.addi %scan3A_106, %scan3A_107 : i32
    %scan3A_109 = arith.constant 2 : i32
    scf.for %scan3A_269 = %scan3A_106 to %scan3A_108 step %scan3A_109  : i32 {
      %jit3A_270 = arith.constant 16 : i32
      %div3A_271 = arith.divsi %scan3A_269, %jit3A_270 : i32
      %sign3A_272 = arith.constant 0 : i32
      %sign3A_273 = arith.cmpi sgt, %scan3A_269, %sign3A_272 : i32
      %sign3A_274 = arith.extui %sign3A_273 : i1 to i32
      %sign3A_275 = arith.constant 0 : i32
      %sign3A_276 = arith.cmpi slt, %scan3A_269, %sign3A_275 : i32
      %sign3A_277 = arith.extui %sign3A_276 : i1 to i32
      %sign3A_278 = arith.subi %sign3A_274, %sign3A_277 : i32
      %sign3A_279 = arith.constant 0 : i32
      %sign3A_280 = arith.cmpi sgt, %jit3A_270, %sign3A_279 : i32
      %sign3A_281 = arith.extui %sign3A_280 : i1 to i32
      %sign3A_282 = arith.constant 0 : i32
      %sign3A_283 = arith.cmpi slt, %jit3A_270, %sign3A_282 : i32
      %sign3A_284 = arith.extui %sign3A_283 : i1 to i32
      %sign3A_285 = arith.subi %sign3A_281, %sign3A_284 : i32
      %ne3A_286 = arith.cmpi ne, %sign3A_278, %sign3A_285 : i32
      %rem3A_287 = arith.remsi %scan3A_269, %jit3A_270 : i32
      %ne3A_288 = arith.constant 0 : i32
      %ne3A_289 = arith.cmpi ne, %rem3A_287, %ne3A_288 : i32
      %and3A_290 = arith.andi %ne3A_286, %ne3A_289 : i1
      %sub3A_291 = arith.constant 1 : i32
      %sub3A_292 = arith.subi %div3A_271, %sub3A_291 : i32
      %select_n3A_293 = arith.select %and3A_290, %sub3A_292, %div3A_271 : i32
      %mul3A_294 = arith.constant 16 : i32
      %mul3A_295 = arith.muli %select_n3A_293, %mul3A_294 : i32
      %sub3A_296 = arith.subi %scan3A_269, %mul3A_295 : i32
      %jit3A_297 = arith.constant 8 : i32
      %div3A_298 = arith.divsi %sub3A_296, %jit3A_297 : i32
      %sign3A_299 = arith.constant 0 : i32
      %sign3A_300 = arith.cmpi sgt, %sub3A_296, %sign3A_299 : i32
      %sign3A_301 = arith.extui %sign3A_300 : i1 to i32
      %sign3A_302 = arith.constant 0 : i32
      %sign3A_303 = arith.cmpi slt, %sub3A_296, %sign3A_302 : i32
      %sign3A_304 = arith.extui %sign3A_303 : i1 to i32
      %sign3A_305 = arith.subi %sign3A_301, %sign3A_304 : i32
      %sign3A_306 = arith.constant 0 : i32
      %sign3A_307 = arith.cmpi sgt, %jit3A_297, %sign3A_306 : i32
      %sign3A_308 = arith.extui %sign3A_307 : i1 to i32
      %sign3A_309 = arith.constant 0 : i32
      %sign3A_310 = arith.cmpi slt, %jit3A_297, %sign3A_309 : i32
      %sign3A_311 = arith.extui %sign3A_310 : i1 to i32
      %sign3A_312 = arith.subi %sign3A_308, %sign3A_311 : i32
      %ne3A_313 = arith.cmpi ne, %sign3A_305, %sign3A_312 : i32
      %rem3A_314 = arith.remsi %sub3A_296, %jit3A_297 : i32
      %ne3A_315 = arith.constant 0 : i32
      %ne3A_316 = arith.cmpi ne, %rem3A_314, %ne3A_315 : i32
      %and3A_317 = arith.andi %ne3A_313, %ne3A_316 : i1
      %sub3A_318 = arith.constant 1 : i32
      %sub3A_319 = arith.subi %div3A_298, %sub3A_318 : i32
      %select_n3A_320 = arith.select %and3A_317, %sub3A_319, %div3A_298 : i32
      %mul3A_321 = arith.constant 8 : i32
      %mul3A_322 = arith.muli %select_n3A_320, %mul3A_321 : i32
      %sub3A_323 = arith.subi %sub3A_296, %mul3A_322 : i32
      %mul3A_324 = arith.constant 8 : i32
      %mul3A_325 = arith.muli %select_n3A_293, %mul3A_324 : i32
      %add3A_326 = arith.addi %mul3A_325, %sub3A_323 : i32
      %mul3A_327 = arith.constant 128 : i32
      %mul3A_328 = arith.muli %select_n3A_320, %mul3A_327 : i32
      %add3A_329 = arith.constant 0 : i32
      %add3A_330 = arith.addi %mul3A_328, %add3A_329 : i32
      %mul3A_331 = arith.constant 65 : i32
      %mul3A_332 = arith.muli %add3A_330, %mul3A_331 : i32
      %add3A_333 = arith.addi %mul3A_332, %add3A_326 : i32
      %add3A_334 = vector.broadcast %add3A_333 : i32 to vector<16xi32>
      %add3A_335 = arith.addi %mul3A_5, %add3A_334 : vector<16xi32>
      %gather3A = tpu.vector_load_idx %arg11[%add3A_335] : memref<16640xf32, #tpu.memory_space<vmem>>[vector<16xi32>], vector<16xf32>,
      %swap3A = arith.index_cast %select_n3A_293 : i32 to index
      %swap3A_336 = arith.index_cast %select_n3A_320 : i32 to index
      %swap3A_337 = arith.index_cast %sub3A_323 : i32 to index
      %swap3A_338 = arith.constant 0 : index
      %swap3A_339 = tpu.vector_load %arg10[%swap3A, %swap3A_336, %swap3A_337, %swap3A_338] {strides = array<i32>} : memref<8x2x8x128xf32, #tpu.memory_space<vmem>>, vector<16xf32>,
      tpu.vector_store %arg10[%swap3A, %swap3A_336, %swap3A_337, %swap3A_338], %gather3A {strides = array<i32>} : memref<8x2x8x128xf32, #tpu.memory_space<vmem>>, vector<16xf32>,
      %add3A_340 = arith.constant 16 : i32
      %add3A_341 = arith.addi %mul3A_328, %add3A_340 : i32
      %mul3A_342 = arith.constant 65 : i32
      %mul3A_343 = arith.muli %add3A_341, %mul3A_342 : i32
      %add3A_344 = arith.addi %mul3A_343, %add3A_326 : i32
      %add3A_345 = vector.broadcast %add3A_344 : i32 to vector<16xi32>
      %add3A_346 = arith.addi %mul3A_5, %add3A_345 : vector<16xi32>
      %gather3A_347 = tpu.vector_load_idx %arg11[%add3A_346] : memref<16640xf32, #tpu.memory_space<vmem>>[vector<16xi32>], vector<16xf32>,
      %swap3A_348 = arith.index_cast %select_n3A_293 : i32 to index
      %swap3A_349 = arith.index_cast %select_n3A_320 : i32 to index
      %swap3A_350 = arith.index_cast %sub3A_323 : i32 to index
      %swap3A_351 = arith.constant 16 : index
      %swap3A_352 = tpu.vector_load %arg10[%swap3A_348, %swap3A_349, %swap3A_350, %swap3A_351] {strides = array<i32>} : memref<8x2x8x128xf32, #tpu.memory_space<vmem>>, vector<16xf32>,
      tpu.vector_store %arg10[%swap3A_348, %swap3A_349, %swap3A_350, %swap3A_351], %gather3A_347 {strides = array<i32>} : memref<8x2x8x128xf32, #tpu.memory_space<vmem>>, vector<16xf32>,
      %add3A_353 = arith.constant 32 : i32
      %add3A_354 = arith.addi %mul3A_328, %add3A_353 : i32
      %mul3A_355 = arith.constant 65 : i32
      %mul3A_356 = arith.muli %add3A_354, %mul3A_355 : i32
      %add3A_357 = arith.addi %mul3A_356, %add3A_326 : i32
      %add3A_358 = vector.broadcast %add3A_357 : i32 to vector<16xi32>
      %add3A_359 = arith.addi %mul3A_5, %add3A_358 : vector<16xi32>
      %gather3A_360 = tpu.vector_load_idx %arg11[%add3A_359] : memref<16640xf32, #tpu.memory_space<vmem>>[vector<16xi32>], vector<16xf32>,
      %swap3A_361 = arith.index_cast %select_n3A_293 : i32 to index
      %swap3A_362 = arith.index_cast %select_n3A_320 : i32 to index
      %swap3A_363 = arith.index_cast %sub3A_323 : i32 to index
      %swap3A_364 = arith.constant 32 : index
      %swap3A_365 = tpu.vector_load %arg10[%swap3A_361, %swap3A_362, %swap3A_363, %swap3A_364] {strides = array<i32>} : memref<8x2x8x128xf32, #tpu.memory_space<vmem>>, vector<16xf32>,
      tpu.vector_store %arg10[%swap3A_361, %swap3A_362, %swap3A_363, %swap3A_364], %gather3A_360 {strides = array<i32>} : memref<8x2x8x128xf32, #tpu.memory_space<vmem>>, vector<16xf32>,
      %add3A_366 = arith.constant 48 : i32
      %add3A_367 = arith.addi %mul3A_328, %add3A_366 : i32
      %mul3A_368 = arith.constant 65 : i32
      %mul3A_369 = arith.muli %add3A_367, %mul3A_368 : i32
      %add3A_370 = arith.addi %mul3A_369, %add3A_326 : i32
      %add3A_371 = vector.broadcast %add3A_370 : i32 to vector<16xi32>
      %add3A_372 = arith.addi %mul3A_5, %add3A_371 : vector<16xi32>
      %gather3A_373 = tpu.vector_load_idx %arg11[%add3A_372] : memref<16640xf32, #tpu.memory_space<vmem>>[vector<16xi32>], vector<16xf32>,
      %swap3A_374 = arith.index_cast %select_n3A_293 : i32 to index
      %swap3A_375 = arith.index_cast %select_n3A_320 : i32 to index
      %swap3A_376 = arith.index_cast %sub3A_323 : i32 to index
      %swap3A_377 = arith.constant 48 : index
      %swap3A_378 = tpu.vector_load %arg10[%swap3A_374, %swap3A_375, %swap3A_376, %swap3A_377] {strides = array<i32>} : memref<8x2x8x128xf32, #tpu.memory_space<vmem>>, vector<16xf32>,
      tpu.vector_store %arg10[%swap3A_374, %swap3A_375, %swap3A_376, %swap3A_377], %gather3A_373 {strides = array<i32>} : memref<8x2x8x128xf32, #tpu.memory_space<vmem>>, vector<16xf32>,
      %add3A_379 = arith.constant 64 : i32
      %add3A_380 = arith.addi %mul3A_328, %add3A_379 : i32
      %mul3A_381 = arith.constant 65 : i32
      %mul3A_382 = arith.muli %add3A_380, %mul3A_381 : i32
      %add3A_383 = arith.addi %mul3A_382, %add3A_326 : i32
      %add3A_384 = vector.broadcast %add3A_383 : i32 to vector<16xi32>
      %add3A_385 = arith.addi %mul3A_5, %add3A_384 : vector<16xi32>
      %gather3A_386 = tpu.vector_load_idx %arg11[%add3A_385] : memref<16640xf32, #tpu.memory_space<vmem>>[vector<16xi32>], vector<16xf32>,
      %swap3A_387 = arith.index_cast %select_n3A_293 : i32 to index
      %swap3A_388 = arith.index_cast %select_n3A_320 : i32 to index
      %swap3A_389 = arith.index_cast %sub3A_323 : i32 to index
      %swap3A_390 = arith.constant 64 : index
      %swap3A_391 = tpu.vector_load %arg10[%swap3A_387, %swap3A_388, %swap3A_389, %swap3A_390] {strides = array<i32>} : memref<8x2x8x128xf32, #tpu.memory_space<vmem>>, vector<16xf32>,
      tpu.vector_store %arg10[%swap3A_387, %swap3A_388, %swap3A_389, %swap3A_390], %gather3A_386 {strides = array<i32>} : memref<8x2x8x128xf32, #tpu.memory_space<vmem>>, vector<16xf32>,
      %add3A_392 = arith.constant 80 : i32
      %add3A_393 = arith.addi %mul3A_328, %add3A_392 : i32
      %mul3A_394 = arith.constant 65 : i32
      %mul3A_395 = arith.muli %add3A_393, %mul3A_394 : i32
      %add3A_396 = arith.addi %mul3A_395, %add3A_326 : i32
      %add3A_397 = vector.broadcast %add3A_396 : i32 to vector<16xi32>
      %add3A_398 = arith.addi %mul3A_5, %add3A_397 : vector<16xi32>
      %gather3A_399 = tpu.vector_load_idx %arg11[%add3A_398] : memref<16640xf32, #tpu.memory_space<vmem>>[vector<16xi32>], vector<16xf32>,
      %swap3A_400 = arith.index_cast %select_n3A_293 : i32 to index
      %swap3A_401 = arith.index_cast %select_n3A_320 : i32 to index
      %swap3A_402 = arith.index_cast %sub3A_323 : i32 to index
      %swap3A_403 = arith.constant 80 : index
      %swap3A_404 = tpu.vector_load %arg10[%swap3A_400, %swap3A_401, %swap3A_402, %swap3A_403] {strides = array<i32>} : memref<8x2x8x128xf32, #tpu.memory_space<vmem>>, vector<16xf32>,
      tpu.vector_store %arg10[%swap3A_400, %swap3A_401, %swap3A_402, %swap3A_403], %gather3A_399 {strides = array<i32>} : memref<8x2x8x128xf32, #tpu.memory_space<vmem>>, vector<16xf32>,
      %add3A_405 = arith.constant 96 : i32
      %add3A_406 = arith.addi %mul3A_328, %add3A_405 : i32
      %mul3A_407 = arith.constant 65 : i32
      %mul3A_408 = arith.muli %add3A_406, %mul3A_407 : i32
      %add3A_409 = arith.addi %mul3A_408, %add3A_326 : i32
      %add3A_410 = vector.broadcast %add3A_409 : i32 to vector<16xi32>
      %add3A_411 = arith.addi %mul3A_5, %add3A_410 : vector<16xi32>
      %gather3A_412 = tpu.vector_load_idx %arg11[%add3A_411] : memref<16640xf32, #tpu.memory_space<vmem>>[vector<16xi32>], vector<16xf32>,
      %swap3A_413 = arith.index_cast %select_n3A_293 : i32 to index
      %swap3A_414 = arith.index_cast %select_n3A_320 : i32 to index
      %swap3A_415 = arith.index_cast %sub3A_323 : i32 to index
      %swap3A_416 = arith.constant 96 : index
      %swap3A_417 = tpu.vector_load %arg10[%swap3A_413, %swap3A_414, %swap3A_415, %swap3A_416] {strides = array<i32>} : memref<8x2x8x128xf32, #tpu.memory_space<vmem>>, vector<16xf32>,
      tpu.vector_store %arg10[%swap3A_413, %swap3A_414, %swap3A_415, %swap3A_416], %gather3A_412 {strides = array<i32>} : memref<8x2x8x128xf32, #tpu.memory_space<vmem>>, vector<16xf32>,
      %add3A_418 = arith.constant 112 : i32
      %add3A_419 = arith.addi %mul3A_328, %add3A_418 : i32
      %mul3A_420 = arith.constant 65 : i32
      %mul3A_421 = arith.muli %add3A_419, %mul3A_420 : i32
      %add3A_422 = arith.addi %mul3A_421, %add3A_326 : i32
      %add3A_423 = vector.broadcast %add3A_422 : i32 to vector<16xi32>
      %add3A_424 = arith.addi %mul3A_5, %add3A_423 : vector<16xi32>
      %gather3A_425 = tpu.vector_load_idx %arg11[%add3A_424] : memref<16640xf32, #tpu.memory_space<vmem>>[vector<16xi32>], vector<16xf32>,
      %swap3A_426 = arith.index_cast %select_n3A_293 : i32 to index
      %swap3A_427 = arith.index_cast %select_n3A_320 : i32 to index
      %swap3A_428 = arith.index_cast %sub3A_323 : i32 to index
      %swap3A_429 = arith.constant 112 : index
      %swap3A_430 = tpu.vector_load %arg10[%swap3A_426, %swap3A_427, %swap3A_428, %swap3A_429] {strides = array<i32>} : memref<8x2x8x128xf32, #tpu.memory_space<vmem>>, vector<16xf32>,
      tpu.vector_store %arg10[%swap3A_426, %swap3A_427, %swap3A_428, %swap3A_429], %gather3A_425 {strides = array<i32>} : memref<8x2x8x128xf32, #tpu.memory_space<vmem>>, vector<16xf32>,
      %scan3A_431 = arith.constant 1 : i32
      %scan3A_432 = arith.addi %scan3A_269, %scan3A_431 : i32
      %jit3A_433 = arith.constant 16 : i32
      %div3A_434 = arith.divsi %scan3A_432, %jit3A_433 : i32
      %sign3A_435 = arith.constant 0 : i32
      %sign3A_436 = arith.cmpi sgt, %scan3A_432, %sign3A_435 : i32
      %sign3A_437 = arith.extui %sign3A_436 : i1 to i32
      %sign3A_438 = arith.constant 0 : i32
      %sign3A_439 = arith.cmpi slt, %scan3A_432, %sign3A_438 : i32
      %sign3A_440 = arith.extui %sign3A_439 : i1 to i32
      %sign3A_441 = arith.subi %sign3A_437, %sign3A_440 : i32
      %sign3A_442 = arith.constant 0 : i32
      %sign3A_443 = arith.cmpi sgt, %jit3A_433, %sign3A_442 : i32
      %sign3A_444 = arith.extui %sign3A_443 : i1 to i32
      %sign3A_445 = arith.constant 0 : i32
      %sign3A_446 = arith.cmpi slt, %jit3A_433, %sign3A_445 : i32
      %sign3A_447 = arith.extui %sign3A_446 : i1 to i32
      %sign3A_448 = arith.subi %sign3A_444, %sign3A_447 : i32
      %ne3A_449 = arith.cmpi ne, %sign3A_441, %sign3A_448 : i32
      %rem3A_450 = arith.remsi %scan3A_432, %jit3A_433 : i32
      %ne3A_451 = arith.constant 0 : i32
      %ne3A_452 = arith.cmpi ne, %rem3A_450, %ne3A_451 : i32
      %and3A_453 = arith.andi %ne3A_449, %ne3A_452 : i1
      %sub3A_454 = arith.constant 1 : i32
      %sub3A_455 = arith.subi %div3A_434, %sub3A_454 : i32
      %select_n3A_456 = arith.select %and3A_453, %sub3A_455, %div3A_434 : i32
      %mul3A_457 = arith.constant 16 : i32
      %mul3A_458 = arith.muli %select_n3A_456, %mul3A_457 : i32
      %sub3A_459 = arith.subi %scan3A_432, %mul3A_458 : i32
      %jit3A_460 = arith.constant 8 : i32
      %div3A_461 = arith.divsi %sub3A_459, %jit3A_460 : i32
      %sign3A_462 = arith.constant 0 : i32
      %sign3A_463 = arith.cmpi sgt, %sub3A_459, %sign3A_462 : i32
      %sign3A_464 = arith.extui %sign3A_463 : i1 to i32
      %sign3A_465 = arith.constant 0 : i32
      %sign3A_466 = arith.cmpi slt, %sub3A_459, %sign3A_465 : i32
      %sign3A_467 = arith.extui %sign3A_466 : i1 to i32
      %sign3A_468 = arith.subi %sign3A_464, %sign3A_467 : i32
      %sign3A_469 = arith.constant 0 : i32
      %sign3A_470 = arith.cmpi sgt, %jit3A_460, %sign3A_469 : i32
      %sign3A_471 = arith.extui %sign3A_470 : i1 to i32
      %sign3A_472 = arith.constant 0 : i32
      %sign3A_473 = arith.cmpi slt, %jit3A_460, %sign3A_472 : i32
      %sign3A_474 = arith.extui %sign3A_473 : i1 to i32
      %sign3A_475 = arith.subi %sign3A_471, %sign3A_474 : i32
      %ne3A_476 = arith.cmpi ne, %sign3A_468, %sign3A_475 : i32
      %rem3A_477 = arith.remsi %sub3A_459, %jit3A_460 : i32
      %ne3A_478 = arith.constant 0 : i32
      %ne3A_479 = arith.cmpi ne, %rem3A_477, %ne3A_478 : i32
      %and3A_480 = arith.andi %ne3A_476, %ne3A_479 : i1
      %sub3A_481 = arith.constant 1 : i32
      %sub3A_482 = arith.subi %div3A_461, %sub3A_481 : i32
      %select_n3A_483 = arith.select %and3A_480, %sub3A_482, %div3A_461 : i32
      %mul3A_484 = arith.constant 8 : i32
      %mul3A_485 = arith.muli %select_n3A_483, %mul3A_484 : i32
      %sub3A_486 = arith.subi %sub3A_459, %mul3A_485 : i32
      %mul3A_487 = arith.constant 8 : i32
      %mul3A_488 = arith.muli %select_n3A_456, %mul3A_487 : i32
      %add3A_489 = arith.addi %mul3A_488, %sub3A_486 : i32
      %mul3A_490 = arith.constant 128 : i32
      %mul3A_491 = arith.muli %select_n3A_483, %mul3A_490 : i32
      %add3A_492 = arith.constant 0 : i32
      %add3A_493 = arith.addi %mul3A_491, %add3A_492 : i32
      %mul3A_494 = arith.constant 65 : i32
      %mul3A_495 = arith.muli %add3A_493, %mul3A_494 : i32
      %add3A_496 = arith.addi %mul3A_495, %add3A_489 : i32
      %add3A_497 = vector.broadcast %add3A_496 : i32 to vector<16xi32>
      %add3A_498 = arith.addi %mul3A_5, %add3A_497 : vector<16xi32>
      %gather3A_499 = tpu.vector_load_idx %arg11[%add3A_498] : memref<16640xf32, #tpu.memory_space<vmem>>[vector<16xi32>], vector<16xf32>,
      %swap3A_500 = arith.index_cast %select_n3A_456 : i32 to index
      %swap3A_501 = arith.index_cast %select_n3A_483 : i32 to index
      %swap3A_502 = arith.index_cast %sub3A_486 : i32 to index
      %swap3A_503 = arith.constant 0 : index
      %swap3A_504 = tpu.vector_load %arg10[%swap3A_500, %swap3A_501, %swap3A_502, %swap3A_503] {strides = array<i32>} : memref<8x2x8x128xf32, #tpu.memory_space<vmem>>, vector<16xf32>,
      tpu.vector_store %arg10[%swap3A_500, %swap3A_501, %swap3A_502, %swap3A_503], %gather3A_499 {strides = array<i32>} : memref<8x2x8x128xf32, #tpu.memory_space<vmem>>, vector<16xf32>,
      %add3A_505 = arith.constant 16 : i32
      %add3A_506 = arith.addi %mul3A_491, %add3A_505 : i32
      %mul3A_507 = arith.constant 65 : i32
      %mul3A_508 = arith.muli %add3A_506, %mul3A_507 : i32
      %add3A_509 = arith.addi %mul3A_508, %add3A_489 : i32
      %add3A_510 = vector.broadcast %add3A_509 : i32 to vector<16xi32>
      %add3A_511 = arith.addi %mul3A_5, %add3A_510 : vector<16xi32>
      %gather3A_512 = tpu.vector_load_idx %arg11[%add3A_511] : memref<16640xf32, #tpu.memory_space<vmem>>[vector<16xi32>], vector<16xf32>,
      %swap3A_513 = arith.index_cast %select_n3A_456 : i32 to index
      %swap3A_514 = arith.index_cast %select_n3A_483 : i32 to index
      %swap3A_515 = arith.index_cast %sub3A_486 : i32 to index
      %swap3A_516 = arith.constant 16 : index
      %swap3A_517 = tpu.vector_load %arg10[%swap3A_513, %swap3A_514, %swap3A_515, %swap3A_516] {strides = array<i32>} : memref<8x2x8x128xf32, #tpu.memory_space<vmem>>, vector<16xf32>,
      tpu.vector_store %arg10[%swap3A_513, %swap3A_514, %swap3A_515, %swap3A_516], %gather3A_512 {strides = array<i32>} : memref<8x2x8x128xf32, #tpu.memory_space<vmem>>, vector<16xf32>,
      %add3A_518 = arith.constant 32 : i32
      %add3A_519 = arith.addi %mul3A_491, %add3A_518 : i32
      %mul3A_520 = arith.constant 65 : i32
      %mul3A_521 = arith.muli %add3A_519, %mul3A_520 : i32
      %add3A_522 = arith.addi %mul3A_521, %add3A_489 : i32
      %add3A_523 = vector.broadcast %add3A_522 : i32 to vector<16xi32>
      %add3A_524 = arith.addi %mul3A_5, %add3A_523 : vector<16xi32>
      %gather3A_525 = tpu.vector_load_idx %arg11[%add3A_524] : memref<16640xf32, #tpu.memory_space<vmem>>[vector<16xi32>], vector<16xf32>,
      %swap3A_526 = arith.index_cast %select_n3A_456 : i32 to index
      %swap3A_527 = arith.index_cast %select_n3A_483 : i32 to index
      %swap3A_528 = arith.index_cast %sub3A_486 : i32 to index
      %swap3A_529 = arith.constant 32 : index
      %swap3A_530 = tpu.vector_load %arg10[%swap3A_526, %swap3A_527, %swap3A_528, %swap3A_529] {strides = array<i32>} : memref<8x2x8x128xf32, #tpu.memory_space<vmem>>, vector<16xf32>,
      tpu.vector_store %arg10[%swap3A_526, %swap3A_527, %swap3A_528, %swap3A_529], %gather3A_525 {strides = array<i32>} : memref<8x2x8x128xf32, #tpu.memory_space<vmem>>, vector<16xf32>,
      %add3A_531 = arith.constant 48 : i32
      %add3A_532 = arith.addi %mul3A_491, %add3A_531 : i32
      %mul3A_533 = arith.constant 65 : i32
      %mul3A_534 = arith.muli %add3A_532, %mul3A_533 : i32
      %add3A_535 = arith.addi %mul3A_534, %add3A_489 : i32
      %add3A_536 = vector.broadcast %add3A_535 : i32 to vector<16xi32>
      %add3A_537 = arith.addi %mul3A_5, %add3A_536 : vector<16xi32>
      %gather3A_538 = tpu.vector_load_idx %arg11[%add3A_537] : memref<16640xf32, #tpu.memory_space<vmem>>[vector<16xi32>], vector<16xf32>,
      %swap3A_539 = arith.index_cast %select_n3A_456 : i32 to index
      %swap3A_540 = arith.index_cast %select_n3A_483 : i32 to index
      %swap3A_541 = arith.index_cast %sub3A_486 : i32 to index
      %swap3A_542 = arith.constant 48 : index
      %swap3A_543 = tpu.vector_load %arg10[%swap3A_539, %swap3A_540, %swap3A_541, %swap3A_542] {strides = array<i32>} : memref<8x2x8x128xf32, #tpu.memory_space<vmem>>, vector<16xf32>,
      tpu.vector_store %arg10[%swap3A_539, %swap3A_540, %swap3A_541, %swap3A_542], %gather3A_538 {strides = array<i32>} : memref<8x2x8x128xf32, #tpu.memory_space<vmem>>, vector<16xf32>,
      %add3A_544 = arith.constant 64 : i32
      %add3A_545 = arith.addi %mul3A_491, %add3A_544 : i32
      %mul3A_546 = arith.constant 65 : i32
      %mul3A_547 = arith.muli %add3A_545, %mul3A_546 : i32
      %add3A_548 = arith.addi %mul3A_547, %add3A_489 : i32
      %add3A_549 = vector.broadcast %add3A_548 : i32 to vector<16xi32>
      %add3A_550 = arith.addi %mul3A_5, %add3A_549 : vector<16xi32>
      %gather3A_551 = tpu.vector_load_idx %arg11[%add3A_550] : memref<16640xf32, #tpu.memory_space<vmem>>[vector<16xi32>], vector<16xf32>,
      %swap3A_552 = arith.index_cast %select_n3A_456 : i32 to index
      %swap3A_553 = arith.index_cast %select_n3A_483 : i32 to index
      %swap3A_554 = arith.index_cast %sub3A_486 : i32 to index
      %swap3A_555 = arith.constant 64 : index
      %swap3A_556 = tpu.vector_load %arg10[%swap3A_552, %swap3A_553, %swap3A_554, %swap3A_555] {strides = array<i32>} : memref<8x2x8x128xf32, #tpu.memory_space<vmem>>, vector<16xf32>,
      tpu.vector_store %arg10[%swap3A_552, %swap3A_553, %swap3A_554, %swap3A_555], %gather3A_551 {strides = array<i32>} : memref<8x2x8x128xf32, #tpu.memory_space<vmem>>, vector<16xf32>,
      %add3A_557 = arith.constant 80 : i32
      %add3A_558 = arith.addi %mul3A_491, %add3A_557 : i32
      %mul3A_559 = arith.constant 65 : i32
      %mul3A_560 = arith.muli %add3A_558, %mul3A_559 : i32
      %add3A_561 = arith.addi %mul3A_560, %add3A_489 : i32
      %add3A_562 = vector.broadcast %add3A_561 : i32 to vector<16xi32>
      %add3A_563 = arith.addi %mul3A_5, %add3A_562 : vector<16xi32>
      %gather3A_564 = tpu.vector_load_idx %arg11[%add3A_563] : memref<16640xf32, #tpu.memory_space<vmem>>[vector<16xi32>], vector<16xf32>,
      %swap3A_565 = arith.index_cast %select_n3A_456 : i32 to index
      %swap3A_566 = arith.index_cast %select_n3A_483 : i32 to index
      %swap3A_567 = arith.index_cast %sub3A_486 : i32 to index
      %swap3A_568 = arith.constant 80 : index
      %swap3A_569 = tpu.vector_load %arg10[%swap3A_565, %swap3A_566, %swap3A_567, %swap3A_568] {strides = array<i32>} : memref<8x2x8x128xf32, #tpu.memory_space<vmem>>, vector<16xf32>,
      tpu.vector_store %arg10[%swap3A_565, %swap3A_566, %swap3A_567, %swap3A_568], %gather3A_564 {strides = array<i32>} : memref<8x2x8x128xf32, #tpu.memory_space<vmem>>, vector<16xf32>,
      %add3A_570 = arith.constant 96 : i32
      %add3A_571 = arith.addi %mul3A_491, %add3A_570 : i32
      %mul3A_572 = arith.constant 65 : i32
      %mul3A_573 = arith.muli %add3A_571, %mul3A_572 : i32
      %add3A_574 = arith.addi %mul3A_573, %add3A_489 : i32
      %add3A_575 = vector.broadcast %add3A_574 : i32 to vector<16xi32>
      %add3A_576 = arith.addi %mul3A_5, %add3A_575 : vector<16xi32>
      %gather3A_577 = tpu.vector_load_idx %arg11[%add3A_576] : memref<16640xf32, #tpu.memory_space<vmem>>[vector<16xi32>], vector<16xf32>,
      %swap3A_578 = arith.index_cast %select_n3A_456 : i32 to index
      %swap3A_579 = arith.index_cast %select_n3A_483 : i32 to index
      %swap3A_580 = arith.index_cast %sub3A_486 : i32 to index
      %swap3A_581 = arith.constant 96 : index
      %swap3A_582 = tpu.vector_load %arg10[%swap3A_578, %swap3A_579, %swap3A_580, %swap3A_581] {strides = array<i32>} : memref<8x2x8x128xf32, #tpu.memory_space<vmem>>, vector<16xf32>,
      tpu.vector_store %arg10[%swap3A_578, %swap3A_579, %swap3A_580, %swap3A_581], %gather3A_577 {strides = array<i32>} : memref<8x2x8x128xf32, #tpu.memory_space<vmem>>, vector<16xf32>,
      %add3A_583 = arith.constant 112 : i32
      %add3A_584 = arith.addi %mul3A_491, %add3A_583 : i32
      %mul3A_585 = arith.constant 65 : i32
      %mul3A_586 = arith.muli %add3A_584, %mul3A_585 : i32
      %add3A_587 = arith.addi %mul3A_586, %add3A_489 : i32
      %add3A_588 = vector.broadcast %add3A_587 : i32 to vector<16xi32>
      %add3A_589 = arith.addi %mul3A_5, %add3A_588 : vector<16xi32>
      %gather3A_590 = tpu.vector_load_idx %arg11[%add3A_589] : memref<16640xf32, #tpu.memory_space<vmem>>[vector<16xi32>], vector<16xf32>,
      %swap3A_591 = arith.index_cast %select_n3A_456 : i32 to index
      %swap3A_592 = arith.index_cast %select_n3A_483 : i32 to index
      %swap3A_593 = arith.index_cast %sub3A_486 : i32 to index
      %swap3A_594 = arith.constant 112 : index
      %swap3A_595 = tpu.vector_load %arg10[%swap3A_591, %swap3A_592, %swap3A_593, %swap3A_594] {strides = array<i32>} : memref<8x2x8x128xf32, #tpu.memory_space<vmem>>, vector<16xf32>,
      tpu.vector_store %arg10[%swap3A_591, %swap3A_592, %swap3A_593, %swap3A_594], %gather3A_590 {strides = array<i32>} : memref<8x2x8x128xf32, #tpu.memory_space<vmem>>, vector<16xf32>,
    }
    %scan3A_110 = arith.constant 128 : i32
    %jit3A_111 = arith.constant 16 : i32
    %div3A_112 = arith.divsi %sub3A_98, %jit3A_111 : i32
    %sign3A_113 = arith.constant 0 : i32
    %sign3A_114 = arith.cmpi sgt, %sub3A_98, %sign3A_113 : i32
    %sign3A_115 = arith.extui %sign3A_114 : i1 to i32
    %sign3A_116 = arith.constant 0 : i32
    %sign3A_117 = arith.cmpi slt, %sub3A_98, %sign3A_116 : i32
    %sign3A_118 = arith.extui %sign3A_117 : i1 to i32
    %sign3A_119 = arith.subi %sign3A_115, %sign3A_118 : i32
    %sign3A_120 = arith.constant 0 : i32
    %sign3A_121 = arith.cmpi sgt, %jit3A_111, %sign3A_120 : i32
    %sign3A_122 = arith.extui %sign3A_121 : i1 to i32
    %sign3A_123 = arith.constant 0 : i32
    %sign3A_124 = arith.cmpi slt, %jit3A_111, %sign3A_123 : i32
    %sign3A_125 = arith.extui %sign3A_124 : i1 to i32
    %sign3A_126 = arith.subi %sign3A_122, %sign3A_125 : i32
    %ne3A_127 = arith.cmpi ne, %sign3A_119, %sign3A_126 : i32
    %rem3A_128 = arith.remsi %sub3A_98, %jit3A_111 : i32
    %ne3A_129 = arith.constant 0 : i32
    %ne3A_130 = arith.cmpi ne, %rem3A_128, %ne3A_129 : i32
    %and3A_131 = arith.andi %ne3A_127, %ne3A_130 : i1
    %sub3A_132 = arith.constant 1 : i32
    %sub3A_133 = arith.subi %div3A_112, %sub3A_132 : i32
    %select_n3A_134 = arith.select %and3A_131, %sub3A_133, %div3A_112 : i32
    %jit3A_135 = arith.constant 16 : i32
    %eq3A_136 = arith.constant 0 : i32
    %eq3A_137 = arith.cmpi eq, %jit3A_135, %eq3A_136 : i32
    %jit3A_138 = arith.constant 1 : i32
    %select_n3A_139 = arith.select %eq3A_137, %jit3A_138, %jit3A_135 : i32
    %rem3A_140 = arith.remsi %sub3A_98, %select_n3A_139 : i32
    %ne3A_141 = arith.constant 0 : i32
    %ne3A_142 = arith.cmpi ne, %rem3A_140, %ne3A_141 : i32
    %lt3A_143 = arith.constant 0 : i32
    %lt3A_144 = arith.cmpi slt, %rem3A_140, %lt3A_143 : i32
    %lt3A_145 = arith.constant 0 : i32
    %lt3A_146 = arith.cmpi slt, %select_n3A_139, %lt3A_145 : i32
    %ne3A_147 = arith.xori %lt3A_144, %lt3A_146 : i1
    %and3A_148 = arith.andi %ne3A_147, %ne3A_142 : i1
    %add3A_149 = arith.addi %rem3A_140, %select_n3A_139 : i32
    %select_n3A_150 = arith.select %and3A_148, %add3A_149, %rem3A_140 : i32
    %mul3A_151 = arith.constant 2 : i32
    %mul3A_152 = arith.muli %mul3A_151, %select_n3A_150 : i32
    %dma_start3A_153 = arith.constant 0 : i32
    %dma_start3A_154 = arith.constant 0 : i32
    %dma_start3A_155 = arith.constant 0 : i32
    %dma_start3A_156 = tpu.memref_slice %arg4[%select_n3A_134, %dma_start3A_153, %mul3A_152, %dma_start3A_154, %dma_start3A_155] : memref<200x8x32x8x128xf32, #tpu.memory_space<hbm>> -> memref<1x8x2x8x128xf32, #tpu.memory_space<hbm>>
    %dma_start3A_157 = tpu.memref_squeeze %dma_start3A_156 : memref<1x8x2x8x128xf32, #tpu.memory_space<hbm>> -> memref<8x2x8x128xf32, #tpu.memory_space<hbm>>
    %dma_start3A_158 = arith.constant 0 : i32
    %dma_start3A_159 = arith.constant 0 : i32
    %dma_start3A_160 = arith.constant 0 : i32
    %dma_start3A_161 = tpu.memref_slice %arg4[%select_n3A_134, %dma_start3A_158, %mul3A_152, %dma_start3A_159, %dma_start3A_160] : memref<200x8x32x8x128xf32, #tpu.memory_space<hbm>> -> memref<1x8x2x8x128xf32, #tpu.memory_space<hbm>>
    %dma_start3A_162 = tpu.memref_squeeze %dma_start3A_161 : memref<1x8x2x8x128xf32, #tpu.memory_space<hbm>> -> memref<8x2x8x128xf32, #tpu.memory_space<hbm>>
    tpu.enqueue_dma source(%arg10 : memref<8x2x8x128xf32, #tpu.memory_space<vmem>>) target(%dma_start3A_162 : memref<8x2x8x128xf32, #tpu.memory_space<hbm>>) target_semaphore(%arg17 : memref<!tpu.dma_semaphore, #tpu.memory_space<semaphore_mem>>)
    %sub3A_163 = arith.constant 1 : i32
    %sub3A_164 = arith.subi %sub3A_98, %sub3A_163 : i32
    %jit3A_165 = arith.constant 16 : i32
    %div3A_166 = arith.divsi %sub3A_164, %jit3A_165 : i32
    %sign3A_167 = arith.constant 0 : i32
    %sign3A_168 = arith.cmpi sgt, %sub3A_164, %sign3A_167 : i32
    %sign3A_169 = arith.extui %sign3A_168 : i1 to i32
    %sign3A_170 = arith.constant 0 : i32
    %sign3A_171 = arith.cmpi slt, %sub3A_164, %sign3A_170 : i32
    %sign3A_172 = arith.extui %sign3A_171 : i1 to i32
    %sign3A_173 = arith.subi %sign3A_169, %sign3A_172 : i32
    %sign3A_174 = arith.constant 0 : i32
    %sign3A_175 = arith.cmpi sgt, %jit3A_165, %sign3A_174 : i32
    %sign3A_176 = arith.extui %sign3A_175 : i1 to i32
    %sign3A_177 = arith.constant 0 : i32
    %sign3A_178 = arith.cmpi slt, %jit3A_165, %sign3A_177 : i32
    %sign3A_179 = arith.extui %sign3A_178 : i1 to i32
    %sign3A_180 = arith.subi %sign3A_176, %sign3A_179 : i32
    %ne3A_181 = arith.cmpi ne, %sign3A_173, %sign3A_180 : i32
    %rem3A_182 = arith.remsi %sub3A_164, %jit3A_165 : i32
    %ne3A_183 = arith.constant 0 : i32
    %ne3A_184 = arith.cmpi ne, %rem3A_182, %ne3A_183 : i32
    %and3A_185 = arith.andi %ne3A_181, %ne3A_184 : i1
    %sub3A_186 = arith.constant 1 : i32
    %sub3A_187 = arith.subi %div3A_166, %sub3A_186 : i32
    %select_n3A_188 = arith.select %and3A_185, %sub3A_187, %div3A_166 : i32
    %jit3A_189 = arith.constant 16 : i32
    %eq3A_190 = arith.constant 0 : i32
    %eq3A_191 = arith.cmpi eq, %jit3A_189, %eq3A_190 : i32
    %jit3A_192 = arith.constant 1 : i32
    %select_n3A_193 = arith.select %eq3A_191, %jit3A_192, %jit3A_189 : i32
    %rem3A_194 = arith.remsi %sub3A_164, %select_n3A_193 : i32
    %ne3A_195 = arith.constant 0 : i32
    %ne3A_196 = arith.cmpi ne, %rem3A_194, %ne3A_195 : i32
    %lt3A_197 = arith.constant 0 : i32
    %lt3A_198 = arith.cmpi slt, %rem3A_194, %lt3A_197 : i32
    %lt3A_199 = arith.constant 0 : i32
    %lt3A_200 = arith.cmpi slt, %select_n3A_193, %lt3A_199 : i32
    %ne3A_201 = arith.xori %lt3A_198, %lt3A_200 : i1
    %and3A_202 = arith.andi %ne3A_201, %ne3A_196 : i1
    %add3A_203 = arith.addi %rem3A_194, %select_n3A_193 : i32
    %select_n3A_204 = arith.select %and3A_202, %add3A_203, %rem3A_194 : i32
    %mul3A_205 = arith.constant 2 : i32
    %mul3A_206 = arith.muli %mul3A_205, %select_n3A_204 : i32
    %dma_wait3A_207 = arith.constant 0 : i32
    %dma_wait3A_208 = arith.constant 0 : i32
    %dma_wait3A_209 = arith.constant 0 : i32
    %dma_wait3A_210 = tpu.memref_slice %arg4[%select_n3A_188, %dma_wait3A_207, %mul3A_206, %dma_wait3A_208, %dma_wait3A_209] : memref<200x8x32x8x128xf32, #tpu.memory_space<hbm>> -> memref<1x8x2x8x128xf32, #tpu.memory_space<hbm>>
    %dma_wait3A_211 = tpu.memref_squeeze %dma_wait3A_210 : memref<1x8x2x8x128xf32, #tpu.memory_space<hbm>> -> memref<8x2x8x128xf32, #tpu.memory_space<hbm>>
    %dma_wait3A_212 = arith.constant 0 : i32
    %dma_wait3A_213 = arith.constant 0 : i32
    %dma_wait3A_214 = arith.constant 0 : i32
    %dma_wait3A_215 = tpu.memref_slice %arg4[%select_n3A_188, %dma_wait3A_212, %mul3A_206, %dma_wait3A_213, %dma_wait3A_214] : memref<200x8x32x8x128xf32, #tpu.memory_space<hbm>> -> memref<1x8x2x8x128xf32, #tpu.memory_space<hbm>>
    %dma_wait3A_216 = tpu.memref_squeeze %dma_wait3A_215 : memref<1x8x2x8x128xf32, #tpu.memory_space<hbm>> -> memref<8x2x8x128xf32, #tpu.memory_space<hbm>>
    tpu.wait_dma2 semaphore(%arg16 : memref<!tpu.dma_semaphore, #tpu.memory_space<semaphore_mem>>) src(%arg9 : memref<8x2x8x128xf32, #tpu.memory_space<vmem>>) dst(%dma_wait3A_216 : memref<8x2x8x128xf32, #tpu.memory_space<hbm>>)
    %jit3A_217 = arith.constant 16 : i32
    %div3A_218 = arith.divsi %sub3A_98, %jit3A_217 : i32
    %sign3A_219 = arith.constant 0 : i32
    %sign3A_220 = arith.cmpi sgt, %sub3A_98, %sign3A_219 : i32
    %sign3A_221 = arith.extui %sign3A_220 : i1 to i32
    %sign3A_222 = arith.constant 0 : i32
    %sign3A_223 = arith.cmpi slt, %sub3A_98, %sign3A_222 : i32
    %sign3A_224 = arith.extui %sign3A_223 : i1 to i32
    %sign3A_225 = arith.subi %sign3A_221, %sign3A_224 : i32
    %sign3A_226 = arith.constant 0 : i32
    %sign3A_227 = arith.cmpi sgt, %jit3A_217, %sign3A_226 : i32
    %sign3A_228 = arith.extui %sign3A_227 : i1 to i32
    %sign3A_229 = arith.constant 0 : i32
    %sign3A_230 = arith.cmpi slt, %jit3A_217, %sign3A_229 : i32
    %sign3A_231 = arith.extui %sign3A_230 : i1 to i32
    %sign3A_232 = arith.subi %sign3A_228, %sign3A_231 : i32
    %ne3A_233 = arith.cmpi ne, %sign3A_225, %sign3A_232 : i32
    %rem3A_234 = arith.remsi %sub3A_98, %jit3A_217 : i32
    %ne3A_235 = arith.constant 0 : i32
    %ne3A_236 = arith.cmpi ne, %rem3A_234, %ne3A_235 : i32
    %and3A_237 = arith.andi %ne3A_233, %ne3A_236 : i1
    %sub3A_238 = arith.constant 1 : i32
    %sub3A_239 = arith.subi %div3A_218, %sub3A_238 : i32
    %select_n3A_240 = arith.select %and3A_237, %sub3A_239, %div3A_218 : i32
    %jit3A_241 = arith.constant 16 : i32
    %eq3A_242 = arith.constant 0 : i32
    %eq3A_243 = arith.cmpi eq, %jit3A_241, %eq3A_242 : i32
    %jit3A_244 = arith.constant 1 : i32
    %select_n3A_245 = arith.select %eq3A_243, %jit3A_244, %jit3A_241 : i32
    %rem3A_246 = arith.remsi %sub3A_98, %select_n3A_245 : i32
    %ne3A_247 = arith.constant 0 : i32
    %ne3A_248 = arith.cmpi ne, %rem3A_246, %ne3A_247 : i32
    %lt3A_249 = arith.constant 0 : i32
    %lt3A_250 = arith.cmpi slt, %rem3A_246, %lt3A_249 : i32
    %lt3A_251 = arith.constant 0 : i32
    %lt3A_252 = arith.cmpi slt, %select_n3A_245, %lt3A_251 : i32
    %ne3A_253 = arith.xori %lt3A_250, %lt3A_252 : i1
    %and3A_254 = arith.andi %ne3A_253, %ne3A_248 : i1
    %add3A_255 = arith.addi %rem3A_246, %select_n3A_245 : i32
    %select_n3A_256 = arith.select %and3A_254, %add3A_255, %rem3A_246 : i32
    %mul3A_257 = arith.constant 2 : i32
    %mul3A_258 = arith.muli %mul3A_257, %select_n3A_256 : i32
    %dma_wait3A_259 = arith.constant 0 : i32
    %dma_wait3A_260 = arith.constant 0 : i32
    %dma_wait3A_261 = arith.constant 0 : i32
    %dma_wait3A_262 = tpu.memref_slice %arg4[%select_n3A_240, %dma_wait3A_259, %mul3A_258, %dma_wait3A_260, %dma_wait3A_261] : memref<200x8x32x8x128xf32, #tpu.memory_space<hbm>> -> memref<1x8x2x8x128xf32, #tpu.memory_space<hbm>>
    %dma_wait3A_263 = tpu.memref_squeeze %dma_wait3A_262 : memref<1x8x2x8x128xf32, #tpu.memory_space<hbm>> -> memref<8x2x8x128xf32, #tpu.memory_space<hbm>>
    %dma_wait3A_264 = arith.constant 0 : i32
    %dma_wait3A_265 = arith.constant 0 : i32
    %dma_wait3A_266 = arith.constant 0 : i32
    %dma_wait3A_267 = tpu.memref_slice %arg4[%select_n3A_240, %dma_wait3A_264, %mul3A_258, %dma_wait3A_265, %dma_wait3A_266] : memref<200x8x32x8x128xf32, #tpu.memory_space<hbm>> -> memref<1x8x2x8x128xf32, #tpu.memory_space<hbm>>
    %dma_wait3A_268 = tpu.memref_squeeze %dma_wait3A_267 : memref<1x8x2x8x128xf32, #tpu.memory_space<hbm>> -> memref<8x2x8x128xf32, #tpu.memory_space<hbm>>
    tpu.wait_dma2 semaphore(%arg17 : memref<!tpu.dma_semaphore, #tpu.memory_space<semaphore_mem>>) src(%arg10 : memref<8x2x8x128xf32, #tpu.memory_space<vmem>>) dst(%dma_wait3A_268 : memref<8x2x8x128xf32, #tpu.memory_space<hbm>>)
    return
  }
}

#map = affine_map<(d0, d1) -> (0, 0)>
#map1 = affine_map<(d0, d1) -> (0)>
module attributes {stable_mosaic.version = 14 : i64} {
  func.func @phase_a(%arg0: i32, %arg1: i32, %arg2: memref<64x1000000xf32, #tpu.memory_space<hbm>>, %arg3: memref<4096xf32, #tpu.memory_space<hbm>>, %arg4: memref<80000000xf32, #tpu.memory_space<hbm>>, %arg5: memref<64x128xf32, #tpu.memory_space<vmem>>, %arg6: memref<64x128xf32, #tpu.memory_space<vmem>>, %arg7: memref<8256xf32, #tpu.memory_space<vmem>>, %arg8: memref<10240xf32, #tpu.memory_space<vmem>>, %arg9: memref<10240xf32, #tpu.memory_space<vmem>>, %arg10: memref<4096xf32, #tpu.memory_space<vmem>>, %arg11: memref<!tpu.dma_semaphore, #tpu.memory_space<semaphore_mem>>, %arg12: memref<!tpu.dma_semaphore, #tpu.memory_space<semaphore_mem>>, %arg13: memref<!tpu.dma_semaphore, #tpu.memory_space<semaphore_mem>>, %arg14: memref<!tpu.dma_semaphore, #tpu.memory_space<semaphore_mem>>) attributes {dimension_semantics = [#tpu.dimension_semantics<core_parallel>, #tpu.dimension_semantics<subcore_parallel>], iteration_bounds = array<i64: 2, 16>, scalar_prefetch = 0 : i64, scratch_operands = 10 : i64, tpu.core_type = #tpu.core_type<sc_vector_subcore>, window_params = [{transform_indices = #map}, {transform_indices = #map1}, {transform_indices = #map1}]} {
    %mul3A = arith.constant 2 : i32
    %mul3A_0 = arith.muli %arg1, %mul3A : i32
    %add3A = arith.addi %mul3A_0, %arg0 : i32
    %iota3A = tpu.iota {dimensions = array<i32: 0>} : vector<16xi32>
    %mul3A_1 = arith.constant 80 : i32
    %mul3A_2 = vector.broadcast %mul3A_1 : i32 to vector<16xi32>
    %mul3A_3 = arith.muli %iota3A, %mul3A_2 : vector<16xi32>
    %iota3A_4 = tpu.iota {dimensions = array<i32: 0>} : vector<16xi32>
    %add3A_5 = arith.constant 0 : i32
    %add3A_6 = vector.broadcast %add3A_5 : i32 to vector<16xi32>
    %add3A_7 = arith.addi %iota3A_4, %add3A_6 : vector<16xi32>
    %mul3A_8 = arith.constant 129 : i32
    %mul3A_9 = vector.broadcast %mul3A_8 : i32 to vector<16xi32>
    %mul3A_10 = arith.muli %add3A_7, %mul3A_9 : vector<16xi32>
    %iota3A_11 = tpu.iota {dimensions = array<i32: 0>} : vector<16xi32>
    %add3A_12 = arith.constant 16 : i32
    %add3A_13 = vector.broadcast %add3A_12 : i32 to vector<16xi32>
    %add3A_14 = arith.addi %iota3A_11, %add3A_13 : vector<16xi32>
    %mul3A_15 = arith.constant 129 : i32
    %mul3A_16 = vector.broadcast %mul3A_15 : i32 to vector<16xi32>
    %mul3A_17 = arith.muli %add3A_14, %mul3A_16 : vector<16xi32>
    %iota3A_18 = tpu.iota {dimensions = array<i32: 0>} : vector<16xi32>
    %add3A_19 = arith.constant 32 : i32
    %add3A_20 = vector.broadcast %add3A_19 : i32 to vector<16xi32>
    %add3A_21 = arith.addi %iota3A_18, %add3A_20 : vector<16xi32>
    %mul3A_22 = arith.constant 129 : i32
    %mul3A_23 = vector.broadcast %mul3A_22 : i32 to vector<16xi32>
    %mul3A_24 = arith.muli %add3A_21, %mul3A_23 : vector<16xi32>
    %iota3A_25 = tpu.iota {dimensions = array<i32: 0>} : vector<16xi32>
    %add3A_26 = arith.constant 48 : i32
    %add3A_27 = vector.broadcast %add3A_26 : i32 to vector<16xi32>
    %add3A_28 = arith.addi %iota3A_25, %add3A_27 : vector<16xi32>
    %mul3A_29 = arith.constant 129 : i32
    %mul3A_30 = vector.broadcast %mul3A_29 : i32 to vector<16xi32>
    %mul3A_31 = arith.muli %add3A_28, %mul3A_30 : vector<16xi32>
    %add3A_32 = arith.constant 0 : i32
    %add3A_33 = arith.addi %add3A_32, %add3A : i32
    %lt3A = arith.constant 7812 : i32
    %lt3A_34 = arith.cmpi slt, %add3A_33, %lt3A : i32
    %convert_element_type3A = arith.extui %lt3A_34 : i1 to i32
    %cond3A = arith.constant 0 : i32
    %cond3A_35 = arith.cmpi ne, %convert_element_type3A, %cond3A : i32
    scf.if %cond3A_35 {
      %add3A_77 = arith.constant 0 : i32
      %add3A_78 = arith.addi %add3A_77, %add3A : i32
      %mul3A_79 = arith.constant 128 : i32
      %mul3A_80 = arith.muli %add3A_78, %mul3A_79 : i32
      %mul3A_81 = arith.constant 128 : i32
      %mul3A_82 = arith.muli %add3A_78, %mul3A_81 : i32
      %mul3A_83 = arith.constant 128 : i32
      %mul3A_84 = arith.muli %add3A_78, %mul3A_83 : i32
      %mul3A_85 = arith.constant 128 : i32
      %mul3A_86 = arith.muli %add3A_78, %mul3A_85 : i32
      %mul3A_87 = arith.constant 128 : i32
      %mul3A_88 = arith.muli %add3A_78, %mul3A_87 : i32
      %mul3A_89 = arith.constant 128 : i32
      %mul3A_90 = arith.muli %add3A_78, %mul3A_89 : i32
      %mul3A_91 = arith.constant 128 : i32
      %mul3A_92 = arith.muli %add3A_78, %mul3A_91 : i32
      %mul3A_93 = arith.constant 128 : i32
      %mul3A_94 = arith.muli %add3A_78, %mul3A_93 : i32
      %dma_start3A = arith.constant 0 : i32
      %dma_start3A_95 = arith.constant 0 : i32
      %dma_start3A_96 = tpu.memref_slice %arg5[%dma_start3A, %dma_start3A_95] : memref<64x128xf32, #tpu.memory_space<vmem>> -> memref<8x128xf32, #tpu.memory_space<vmem>>
      %dma_start3A_97 = arith.constant 0 : i32
      %dma_start3A_98 = tpu.memref_slice %arg2[%dma_start3A_97, %mul3A_80] : memref<64x1000000xf32, #tpu.memory_space<hbm>> -> memref<8x128xf32, #tpu.memory_space<hbm>>
      %dma_start3A_99 = arith.constant 0 : i32
      %dma_start3A_100 = arith.constant 0 : i32
      %dma_start3A_101 = tpu.memref_slice %arg5[%dma_start3A_99, %dma_start3A_100] : memref<64x128xf32, #tpu.memory_space<vmem>> -> memref<8x128xf32, #tpu.memory_space<vmem>>
      %dma_start3A_102 = arith.constant 0 : i32
      %dma_start3A_103 = tpu.memref_slice %arg2[%dma_start3A_102, %mul3A_80] : memref<64x1000000xf32, #tpu.memory_space<hbm>> -> memref<8x128xf32, #tpu.memory_space<hbm>>
      tpu.enqueue_dma source(%dma_start3A_103 : memref<8x128xf32, #tpu.memory_space<hbm>>) target(%dma_start3A_101 : memref<8x128xf32, #tpu.memory_space<vmem>>) target_semaphore(%arg11 : memref<!tpu.dma_semaphore, #tpu.memory_space<semaphore_mem>>)
      %dma_start3A_104 = arith.constant 8 : i32
      %dma_start3A_105 = arith.constant 0 : i32
      %dma_start3A_106 = tpu.memref_slice %arg5[%dma_start3A_104, %dma_start3A_105] : memref<64x128xf32, #tpu.memory_space<vmem>> -> memref<8x128xf32, #tpu.memory_space<vmem>>
      %dma_start3A_107 = arith.constant 8 : i32
      %dma_start3A_108 = tpu.memref_slice %arg2[%dma_start3A_107, %mul3A_82] : memref<64x1000000xf32, #tpu.memory_space<hbm>> -> memref<8x128xf32, #tpu.memory_space<hbm>>
      %dma_start3A_109 = arith.constant 8 : i32
      %dma_start3A_110 = arith.constant 0 : i32
      %dma_start3A_111 = tpu.memref_slice %arg5[%dma_start3A_109, %dma_start3A_110] : memref<64x128xf32, #tpu.memory_space<vmem>> -> memref<8x128xf32, #tpu.memory_space<vmem>>
      %dma_start3A_112 = arith.constant 8 : i32
      %dma_start3A_113 = tpu.memref_slice %arg2[%dma_start3A_112, %mul3A_82] : memref<64x1000000xf32, #tpu.memory_space<hbm>> -> memref<8x128xf32, #tpu.memory_space<hbm>>
      tpu.enqueue_dma source(%dma_start3A_113 : memref<8x128xf32, #tpu.memory_space<hbm>>) target(%dma_start3A_111 : memref<8x128xf32, #tpu.memory_space<vmem>>) target_semaphore(%arg11 : memref<!tpu.dma_semaphore, #tpu.memory_space<semaphore_mem>>)
      %dma_start3A_114 = arith.constant 16 : i32
      %dma_start3A_115 = arith.constant 0 : i32
      %dma_start3A_116 = tpu.memref_slice %arg5[%dma_start3A_114, %dma_start3A_115] : memref<64x128xf32, #tpu.memory_space<vmem>> -> memref<8x128xf32, #tpu.memory_space<vmem>>
      %dma_start3A_117 = arith.constant 16 : i32
      %dma_start3A_118 = tpu.memref_slice %arg2[%dma_start3A_117, %mul3A_84] : memref<64x1000000xf32, #tpu.memory_space<hbm>> -> memref<8x128xf32, #tpu.memory_space<hbm>>
      %dma_start3A_119 = arith.constant 16 : i32
      %dma_start3A_120 = arith.constant 0 : i32
      %dma_start3A_121 = tpu.memref_slice %arg5[%dma_start3A_119, %dma_start3A_120] : memref<64x128xf32, #tpu.memory_space<vmem>> -> memref<8x128xf32, #tpu.memory_space<vmem>>
      %dma_start3A_122 = arith.constant 16 : i32
      %dma_start3A_123 = tpu.memref_slice %arg2[%dma_start3A_122, %mul3A_84] : memref<64x1000000xf32, #tpu.memory_space<hbm>> -> memref<8x128xf32, #tpu.memory_space<hbm>>
      tpu.enqueue_dma source(%dma_start3A_123 : memref<8x128xf32, #tpu.memory_space<hbm>>) target(%dma_start3A_121 : memref<8x128xf32, #tpu.memory_space<vmem>>) target_semaphore(%arg11 : memref<!tpu.dma_semaphore, #tpu.memory_space<semaphore_mem>>)
      %dma_start3A_124 = arith.constant 24 : i32
      %dma_start3A_125 = arith.constant 0 : i32
      %dma_start3A_126 = tpu.memref_slice %arg5[%dma_start3A_124, %dma_start3A_125] : memref<64x128xf32, #tpu.memory_space<vmem>> -> memref<8x128xf32, #tpu.memory_space<vmem>>
      %dma_start3A_127 = arith.constant 24 : i32
      %dma_start3A_128 = tpu.memref_slice %arg2[%dma_start3A_127, %mul3A_86] : memref<64x1000000xf32, #tpu.memory_space<hbm>> -> memref<8x128xf32, #tpu.memory_space<hbm>>
      %dma_start3A_129 = arith.constant 24 : i32
      %dma_start3A_130 = arith.constant 0 : i32
      %dma_start3A_131 = tpu.memref_slice %arg5[%dma_start3A_129, %dma_start3A_130] : memref<64x128xf32, #tpu.memory_space<vmem>> -> memref<8x128xf32, #tpu.memory_space<vmem>>
      %dma_start3A_132 = arith.constant 24 : i32
      %dma_start3A_133 = tpu.memref_slice %arg2[%dma_start3A_132, %mul3A_86] : memref<64x1000000xf32, #tpu.memory_space<hbm>> -> memref<8x128xf32, #tpu.memory_space<hbm>>
      tpu.enqueue_dma source(%dma_start3A_133 : memref<8x128xf32, #tpu.memory_space<hbm>>) target(%dma_start3A_131 : memref<8x128xf32, #tpu.memory_space<vmem>>) target_semaphore(%arg11 : memref<!tpu.dma_semaphore, #tpu.memory_space<semaphore_mem>>)
      %dma_start3A_134 = arith.constant 32 : i32
      %dma_start3A_135 = arith.constant 0 : i32
      %dma_start3A_136 = tpu.memref_slice %arg5[%dma_start3A_134, %dma_start3A_135] : memref<64x128xf32, #tpu.memory_space<vmem>> -> memref<8x128xf32, #tpu.memory_space<vmem>>
      %dma_start3A_137 = arith.constant 32 : i32
      %dma_start3A_138 = tpu.memref_slice %arg2[%dma_start3A_137, %mul3A_88] : memref<64x1000000xf32, #tpu.memory_space<hbm>> -> memref<8x128xf32, #tpu.memory_space<hbm>>
      %dma_start3A_139 = arith.constant 32 : i32
      %dma_start3A_140 = arith.constant 0 : i32
      %dma_start3A_141 = tpu.memref_slice %arg5[%dma_start3A_139, %dma_start3A_140] : memref<64x128xf32, #tpu.memory_space<vmem>> -> memref<8x128xf32, #tpu.memory_space<vmem>>
      %dma_start3A_142 = arith.constant 32 : i32
      %dma_start3A_143 = tpu.memref_slice %arg2[%dma_start3A_142, %mul3A_88] : memref<64x1000000xf32, #tpu.memory_space<hbm>> -> memref<8x128xf32, #tpu.memory_space<hbm>>
      tpu.enqueue_dma source(%dma_start3A_143 : memref<8x128xf32, #tpu.memory_space<hbm>>) target(%dma_start3A_141 : memref<8x128xf32, #tpu.memory_space<vmem>>) target_semaphore(%arg11 : memref<!tpu.dma_semaphore, #tpu.memory_space<semaphore_mem>>)
      %dma_start3A_144 = arith.constant 40 : i32
      %dma_start3A_145 = arith.constant 0 : i32
      %dma_start3A_146 = tpu.memref_slice %arg5[%dma_start3A_144, %dma_start3A_145] : memref<64x128xf32, #tpu.memory_space<vmem>> -> memref<8x128xf32, #tpu.memory_space<vmem>>
      %dma_start3A_147 = arith.constant 40 : i32
      %dma_start3A_148 = tpu.memref_slice %arg2[%dma_start3A_147, %mul3A_90] : memref<64x1000000xf32, #tpu.memory_space<hbm>> -> memref<8x128xf32, #tpu.memory_space<hbm>>
      %dma_start3A_149 = arith.constant 40 : i32
      %dma_start3A_150 = arith.constant 0 : i32
      %dma_start3A_151 = tpu.memref_slice %arg5[%dma_start3A_149, %dma_start3A_150] : memref<64x128xf32, #tpu.memory_space<vmem>> -> memref<8x128xf32, #tpu.memory_space<vmem>>
      %dma_start3A_152 = arith.constant 40 : i32
      %dma_start3A_153 = tpu.memref_slice %arg2[%dma_start3A_152, %mul3A_90] : memref<64x1000000xf32, #tpu.memory_space<hbm>> -> memref<8x128xf32, #tpu.memory_space<hbm>>
      tpu.enqueue_dma source(%dma_start3A_153 : memref<8x128xf32, #tpu.memory_space<hbm>>) target(%dma_start3A_151 : memref<8x128xf32, #tpu.memory_space<vmem>>) target_semaphore(%arg11 : memref<!tpu.dma_semaphore, #tpu.memory_space<semaphore_mem>>)
      %dma_start3A_154 = arith.constant 48 : i32
      %dma_start3A_155 = arith.constant 0 : i32
      %dma_start3A_156 = tpu.memref_slice %arg5[%dma_start3A_154, %dma_start3A_155] : memref<64x128xf32, #tpu.memory_space<vmem>> -> memref<8x128xf32, #tpu.memory_space<vmem>>
      %dma_start3A_157 = arith.constant 48 : i32
      %dma_start3A_158 = tpu.memref_slice %arg2[%dma_start3A_157, %mul3A_92] : memref<64x1000000xf32, #tpu.memory_space<hbm>> -> memref<8x128xf32, #tpu.memory_space<hbm>>
      %dma_start3A_159 = arith.constant 48 : i32
      %dma_start3A_160 = arith.constant 0 : i32
      %dma_start3A_161 = tpu.memref_slice %arg5[%dma_start3A_159, %dma_start3A_160] : memref<64x128xf32, #tpu.memory_space<vmem>> -> memref<8x128xf32, #tpu.memory_space<vmem>>
      %dma_start3A_162 = arith.constant 48 : i32
      %dma_start3A_163 = tpu.memref_slice %arg2[%dma_start3A_162, %mul3A_92] : memref<64x1000000xf32, #tpu.memory_space<hbm>> -> memref<8x128xf32, #tpu.memory_space<hbm>>
      tpu.enqueue_dma source(%dma_start3A_163 : memref<8x128xf32, #tpu.memory_space<hbm>>) target(%dma_start3A_161 : memref<8x128xf32, #tpu.memory_space<vmem>>) target_semaphore(%arg11 : memref<!tpu.dma_semaphore, #tpu.memory_space<semaphore_mem>>)
      %dma_start3A_164 = arith.constant 56 : i32
      %dma_start3A_165 = arith.constant 0 : i32
      %dma_start3A_166 = tpu.memref_slice %arg5[%dma_start3A_164, %dma_start3A_165] : memref<64x128xf32, #tpu.memory_space<vmem>> -> memref<8x128xf32, #tpu.memory_space<vmem>>
      %dma_start3A_167 = arith.constant 56 : i32
      %dma_start3A_168 = tpu.memref_slice %arg2[%dma_start3A_167, %mul3A_94] : memref<64x1000000xf32, #tpu.memory_space<hbm>> -> memref<8x128xf32, #tpu.memory_space<hbm>>
      %dma_start3A_169 = arith.constant 56 : i32
      %dma_start3A_170 = arith.constant 0 : i32
      %dma_start3A_171 = tpu.memref_slice %arg5[%dma_start3A_169, %dma_start3A_170] : memref<64x128xf32, #tpu.memory_space<vmem>> -> memref<8x128xf32, #tpu.memory_space<vmem>>
      %dma_start3A_172 = arith.constant 56 : i32
      %dma_start3A_173 = tpu.memref_slice %arg2[%dma_start3A_172, %mul3A_94] : memref<64x1000000xf32, #tpu.memory_space<hbm>> -> memref<8x128xf32, #tpu.memory_space<hbm>>
      tpu.enqueue_dma source(%dma_start3A_173 : memref<8x128xf32, #tpu.memory_space<hbm>>) target(%dma_start3A_171 : memref<8x128xf32, #tpu.memory_space<vmem>>) target_semaphore(%arg11 : memref<!tpu.dma_semaphore, #tpu.memory_space<semaphore_mem>>)
    } else {
    }
    %scan3A = arith.constant 0 : i32
    %scan3A_36 = arith.constant 123 : i32
    %scan3A_37 = arith.addi %scan3A, %scan3A_36 : i32
    %scan3A_38 = arith.constant 1 : i32
    scf.for %scan3A_77 = %scan3A to %scan3A_37 step %scan3A_38  : i32 {
      %mul3A_78 = arith.constant 2 : i32
      %mul3A_79 = arith.muli %mul3A_78, %scan3A_77 : i32
      %add3A_80 = arith.constant 1 : i32
      %add3A_81 = arith.addi %mul3A_79, %add3A_80 : i32
      %mul3A_82 = arith.constant 32 : i32
      %mul3A_83 = arith.muli %add3A_81, %mul3A_82 : i32
      %add3A_84 = arith.addi %mul3A_83, %add3A : i32
      %lt3A_85 = arith.constant 7812 : i32
      %lt3A_86 = arith.cmpi slt, %add3A_84, %lt3A_85 : i32
      %convert_element_type3A_87 = arith.extui %lt3A_86 : i1 to i32
      %cond3A_88 = arith.constant 0 : i32
      %cond3A_89 = arith.cmpi ne, %convert_element_type3A_87, %cond3A_88 : i32
      scf.if %cond3A_89 {
        %add3A_120 = arith.constant 1 : i32
        %add3A_121 = arith.addi %mul3A_79, %add3A_120 : i32
        %mul3A_122 = arith.constant 32 : i32
        %mul3A_123 = arith.muli %add3A_121, %mul3A_122 : i32
        %add3A_124 = arith.addi %mul3A_123, %add3A : i32
        %mul3A_125 = arith.constant 128 : i32
        %mul3A_126 = arith.muli %add3A_124, %mul3A_125 : i32
        %mul3A_127 = arith.constant 128 : i32
        %mul3A_128 = arith.muli %add3A_124, %mul3A_127 : i32
        %mul3A_129 = arith.constant 128 : i32
        %mul3A_130 = arith.muli %add3A_124, %mul3A_129 : i32
        %mul3A_131 = arith.constant 128 : i32
        %mul3A_132 = arith.muli %add3A_124, %mul3A_131 : i32
        %mul3A_133 = arith.constant 128 : i32
        %mul3A_134 = arith.muli %add3A_124, %mul3A_133 : i32
        %mul3A_135 = arith.constant 128 : i32
        %mul3A_136 = arith.muli %add3A_124, %mul3A_135 : i32
        %mul3A_137 = arith.constant 128 : i32
        %mul3A_138 = arith.muli %add3A_124, %mul3A_137 : i32
        %mul3A_139 = arith.constant 128 : i32
        %mul3A_140 = arith.muli %add3A_124, %mul3A_139 : i32
        %dma_start3A = arith.constant 0 : i32
        %dma_start3A_141 = arith.constant 0 : i32
        %dma_start3A_142 = tpu.memref_slice %arg6[%dma_start3A, %dma_start3A_141] : memref<64x128xf32, #tpu.memory_space<vmem>> -> memref<8x128xf32, #tpu.memory_space<vmem>>
        %dma_start3A_143 = arith.constant 0 : i32
        %dma_start3A_144 = tpu.memref_slice %arg2[%dma_start3A_143, %mul3A_126] : memref<64x1000000xf32, #tpu.memory_space<hbm>> -> memref<8x128xf32, #tpu.memory_space<hbm>>
        %dma_start3A_145 = arith.constant 0 : i32
        %dma_start3A_146 = arith.constant 0 : i32
        %dma_start3A_147 = tpu.memref_slice %arg6[%dma_start3A_145, %dma_start3A_146] : memref<64x128xf32, #tpu.memory_space<vmem>> -> memref<8x128xf32, #tpu.memory_space<vmem>>
        %dma_start3A_148 = arith.constant 0 : i32
        %dma_start3A_149 = tpu.memref_slice %arg2[%dma_start3A_148, %mul3A_126] : memref<64x1000000xf32, #tpu.memory_space<hbm>> -> memref<8x128xf32, #tpu.memory_space<hbm>>
        tpu.enqueue_dma source(%dma_start3A_149 : memref<8x128xf32, #tpu.memory_space<hbm>>) target(%dma_start3A_147 : memref<8x128xf32, #tpu.memory_space<vmem>>) target_semaphore(%arg12 : memref<!tpu.dma_semaphore, #tpu.memory_space<semaphore_mem>>)
        %dma_start3A_150 = arith.constant 8 : i32
        %dma_start3A_151 = arith.constant 0 : i32
        %dma_start3A_152 = tpu.memref_slice %arg6[%dma_start3A_150, %dma_start3A_151] : memref<64x128xf32, #tpu.memory_space<vmem>> -> memref<8x128xf32, #tpu.memory_space<vmem>>
        %dma_start3A_153 = arith.constant 8 : i32
        %dma_start3A_154 = tpu.memref_slice %arg2[%dma_start3A_153, %mul3A_128] : memref<64x1000000xf32, #tpu.memory_space<hbm>> -> memref<8x128xf32, #tpu.memory_space<hbm>>
        %dma_start3A_155 = arith.constant 8 : i32
        %dma_start3A_156 = arith.constant 0 : i32
        %dma_start3A_157 = tpu.memref_slice %arg6[%dma_start3A_155, %dma_start3A_156] : memref<64x128xf32, #tpu.memory_space<vmem>> -> memref<8x128xf32, #tpu.memory_space<vmem>>
        %dma_start3A_158 = arith.constant 8 : i32
        %dma_start3A_159 = tpu.memref_slice %arg2[%dma_start3A_158, %mul3A_128] : memref<64x1000000xf32, #tpu.memory_space<hbm>> -> memref<8x128xf32, #tpu.memory_space<hbm>>
        tpu.enqueue_dma source(%dma_start3A_159 : memref<8x128xf32, #tpu.memory_space<hbm>>) target(%dma_start3A_157 : memref<8x128xf32, #tpu.memory_space<vmem>>) target_semaphore(%arg12 : memref<!tpu.dma_semaphore, #tpu.memory_space<semaphore_mem>>)
        %dma_start3A_160 = arith.constant 16 : i32
        %dma_start3A_161 = arith.constant 0 : i32
        %dma_start3A_162 = tpu.memref_slice %arg6[%dma_start3A_160, %dma_start3A_161] : memref<64x128xf32, #tpu.memory_space<vmem>> -> memref<8x128xf32, #tpu.memory_space<vmem>>
        %dma_start3A_163 = arith.constant 16 : i32
        %dma_start3A_164 = tpu.memref_slice %arg2[%dma_start3A_163, %mul3A_130] : memref<64x1000000xf32, #tpu.memory_space<hbm>> -> memref<8x128xf32, #tpu.memory_space<hbm>>
        %dma_start3A_165 = arith.constant 16 : i32
        %dma_start3A_166 = arith.constant 0 : i32
        %dma_start3A_167 = tpu.memref_slice %arg6[%dma_start3A_165, %dma_start3A_166] : memref<64x128xf32, #tpu.memory_space<vmem>> -> memref<8x128xf32, #tpu.memory_space<vmem>>
        %dma_start3A_168 = arith.constant 16 : i32
        %dma_start3A_169 = tpu.memref_slice %arg2[%dma_start3A_168, %mul3A_130] : memref<64x1000000xf32, #tpu.memory_space<hbm>> -> memref<8x128xf32, #tpu.memory_space<hbm>>
        tpu.enqueue_dma source(%dma_start3A_169 : memref<8x128xf32, #tpu.memory_space<hbm>>) target(%dma_start3A_167 : memref<8x128xf32, #tpu.memory_space<vmem>>) target_semaphore(%arg12 : memref<!tpu.dma_semaphore, #tpu.memory_space<semaphore_mem>>)
        %dma_start3A_170 = arith.constant 24 : i32
        %dma_start3A_171 = arith.constant 0 : i32
        %dma_start3A_172 = tpu.memref_slice %arg6[%dma_start3A_170, %dma_start3A_171] : memref<64x128xf32, #tpu.memory_space<vmem>> -> memref<8x128xf32, #tpu.memory_space<vmem>>
        %dma_start3A_173 = arith.constant 24 : i32
        %dma_start3A_174 = tpu.memref_slice %arg2[%dma_start3A_173, %mul3A_132] : memref<64x1000000xf32, #tpu.memory_space<hbm>> -> memref<8x128xf32, #tpu.memory_space<hbm>>
        %dma_start3A_175 = arith.constant 24 : i32
        %dma_start3A_176 = arith.constant 0 : i32
        %dma_start3A_177 = tpu.memref_slice %arg6[%dma_start3A_175, %dma_start3A_176] : memref<64x128xf32, #tpu.memory_space<vmem>> -> memref<8x128xf32, #tpu.memory_space<vmem>>
        %dma_start3A_178 = arith.constant 24 : i32
        %dma_start3A_179 = tpu.memref_slice %arg2[%dma_start3A_178, %mul3A_132] : memref<64x1000000xf32, #tpu.memory_space<hbm>> -> memref<8x128xf32, #tpu.memory_space<hbm>>
        tpu.enqueue_dma source(%dma_start3A_179 : memref<8x128xf32, #tpu.memory_space<hbm>>) target(%dma_start3A_177 : memref<8x128xf32, #tpu.memory_space<vmem>>) target_semaphore(%arg12 : memref<!tpu.dma_semaphore, #tpu.memory_space<semaphore_mem>>)
        %dma_start3A_180 = arith.constant 32 : i32
        %dma_start3A_181 = arith.constant 0 : i32
        %dma_start3A_182 = tpu.memref_slice %arg6[%dma_start3A_180, %dma_start3A_181] : memref<64x128xf32, #tpu.memory_space<vmem>> -> memref<8x128xf32, #tpu.memory_space<vmem>>
        %dma_start3A_183 = arith.constant 32 : i32
        %dma_start3A_184 = tpu.memref_slice %arg2[%dma_start3A_183, %mul3A_134] : memref<64x1000000xf32, #tpu.memory_space<hbm>> -> memref<8x128xf32, #tpu.memory_space<hbm>>
        %dma_start3A_185 = arith.constant 32 : i32
        %dma_start3A_186 = arith.constant 0 : i32
        %dma_start3A_187 = tpu.memref_slice %arg6[%dma_start3A_185, %dma_start3A_186] : memref<64x128xf32, #tpu.memory_space<vmem>> -> memref<8x128xf32, #tpu.memory_space<vmem>>
        %dma_start3A_188 = arith.constant 32 : i32
        %dma_start3A_189 = tpu.memref_slice %arg2[%dma_start3A_188, %mul3A_134] : memref<64x1000000xf32, #tpu.memory_space<hbm>> -> memref<8x128xf32, #tpu.memory_space<hbm>>
        tpu.enqueue_dma source(%dma_start3A_189 : memref<8x128xf32, #tpu.memory_space<hbm>>) target(%dma_start3A_187 : memref<8x128xf32, #tpu.memory_space<vmem>>) target_semaphore(%arg12 : memref<!tpu.dma_semaphore, #tpu.memory_space<semaphore_mem>>)
        %dma_start3A_190 = arith.constant 40 : i32
        %dma_start3A_191 = arith.constant 0 : i32
        %dma_start3A_192 = tpu.memref_slice %arg6[%dma_start3A_190, %dma_start3A_191] : memref<64x128xf32, #tpu.memory_space<vmem>> -> memref<8x128xf32, #tpu.memory_space<vmem>>
        %dma_start3A_193 = arith.constant 40 : i32
        %dma_start3A_194 = tpu.memref_slice %arg2[%dma_start3A_193, %mul3A_136] : memref<64x1000000xf32, #tpu.memory_space<hbm>> -> memref<8x128xf32, #tpu.memory_space<hbm>>
        %dma_start3A_195 = arith.constant 40 : i32
        %dma_start3A_196 = arith.constant 0 : i32
        %dma_start3A_197 = tpu.memref_slice %arg6[%dma_start3A_195, %dma_start3A_196] : memref<64x128xf32, #tpu.memory_space<vmem>> -> memref<8x128xf32, #tpu.memory_space<vmem>>
        %dma_start3A_198 = arith.constant 40 : i32
        %dma_start3A_199 = tpu.memref_slice %arg2[%dma_start3A_198, %mul3A_136] : memref<64x1000000xf32, #tpu.memory_space<hbm>> -> memref<8x128xf32, #tpu.memory_space<hbm>>
        tpu.enqueue_dma source(%dma_start3A_199 : memref<8x128xf32, #tpu.memory_space<hbm>>) target(%dma_start3A_197 : memref<8x128xf32, #tpu.memory_space<vmem>>) target_semaphore(%arg12 : memref<!tpu.dma_semaphore, #tpu.memory_space<semaphore_mem>>)
        %dma_start3A_200 = arith.constant 48 : i32
        %dma_start3A_201 = arith.constant 0 : i32
        %dma_start3A_202 = tpu.memref_slice %arg6[%dma_start3A_200, %dma_start3A_201] : memref<64x128xf32, #tpu.memory_space<vmem>> -> memref<8x128xf32, #tpu.memory_space<vmem>>
        %dma_start3A_203 = arith.constant 48 : i32
        %dma_start3A_204 = tpu.memref_slice %arg2[%dma_start3A_203, %mul3A_138] : memref<64x1000000xf32, #tpu.memory_space<hbm>> -> memref<8x128xf32, #tpu.memory_space<hbm>>
        %dma_start3A_205 = arith.constant 48 : i32
        %dma_start3A_206 = arith.constant 0 : i32
        %dma_start3A_207 = tpu.memref_slice %arg6[%dma_start3A_205, %dma_start3A_206] : memref<64x128xf32, #tpu.memory_space<vmem>> -> memref<8x128xf32, #tpu.memory_space<vmem>>
        %dma_start3A_208 = arith.constant 48 : i32
        %dma_start3A_209 = tpu.memref_slice %arg2[%dma_start3A_208, %mul3A_138] : memref<64x1000000xf32, #tpu.memory_space<hbm>> -> memref<8x128xf32, #tpu.memory_space<hbm>>
        tpu.enqueue_dma source(%dma_start3A_209 : memref<8x128xf32, #tpu.memory_space<hbm>>) target(%dma_start3A_207 : memref<8x128xf32, #tpu.memory_space<vmem>>) target_semaphore(%arg12 : memref<!tpu.dma_semaphore, #tpu.memory_space<semaphore_mem>>)
        %dma_start3A_210 = arith.constant 56 : i32
        %dma_start3A_211 = arith.constant 0 : i32
        %dma_start3A_212 = tpu.memref_slice %arg6[%dma_start3A_210, %dma_start3A_211] : memref<64x128xf32, #tpu.memory_space<vmem>> -> memref<8x128xf32, #tpu.memory_space<vmem>>
        %dma_start3A_213 = arith.constant 56 : i32
        %dma_start3A_214 = tpu.memref_slice %arg2[%dma_start3A_213, %mul3A_140] : memref<64x1000000xf32, #tpu.memory_space<hbm>> -> memref<8x128xf32, #tpu.memory_space<hbm>>
        %dma_start3A_215 = arith.constant 56 : i32
        %dma_start3A_216 = arith.constant 0 : i32
        %dma_start3A_217 = tpu.memref_slice %arg6[%dma_start3A_215, %dma_start3A_216] : memref<64x128xf32, #tpu.memory_space<vmem>> -> memref<8x128xf32, #tpu.memory_space<vmem>>
        %dma_start3A_218 = arith.constant 56 : i32
        %dma_start3A_219 = tpu.memref_slice %arg2[%dma_start3A_218, %mul3A_140] : memref<64x1000000xf32, #tpu.memory_space<hbm>> -> memref<8x128xf32, #tpu.memory_space<hbm>>
        tpu.enqueue_dma source(%dma_start3A_219 : memref<8x128xf32, #tpu.memory_space<hbm>>) target(%dma_start3A_217 : memref<8x128xf32, #tpu.memory_space<vmem>>) target_semaphore(%arg12 : memref<!tpu.dma_semaphore, #tpu.memory_space<semaphore_mem>>)
      } else {
      }
      %mul3A_90 = arith.constant 32 : i32
      %mul3A_91 = arith.muli %mul3A_79, %mul3A_90 : i32
      %add3A_92 = arith.addi %mul3A_91, %add3A : i32
      %lt3A_93 = arith.constant 7812 : i32
      %lt3A_94 = arith.cmpi slt, %add3A_92, %lt3A_93 : i32
      %convert_element_type3A_95 = arith.extui %lt3A_94 : i1 to i32
      %cond3A_96 = arith.constant 0 : i32
      %cond3A_97 = arith.cmpi ne, %convert_element_type3A_95, %cond3A_96 : i32
      scf.if %cond3A_97 {
        %ge3A = arith.constant 2 : i32
        %ge3A_120 = arith.cmpi sge, %mul3A_79, %ge3A : i32
        %convert_element_type3A_121 = arith.extui %ge3A_120 : i1 to i32
        %cond3A_122 = arith.constant 0 : i32
        %cond3A_123 = arith.cmpi ne, %convert_element_type3A_121, %cond3A_122 : i32
        scf.if %cond3A_123 {
          %sub3A_240 = arith.constant 2 : i32
          %sub3A_241 = arith.subi %mul3A_79, %sub3A_240 : i32
          %mul3A_242 = arith.constant 32 : i32
          %mul3A_243 = arith.muli %sub3A_241, %mul3A_242 : i32
          %add3A_244 = arith.addi %mul3A_243, %add3A : i32
          %mul3A_245 = arith.constant 128 : i32
          %mul3A_246 = arith.muli %add3A_244, %mul3A_245 : i32
          %mul3A_247 = arith.constant 80 : i32
          %mul3A_248 = arith.muli %mul3A_246, %mul3A_247 : i32
          %dma_wait3A_249 = tpu.memref_slice %arg4[%mul3A_248] : memref<80000000xf32, #tpu.memory_space<hbm>> -> memref<10240xf32, #tpu.memory_space<hbm>>
          %dma_wait3A_250 = tpu.memref_slice %arg4[%mul3A_248] : memref<80000000xf32, #tpu.memory_space<hbm>> -> memref<10240xf32, #tpu.memory_space<hbm>>
          tpu.wait_dma2 semaphore(%arg13 : memref<!tpu.dma_semaphore, #tpu.memory_space<semaphore_mem>>) src(%arg8 : memref<10240xf32, #tpu.memory_space<vmem>>) dst(%dma_wait3A_250 : memref<10240xf32, #tpu.memory_space<hbm>>)
        } else {
        }
        %mul3A_124 = arith.constant 32 : i32
        %mul3A_125 = arith.muli %mul3A_79, %mul3A_124 : i32
        %add3A_126 = arith.addi %mul3A_125, %add3A : i32
        %mul3A_127 = arith.constant 128 : i32
        %mul3A_128 = arith.muli %add3A_126, %mul3A_127 : i32
        %mul3A_129 = arith.constant 128 : i32
        %mul3A_130 = arith.muli %add3A_126, %mul3A_129 : i32
        %mul3A_131 = arith.constant 128 : i32
        %mul3A_132 = arith.muli %add3A_126, %mul3A_131 : i32
        %mul3A_133 = arith.constant 128 : i32
        %mul3A_134 = arith.muli %add3A_126, %mul3A_133 : i32
        %mul3A_135 = arith.constant 128 : i32
        %mul3A_136 = arith.muli %add3A_126, %mul3A_135 : i32
        %mul3A_137 = arith.constant 128 : i32
        %mul3A_138 = arith.muli %add3A_126, %mul3A_137 : i32
        %mul3A_139 = arith.constant 128 : i32
        %mul3A_140 = arith.muli %add3A_126, %mul3A_139 : i32
        %mul3A_141 = arith.constant 128 : i32
        %mul3A_142 = arith.muli %add3A_126, %mul3A_141 : i32
        %dma_wait3A = arith.constant 0 : i32
        %dma_wait3A_143 = arith.constant 0 : i32
        %dma_wait3A_144 = tpu.memref_slice %arg5[%dma_wait3A, %dma_wait3A_143] : memref<64x128xf32, #tpu.memory_space<vmem>> -> memref<8x128xf32, #tpu.memory_space<vmem>>
        %dma_wait3A_145 = arith.constant 0 : i32
        %dma_wait3A_146 = tpu.memref_slice %arg2[%dma_wait3A_145, %mul3A_128] : memref<64x1000000xf32, #tpu.memory_space<hbm>> -> memref<8x128xf32, #tpu.memory_space<hbm>>
        %dma_wait3A_147 = arith.constant 0 : i32
        %dma_wait3A_148 = arith.constant 0 : i32
        %dma_wait3A_149 = tpu.memref_slice %arg5[%dma_wait3A_147, %dma_wait3A_148] : memref<64x128xf32, #tpu.memory_space<vmem>> -> memref<8x128xf32, #tpu.memory_space<vmem>>
        %dma_wait3A_150 = arith.constant 0 : i32
        %dma_wait3A_151 = tpu.memref_slice %arg2[%dma_wait3A_150, %mul3A_128] : memref<64x1000000xf32, #tpu.memory_space<hbm>> -> memref<8x128xf32, #tpu.memory_space<hbm>>
        tpu.wait_dma2 semaphore(%arg11 : memref<!tpu.dma_semaphore, #tpu.memory_space<semaphore_mem>>) src(%dma_wait3A_151 : memref<8x128xf32, #tpu.memory_space<hbm>>) dst(%dma_wait3A_149 : memref<8x128xf32, #tpu.memory_space<vmem>>)
        %dma_wait3A_152 = arith.constant 8 : i32
        %dma_wait3A_153 = arith.constant 0 : i32
        %dma_wait3A_154 = tpu.memref_slice %arg5[%dma_wait3A_152, %dma_wait3A_153] : memref<64x128xf32, #tpu.memory_space<vmem>> -> memref<8x128xf32, #tpu.memory_space<vmem>>
        %dma_wait3A_155 = arith.constant 8 : i32
        %dma_wait3A_156 = tpu.memref_slice %arg2[%dma_wait3A_155, %mul3A_130] : memref<64x1000000xf32, #tpu.memory_space<hbm>> -> memref<8x128xf32, #tpu.memory_space<hbm>>
        %dma_wait3A_157 = arith.constant 8 : i32
        %dma_wait3A_158 = arith.constant 0 : i32
        %dma_wait3A_159 = tpu.memref_slice %arg5[%dma_wait3A_157, %dma_wait3A_158] : memref<64x128xf32, #tpu.memory_space<vmem>> -> memref<8x128xf32, #tpu.memory_space<vmem>>
        %dma_wait3A_160 = arith.constant 8 : i32
        %dma_wait3A_161 = tpu.memref_slice %arg2[%dma_wait3A_160, %mul3A_130] : memref<64x1000000xf32, #tpu.memory_space<hbm>> -> memref<8x128xf32, #tpu.memory_space<hbm>>
        tpu.wait_dma2 semaphore(%arg11 : memref<!tpu.dma_semaphore, #tpu.memory_space<semaphore_mem>>) src(%dma_wait3A_161 : memref<8x128xf32, #tpu.memory_space<hbm>>) dst(%dma_wait3A_159 : memref<8x128xf32, #tpu.memory_space<vmem>>)
        %dma_wait3A_162 = arith.constant 16 : i32
        %dma_wait3A_163 = arith.constant 0 : i32
        %dma_wait3A_164 = tpu.memref_slice %arg5[%dma_wait3A_162, %dma_wait3A_163] : memref<64x128xf32, #tpu.memory_space<vmem>> -> memref<8x128xf32, #tpu.memory_space<vmem>>
        %dma_wait3A_165 = arith.constant 16 : i32
        %dma_wait3A_166 = tpu.memref_slice %arg2[%dma_wait3A_165, %mul3A_132] : memref<64x1000000xf32, #tpu.memory_space<hbm>> -> memref<8x128xf32, #tpu.memory_space<hbm>>
        %dma_wait3A_167 = arith.constant 16 : i32
        %dma_wait3A_168 = arith.constant 0 : i32
        %dma_wait3A_169 = tpu.memref_slice %arg5[%dma_wait3A_167, %dma_wait3A_168] : memref<64x128xf32, #tpu.memory_space<vmem>> -> memref<8x128xf32, #tpu.memory_space<vmem>>
        %dma_wait3A_170 = arith.constant 16 : i32
        %dma_wait3A_171 = tpu.memref_slice %arg2[%dma_wait3A_170, %mul3A_132] : memref<64x1000000xf32, #tpu.memory_space<hbm>> -> memref<8x128xf32, #tpu.memory_space<hbm>>
        tpu.wait_dma2 semaphore(%arg11 : memref<!tpu.dma_semaphore, #tpu.memory_space<semaphore_mem>>) src(%dma_wait3A_171 : memref<8x128xf32, #tpu.memory_space<hbm>>) dst(%dma_wait3A_169 : memref<8x128xf32, #tpu.memory_space<vmem>>)
        %dma_wait3A_172 = arith.constant 24 : i32
        %dma_wait3A_173 = arith.constant 0 : i32
        %dma_wait3A_174 = tpu.memref_slice %arg5[%dma_wait3A_172, %dma_wait3A_173] : memref<64x128xf32, #tpu.memory_space<vmem>> -> memref<8x128xf32, #tpu.memory_space<vmem>>
        %dma_wait3A_175 = arith.constant 24 : i32
        %dma_wait3A_176 = tpu.memref_slice %arg2[%dma_wait3A_175, %mul3A_134] : memref<64x1000000xf32, #tpu.memory_space<hbm>> -> memref<8x128xf32, #tpu.memory_space<hbm>>
        %dma_wait3A_177 = arith.constant 24 : i32
        %dma_wait3A_178 = arith.constant 0 : i32
        %dma_wait3A_179 = tpu.memref_slice %arg5[%dma_wait3A_177, %dma_wait3A_178] : memref<64x128xf32, #tpu.memory_space<vmem>> -> memref<8x128xf32, #tpu.memory_space<vmem>>
        %dma_wait3A_180 = arith.constant 24 : i32
        %dma_wait3A_181 = tpu.memref_slice %arg2[%dma_wait3A_180, %mul3A_134] : memref<64x1000000xf32, #tpu.memory_space<hbm>> -> memref<8x128xf32, #tpu.memory_space<hbm>>
        tpu.wait_dma2 semaphore(%arg11 : memref<!tpu.dma_semaphore, #tpu.memory_space<semaphore_mem>>) src(%dma_wait3A_181 : memref<8x128xf32, #tpu.memory_space<hbm>>) dst(%dma_wait3A_179 : memref<8x128xf32, #tpu.memory_space<vmem>>)
        %dma_wait3A_182 = arith.constant 32 : i32
        %dma_wait3A_183 = arith.constant 0 : i32
        %dma_wait3A_184 = tpu.memref_slice %arg5[%dma_wait3A_182, %dma_wait3A_183] : memref<64x128xf32, #tpu.memory_space<vmem>> -> memref<8x128xf32, #tpu.memory_space<vmem>>
        %dma_wait3A_185 = arith.constant 32 : i32
        %dma_wait3A_186 = tpu.memref_slice %arg2[%dma_wait3A_185, %mul3A_136] : memref<64x1000000xf32, #tpu.memory_space<hbm>> -> memref<8x128xf32, #tpu.memory_space<hbm>>
        %dma_wait3A_187 = arith.constant 32 : i32
        %dma_wait3A_188 = arith.constant 0 : i32
        %dma_wait3A_189 = tpu.memref_slice %arg5[%dma_wait3A_187, %dma_wait3A_188] : memref<64x128xf32, #tpu.memory_space<vmem>> -> memref<8x128xf32, #tpu.memory_space<vmem>>
        %dma_wait3A_190 = arith.constant 32 : i32
        %dma_wait3A_191 = tpu.memref_slice %arg2[%dma_wait3A_190, %mul3A_136] : memref<64x1000000xf32, #tpu.memory_space<hbm>> -> memref<8x128xf32, #tpu.memory_space<hbm>>
        tpu.wait_dma2 semaphore(%arg11 : memref<!tpu.dma_semaphore, #tpu.memory_space<semaphore_mem>>) src(%dma_wait3A_191 : memref<8x128xf32, #tpu.memory_space<hbm>>) dst(%dma_wait3A_189 : memref<8x128xf32, #tpu.memory_space<vmem>>)
        %dma_wait3A_192 = arith.constant 40 : i32
        %dma_wait3A_193 = arith.constant 0 : i32
        %dma_wait3A_194 = tpu.memref_slice %arg5[%dma_wait3A_192, %dma_wait3A_193] : memref<64x128xf32, #tpu.memory_space<vmem>> -> memref<8x128xf32, #tpu.memory_space<vmem>>
        %dma_wait3A_195 = arith.constant 40 : i32
        %dma_wait3A_196 = tpu.memref_slice %arg2[%dma_wait3A_195, %mul3A_138] : memref<64x1000000xf32, #tpu.memory_space<hbm>> -> memref<8x128xf32, #tpu.memory_space<hbm>>
        %dma_wait3A_197 = arith.constant 40 : i32
        %dma_wait3A_198 = arith.constant 0 : i32
        %dma_wait3A_199 = tpu.memref_slice %arg5[%dma_wait3A_197, %dma_wait3A_198] : memref<64x128xf32, #tpu.memory_space<vmem>> -> memref<8x128xf32, #tpu.memory_space<vmem>>
        %dma_wait3A_200 = arith.constant 40 : i32
        %dma_wait3A_201 = tpu.memref_slice %arg2[%dma_wait3A_200, %mul3A_138] : memref<64x1000000xf32, #tpu.memory_space<hbm>> -> memref<8x128xf32, #tpu.memory_space<hbm>>
        tpu.wait_dma2 semaphore(%arg11 : memref<!tpu.dma_semaphore, #tpu.memory_space<semaphore_mem>>) src(%dma_wait3A_201 : memref<8x128xf32, #tpu.memory_space<hbm>>) dst(%dma_wait3A_199 : memref<8x128xf32, #tpu.memory_space<vmem>>)
        %dma_wait3A_202 = arith.constant 48 : i32
        %dma_wait3A_203 = arith.constant 0 : i32
        %dma_wait3A_204 = tpu.memref_slice %arg5[%dma_wait3A_202, %dma_wait3A_203] : memref<64x128xf32, #tpu.memory_space<vmem>> -> memref<8x128xf32, #tpu.memory_space<vmem>>
        %dma_wait3A_205 = arith.constant 48 : i32
        %dma_wait3A_206 = tpu.memref_slice %arg2[%dma_wait3A_205, %mul3A_140] : memref<64x1000000xf32, #tpu.memory_space<hbm>> -> memref<8x128xf32, #tpu.memory_space<hbm>>
        %dma_wait3A_207 = arith.constant 48 : i32
        %dma_wait3A_208 = arith.constant 0 : i32
        %dma_wait3A_209 = tpu.memref_slice %arg5[%dma_wait3A_207, %dma_wait3A_208] : memref<64x128xf32, #tpu.memory_space<vmem>> -> memref<8x128xf32, #tpu.memory_space<vmem>>
        %dma_wait3A_210 = arith.constant 48 : i32
        %dma_wait3A_211 = tpu.memref_slice %arg2[%dma_wait3A_210, %mul3A_140] : memref<64x1000000xf32, #tpu.memory_space<hbm>> -> memref<8x128xf32, #tpu.memory_space<hbm>>
        tpu.wait_dma2 semaphore(%arg11 : memref<!tpu.dma_semaphore, #tpu.memory_space<semaphore_mem>>) src(%dma_wait3A_211 : memref<8x128xf32, #tpu.memory_space<hbm>>) dst(%dma_wait3A_209 : memref<8x128xf32, #tpu.memory_space<vmem>>)
        %dma_wait3A_212 = arith.constant 56 : i32
        %dma_wait3A_213 = arith.constant 0 : i32
        %dma_wait3A_214 = tpu.memref_slice %arg5[%dma_wait3A_212, %dma_wait3A_213] : memref<64x128xf32, #tpu.memory_space<vmem>> -> memref<8x128xf32, #tpu.memory_space<vmem>>
        %dma_wait3A_215 = arith.constant 56 : i32
        %dma_wait3A_216 = tpu.memref_slice %arg2[%dma_wait3A_215, %mul3A_142] : memref<64x1000000xf32, #tpu.memory_space<hbm>> -> memref<8x128xf32, #tpu.memory_space<hbm>>
        %dma_wait3A_217 = arith.constant 56 : i32
        %dma_wait3A_218 = arith.constant 0 : i32
        %dma_wait3A_219 = tpu.memref_slice %arg5[%dma_wait3A_217, %dma_wait3A_218] : memref<64x128xf32, #tpu.memory_space<vmem>> -> memref<8x128xf32, #tpu.memory_space<vmem>>
        %dma_wait3A_220 = arith.constant 56 : i32
        %dma_wait3A_221 = tpu.memref_slice %arg2[%dma_wait3A_220, %mul3A_142] : memref<64x1000000xf32, #tpu.memory_space<hbm>> -> memref<8x128xf32, #tpu.memory_space<hbm>>
        tpu.wait_dma2 semaphore(%arg11 : memref<!tpu.dma_semaphore, #tpu.memory_space<semaphore_mem>>) src(%dma_wait3A_221 : memref<8x128xf32, #tpu.memory_space<hbm>>) dst(%dma_wait3A_219 : memref<8x128xf32, #tpu.memory_space<vmem>>)
        %scan3A_222 = arith.constant 0 : i32
        %scan3A_223 = arith.constant 64 : i32
        %scan3A_224 = arith.addi %scan3A_222, %scan3A_223 : i32
        %scan3A_225 = arith.constant 4 : i32
        scf.for %scan3A_240 = %scan3A_222 to %scan3A_224 step %scan3A_225  : i32 {
          %mul3A_241 = arith.constant 129 : i32
          %mul3A_242 = arith.muli %scan3A_240, %mul3A_241 : i32
          %get3A = arith.index_cast %scan3A_240 : i32 to index
          %get3A_243 = arith.constant 0 : index
          %get3A_244 = tpu.vector_load %arg5[%get3A, %get3A_243] {strides = array<i32>} : memref<64x128xf32, #tpu.memory_space<vmem>>, vector<16xf32>,
          %add3A_245 = arith.constant 0 : i32
          %add3A_246 = arith.addi %mul3A_242, %add3A_245 : i32
          %swap3A = arith.index_cast %add3A_246 : i32 to index
          %swap3A_247 = tpu.vector_load %arg7[%swap3A] {strides = array<i32>} : memref<8256xf32, #tpu.memory_space<vmem>>, vector<16xf32>,
          tpu.vector_store %arg7[%swap3A], %get3A_244 {strides = array<i32>} : memref<8256xf32, #tpu.memory_space<vmem>>, vector<16xf32>,
          %get3A_248 = arith.index_cast %scan3A_240 : i32 to index
          %get3A_249 = arith.constant 16 : index
          %get3A_250 = tpu.vector_load %arg5[%get3A_248, %get3A_249] {strides = array<i32>} : memref<64x128xf32, #tpu.memory_space<vmem>>, vector<16xf32>,
          %add3A_251 = arith.constant 16 : i32
          %add3A_252 = arith.addi %mul3A_242, %add3A_251 : i32
          %swap3A_253 = arith.index_cast %add3A_252 : i32 to index
          %swap3A_254 = tpu.vector_load %arg7[%swap3A_253] {strides = array<i32>} : memref<8256xf32, #tpu.memory_space<vmem>>, vector<16xf32>,
          tpu.vector_store %arg7[%swap3A_253], %get3A_250 {strides = array<i32>} : memref<8256xf32, #tpu.memory_space<vmem>>, vector<16xf32>,
          %get3A_255 = arith.index_cast %scan3A_240 : i32 to index
          %get3A_256 = arith.constant 32 : index
          %get3A_257 = tpu.vector_load %arg5[%get3A_255, %get3A_256] {strides = array<i32>} : memref<64x128xf32, #tpu.memory_space<vmem>>, vector<16xf32>,
          %add3A_258 = arith.constant 32 : i32
          %add3A_259 = arith.addi %mul3A_242, %add3A_258 : i32
          %swap3A_260 = arith.index_cast %add3A_259 : i32 to index
          %swap3A_261 = tpu.vector_load %arg7[%swap3A_260] {strides = array<i32>} : memref<8256xf32, #tpu.memory_space<vmem>>, vector<16xf32>,
          tpu.vector_store %arg7[%swap3A_260], %get3A_257 {strides = array<i32>} : memref<8256xf32, #tpu.memory_space<vmem>>, vector<16xf32>,
          %get3A_262 = arith.index_cast %scan3A_240 : i32 to index
          %get3A_263 = arith.constant 48 : index
          %get3A_264 = tpu.vector_load %arg5[%get3A_262, %get3A_263] {strides = array<i32>} : memref<64x128xf32, #tpu.memory_space<vmem>>, vector<16xf32>,
          %add3A_265 = arith.constant 48 : i32
          %add3A_266 = arith.addi %mul3A_242, %add3A_265 : i32
          %swap3A_267 = arith.index_cast %add3A_266 : i32 to index
          %swap3A_268 = tpu.vector_load %arg7[%swap3A_267] {strides = array<i32>} : memref<8256xf32, #tpu.memory_space<vmem>>, vector<16xf32>,
          tpu.vector_store %arg7[%swap3A_267], %get3A_264 {strides = array<i32>} : memref<8256xf32, #tpu.memory_space<vmem>>, vector<16xf32>,
          %get3A_269 = arith.index_cast %scan3A_240 : i32 to index
          %get3A_270 = arith.constant 64 : index
          %get3A_271 = tpu.vector_load %arg5[%get3A_269, %get3A_270] {strides = array<i32>} : memref<64x128xf32, #tpu.memory_space<vmem>>, vector<16xf32>,
          %add3A_272 = arith.constant 64 : i32
          %add3A_273 = arith.addi %mul3A_242, %add3A_272 : i32
          %swap3A_274 = arith.index_cast %add3A_273 : i32 to index
          %swap3A_275 = tpu.vector_load %arg7[%swap3A_274] {strides = array<i32>} : memref<8256xf32, #tpu.memory_space<vmem>>, vector<16xf32>,
          tpu.vector_store %arg7[%swap3A_274], %get3A_271 {strides = array<i32>} : memref<8256xf32, #tpu.memory_space<vmem>>, vector<16xf32>,
          %get3A_276 = arith.index_cast %scan3A_240 : i32 to index
          %get3A_277 = arith.constant 80 : index
          %get3A_278 = tpu.vector_load %arg5[%get3A_276, %get3A_277] {strides = array<i32>} : memref<64x128xf32, #tpu.memory_space<vmem>>, vector<16xf32>,
          %add3A_279 = arith.constant 80 : i32
          %add3A_280 = arith.addi %mul3A_242, %add3A_279 : i32
          %swap3A_281 = arith.index_cast %add3A_280 : i32 to index
          %swap3A_282 = tpu.vector_load %arg7[%swap3A_281] {strides = array<i32>} : memref<8256xf32, #tpu.memory_space<vmem>>, vector<16xf32>,
          tpu.vector_store %arg7[%swap3A_281], %get3A_278 {strides = array<i32>} : memref<8256xf32, #tpu.memory_space<vmem>>, vector<16xf32>,
          %get3A_283 = arith.index_cast %scan3A_240 : i32 to index
          %get3A_284 = arith.constant 96 : index
          %get3A_285 = tpu.vector_load %arg5[%get3A_283, %get3A_284] {strides = array<i32>} : memref<64x128xf32, #tpu.memory_space<vmem>>, vector<16xf32>,
          %add3A_286 = arith.constant 96 : i32
          %add3A_287 = arith.addi %mul3A_242, %add3A_286 : i32
          %swap3A_288 = arith.index_cast %add3A_287 : i32 to index
          %swap3A_289 = tpu.vector_load %arg7[%swap3A_288] {strides = array<i32>} : memref<8256xf32, #tpu.memory_space<vmem>>, vector<16xf32>,
          tpu.vector_store %arg7[%swap3A_288], %get3A_285 {strides = array<i32>} : memref<8256xf32, #tpu.memory_space<vmem>>, vector<16xf32>,
          %get3A_290 = arith.index_cast %scan3A_240 : i32 to index
          %get3A_291 = arith.constant 112 : index
          %get3A_292 = tpu.vector_load %arg5[%get3A_290, %get3A_291] {strides = array<i32>} : memref<64x128xf32, #tpu.memory_space<vmem>>, vector<16xf32>,
          %add3A_293 = arith.constant 112 : i32
          %add3A_294 = arith.addi %mul3A_242, %add3A_293 : i32
          %swap3A_295 = arith.index_cast %add3A_294 : i32 to index
          %swap3A_296 = tpu.vector_load %arg7[%swap3A_295] {strides = array<i32>} : memref<8256xf32, #tpu.memory_space<vmem>>, vector<16xf32>,
          tpu.vector_store %arg7[%swap3A_295], %get3A_292 {strides = array<i32>} : memref<8256xf32, #tpu.memory_space<vmem>>, vector<16xf32>,
          %scan3A_297 = arith.constant 1 : i32
          %scan3A_298 = arith.addi %scan3A_240, %scan3A_297 : i32
          %mul3A_299 = arith.constant 129 : i32
          %mul3A_300 = arith.muli %scan3A_298, %mul3A_299 : i32
          %get3A_301 = arith.index_cast %scan3A_298 : i32 to index
          %get3A_302 = arith.constant 0 : index
          %get3A_303 = tpu.vector_load %arg5[%get3A_301, %get3A_302] {strides = array<i32>} : memref<64x128xf32, #tpu.memory_space<vmem>>, vector<16xf32>,
          %add3A_304 = arith.constant 0 : i32
          %add3A_305 = arith.addi %mul3A_300, %add3A_304 : i32
          %swap3A_306 = arith.index_cast %add3A_305 : i32 to index
          %swap3A_307 = tpu.vector_load %arg7[%swap3A_306] {strides = array<i32>} : memref<8256xf32, #tpu.memory_space<vmem>>, vector<16xf32>,
          tpu.vector_store %arg7[%swap3A_306], %get3A_303 {strides = array<i32>} : memref<8256xf32, #tpu.memory_space<vmem>>, vector<16xf32>,
          %get3A_308 = arith.index_cast %scan3A_298 : i32 to index
          %get3A_309 = arith.constant 16 : index
          %get3A_310 = tpu.vector_load %arg5[%get3A_308, %get3A_309] {strides = array<i32>} : memref<64x128xf32, #tpu.memory_space<vmem>>, vector<16xf32>,
          %add3A_311 = arith.constant 16 : i32
          %add3A_312 = arith.addi %mul3A_300, %add3A_311 : i32
          %swap3A_313 = arith.index_cast %add3A_312 : i32 to index
          %swap3A_314 = tpu.vector_load %arg7[%swap3A_313] {strides = array<i32>} : memref<8256xf32, #tpu.memory_space<vmem>>, vector<16xf32>,
          tpu.vector_store %arg7[%swap3A_313], %get3A_310 {strides = array<i32>} : memref<8256xf32, #tpu.memory_space<vmem>>, vector<16xf32>,
          %get3A_315 = arith.index_cast %scan3A_298 : i32 to index
          %get3A_316 = arith.constant 32 : index
          %get3A_317 = tpu.vector_load %arg5[%get3A_315, %get3A_316] {strides = array<i32>} : memref<64x128xf32, #tpu.memory_space<vmem>>, vector<16xf32>,
          %add3A_318 = arith.constant 32 : i32
          %add3A_319 = arith.addi %mul3A_300, %add3A_318 : i32
          %swap3A_320 = arith.index_cast %add3A_319 : i32 to index
          %swap3A_321 = tpu.vector_load %arg7[%swap3A_320] {strides = array<i32>} : memref<8256xf32, #tpu.memory_space<vmem>>, vector<16xf32>,
          tpu.vector_store %arg7[%swap3A_320], %get3A_317 {strides = array<i32>} : memref<8256xf32, #tpu.memory_space<vmem>>, vector<16xf32>,
          %get3A_322 = arith.index_cast %scan3A_298 : i32 to index
          %get3A_323 = arith.constant 48 : index
          %get3A_324 = tpu.vector_load %arg5[%get3A_322, %get3A_323] {strides = array<i32>} : memref<64x128xf32, #tpu.memory_space<vmem>>, vector<16xf32>,
          %add3A_325 = arith.constant 48 : i32
          %add3A_326 = arith.addi %mul3A_300, %add3A_325 : i32
          %swap3A_327 = arith.index_cast %add3A_326 : i32 to index
          %swap3A_328 = tpu.vector_load %arg7[%swap3A_327] {strides = array<i32>} : memref<8256xf32, #tpu.memory_space<vmem>>, vector<16xf32>,
          tpu.vector_store %arg7[%swap3A_327], %get3A_324 {strides = array<i32>} : memref<8256xf32, #tpu.memory_space<vmem>>, vector<16xf32>,
          %get3A_329 = arith.index_cast %scan3A_298 : i32 to index
          %get3A_330 = arith.constant 64 : index
          %get3A_331 = tpu.vector_load %arg5[%get3A_329, %get3A_330] {strides = array<i32>} : memref<64x128xf32, #tpu.memory_space<vmem>>, vector<16xf32>,
          %add3A_332 = arith.constant 64 : i32
          %add3A_333 = arith.addi %mul3A_300, %add3A_332 : i32
          %swap3A_334 = arith.index_cast %add3A_333 : i32 to index
          %swap3A_335 = tpu.vector_load %arg7[%swap3A_334] {strides = array<i32>} : memref<8256xf32, #tpu.memory_space<vmem>>, vector<16xf32>,
          tpu.vector_store %arg7[%swap3A_334], %get3A_331 {strides = array<i32>} : memref<8256xf32, #tpu.memory_space<vmem>>, vector<16xf32>,
          %get3A_336 = arith.index_cast %scan3A_298 : i32 to index
          %get3A_337 = arith.constant 80 : index
          %get3A_338 = tpu.vector_load %arg5[%get3A_336, %get3A_337] {strides = array<i32>} : memref<64x128xf32, #tpu.memory_space<vmem>>, vector<16xf32>,
          %add3A_339 = arith.constant 80 : i32
          %add3A_340 = arith.addi %mul3A_300, %add3A_339 : i32
          %swap3A_341 = arith.index_cast %add3A_340 : i32 to index
          %swap3A_342 = tpu.vector_load %arg7[%swap3A_341] {strides = array<i32>} : memref<8256xf32, #tpu.memory_space<vmem>>, vector<16xf32>,
          tpu.vector_store %arg7[%swap3A_341], %get3A_338 {strides = array<i32>} : memref<8256xf32, #tpu.memory_space<vmem>>, vector<16xf32>,
          %get3A_343 = arith.index_cast %scan3A_298 : i32 to index
          %get3A_344 = arith.constant 96 : index
          %get3A_345 = tpu.vector_load %arg5[%get3A_343, %get3A_344] {strides = array<i32>} : memref<64x128xf32, #tpu.memory_space<vmem>>, vector<16xf32>,
          %add3A_346 = arith.constant 96 : i32
          %add3A_347 = arith.addi %mul3A_300, %add3A_346 : i32
          %swap3A_348 = arith.index_cast %add3A_347 : i32 to index
          %swap3A_349 = tpu.vector_load %arg7[%swap3A_348] {strides = array<i32>} : memref<8256xf32, #tpu.memory_space<vmem>>, vector<16xf32>,
          tpu.vector_store %arg7[%swap3A_348], %get3A_345 {strides = array<i32>} : memref<8256xf32, #tpu.memory_space<vmem>>, vector<16xf32>,
          %get3A_350 = arith.index_cast %scan3A_298 : i32 to index
          %get3A_351 = arith.constant 112 : index
          %get3A_352 = tpu.vector_load %arg5[%get3A_350, %get3A_351] {strides = array<i32>} : memref<64x128xf32, #tpu.memory_space<vmem>>, vector<16xf32>,
          %add3A_353 = arith.constant 112 : i32
          %add3A_354 = arith.addi %mul3A_300, %add3A_353 : i32
          %swap3A_355 = arith.index_cast %add3A_354 : i32 to index
          %swap3A_356 = tpu.vector_load %arg7[%swap3A_355] {strides = array<i32>} : memref<8256xf32, #tpu.memory_space<vmem>>, vector<16xf32>,
          tpu.vector_store %arg7[%swap3A_355], %get3A_352 {strides = array<i32>} : memref<8256xf32, #tpu.memory_space<vmem>>, vector<16xf32>,
          %scan3A_357 = arith.constant 2 : i32
          %scan3A_358 = arith.addi %scan3A_240, %scan3A_357 : i32
          %mul3A_359 = arith.constant 129 : i32
          %mul3A_360 = arith.muli %scan3A_358, %mul3A_359 : i32
          %get3A_361 = arith.index_cast %scan3A_358 : i32 to index
          %get3A_362 = arith.constant 0 : index
          %get3A_363 = tpu.vector_load %arg5[%get3A_361, %get3A_362] {strides = array<i32>} : memref<64x128xf32, #tpu.memory_space<vmem>>, vector<16xf32>,
          %add3A_364 = arith.constant 0 : i32
          %add3A_365 = arith.addi %mul3A_360, %add3A_364 : i32
          %swap3A_366 = arith.index_cast %add3A_365 : i32 to index
          %swap3A_367 = tpu.vector_load %arg7[%swap3A_366] {strides = array<i32>} : memref<8256xf32, #tpu.memory_space<vmem>>, vector<16xf32>,
          tpu.vector_store %arg7[%swap3A_366], %get3A_363 {strides = array<i32>} : memref<8256xf32, #tpu.memory_space<vmem>>, vector<16xf32>,
          %get3A_368 = arith.index_cast %scan3A_358 : i32 to index
          %get3A_369 = arith.constant 16 : index
          %get3A_370 = tpu.vector_load %arg5[%get3A_368, %get3A_369] {strides = array<i32>} : memref<64x128xf32, #tpu.memory_space<vmem>>, vector<16xf32>,
          %add3A_371 = arith.constant 16 : i32
          %add3A_372 = arith.addi %mul3A_360, %add3A_371 : i32
          %swap3A_373 = arith.index_cast %add3A_372 : i32 to index
          %swap3A_374 = tpu.vector_load %arg7[%swap3A_373] {strides = array<i32>} : memref<8256xf32, #tpu.memory_space<vmem>>, vector<16xf32>,
          tpu.vector_store %arg7[%swap3A_373], %get3A_370 {strides = array<i32>} : memref<8256xf32, #tpu.memory_space<vmem>>, vector<16xf32>,
          %get3A_375 = arith.index_cast %scan3A_358 : i32 to index
          %get3A_376 = arith.constant 32 : index
          %get3A_377 = tpu.vector_load %arg5[%get3A_375, %get3A_376] {strides = array<i32>} : memref<64x128xf32, #tpu.memory_space<vmem>>, vector<16xf32>,
          %add3A_378 = arith.constant 32 : i32
          %add3A_379 = arith.addi %mul3A_360, %add3A_378 : i32
          %swap3A_380 = arith.index_cast %add3A_379 : i32 to index
          %swap3A_381 = tpu.vector_load %arg7[%swap3A_380] {strides = array<i32>} : memref<8256xf32, #tpu.memory_space<vmem>>, vector<16xf32>,
          tpu.vector_store %arg7[%swap3A_380], %get3A_377 {strides = array<i32>} : memref<8256xf32, #tpu.memory_space<vmem>>, vector<16xf32>,
          %get3A_382 = arith.index_cast %scan3A_358 : i32 to index
          %get3A_383 = arith.constant 48 : index
          %get3A_384 = tpu.vector_load %arg5[%get3A_382, %get3A_383] {strides = array<i32>} : memref<64x128xf32, #tpu.memory_space<vmem>>, vector<16xf32>,
          %add3A_385 = arith.constant 48 : i32
          %add3A_386 = arith.addi %mul3A_360, %add3A_385 : i32
          %swap3A_387 = arith.index_cast %add3A_386 : i32 to index
          %swap3A_388 = tpu.vector_load %arg7[%swap3A_387] {strides = array<i32>} : memref<8256xf32, #tpu.memory_space<vmem>>, vector<16xf32>,
          tpu.vector_store %arg7[%swap3A_387], %get3A_384 {strides = array<i32>} : memref<8256xf32, #tpu.memory_space<vmem>>, vector<16xf32>,
          %get3A_389 = arith.index_cast %scan3A_358 : i32 to index
          %get3A_390 = arith.constant 64 : index
          %get3A_391 = tpu.vector_load %arg5[%get3A_389, %get3A_390] {strides = array<i32>} : memref<64x128xf32, #tpu.memory_space<vmem>>, vector<16xf32>,
          %add3A_392 = arith.constant 64 : i32
          %add3A_393 = arith.addi %mul3A_360, %add3A_392 : i32
          %swap3A_394 = arith.index_cast %add3A_393 : i32 to index
          %swap3A_395 = tpu.vector_load %arg7[%swap3A_394] {strides = array<i32>} : memref<8256xf32, #tpu.memory_space<vmem>>, vector<16xf32>,
          tpu.vector_store %arg7[%swap3A_394], %get3A_391 {strides = array<i32>} : memref<8256xf32, #tpu.memory_space<vmem>>, vector<16xf32>,
          %get3A_396 = arith.index_cast %scan3A_358 : i32 to index
          %get3A_397 = arith.constant 80 : index
          %get3A_398 = tpu.vector_load %arg5[%get3A_396, %get3A_397] {strides = array<i32>} : memref<64x128xf32, #tpu.memory_space<vmem>>, vector<16xf32>,
          %add3A_399 = arith.constant 80 : i32
          %add3A_400 = arith.addi %mul3A_360, %add3A_399 : i32
          %swap3A_401 = arith.index_cast %add3A_400 : i32 to index
          %swap3A_402 = tpu.vector_load %arg7[%swap3A_401] {strides = array<i32>} : memref<8256xf32, #tpu.memory_space<vmem>>, vector<16xf32>,
          tpu.vector_store %arg7[%swap3A_401], %get3A_398 {strides = array<i32>} : memref<8256xf32, #tpu.memory_space<vmem>>, vector<16xf32>,
          %get3A_403 = arith.index_cast %scan3A_358 : i32 to index
          %get3A_404 = arith.constant 96 : index
          %get3A_405 = tpu.vector_load %arg5[%get3A_403, %get3A_404] {strides = array<i32>} : memref<64x128xf32, #tpu.memory_space<vmem>>, vector<16xf32>,
          %add3A_406 = arith.constant 96 : i32
          %add3A_407 = arith.addi %mul3A_360, %add3A_406 : i32
          %swap3A_408 = arith.index_cast %add3A_407 : i32 to index
          %swap3A_409 = tpu.vector_load %arg7[%swap3A_408] {strides = array<i32>} : memref<8256xf32, #tpu.memory_space<vmem>>, vector<16xf32>,
          tpu.vector_store %arg7[%swap3A_408], %get3A_405 {strides = array<i32>} : memref<8256xf32, #tpu.memory_space<vmem>>, vector<16xf32>,
          %get3A_410 = arith.index_cast %scan3A_358 : i32 to index
          %get3A_411 = arith.constant 112 : index
          %get3A_412 = tpu.vector_load %arg5[%get3A_410, %get3A_411] {strides = array<i32>} : memref<64x128xf32, #tpu.memory_space<vmem>>, vector<16xf32>,
          %add3A_413 = arith.constant 112 : i32
          %add3A_414 = arith.addi %mul3A_360, %add3A_413 : i32
          %swap3A_415 = arith.index_cast %add3A_414 : i32 to index
          %swap3A_416 = tpu.vector_load %arg7[%swap3A_415] {strides = array<i32>} : memref<8256xf32, #tpu.memory_space<vmem>>, vector<16xf32>,
          tpu.vector_store %arg7[%swap3A_415], %get3A_412 {strides = array<i32>} : memref<8256xf32, #tpu.memory_space<vmem>>, vector<16xf32>,
          %scan3A_417 = arith.constant 3 : i32
          %scan3A_418 = arith.addi %scan3A_240, %scan3A_417 : i32
          %mul3A_419 = arith.constant 129 : i32
          %mul3A_420 = arith.muli %scan3A_418, %mul3A_419 : i32
          %get3A_421 = arith.index_cast %scan3A_418 : i32 to index
          %get3A_422 = arith.constant 0 : index
          %get3A_423 = tpu.vector_load %arg5[%get3A_421, %get3A_422] {strides = array<i32>} : memref<64x128xf32, #tpu.memory_space<vmem>>, vector<16xf32>,
          %add3A_424 = arith.constant 0 : i32
          %add3A_425 = arith.addi %mul3A_420, %add3A_424 : i32
          %swap3A_426 = arith.index_cast %add3A_425 : i32 to index
          %swap3A_427 = tpu.vector_load %arg7[%swap3A_426] {strides = array<i32>} : memref<8256xf32, #tpu.memory_space<vmem>>, vector<16xf32>,
          tpu.vector_store %arg7[%swap3A_426], %get3A_423 {strides = array<i32>} : memref<8256xf32, #tpu.memory_space<vmem>>, vector<16xf32>,
          %get3A_428 = arith.index_cast %scan3A_418 : i32 to index
          %get3A_429 = arith.constant 16 : index
          %get3A_430 = tpu.vector_load %arg5[%get3A_428, %get3A_429] {strides = array<i32>} : memref<64x128xf32, #tpu.memory_space<vmem>>, vector<16xf32>,
          %add3A_431 = arith.constant 16 : i32
          %add3A_432 = arith.addi %mul3A_420, %add3A_431 : i32
          %swap3A_433 = arith.index_cast %add3A_432 : i32 to index
          %swap3A_434 = tpu.vector_load %arg7[%swap3A_433] {strides = array<i32>} : memref<8256xf32, #tpu.memory_space<vmem>>, vector<16xf32>,
          tpu.vector_store %arg7[%swap3A_433], %get3A_430 {strides = array<i32>} : memref<8256xf32, #tpu.memory_space<vmem>>, vector<16xf32>,
          %get3A_435 = arith.index_cast %scan3A_418 : i32 to index
          %get3A_436 = arith.constant 32 : index
          %get3A_437 = tpu.vector_load %arg5[%get3A_435, %get3A_436] {strides = array<i32>} : memref<64x128xf32, #tpu.memory_space<vmem>>, vector<16xf32>,
          %add3A_438 = arith.constant 32 : i32
          %add3A_439 = arith.addi %mul3A_420, %add3A_438 : i32
          %swap3A_440 = arith.index_cast %add3A_439 : i32 to index
          %swap3A_441 = tpu.vector_load %arg7[%swap3A_440] {strides = array<i32>} : memref<8256xf32, #tpu.memory_space<vmem>>, vector<16xf32>,
          tpu.vector_store %arg7[%swap3A_440], %get3A_437 {strides = array<i32>} : memref<8256xf32, #tpu.memory_space<vmem>>, vector<16xf32>,
          %get3A_442 = arith.index_cast %scan3A_418 : i32 to index
          %get3A_443 = arith.constant 48 : index
          %get3A_444 = tpu.vector_load %arg5[%get3A_442, %get3A_443] {strides = array<i32>} : memref<64x128xf32, #tpu.memory_space<vmem>>, vector<16xf32>,
          %add3A_445 = arith.constant 48 : i32
          %add3A_446 = arith.addi %mul3A_420, %add3A_445 : i32
          %swap3A_447 = arith.index_cast %add3A_446 : i32 to index
          %swap3A_448 = tpu.vector_load %arg7[%swap3A_447] {strides = array<i32>} : memref<8256xf32, #tpu.memory_space<vmem>>, vector<16xf32>,
          tpu.vector_store %arg7[%swap3A_447], %get3A_444 {strides = array<i32>} : memref<8256xf32, #tpu.memory_space<vmem>>, vector<16xf32>,
          %get3A_449 = arith.index_cast %scan3A_418 : i32 to index
          %get3A_450 = arith.constant 64 : index
          %get3A_451 = tpu.vector_load %arg5[%get3A_449, %get3A_450] {strides = array<i32>} : memref<64x128xf32, #tpu.memory_space<vmem>>, vector<16xf32>,
          %add3A_452 = arith.constant 64 : i32
          %add3A_453 = arith.addi %mul3A_420, %add3A_452 : i32
          %swap3A_454 = arith.index_cast %add3A_453 : i32 to index
          %swap3A_455 = tpu.vector_load %arg7[%swap3A_454] {strides = array<i32>} : memref<8256xf32, #tpu.memory_space<vmem>>, vector<16xf32>,
          tpu.vector_store %arg7[%swap3A_454], %get3A_451 {strides = array<i32>} : memref<8256xf32, #tpu.memory_space<vmem>>, vector<16xf32>,
          %get3A_456 = arith.index_cast %scan3A_418 : i32 to index
          %get3A_457 = arith.constant 80 : index
          %get3A_458 = tpu.vector_load %arg5[%get3A_456, %get3A_457] {strides = array<i32>} : memref<64x128xf32, #tpu.memory_space<vmem>>, vector<16xf32>,
          %add3A_459 = arith.constant 80 : i32
          %add3A_460 = arith.addi %mul3A_420, %add3A_459 : i32
          %swap3A_461 = arith.index_cast %add3A_460 : i32 to index
          %swap3A_462 = tpu.vector_load %arg7[%swap3A_461] {strides = array<i32>} : memref<8256xf32, #tpu.memory_space<vmem>>, vector<16xf32>,
          tpu.vector_store %arg7[%swap3A_461], %get3A_458 {strides = array<i32>} : memref<8256xf32, #tpu.memory_space<vmem>>, vector<16xf32>,
          %get3A_463 = arith.index_cast %scan3A_418 : i32 to index
          %get3A_464 = arith.constant 96 : index
          %get3A_465 = tpu.vector_load %arg5[%get3A_463, %get3A_464] {strides = array<i32>} : memref<64x128xf32, #tpu.memory_space<vmem>>, vector<16xf32>,
          %add3A_466 = arith.constant 96 : i32
          %add3A_467 = arith.addi %mul3A_420, %add3A_466 : i32
          %swap3A_468 = arith.index_cast %add3A_467 : i32 to index
          %swap3A_469 = tpu.vector_load %arg7[%swap3A_468] {strides = array<i32>} : memref<8256xf32, #tpu.memory_space<vmem>>, vector<16xf32>,
          tpu.vector_store %arg7[%swap3A_468], %get3A_465 {strides = array<i32>} : memref<8256xf32, #tpu.memory_space<vmem>>, vector<16xf32>,
          %get3A_470 = arith.index_cast %scan3A_418 : i32 to index
          %get3A_471 = arith.constant 112 : index
          %get3A_472 = tpu.vector_load %arg5[%get3A_470, %get3A_471] {strides = array<i32>} : memref<64x128xf32, #tpu.memory_space<vmem>>, vector<16xf32>,
          %add3A_473 = arith.constant 112 : i32
          %add3A_474 = arith.addi %mul3A_420, %add3A_473 : i32
          %swap3A_475 = arith.index_cast %add3A_474 : i32 to index
          %swap3A_476 = tpu.vector_load %arg7[%swap3A_475] {strides = array<i32>} : memref<8256xf32, #tpu.memory_space<vmem>>, vector<16xf32>,
          tpu.vector_store %arg7[%swap3A_475], %get3A_472 {strides = array<i32>} : memref<8256xf32, #tpu.memory_space<vmem>>, vector<16xf32>,
        }
        %scan3A_226 = arith.constant 64 : i32
        %scan3A_227 = arith.constant 0 : i32
        %scan3A_228 = arith.constant 128 : i32
        %scan3A_229 = arith.addi %scan3A_227, %scan3A_228 : i32
        %scan3A_230 = arith.constant 2 : i32
        scf.for %scan3A_240 = %scan3A_227 to %scan3A_229 step %scan3A_230  : i32 {
          %mul3A_241 = arith.constant 80 : i32
          %mul3A_242 = arith.muli %scan3A_240, %mul3A_241 : i32
          %add3A_243 = vector.broadcast %scan3A_240 : i32 to vector<16xi32>
          %add3A_244 = arith.addi %mul3A_10, %add3A_243 : vector<16xi32>
          %gather3A = tpu.vector_load_idx %arg7[%add3A_244] : memref<8256xf32, #tpu.memory_space<vmem>>[vector<16xi32>], vector<16xf32>,
          %add3A_245 = arith.constant 0 : i32
          %add3A_246 = arith.addi %mul3A_242, %add3A_245 : i32
          %swap3A = arith.index_cast %add3A_246 : i32 to index
          %swap3A_247 = tpu.vector_load %arg8[%swap3A] {strides = array<i32>} : memref<10240xf32, #tpu.memory_space<vmem>>, vector<16xf32>,
          tpu.vector_store %arg8[%swap3A], %gather3A {strides = array<i32>} : memref<10240xf32, #tpu.memory_space<vmem>>, vector<16xf32>,
          %add3A_248 = vector.broadcast %scan3A_240 : i32 to vector<16xi32>
          %add3A_249 = arith.addi %mul3A_17, %add3A_248 : vector<16xi32>
          %gather3A_250 = tpu.vector_load_idx %arg7[%add3A_249] : memref<8256xf32, #tpu.memory_space<vmem>>[vector<16xi32>], vector<16xf32>,
          %add3A_251 = arith.constant 16 : i32
          %add3A_252 = arith.addi %mul3A_242, %add3A_251 : i32
          %swap3A_253 = arith.index_cast %add3A_252 : i32 to index
          %swap3A_254 = tpu.vector_load %arg8[%swap3A_253] {strides = array<i32>} : memref<10240xf32, #tpu.memory_space<vmem>>, vector<16xf32>,
          tpu.vector_store %arg8[%swap3A_253], %gather3A_250 {strides = array<i32>} : memref<10240xf32, #tpu.memory_space<vmem>>, vector<16xf32>,
          %add3A_255 = vector.broadcast %scan3A_240 : i32 to vector<16xi32>
          %add3A_256 = arith.addi %mul3A_24, %add3A_255 : vector<16xi32>
          %gather3A_257 = tpu.vector_load_idx %arg7[%add3A_256] : memref<8256xf32, #tpu.memory_space<vmem>>[vector<16xi32>], vector<16xf32>,
          %add3A_258 = arith.constant 32 : i32
          %add3A_259 = arith.addi %mul3A_242, %add3A_258 : i32
          %swap3A_260 = arith.index_cast %add3A_259 : i32 to index
          %swap3A_261 = tpu.vector_load %arg8[%swap3A_260] {strides = array<i32>} : memref<10240xf32, #tpu.memory_space<vmem>>, vector<16xf32>,
          tpu.vector_store %arg8[%swap3A_260], %gather3A_257 {strides = array<i32>} : memref<10240xf32, #tpu.memory_space<vmem>>, vector<16xf32>,
          %add3A_262 = vector.broadcast %scan3A_240 : i32 to vector<16xi32>
          %add3A_263 = arith.addi %mul3A_31, %add3A_262 : vector<16xi32>
          %gather3A_264 = tpu.vector_load_idx %arg7[%add3A_263] : memref<8256xf32, #tpu.memory_space<vmem>>[vector<16xi32>], vector<16xf32>,
          %add3A_265 = arith.constant 48 : i32
          %add3A_266 = arith.addi %mul3A_242, %add3A_265 : i32
          %swap3A_267 = arith.index_cast %add3A_266 : i32 to index
          %swap3A_268 = tpu.vector_load %arg8[%swap3A_267] {strides = array<i32>} : memref<10240xf32, #tpu.memory_space<vmem>>, vector<16xf32>,
          tpu.vector_store %arg8[%swap3A_267], %gather3A_264 {strides = array<i32>} : memref<10240xf32, #tpu.memory_space<vmem>>, vector<16xf32>,
          %scan3A_269 = arith.constant 1 : i32
          %scan3A_270 = arith.addi %scan3A_240, %scan3A_269 : i32
          %mul3A_271 = arith.constant 80 : i32
          %mul3A_272 = arith.muli %scan3A_270, %mul3A_271 : i32
          %add3A_273 = vector.broadcast %scan3A_270 : i32 to vector<16xi32>
          %add3A_274 = arith.addi %mul3A_10, %add3A_273 : vector<16xi32>
          %gather3A_275 = tpu.vector_load_idx %arg7[%add3A_274] : memref<8256xf32, #tpu.memory_space<vmem>>[vector<16xi32>], vector<16xf32>,
          %add3A_276 = arith.constant 0 : i32
          %add3A_277 = arith.addi %mul3A_272, %add3A_276 : i32
          %swap3A_278 = arith.index_cast %add3A_277 : i32 to index
          %swap3A_279 = tpu.vector_load %arg8[%swap3A_278] {strides = array<i32>} : memref<10240xf32, #tpu.memory_space<vmem>>, vector<16xf32>,
          tpu.vector_store %arg8[%swap3A_278], %gather3A_275 {strides = array<i32>} : memref<10240xf32, #tpu.memory_space<vmem>>, vector<16xf32>,
          %add3A_280 = vector.broadcast %scan3A_270 : i32 to vector<16xi32>
          %add3A_281 = arith.addi %mul3A_17, %add3A_280 : vector<16xi32>
          %gather3A_282 = tpu.vector_load_idx %arg7[%add3A_281] : memref<8256xf32, #tpu.memory_space<vmem>>[vector<16xi32>], vector<16xf32>,
          %add3A_283 = arith.constant 16 : i32
          %add3A_284 = arith.addi %mul3A_272, %add3A_283 : i32
          %swap3A_285 = arith.index_cast %add3A_284 : i32 to index
          %swap3A_286 = tpu.vector_load %arg8[%swap3A_285] {strides = array<i32>} : memref<10240xf32, #tpu.memory_space<vmem>>, vector<16xf32>,
          tpu.vector_store %arg8[%swap3A_285], %gather3A_282 {strides = array<i32>} : memref<10240xf32, #tpu.memory_space<vmem>>, vector<16xf32>,
          %add3A_287 = vector.broadcast %scan3A_270 : i32 to vector<16xi32>
          %add3A_288 = arith.addi %mul3A_24, %add3A_287 : vector<16xi32>
          %gather3A_289 = tpu.vector_load_idx %arg7[%add3A_288] : memref<8256xf32, #tpu.memory_space<vmem>>[vector<16xi32>], vector<16xf32>,
          %add3A_290 = arith.constant 32 : i32
          %add3A_291 = arith.addi %mul3A_272, %add3A_290 : i32
          %swap3A_292 = arith.index_cast %add3A_291 : i32 to index
          %swap3A_293 = tpu.vector_load %arg8[%swap3A_292] {strides = array<i32>} : memref<10240xf32, #tpu.memory_space<vmem>>, vector<16xf32>,
          tpu.vector_store %arg8[%swap3A_292], %gather3A_289 {strides = array<i32>} : memref<10240xf32, #tpu.memory_space<vmem>>, vector<16xf32>,
          %add3A_294 = vector.broadcast %scan3A_270 : i32 to vector<16xi32>
          %add3A_295 = arith.addi %mul3A_31, %add3A_294 : vector<16xi32>
          %gather3A_296 = tpu.vector_load_idx %arg7[%add3A_295] : memref<8256xf32, #tpu.memory_space<vmem>>[vector<16xi32>], vector<16xf32>,
          %add3A_297 = arith.constant 48 : i32
          %add3A_298 = arith.addi %mul3A_272, %add3A_297 : i32
          %swap3A_299 = arith.index_cast %add3A_298 : i32 to index
          %swap3A_300 = tpu.vector_load %arg8[%swap3A_299] {strides = array<i32>} : memref<10240xf32, #tpu.memory_space<vmem>>, vector<16xf32>,
          tpu.vector_store %arg8[%swap3A_299], %gather3A_296 {strides = array<i32>} : memref<10240xf32, #tpu.memory_space<vmem>>, vector<16xf32>,
        }
        %scan3A_231 = arith.constant 128 : i32
        %mul3A_232 = arith.constant 32 : i32
        %mul3A_233 = arith.muli %mul3A_79, %mul3A_232 : i32
        %add3A_234 = arith.addi %mul3A_233, %add3A : i32
        %mul3A_235 = arith.constant 128 : i32
        %mul3A_236 = arith.muli %add3A_234, %mul3A_235 : i32
        %mul3A_237 = arith.constant 80 : i32
        %mul3A_238 = arith.muli %mul3A_236, %mul3A_237 : i32
        %dma_start3A = tpu.memref_slice %arg4[%mul3A_238] : memref<80000000xf32, #tpu.memory_space<hbm>> -> memref<10240xf32, #tpu.memory_space<hbm>>
        %dma_start3A_239 = tpu.memref_slice %arg4[%mul3A_238] : memref<80000000xf32, #tpu.memory_space<hbm>> -> memref<10240xf32, #tpu.memory_space<hbm>>
        tpu.enqueue_dma source(%arg8 : memref<10240xf32, #tpu.memory_space<vmem>>) target(%dma_start3A_239 : memref<10240xf32, #tpu.memory_space<hbm>>) target_semaphore(%arg13 : memref<!tpu.dma_semaphore, #tpu.memory_space<semaphore_mem>>)
      } else {
      }
      %mul3A_98 = arith.constant 2 : i32
      %mul3A_99 = arith.muli %mul3A_98, %scan3A_77 : i32
      %add3A_100 = arith.constant 1 : i32
      %add3A_101 = arith.addi %mul3A_99, %add3A_100 : i32
      %add3A_102 = arith.constant 1 : i32
      %add3A_103 = arith.addi %add3A_101, %add3A_102 : i32
      %mul3A_104 = arith.constant 32 : i32
      %mul3A_105 = arith.muli %add3A_103, %mul3A_104 : i32
      %add3A_106 = arith.addi %mul3A_105, %add3A : i32
      %lt3A_107 = arith.constant 7812 : i32
      %lt3A_108 = arith.cmpi slt, %add3A_106, %lt3A_107 : i32
      %convert_element_type3A_109 = arith.extui %lt3A_108 : i1 to i32
      %cond3A_110 = arith.constant 0 : i32
      %cond3A_111 = arith.cmpi ne, %convert_element_type3A_109, %cond3A_110 : i32
      scf.if %cond3A_111 {
        %add3A_120 = arith.constant 1 : i32
        %add3A_121 = arith.addi %add3A_101, %add3A_120 : i32
        %mul3A_122 = arith.constant 32 : i32
        %mul3A_123 = arith.muli %add3A_121, %mul3A_122 : i32
        %add3A_124 = arith.addi %mul3A_123, %add3A : i32
        %mul3A_125 = arith.constant 128 : i32
        %mul3A_126 = arith.muli %add3A_124, %mul3A_125 : i32
        %mul3A_127 = arith.constant 128 : i32
        %mul3A_128 = arith.muli %add3A_124, %mul3A_127 : i32
        %mul3A_129 = arith.constant 128 : i32
        %mul3A_130 = arith.muli %add3A_124, %mul3A_129 : i32
        %mul3A_131 = arith.constant 128 : i32
        %mul3A_132 = arith.muli %add3A_124, %mul3A_131 : i32
        %mul3A_133 = arith.constant 128 : i32
        %mul3A_134 = arith.muli %add3A_124, %mul3A_133 : i32
        %mul3A_135 = arith.constant 128 : i32
        %mul3A_136 = arith.muli %add3A_124, %mul3A_135 : i32
        %mul3A_137 = arith.constant 128 : i32
        %mul3A_138 = arith.muli %add3A_124, %mul3A_137 : i32
        %mul3A_139 = arith.constant 128 : i32
        %mul3A_140 = arith.muli %add3A_124, %mul3A_139 : i32
        %dma_start3A = arith.constant 0 : i32
        %dma_start3A_141 = arith.constant 0 : i32
        %dma_start3A_142 = tpu.memref_slice %arg5[%dma_start3A, %dma_start3A_141] : memref<64x128xf32, #tpu.memory_space<vmem>> -> memref<8x128xf32, #tpu.memory_space<vmem>>
        %dma_start3A_143 = arith.constant 0 : i32
        %dma_start3A_144 = tpu.memref_slice %arg2[%dma_start3A_143, %mul3A_126] : memref<64x1000000xf32, #tpu.memory_space<hbm>> -> memref<8x128xf32, #tpu.memory_space<hbm>>
        %dma_start3A_145 = arith.constant 0 : i32
        %dma_start3A_146 = arith.constant 0 : i32
        %dma_start3A_147 = tpu.memref_slice %arg5[%dma_start3A_145, %dma_start3A_146] : memref<64x128xf32, #tpu.memory_space<vmem>> -> memref<8x128xf32, #tpu.memory_space<vmem>>
        %dma_start3A_148 = arith.constant 0 : i32
        %dma_start3A_149 = tpu.memref_slice %arg2[%dma_start3A_148, %mul3A_126] : memref<64x1000000xf32, #tpu.memory_space<hbm>> -> memref<8x128xf32, #tpu.memory_space<hbm>>
        tpu.enqueue_dma source(%dma_start3A_149 : memref<8x128xf32, #tpu.memory_space<hbm>>) target(%dma_start3A_147 : memref<8x128xf32, #tpu.memory_space<vmem>>) target_semaphore(%arg11 : memref<!tpu.dma_semaphore, #tpu.memory_space<semaphore_mem>>)
        %dma_start3A_150 = arith.constant 8 : i32
        %dma_start3A_151 = arith.constant 0 : i32
        %dma_start3A_152 = tpu.memref_slice %arg5[%dma_start3A_150, %dma_start3A_151] : memref<64x128xf32, #tpu.memory_space<vmem>> -> memref<8x128xf32, #tpu.memory_space<vmem>>
        %dma_start3A_153 = arith.constant 8 : i32
        %dma_start3A_154 = tpu.memref_slice %arg2[%dma_start3A_153, %mul3A_128] : memref<64x1000000xf32, #tpu.memory_space<hbm>> -> memref<8x128xf32, #tpu.memory_space<hbm>>
        %dma_start3A_155 = arith.constant 8 : i32
        %dma_start3A_156 = arith.constant 0 : i32
        %dma_start3A_157 = tpu.memref_slice %arg5[%dma_start3A_155, %dma_start3A_156] : memref<64x128xf32, #tpu.memory_space<vmem>> -> memref<8x128xf32, #tpu.memory_space<vmem>>
        %dma_start3A_158 = arith.constant 8 : i32
        %dma_start3A_159 = tpu.memref_slice %arg2[%dma_start3A_158, %mul3A_128] : memref<64x1000000xf32, #tpu.memory_space<hbm>> -> memref<8x128xf32, #tpu.memory_space<hbm>>
        tpu.enqueue_dma source(%dma_start3A_159 : memref<8x128xf32, #tpu.memory_space<hbm>>) target(%dma_start3A_157 : memref<8x128xf32, #tpu.memory_space<vmem>>) target_semaphore(%arg11 : memref<!tpu.dma_semaphore, #tpu.memory_space<semaphore_mem>>)
        %dma_start3A_160 = arith.constant 16 : i32
        %dma_start3A_161 = arith.constant 0 : i32
        %dma_start3A_162 = tpu.memref_slice %arg5[%dma_start3A_160, %dma_start3A_161] : memref<64x128xf32, #tpu.memory_space<vmem>> -> memref<8x128xf32, #tpu.memory_space<vmem>>
        %dma_start3A_163 = arith.constant 16 : i32
        %dma_start3A_164 = tpu.memref_slice %arg2[%dma_start3A_163, %mul3A_130] : memref<64x1000000xf32, #tpu.memory_space<hbm>> -> memref<8x128xf32, #tpu.memory_space<hbm>>
        %dma_start3A_165 = arith.constant 16 : i32
        %dma_start3A_166 = arith.constant 0 : i32
        %dma_start3A_167 = tpu.memref_slice %arg5[%dma_start3A_165, %dma_start3A_166] : memref<64x128xf32, #tpu.memory_space<vmem>> -> memref<8x128xf32, #tpu.memory_space<vmem>>
        %dma_start3A_168 = arith.constant 16 : i32
        %dma_start3A_169 = tpu.memref_slice %arg2[%dma_start3A_168, %mul3A_130] : memref<64x1000000xf32, #tpu.memory_space<hbm>> -> memref<8x128xf32, #tpu.memory_space<hbm>>
        tpu.enqueue_dma source(%dma_start3A_169 : memref<8x128xf32, #tpu.memory_space<hbm>>) target(%dma_start3A_167 : memref<8x128xf32, #tpu.memory_space<vmem>>) target_semaphore(%arg11 : memref<!tpu.dma_semaphore, #tpu.memory_space<semaphore_mem>>)
        %dma_start3A_170 = arith.constant 24 : i32
        %dma_start3A_171 = arith.constant 0 : i32
        %dma_start3A_172 = tpu.memref_slice %arg5[%dma_start3A_170, %dma_start3A_171] : memref<64x128xf32, #tpu.memory_space<vmem>> -> memref<8x128xf32, #tpu.memory_space<vmem>>
        %dma_start3A_173 = arith.constant 24 : i32
        %dma_start3A_174 = tpu.memref_slice %arg2[%dma_start3A_173, %mul3A_132] : memref<64x1000000xf32, #tpu.memory_space<hbm>> -> memref<8x128xf32, #tpu.memory_space<hbm>>
        %dma_start3A_175 = arith.constant 24 : i32
        %dma_start3A_176 = arith.constant 0 : i32
        %dma_start3A_177 = tpu.memref_slice %arg5[%dma_start3A_175, %dma_start3A_176] : memref<64x128xf32, #tpu.memory_space<vmem>> -> memref<8x128xf32, #tpu.memory_space<vmem>>
        %dma_start3A_178 = arith.constant 24 : i32
        %dma_start3A_179 = tpu.memref_slice %arg2[%dma_start3A_178, %mul3A_132] : memref<64x1000000xf32, #tpu.memory_space<hbm>> -> memref<8x128xf32, #tpu.memory_space<hbm>>
        tpu.enqueue_dma source(%dma_start3A_179 : memref<8x128xf32, #tpu.memory_space<hbm>>) target(%dma_start3A_177 : memref<8x128xf32, #tpu.memory_space<vmem>>) target_semaphore(%arg11 : memref<!tpu.dma_semaphore, #tpu.memory_space<semaphore_mem>>)
        %dma_start3A_180 = arith.constant 32 : i32
        %dma_start3A_181 = arith.constant 0 : i32
        %dma_start3A_182 = tpu.memref_slice %arg5[%dma_start3A_180, %dma_start3A_181] : memref<64x128xf32, #tpu.memory_space<vmem>> -> memref<8x128xf32, #tpu.memory_space<vmem>>
        %dma_start3A_183 = arith.constant 32 : i32
        %dma_start3A_184 = tpu.memref_slice %arg2[%dma_start3A_183, %mul3A_134] : memref<64x1000000xf32, #tpu.memory_space<hbm>> -> memref<8x128xf32, #tpu.memory_space<hbm>>
        %dma_start3A_185 = arith.constant 32 : i32
        %dma_start3A_186 = arith.constant 0 : i32
        %dma_start3A_187 = tpu.memref_slice %arg5[%dma_start3A_185, %dma_start3A_186] : memref<64x128xf32, #tpu.memory_space<vmem>> -> memref<8x128xf32, #tpu.memory_space<vmem>>
        %dma_start3A_188 = arith.constant 32 : i32
        %dma_start3A_189 = tpu.memref_slice %arg2[%dma_start3A_188, %mul3A_134] : memref<64x1000000xf32, #tpu.memory_space<hbm>> -> memref<8x128xf32, #tpu.memory_space<hbm>>
        tpu.enqueue_dma source(%dma_start3A_189 : memref<8x128xf32, #tpu.memory_space<hbm>>) target(%dma_start3A_187 : memref<8x128xf32, #tpu.memory_space<vmem>>) target_semaphore(%arg11 : memref<!tpu.dma_semaphore, #tpu.memory_space<semaphore_mem>>)
        %dma_start3A_190 = arith.constant 40 : i32
        %dma_start3A_191 = arith.constant 0 : i32
        %dma_start3A_192 = tpu.memref_slice %arg5[%dma_start3A_190, %dma_start3A_191] : memref<64x128xf32, #tpu.memory_space<vmem>> -> memref<8x128xf32, #tpu.memory_space<vmem>>
        %dma_start3A_193 = arith.constant 40 : i32
        %dma_start3A_194 = tpu.memref_slice %arg2[%dma_start3A_193, %mul3A_136] : memref<64x1000000xf32, #tpu.memory_space<hbm>> -> memref<8x128xf32, #tpu.memory_space<hbm>>
        %dma_start3A_195 = arith.constant 40 : i32
        %dma_start3A_196 = arith.constant 0 : i32
        %dma_start3A_197 = tpu.memref_slice %arg5[%dma_start3A_195, %dma_start3A_196] : memref<64x128xf32, #tpu.memory_space<vmem>> -> memref<8x128xf32, #tpu.memory_space<vmem>>
        %dma_start3A_198 = arith.constant 40 : i32
        %dma_start3A_199 = tpu.memref_slice %arg2[%dma_start3A_198, %mul3A_136] : memref<64x1000000xf32, #tpu.memory_space<hbm>> -> memref<8x128xf32, #tpu.memory_space<hbm>>
        tpu.enqueue_dma source(%dma_start3A_199 : memref<8x128xf32, #tpu.memory_space<hbm>>) target(%dma_start3A_197 : memref<8x128xf32, #tpu.memory_space<vmem>>) target_semaphore(%arg11 : memref<!tpu.dma_semaphore, #tpu.memory_space<semaphore_mem>>)
        %dma_start3A_200 = arith.constant 48 : i32
        %dma_start3A_201 = arith.constant 0 : i32
        %dma_start3A_202 = tpu.memref_slice %arg5[%dma_start3A_200, %dma_start3A_201] : memref<64x128xf32, #tpu.memory_space<vmem>> -> memref<8x128xf32, #tpu.memory_space<vmem>>
        %dma_start3A_203 = arith.constant 48 : i32
        %dma_start3A_204 = tpu.memref_slice %arg2[%dma_start3A_203, %mul3A_138] : memref<64x1000000xf32, #tpu.memory_space<hbm>> -> memref<8x128xf32, #tpu.memory_space<hbm>>
        %dma_start3A_205 = arith.constant 48 : i32
        %dma_start3A_206 = arith.constant 0 : i32
        %dma_start3A_207 = tpu.memref_slice %arg5[%dma_start3A_205, %dma_start3A_206] : memref<64x128xf32, #tpu.memory_space<vmem>> -> memref<8x128xf32, #tpu.memory_space<vmem>>
        %dma_start3A_208 = arith.constant 48 : i32
        %dma_start3A_209 = tpu.memref_slice %arg2[%dma_start3A_208, %mul3A_138] : memref<64x1000000xf32, #tpu.memory_space<hbm>> -> memref<8x128xf32, #tpu.memory_space<hbm>>
        tpu.enqueue_dma source(%dma_start3A_209 : memref<8x128xf32, #tpu.memory_space<hbm>>) target(%dma_start3A_207 : memref<8x128xf32, #tpu.memory_space<vmem>>) target_semaphore(%arg11 : memref<!tpu.dma_semaphore, #tpu.memory_space<semaphore_mem>>)
        %dma_start3A_210 = arith.constant 56 : i32
        %dma_start3A_211 = arith.constant 0 : i32
        %dma_start3A_212 = tpu.memref_slice %arg5[%dma_start3A_210, %dma_start3A_211] : memref<64x128xf32, #tpu.memory_space<vmem>> -> memref<8x128xf32, #tpu.memory_space<vmem>>
        %dma_start3A_213 = arith.constant 56 : i32
        %dma_start3A_214 = tpu.memref_slice %arg2[%dma_start3A_213, %mul3A_140] : memref<64x1000000xf32, #tpu.memory_space<hbm>> -> memref<8x128xf32, #tpu.memory_space<hbm>>
        %dma_start3A_215 = arith.constant 56 : i32
        %dma_start3A_216 = arith.constant 0 : i32
        %dma_start3A_217 = tpu.memref_slice %arg5[%dma_start3A_215, %dma_start3A_216] : memref<64x128xf32, #tpu.memory_space<vmem>> -> memref<8x128xf32, #tpu.memory_space<vmem>>
        %dma_start3A_218 = arith.constant 56 : i32
        %dma_start3A_219 = tpu.memref_slice %arg2[%dma_start3A_218, %mul3A_140] : memref<64x1000000xf32, #tpu.memory_space<hbm>> -> memref<8x128xf32, #tpu.memory_space<hbm>>
        tpu.enqueue_dma source(%dma_start3A_219 : memref<8x128xf32, #tpu.memory_space<hbm>>) target(%dma_start3A_217 : memref<8x128xf32, #tpu.memory_space<vmem>>) target_semaphore(%arg11 : memref<!tpu.dma_semaphore, #tpu.memory_space<semaphore_mem>>)
      } else {
      }
      %mul3A_112 = arith.constant 32 : i32
      %mul3A_113 = arith.muli %add3A_101, %mul3A_112 : i32
      %add3A_114 = arith.addi %mul3A_113, %add3A : i32
      %lt3A_115 = arith.constant 7812 : i32
      %lt3A_116 = arith.cmpi slt, %add3A_114, %lt3A_115 : i32
      %convert_element_type3A_117 = arith.extui %lt3A_116 : i1 to i32
      %cond3A_118 = arith.constant 0 : i32
      %cond3A_119 = arith.cmpi ne, %convert_element_type3A_117, %cond3A_118 : i32
      scf.if %cond3A_119 {
        %ge3A = arith.constant 2 : i32
        %ge3A_120 = arith.cmpi sge, %add3A_101, %ge3A : i32
        %convert_element_type3A_121 = arith.extui %ge3A_120 : i1 to i32
        %cond3A_122 = arith.constant 0 : i32
        %cond3A_123 = arith.cmpi ne, %convert_element_type3A_121, %cond3A_122 : i32
        scf.if %cond3A_123 {
          %sub3A_240 = arith.constant 2 : i32
          %sub3A_241 = arith.subi %add3A_101, %sub3A_240 : i32
          %mul3A_242 = arith.constant 32 : i32
          %mul3A_243 = arith.muli %sub3A_241, %mul3A_242 : i32
          %add3A_244 = arith.addi %mul3A_243, %add3A : i32
          %mul3A_245 = arith.constant 128 : i32
          %mul3A_246 = arith.muli %add3A_244, %mul3A_245 : i32
          %mul3A_247 = arith.constant 80 : i32
          %mul3A_248 = arith.muli %mul3A_246, %mul3A_247 : i32
          %dma_wait3A_249 = tpu.memref_slice %arg4[%mul3A_248] : memref<80000000xf32, #tpu.memory_space<hbm>> -> memref<10240xf32, #tpu.memory_space<hbm>>
          %dma_wait3A_250 = tpu.memref_slice %arg4[%mul3A_248] : memref<80000000xf32, #tpu.memory_space<hbm>> -> memref<10240xf32, #tpu.memory_space<hbm>>
          tpu.wait_dma2 semaphore(%arg14 : memref<!tpu.dma_semaphore, #tpu.memory_space<semaphore_mem>>) src(%arg9 : memref<10240xf32, #tpu.memory_space<vmem>>) dst(%dma_wait3A_250 : memref<10240xf32, #tpu.memory_space<hbm>>)
        } else {
        }
        %mul3A_124 = arith.constant 32 : i32
        %mul3A_125 = arith.muli %add3A_101, %mul3A_124 : i32
        %add3A_126 = arith.addi %mul3A_125, %add3A : i32
        %mul3A_127 = arith.constant 128 : i32
        %mul3A_128 = arith.muli %add3A_126, %mul3A_127 : i32
        %mul3A_129 = arith.constant 128 : i32
        %mul3A_130 = arith.muli %add3A_126, %mul3A_129 : i32
        %mul3A_131 = arith.constant 128 : i32
        %mul3A_132 = arith.muli %add3A_126, %mul3A_131 : i32
        %mul3A_133 = arith.constant 128 : i32
        %mul3A_134 = arith.muli %add3A_126, %mul3A_133 : i32
        %mul3A_135 = arith.constant 128 : i32
        %mul3A_136 = arith.muli %add3A_126, %mul3A_135 : i32
        %mul3A_137 = arith.constant 128 : i32
        %mul3A_138 = arith.muli %add3A_126, %mul3A_137 : i32
        %mul3A_139 = arith.constant 128 : i32
        %mul3A_140 = arith.muli %add3A_126, %mul3A_139 : i32
        %mul3A_141 = arith.constant 128 : i32
        %mul3A_142 = arith.muli %add3A_126, %mul3A_141 : i32
        %dma_wait3A = arith.constant 0 : i32
        %dma_wait3A_143 = arith.constant 0 : i32
        %dma_wait3A_144 = tpu.memref_slice %arg6[%dma_wait3A, %dma_wait3A_143] : memref<64x128xf32, #tpu.memory_space<vmem>> -> memref<8x128xf32, #tpu.memory_space<vmem>>
        %dma_wait3A_145 = arith.constant 0 : i32
        %dma_wait3A_146 = tpu.memref_slice %arg2[%dma_wait3A_145, %mul3A_128] : memref<64x1000000xf32, #tpu.memory_space<hbm>> -> memref<8x128xf32, #tpu.memory_space<hbm>>
        %dma_wait3A_147 = arith.constant 0 : i32
        %dma_wait3A_148 = arith.constant 0 : i32
        %dma_wait3A_149 = tpu.memref_slice %arg6[%dma_wait3A_147, %dma_wait3A_148] : memref<64x128xf32, #tpu.memory_space<vmem>> -> memref<8x128xf32, #tpu.memory_space<vmem>>
        %dma_wait3A_150 = arith.constant 0 : i32
        %dma_wait3A_151 = tpu.memref_slice %arg2[%dma_wait3A_150, %mul3A_128] : memref<64x1000000xf32, #tpu.memory_space<hbm>> -> memref<8x128xf32, #tpu.memory_space<hbm>>
        tpu.wait_dma2 semaphore(%arg12 : memref<!tpu.dma_semaphore, #tpu.memory_space<semaphore_mem>>) src(%dma_wait3A_151 : memref<8x128xf32, #tpu.memory_space<hbm>>) dst(%dma_wait3A_149 : memref<8x128xf32, #tpu.memory_space<vmem>>)
        %dma_wait3A_152 = arith.constant 8 : i32
        %dma_wait3A_153 = arith.constant 0 : i32
        %dma_wait3A_154 = tpu.memref_slice %arg6[%dma_wait3A_152, %dma_wait3A_153] : memref<64x128xf32, #tpu.memory_space<vmem>> -> memref<8x128xf32, #tpu.memory_space<vmem>>
        %dma_wait3A_155 = arith.constant 8 : i32
        %dma_wait3A_156 = tpu.memref_slice %arg2[%dma_wait3A_155, %mul3A_130] : memref<64x1000000xf32, #tpu.memory_space<hbm>> -> memref<8x128xf32, #tpu.memory_space<hbm>>
        %dma_wait3A_157 = arith.constant 8 : i32
        %dma_wait3A_158 = arith.constant 0 : i32
        %dma_wait3A_159 = tpu.memref_slice %arg6[%dma_wait3A_157, %dma_wait3A_158] : memref<64x128xf32, #tpu.memory_space<vmem>> -> memref<8x128xf32, #tpu.memory_space<vmem>>
        %dma_wait3A_160 = arith.constant 8 : i32
        %dma_wait3A_161 = tpu.memref_slice %arg2[%dma_wait3A_160, %mul3A_130] : memref<64x1000000xf32, #tpu.memory_space<hbm>> -> memref<8x128xf32, #tpu.memory_space<hbm>>
        tpu.wait_dma2 semaphore(%arg12 : memref<!tpu.dma_semaphore, #tpu.memory_space<semaphore_mem>>) src(%dma_wait3A_161 : memref<8x128xf32, #tpu.memory_space<hbm>>) dst(%dma_wait3A_159 : memref<8x128xf32, #tpu.memory_space<vmem>>)
        %dma_wait3A_162 = arith.constant 16 : i32
        %dma_wait3A_163 = arith.constant 0 : i32
        %dma_wait3A_164 = tpu.memref_slice %arg6[%dma_wait3A_162, %dma_wait3A_163] : memref<64x128xf32, #tpu.memory_space<vmem>> -> memref<8x128xf32, #tpu.memory_space<vmem>>
        %dma_wait3A_165 = arith.constant 16 : i32
        %dma_wait3A_166 = tpu.memref_slice %arg2[%dma_wait3A_165, %mul3A_132] : memref<64x1000000xf32, #tpu.memory_space<hbm>> -> memref<8x128xf32, #tpu.memory_space<hbm>>
        %dma_wait3A_167 = arith.constant 16 : i32
        %dma_wait3A_168 = arith.constant 0 : i32
        %dma_wait3A_169 = tpu.memref_slice %arg6[%dma_wait3A_167, %dma_wait3A_168] : memref<64x128xf32, #tpu.memory_space<vmem>> -> memref<8x128xf32, #tpu.memory_space<vmem>>
        %dma_wait3A_170 = arith.constant 16 : i32
        %dma_wait3A_171 = tpu.memref_slice %arg2[%dma_wait3A_170, %mul3A_132] : memref<64x1000000xf32, #tpu.memory_space<hbm>> -> memref<8x128xf32, #tpu.memory_space<hbm>>
        tpu.wait_dma2 semaphore(%arg12 : memref<!tpu.dma_semaphore, #tpu.memory_space<semaphore_mem>>) src(%dma_wait3A_171 : memref<8x128xf32, #tpu.memory_space<hbm>>) dst(%dma_wait3A_169 : memref<8x128xf32, #tpu.memory_space<vmem>>)
        %dma_wait3A_172 = arith.constant 24 : i32
        %dma_wait3A_173 = arith.constant 0 : i32
        %dma_wait3A_174 = tpu.memref_slice %arg6[%dma_wait3A_172, %dma_wait3A_173] : memref<64x128xf32, #tpu.memory_space<vmem>> -> memref<8x128xf32, #tpu.memory_space<vmem>>
        %dma_wait3A_175 = arith.constant 24 : i32
        %dma_wait3A_176 = tpu.memref_slice %arg2[%dma_wait3A_175, %mul3A_134] : memref<64x1000000xf32, #tpu.memory_space<hbm>> -> memref<8x128xf32, #tpu.memory_space<hbm>>
        %dma_wait3A_177 = arith.constant 24 : i32
        %dma_wait3A_178 = arith.constant 0 : i32
        %dma_wait3A_179 = tpu.memref_slice %arg6[%dma_wait3A_177, %dma_wait3A_178] : memref<64x128xf32, #tpu.memory_space<vmem>> -> memref<8x128xf32, #tpu.memory_space<vmem>>
        %dma_wait3A_180 = arith.constant 24 : i32
        %dma_wait3A_181 = tpu.memref_slice %arg2[%dma_wait3A_180, %mul3A_134] : memref<64x1000000xf32, #tpu.memory_space<hbm>> -> memref<8x128xf32, #tpu.memory_space<hbm>>
        tpu.wait_dma2 semaphore(%arg12 : memref<!tpu.dma_semaphore, #tpu.memory_space<semaphore_mem>>) src(%dma_wait3A_181 : memref<8x128xf32, #tpu.memory_space<hbm>>) dst(%dma_wait3A_179 : memref<8x128xf32, #tpu.memory_space<vmem>>)
        %dma_wait3A_182 = arith.constant 32 : i32
        %dma_wait3A_183 = arith.constant 0 : i32
        %dma_wait3A_184 = tpu.memref_slice %arg6[%dma_wait3A_182, %dma_wait3A_183] : memref<64x128xf32, #tpu.memory_space<vmem>> -> memref<8x128xf32, #tpu.memory_space<vmem>>
        %dma_wait3A_185 = arith.constant 32 : i32
        %dma_wait3A_186 = tpu.memref_slice %arg2[%dma_wait3A_185, %mul3A_136] : memref<64x1000000xf32, #tpu.memory_space<hbm>> -> memref<8x128xf32, #tpu.memory_space<hbm>>
        %dma_wait3A_187 = arith.constant 32 : i32
        %dma_wait3A_188 = arith.constant 0 : i32
        %dma_wait3A_189 = tpu.memref_slice %arg6[%dma_wait3A_187, %dma_wait3A_188] : memref<64x128xf32, #tpu.memory_space<vmem>> -> memref<8x128xf32, #tpu.memory_space<vmem>>
        %dma_wait3A_190 = arith.constant 32 : i32
        %dma_wait3A_191 = tpu.memref_slice %arg2[%dma_wait3A_190, %mul3A_136] : memref<64x1000000xf32, #tpu.memory_space<hbm>> -> memref<8x128xf32, #tpu.memory_space<hbm>>
        tpu.wait_dma2 semaphore(%arg12 : memref<!tpu.dma_semaphore, #tpu.memory_space<semaphore_mem>>) src(%dma_wait3A_191 : memref<8x128xf32, #tpu.memory_space<hbm>>) dst(%dma_wait3A_189 : memref<8x128xf32, #tpu.memory_space<vmem>>)
        %dma_wait3A_192 = arith.constant 40 : i32
        %dma_wait3A_193 = arith.constant 0 : i32
        %dma_wait3A_194 = tpu.memref_slice %arg6[%dma_wait3A_192, %dma_wait3A_193] : memref<64x128xf32, #tpu.memory_space<vmem>> -> memref<8x128xf32, #tpu.memory_space<vmem>>
        %dma_wait3A_195 = arith.constant 40 : i32
        %dma_wait3A_196 = tpu.memref_slice %arg2[%dma_wait3A_195, %mul3A_138] : memref<64x1000000xf32, #tpu.memory_space<hbm>> -> memref<8x128xf32, #tpu.memory_space<hbm>>
        %dma_wait3A_197 = arith.constant 40 : i32
        %dma_wait3A_198 = arith.constant 0 : i32
        %dma_wait3A_199 = tpu.memref_slice %arg6[%dma_wait3A_197, %dma_wait3A_198] : memref<64x128xf32, #tpu.memory_space<vmem>> -> memref<8x128xf32, #tpu.memory_space<vmem>>
        %dma_wait3A_200 = arith.constant 40 : i32
        %dma_wait3A_201 = tpu.memref_slice %arg2[%dma_wait3A_200, %mul3A_138] : memref<64x1000000xf32, #tpu.memory_space<hbm>> -> memref<8x128xf32, #tpu.memory_space<hbm>>
        tpu.wait_dma2 semaphore(%arg12 : memref<!tpu.dma_semaphore, #tpu.memory_space<semaphore_mem>>) src(%dma_wait3A_201 : memref<8x128xf32, #tpu.memory_space<hbm>>) dst(%dma_wait3A_199 : memref<8x128xf32, #tpu.memory_space<vmem>>)
        %dma_wait3A_202 = arith.constant 48 : i32
        %dma_wait3A_203 = arith.constant 0 : i32
        %dma_wait3A_204 = tpu.memref_slice %arg6[%dma_wait3A_202, %dma_wait3A_203] : memref<64x128xf32, #tpu.memory_space<vmem>> -> memref<8x128xf32, #tpu.memory_space<vmem>>
        %dma_wait3A_205 = arith.constant 48 : i32
        %dma_wait3A_206 = tpu.memref_slice %arg2[%dma_wait3A_205, %mul3A_140] : memref<64x1000000xf32, #tpu.memory_space<hbm>> -> memref<8x128xf32, #tpu.memory_space<hbm>>
        %dma_wait3A_207 = arith.constant 48 : i32
        %dma_wait3A_208 = arith.constant 0 : i32
        %dma_wait3A_209 = tpu.memref_slice %arg6[%dma_wait3A_207, %dma_wait3A_208] : memref<64x128xf32, #tpu.memory_space<vmem>> -> memref<8x128xf32, #tpu.memory_space<vmem>>
        %dma_wait3A_210 = arith.constant 48 : i32
        %dma_wait3A_211 = tpu.memref_slice %arg2[%dma_wait3A_210, %mul3A_140] : memref<64x1000000xf32, #tpu.memory_space<hbm>> -> memref<8x128xf32, #tpu.memory_space<hbm>>
        tpu.wait_dma2 semaphore(%arg12 : memref<!tpu.dma_semaphore, #tpu.memory_space<semaphore_mem>>) src(%dma_wait3A_211 : memref<8x128xf32, #tpu.memory_space<hbm>>) dst(%dma_wait3A_209 : memref<8x128xf32, #tpu.memory_space<vmem>>)
        %dma_wait3A_212 = arith.constant 56 : i32
        %dma_wait3A_213 = arith.constant 0 : i32
        %dma_wait3A_214 = tpu.memref_slice %arg6[%dma_wait3A_212, %dma_wait3A_213] : memref<64x128xf32, #tpu.memory_space<vmem>> -> memref<8x128xf32, #tpu.memory_space<vmem>>
        %dma_wait3A_215 = arith.constant 56 : i32
        %dma_wait3A_216 = tpu.memref_slice %arg2[%dma_wait3A_215, %mul3A_142] : memref<64x1000000xf32, #tpu.memory_space<hbm>> -> memref<8x128xf32, #tpu.memory_space<hbm>>
        %dma_wait3A_217 = arith.constant 56 : i32
        %dma_wait3A_218 = arith.constant 0 : i32
        %dma_wait3A_219 = tpu.memref_slice %arg6[%dma_wait3A_217, %dma_wait3A_218] : memref<64x128xf32, #tpu.memory_space<vmem>> -> memref<8x128xf32, #tpu.memory_space<vmem>>
        %dma_wait3A_220 = arith.constant 56 : i32
        %dma_wait3A_221 = tpu.memref_slice %arg2[%dma_wait3A_220, %mul3A_142] : memref<64x1000000xf32, #tpu.memory_space<hbm>> -> memref<8x128xf32, #tpu.memory_space<hbm>>
        tpu.wait_dma2 semaphore(%arg12 : memref<!tpu.dma_semaphore, #tpu.memory_space<semaphore_mem>>) src(%dma_wait3A_221 : memref<8x128xf32, #tpu.memory_space<hbm>>) dst(%dma_wait3A_219 : memref<8x128xf32, #tpu.memory_space<vmem>>)
        %scan3A_222 = arith.constant 0 : i32
        %scan3A_223 = arith.constant 64 : i32
        %scan3A_224 = arith.addi %scan3A_222, %scan3A_223 : i32
        %scan3A_225 = arith.constant 4 : i32
        scf.for %scan3A_240 = %scan3A_222 to %scan3A_224 step %scan3A_225  : i32 {
          %mul3A_241 = arith.constant 129 : i32
          %mul3A_242 = arith.muli %scan3A_240, %mul3A_241 : i32
          %get3A = arith.index_cast %scan3A_240 : i32 to index
          %get3A_243 = arith.constant 0 : index
          %get3A_244 = tpu.vector_load %arg6[%get3A, %get3A_243] {strides = array<i32>} : memref<64x128xf32, #tpu.memory_space<vmem>>, vector<16xf32>,
          %add3A_245 = arith.constant 0 : i32
          %add3A_246 = arith.addi %mul3A_242, %add3A_245 : i32
          %swap3A = arith.index_cast %add3A_246 : i32 to index
          %swap3A_247 = tpu.vector_load %arg7[%swap3A] {strides = array<i32>} : memref<8256xf32, #tpu.memory_space<vmem>>, vector<16xf32>,
          tpu.vector_store %arg7[%swap3A], %get3A_244 {strides = array<i32>} : memref<8256xf32, #tpu.memory_space<vmem>>, vector<16xf32>,
          %get3A_248 = arith.index_cast %scan3A_240 : i32 to index
          %get3A_249 = arith.constant 16 : index
          %get3A_250 = tpu.vector_load %arg6[%get3A_248, %get3A_249] {strides = array<i32>} : memref<64x128xf32, #tpu.memory_space<vmem>>, vector<16xf32>,
          %add3A_251 = arith.constant 16 : i32
          %add3A_252 = arith.addi %mul3A_242, %add3A_251 : i32
          %swap3A_253 = arith.index_cast %add3A_252 : i32 to index
          %swap3A_254 = tpu.vector_load %arg7[%swap3A_253] {strides = array<i32>} : memref<8256xf32, #tpu.memory_space<vmem>>, vector<16xf32>,
          tpu.vector_store %arg7[%swap3A_253], %get3A_250 {strides = array<i32>} : memref<8256xf32, #tpu.memory_space<vmem>>, vector<16xf32>,
          %get3A_255 = arith.index_cast %scan3A_240 : i32 to index
          %get3A_256 = arith.constant 32 : index
          %get3A_257 = tpu.vector_load %arg6[%get3A_255, %get3A_256] {strides = array<i32>} : memref<64x128xf32, #tpu.memory_space<vmem>>, vector<16xf32>,
          %add3A_258 = arith.constant 32 : i32
          %add3A_259 = arith.addi %mul3A_242, %add3A_258 : i32
          %swap3A_260 = arith.index_cast %add3A_259 : i32 to index
          %swap3A_261 = tpu.vector_load %arg7[%swap3A_260] {strides = array<i32>} : memref<8256xf32, #tpu.memory_space<vmem>>, vector<16xf32>,
          tpu.vector_store %arg7[%swap3A_260], %get3A_257 {strides = array<i32>} : memref<8256xf32, #tpu.memory_space<vmem>>, vector<16xf32>,
          %get3A_262 = arith.index_cast %scan3A_240 : i32 to index
          %get3A_263 = arith.constant 48 : index
          %get3A_264 = tpu.vector_load %arg6[%get3A_262, %get3A_263] {strides = array<i32>} : memref<64x128xf32, #tpu.memory_space<vmem>>, vector<16xf32>,
          %add3A_265 = arith.constant 48 : i32
          %add3A_266 = arith.addi %mul3A_242, %add3A_265 : i32
          %swap3A_267 = arith.index_cast %add3A_266 : i32 to index
          %swap3A_268 = tpu.vector_load %arg7[%swap3A_267] {strides = array<i32>} : memref<8256xf32, #tpu.memory_space<vmem>>, vector<16xf32>,
          tpu.vector_store %arg7[%swap3A_267], %get3A_264 {strides = array<i32>} : memref<8256xf32, #tpu.memory_space<vmem>>, vector<16xf32>,
          %get3A_269 = arith.index_cast %scan3A_240 : i32 to index
          %get3A_270 = arith.constant 64 : index
          %get3A_271 = tpu.vector_load %arg6[%get3A_269, %get3A_270] {strides = array<i32>} : memref<64x128xf32, #tpu.memory_space<vmem>>, vector<16xf32>,
          %add3A_272 = arith.constant 64 : i32
          %add3A_273 = arith.addi %mul3A_242, %add3A_272 : i32
          %swap3A_274 = arith.index_cast %add3A_273 : i32 to index
          %swap3A_275 = tpu.vector_load %arg7[%swap3A_274] {strides = array<i32>} : memref<8256xf32, #tpu.memory_space<vmem>>, vector<16xf32>,
          tpu.vector_store %arg7[%swap3A_274], %get3A_271 {strides = array<i32>} : memref<8256xf32, #tpu.memory_space<vmem>>, vector<16xf32>,
          %get3A_276 = arith.index_cast %scan3A_240 : i32 to index
          %get3A_277 = arith.constant 80 : index
          %get3A_278 = tpu.vector_load %arg6[%get3A_276, %get3A_277] {strides = array<i32>} : memref<64x128xf32, #tpu.memory_space<vmem>>, vector<16xf32>,
          %add3A_279 = arith.constant 80 : i32
          %add3A_280 = arith.addi %mul3A_242, %add3A_279 : i32
          %swap3A_281 = arith.index_cast %add3A_280 : i32 to index
          %swap3A_282 = tpu.vector_load %arg7[%swap3A_281] {strides = array<i32>} : memref<8256xf32, #tpu.memory_space<vmem>>, vector<16xf32>,
          tpu.vector_store %arg7[%swap3A_281], %get3A_278 {strides = array<i32>} : memref<8256xf32, #tpu.memory_space<vmem>>, vector<16xf32>,
          %get3A_283 = arith.index_cast %scan3A_240 : i32 to index
          %get3A_284 = arith.constant 96 : index
          %get3A_285 = tpu.vector_load %arg6[%get3A_283, %get3A_284] {strides = array<i32>} : memref<64x128xf32, #tpu.memory_space<vmem>>, vector<16xf32>,
          %add3A_286 = arith.constant 96 : i32
          %add3A_287 = arith.addi %mul3A_242, %add3A_286 : i32
          %swap3A_288 = arith.index_cast %add3A_287 : i32 to index
          %swap3A_289 = tpu.vector_load %arg7[%swap3A_288] {strides = array<i32>} : memref<8256xf32, #tpu.memory_space<vmem>>, vector<16xf32>,
          tpu.vector_store %arg7[%swap3A_288], %get3A_285 {strides = array<i32>} : memref<8256xf32, #tpu.memory_space<vmem>>, vector<16xf32>,
          %get3A_290 = arith.index_cast %scan3A_240 : i32 to index
          %get3A_291 = arith.constant 112 : index
          %get3A_292 = tpu.vector_load %arg6[%get3A_290, %get3A_291] {strides = array<i32>} : memref<64x128xf32, #tpu.memory_space<vmem>>, vector<16xf32>,
          %add3A_293 = arith.constant 112 : i32
          %add3A_294 = arith.addi %mul3A_242, %add3A_293 : i32
          %swap3A_295 = arith.index_cast %add3A_294 : i32 to index
          %swap3A_296 = tpu.vector_load %arg7[%swap3A_295] {strides = array<i32>} : memref<8256xf32, #tpu.memory_space<vmem>>, vector<16xf32>,
          tpu.vector_store %arg7[%swap3A_295], %get3A_292 {strides = array<i32>} : memref<8256xf32, #tpu.memory_space<vmem>>, vector<16xf32>,
          %scan3A_297 = arith.constant 1 : i32
          %scan3A_298 = arith.addi %scan3A_240, %scan3A_297 : i32
          %mul3A_299 = arith.constant 129 : i32
          %mul3A_300 = arith.muli %scan3A_298, %mul3A_299 : i32
          %get3A_301 = arith.index_cast %scan3A_298 : i32 to index
          %get3A_302 = arith.constant 0 : index
          %get3A_303 = tpu.vector_load %arg6[%get3A_301, %get3A_302] {strides = array<i32>} : memref<64x128xf32, #tpu.memory_space<vmem>>, vector<16xf32>,
          %add3A_304 = arith.constant 0 : i32
          %add3A_305 = arith.addi %mul3A_300, %add3A_304 : i32
          %swap3A_306 = arith.index_cast %add3A_305 : i32 to index
          %swap3A_307 = tpu.vector_load %arg7[%swap3A_306] {strides = array<i32>} : memref<8256xf32, #tpu.memory_space<vmem>>, vector<16xf32>,
          tpu.vector_store %arg7[%swap3A_306], %get3A_303 {strides = array<i32>} : memref<8256xf32, #tpu.memory_space<vmem>>, vector<16xf32>,
          %get3A_308 = arith.index_cast %scan3A_298 : i32 to index
          %get3A_309 = arith.constant 16 : index
          %get3A_310 = tpu.vector_load %arg6[%get3A_308, %get3A_309] {strides = array<i32>} : memref<64x128xf32, #tpu.memory_space<vmem>>, vector<16xf32>,
          %add3A_311 = arith.constant 16 : i32
          %add3A_312 = arith.addi %mul3A_300, %add3A_311 : i32
          %swap3A_313 = arith.index_cast %add3A_312 : i32 to index
          %swap3A_314 = tpu.vector_load %arg7[%swap3A_313] {strides = array<i32>} : memref<8256xf32, #tpu.memory_space<vmem>>, vector<16xf32>,
          tpu.vector_store %arg7[%swap3A_313], %get3A_310 {strides = array<i32>} : memref<8256xf32, #tpu.memory_space<vmem>>, vector<16xf32>,
          %get3A_315 = arith.index_cast %scan3A_298 : i32 to index
          %get3A_316 = arith.constant 32 : index
          %get3A_317 = tpu.vector_load %arg6[%get3A_315, %get3A_316] {strides = array<i32>} : memref<64x128xf32, #tpu.memory_space<vmem>>, vector<16xf32>,
          %add3A_318 = arith.constant 32 : i32
          %add3A_319 = arith.addi %mul3A_300, %add3A_318 : i32
          %swap3A_320 = arith.index_cast %add3A_319 : i32 to index
          %swap3A_321 = tpu.vector_load %arg7[%swap3A_320] {strides = array<i32>} : memref<8256xf32, #tpu.memory_space<vmem>>, vector<16xf32>,
          tpu.vector_store %arg7[%swap3A_320], %get3A_317 {strides = array<i32>} : memref<8256xf32, #tpu.memory_space<vmem>>, vector<16xf32>,
          %get3A_322 = arith.index_cast %scan3A_298 : i32 to index
          %get3A_323 = arith.constant 48 : index
          %get3A_324 = tpu.vector_load %arg6[%get3A_322, %get3A_323] {strides = array<i32>} : memref<64x128xf32, #tpu.memory_space<vmem>>, vector<16xf32>,
          %add3A_325 = arith.constant 48 : i32
          %add3A_326 = arith.addi %mul3A_300, %add3A_325 : i32
          %swap3A_327 = arith.index_cast %add3A_326 : i32 to index
          %swap3A_328 = tpu.vector_load %arg7[%swap3A_327] {strides = array<i32>} : memref<8256xf32, #tpu.memory_space<vmem>>, vector<16xf32>,
          tpu.vector_store %arg7[%swap3A_327], %get3A_324 {strides = array<i32>} : memref<8256xf32, #tpu.memory_space<vmem>>, vector<16xf32>,
          %get3A_329 = arith.index_cast %scan3A_298 : i32 to index
          %get3A_330 = arith.constant 64 : index
          %get3A_331 = tpu.vector_load %arg6[%get3A_329, %get3A_330] {strides = array<i32>} : memref<64x128xf32, #tpu.memory_space<vmem>>, vector<16xf32>,
          %add3A_332 = arith.constant 64 : i32
          %add3A_333 = arith.addi %mul3A_300, %add3A_332 : i32
          %swap3A_334 = arith.index_cast %add3A_333 : i32 to index
          %swap3A_335 = tpu.vector_load %arg7[%swap3A_334] {strides = array<i32>} : memref<8256xf32, #tpu.memory_space<vmem>>, vector<16xf32>,
          tpu.vector_store %arg7[%swap3A_334], %get3A_331 {strides = array<i32>} : memref<8256xf32, #tpu.memory_space<vmem>>, vector<16xf32>,
          %get3A_336 = arith.index_cast %scan3A_298 : i32 to index
          %get3A_337 = arith.constant 80 : index
          %get3A_338 = tpu.vector_load %arg6[%get3A_336, %get3A_337] {strides = array<i32>} : memref<64x128xf32, #tpu.memory_space<vmem>>, vector<16xf32>,
          %add3A_339 = arith.constant 80 : i32
          %add3A_340 = arith.addi %mul3A_300, %add3A_339 : i32
          %swap3A_341 = arith.index_cast %add3A_340 : i32 to index
          %swap3A_342 = tpu.vector_load %arg7[%swap3A_341] {strides = array<i32>} : memref<8256xf32, #tpu.memory_space<vmem>>, vector<16xf32>,
          tpu.vector_store %arg7[%swap3A_341], %get3A_338 {strides = array<i32>} : memref<8256xf32, #tpu.memory_space<vmem>>, vector<16xf32>,
          %get3A_343 = arith.index_cast %scan3A_298 : i32 to index
          %get3A_344 = arith.constant 96 : index
          %get3A_345 = tpu.vector_load %arg6[%get3A_343, %get3A_344] {strides = array<i32>} : memref<64x128xf32, #tpu.memory_space<vmem>>, vector<16xf32>,
          %add3A_346 = arith.constant 96 : i32
          %add3A_347 = arith.addi %mul3A_300, %add3A_346 : i32
          %swap3A_348 = arith.index_cast %add3A_347 : i32 to index
          %swap3A_349 = tpu.vector_load %arg7[%swap3A_348] {strides = array<i32>} : memref<8256xf32, #tpu.memory_space<vmem>>, vector<16xf32>,
          tpu.vector_store %arg7[%swap3A_348], %get3A_345 {strides = array<i32>} : memref<8256xf32, #tpu.memory_space<vmem>>, vector<16xf32>,
          %get3A_350 = arith.index_cast %scan3A_298 : i32 to index
          %get3A_351 = arith.constant 112 : index
          %get3A_352 = tpu.vector_load %arg6[%get3A_350, %get3A_351] {strides = array<i32>} : memref<64x128xf32, #tpu.memory_space<vmem>>, vector<16xf32>,
          %add3A_353 = arith.constant 112 : i32
          %add3A_354 = arith.addi %mul3A_300, %add3A_353 : i32
          %swap3A_355 = arith.index_cast %add3A_354 : i32 to index
          %swap3A_356 = tpu.vector_load %arg7[%swap3A_355] {strides = array<i32>} : memref<8256xf32, #tpu.memory_space<vmem>>, vector<16xf32>,
          tpu.vector_store %arg7[%swap3A_355], %get3A_352 {strides = array<i32>} : memref<8256xf32, #tpu.memory_space<vmem>>, vector<16xf32>,
          %scan3A_357 = arith.constant 2 : i32
          %scan3A_358 = arith.addi %scan3A_240, %scan3A_357 : i32
          %mul3A_359 = arith.constant 129 : i32
          %mul3A_360 = arith.muli %scan3A_358, %mul3A_359 : i32
          %get3A_361 = arith.index_cast %scan3A_358 : i32 to index
          %get3A_362 = arith.constant 0 : index
          %get3A_363 = tpu.vector_load %arg6[%get3A_361, %get3A_362] {strides = array<i32>} : memref<64x128xf32, #tpu.memory_space<vmem>>, vector<16xf32>,
          %add3A_364 = arith.constant 0 : i32
          %add3A_365 = arith.addi %mul3A_360, %add3A_364 : i32
          %swap3A_366 = arith.index_cast %add3A_365 : i32 to index
          %swap3A_367 = tpu.vector_load %arg7[%swap3A_366] {strides = array<i32>} : memref<8256xf32, #tpu.memory_space<vmem>>, vector<16xf32>,
          tpu.vector_store %arg7[%swap3A_366], %get3A_363 {strides = array<i32>} : memref<8256xf32, #tpu.memory_space<vmem>>, vector<16xf32>,
          %get3A_368 = arith.index_cast %scan3A_358 : i32 to index
          %get3A_369 = arith.constant 16 : index
          %get3A_370 = tpu.vector_load %arg6[%get3A_368, %get3A_369] {strides = array<i32>} : memref<64x128xf32, #tpu.memory_space<vmem>>, vector<16xf32>,
          %add3A_371 = arith.constant 16 : i32
          %add3A_372 = arith.addi %mul3A_360, %add3A_371 : i32
          %swap3A_373 = arith.index_cast %add3A_372 : i32 to index
          %swap3A_374 = tpu.vector_load %arg7[%swap3A_373] {strides = array<i32>} : memref<8256xf32, #tpu.memory_space<vmem>>, vector<16xf32>,
          tpu.vector_store %arg7[%swap3A_373], %get3A_370 {strides = array<i32>} : memref<8256xf32, #tpu.memory_space<vmem>>, vector<16xf32>,
          %get3A_375 = arith.index_cast %scan3A_358 : i32 to index
          %get3A_376 = arith.constant 32 : index
          %get3A_377 = tpu.vector_load %arg6[%get3A_375, %get3A_376] {strides = array<i32>} : memref<64x128xf32, #tpu.memory_space<vmem>>, vector<16xf32>,
          %add3A_378 = arith.constant 32 : i32
          %add3A_379 = arith.addi %mul3A_360, %add3A_378 : i32
          %swap3A_380 = arith.index_cast %add3A_379 : i32 to index
          %swap3A_381 = tpu.vector_load %arg7[%swap3A_380] {strides = array<i32>} : memref<8256xf32, #tpu.memory_space<vmem>>, vector<16xf32>,
          tpu.vector_store %arg7[%swap3A_380], %get3A_377 {strides = array<i32>} : memref<8256xf32, #tpu.memory_space<vmem>>, vector<16xf32>,
          %get3A_382 = arith.index_cast %scan3A_358 : i32 to index
          %get3A_383 = arith.constant 48 : index
          %get3A_384 = tpu.vector_load %arg6[%get3A_382, %get3A_383] {strides = array<i32>} : memref<64x128xf32, #tpu.memory_space<vmem>>, vector<16xf32>,
          %add3A_385 = arith.constant 48 : i32
          %add3A_386 = arith.addi %mul3A_360, %add3A_385 : i32
          %swap3A_387 = arith.index_cast %add3A_386 : i32 to index
          %swap3A_388 = tpu.vector_load %arg7[%swap3A_387] {strides = array<i32>} : memref<8256xf32, #tpu.memory_space<vmem>>, vector<16xf32>,
          tpu.vector_store %arg7[%swap3A_387], %get3A_384 {strides = array<i32>} : memref<8256xf32, #tpu.memory_space<vmem>>, vector<16xf32>,
          %get3A_389 = arith.index_cast %scan3A_358 : i32 to index
          %get3A_390 = arith.constant 64 : index
          %get3A_391 = tpu.vector_load %arg6[%get3A_389, %get3A_390] {strides = array<i32>} : memref<64x128xf32, #tpu.memory_space<vmem>>, vector<16xf32>,
          %add3A_392 = arith.constant 64 : i32
          %add3A_393 = arith.addi %mul3A_360, %add3A_392 : i32
          %swap3A_394 = arith.index_cast %add3A_393 : i32 to index
          %swap3A_395 = tpu.vector_load %arg7[%swap3A_394] {strides = array<i32>} : memref<8256xf32, #tpu.memory_space<vmem>>, vector<16xf32>,
          tpu.vector_store %arg7[%swap3A_394], %get3A_391 {strides = array<i32>} : memref<8256xf32, #tpu.memory_space<vmem>>, vector<16xf32>,
          %get3A_396 = arith.index_cast %scan3A_358 : i32 to index
          %get3A_397 = arith.constant 80 : index
          %get3A_398 = tpu.vector_load %arg6[%get3A_396, %get3A_397] {strides = array<i32>} : memref<64x128xf32, #tpu.memory_space<vmem>>, vector<16xf32>,
          %add3A_399 = arith.constant 80 : i32
          %add3A_400 = arith.addi %mul3A_360, %add3A_399 : i32
          %swap3A_401 = arith.index_cast %add3A_400 : i32 to index
          %swap3A_402 = tpu.vector_load %arg7[%swap3A_401] {strides = array<i32>} : memref<8256xf32, #tpu.memory_space<vmem>>, vector<16xf32>,
          tpu.vector_store %arg7[%swap3A_401], %get3A_398 {strides = array<i32>} : memref<8256xf32, #tpu.memory_space<vmem>>, vector<16xf32>,
          %get3A_403 = arith.index_cast %scan3A_358 : i32 to index
          %get3A_404 = arith.constant 96 : index
          %get3A_405 = tpu.vector_load %arg6[%get3A_403, %get3A_404] {strides = array<i32>} : memref<64x128xf32, #tpu.memory_space<vmem>>, vector<16xf32>,
          %add3A_406 = arith.constant 96 : i32
          %add3A_407 = arith.addi %mul3A_360, %add3A_406 : i32
          %swap3A_408 = arith.index_cast %add3A_407 : i32 to index
          %swap3A_409 = tpu.vector_load %arg7[%swap3A_408] {strides = array<i32>} : memref<8256xf32, #tpu.memory_space<vmem>>, vector<16xf32>,
          tpu.vector_store %arg7[%swap3A_408], %get3A_405 {strides = array<i32>} : memref<8256xf32, #tpu.memory_space<vmem>>, vector<16xf32>,
          %get3A_410 = arith.index_cast %scan3A_358 : i32 to index
          %get3A_411 = arith.constant 112 : index
          %get3A_412 = tpu.vector_load %arg6[%get3A_410, %get3A_411] {strides = array<i32>} : memref<64x128xf32, #tpu.memory_space<vmem>>, vector<16xf32>,
          %add3A_413 = arith.constant 112 : i32
          %add3A_414 = arith.addi %mul3A_360, %add3A_413 : i32
          %swap3A_415 = arith.index_cast %add3A_414 : i32 to index
          %swap3A_416 = tpu.vector_load %arg7[%swap3A_415] {strides = array<i32>} : memref<8256xf32, #tpu.memory_space<vmem>>, vector<16xf32>,
          tpu.vector_store %arg7[%swap3A_415], %get3A_412 {strides = array<i32>} : memref<8256xf32, #tpu.memory_space<vmem>>, vector<16xf32>,
          %scan3A_417 = arith.constant 3 : i32
          %scan3A_418 = arith.addi %scan3A_240, %scan3A_417 : i32
          %mul3A_419 = arith.constant 129 : i32
          %mul3A_420 = arith.muli %scan3A_418, %mul3A_419 : i32
          %get3A_421 = arith.index_cast %scan3A_418 : i32 to index
          %get3A_422 = arith.constant 0 : index
          %get3A_423 = tpu.vector_load %arg6[%get3A_421, %get3A_422] {strides = array<i32>} : memref<64x128xf32, #tpu.memory_space<vmem>>, vector<16xf32>,
          %add3A_424 = arith.constant 0 : i32
          %add3A_425 = arith.addi %mul3A_420, %add3A_424 : i32
          %swap3A_426 = arith.index_cast %add3A_425 : i32 to index
          %swap3A_427 = tpu.vector_load %arg7[%swap3A_426] {strides = array<i32>} : memref<8256xf32, #tpu.memory_space<vmem>>, vector<16xf32>,
          tpu.vector_store %arg7[%swap3A_426], %get3A_423 {strides = array<i32>} : memref<8256xf32, #tpu.memory_space<vmem>>, vector<16xf32>,
          %get3A_428 = arith.index_cast %scan3A_418 : i32 to index
          %get3A_429 = arith.constant 16 : index
          %get3A_430 = tpu.vector_load %arg6[%get3A_428, %get3A_429] {strides = array<i32>} : memref<64x128xf32, #tpu.memory_space<vmem>>, vector<16xf32>,
          %add3A_431 = arith.constant 16 : i32
          %add3A_432 = arith.addi %mul3A_420, %add3A_431 : i32
          %swap3A_433 = arith.index_cast %add3A_432 : i32 to index
          %swap3A_434 = tpu.vector_load %arg7[%swap3A_433] {strides = array<i32>} : memref<8256xf32, #tpu.memory_space<vmem>>, vector<16xf32>,
          tpu.vector_store %arg7[%swap3A_433], %get3A_430 {strides = array<i32>} : memref<8256xf32, #tpu.memory_space<vmem>>, vector<16xf32>,
          %get3A_435 = arith.index_cast %scan3A_418 : i32 to index
          %get3A_436 = arith.constant 32 : index
          %get3A_437 = tpu.vector_load %arg6[%get3A_435, %get3A_436] {strides = array<i32>} : memref<64x128xf32, #tpu.memory_space<vmem>>, vector<16xf32>,
          %add3A_438 = arith.constant 32 : i32
          %add3A_439 = arith.addi %mul3A_420, %add3A_438 : i32
          %swap3A_440 = arith.index_cast %add3A_439 : i32 to index
          %swap3A_441 = tpu.vector_load %arg7[%swap3A_440] {strides = array<i32>} : memref<8256xf32, #tpu.memory_space<vmem>>, vector<16xf32>,
          tpu.vector_store %arg7[%swap3A_440], %get3A_437 {strides = array<i32>} : memref<8256xf32, #tpu.memory_space<vmem>>, vector<16xf32>,
          %get3A_442 = arith.index_cast %scan3A_418 : i32 to index
          %get3A_443 = arith.constant 48 : index
          %get3A_444 = tpu.vector_load %arg6[%get3A_442, %get3A_443] {strides = array<i32>} : memref<64x128xf32, #tpu.memory_space<vmem>>, vector<16xf32>,
          %add3A_445 = arith.constant 48 : i32
          %add3A_446 = arith.addi %mul3A_420, %add3A_445 : i32
          %swap3A_447 = arith.index_cast %add3A_446 : i32 to index
          %swap3A_448 = tpu.vector_load %arg7[%swap3A_447] {strides = array<i32>} : memref<8256xf32, #tpu.memory_space<vmem>>, vector<16xf32>,
          tpu.vector_store %arg7[%swap3A_447], %get3A_444 {strides = array<i32>} : memref<8256xf32, #tpu.memory_space<vmem>>, vector<16xf32>,
          %get3A_449 = arith.index_cast %scan3A_418 : i32 to index
          %get3A_450 = arith.constant 64 : index
          %get3A_451 = tpu.vector_load %arg6[%get3A_449, %get3A_450] {strides = array<i32>} : memref<64x128xf32, #tpu.memory_space<vmem>>, vector<16xf32>,
          %add3A_452 = arith.constant 64 : i32
          %add3A_453 = arith.addi %mul3A_420, %add3A_452 : i32
          %swap3A_454 = arith.index_cast %add3A_453 : i32 to index
          %swap3A_455 = tpu.vector_load %arg7[%swap3A_454] {strides = array<i32>} : memref<8256xf32, #tpu.memory_space<vmem>>, vector<16xf32>,
          tpu.vector_store %arg7[%swap3A_454], %get3A_451 {strides = array<i32>} : memref<8256xf32, #tpu.memory_space<vmem>>, vector<16xf32>,
          %get3A_456 = arith.index_cast %scan3A_418 : i32 to index
          %get3A_457 = arith.constant 80 : index
          %get3A_458 = tpu.vector_load %arg6[%get3A_456, %get3A_457] {strides = array<i32>} : memref<64x128xf32, #tpu.memory_space<vmem>>, vector<16xf32>,
          %add3A_459 = arith.constant 80 : i32
          %add3A_460 = arith.addi %mul3A_420, %add3A_459 : i32
          %swap3A_461 = arith.index_cast %add3A_460 : i32 to index
          %swap3A_462 = tpu.vector_load %arg7[%swap3A_461] {strides = array<i32>} : memref<8256xf32, #tpu.memory_space<vmem>>, vector<16xf32>,
          tpu.vector_store %arg7[%swap3A_461], %get3A_458 {strides = array<i32>} : memref<8256xf32, #tpu.memory_space<vmem>>, vector<16xf32>,
          %get3A_463 = arith.index_cast %scan3A_418 : i32 to index
          %get3A_464 = arith.constant 96 : index
          %get3A_465 = tpu.vector_load %arg6[%get3A_463, %get3A_464] {strides = array<i32>} : memref<64x128xf32, #tpu.memory_space<vmem>>, vector<16xf32>,
          %add3A_466 = arith.constant 96 : i32
          %add3A_467 = arith.addi %mul3A_420, %add3A_466 : i32
          %swap3A_468 = arith.index_cast %add3A_467 : i32 to index
          %swap3A_469 = tpu.vector_load %arg7[%swap3A_468] {strides = array<i32>} : memref<8256xf32, #tpu.memory_space<vmem>>, vector<16xf32>,
          tpu.vector_store %arg7[%swap3A_468], %get3A_465 {strides = array<i32>} : memref<8256xf32, #tpu.memory_space<vmem>>, vector<16xf32>,
          %get3A_470 = arith.index_cast %scan3A_418 : i32 to index
          %get3A_471 = arith.constant 112 : index
          %get3A_472 = tpu.vector_load %arg6[%get3A_470, %get3A_471] {strides = array<i32>} : memref<64x128xf32, #tpu.memory_space<vmem>>, vector<16xf32>,
          %add3A_473 = arith.constant 112 : i32
          %add3A_474 = arith.addi %mul3A_420, %add3A_473 : i32
          %swap3A_475 = arith.index_cast %add3A_474 : i32 to index
          %swap3A_476 = tpu.vector_load %arg7[%swap3A_475] {strides = array<i32>} : memref<8256xf32, #tpu.memory_space<vmem>>, vector<16xf32>,
          tpu.vector_store %arg7[%swap3A_475], %get3A_472 {strides = array<i32>} : memref<8256xf32, #tpu.memory_space<vmem>>, vector<16xf32>,
        }
        %scan3A_226 = arith.constant 64 : i32
        %scan3A_227 = arith.constant 0 : i32
        %scan3A_228 = arith.constant 128 : i32
        %scan3A_229 = arith.addi %scan3A_227, %scan3A_228 : i32
        %scan3A_230 = arith.constant 2 : i32
        scf.for %scan3A_240 = %scan3A_227 to %scan3A_229 step %scan3A_230  : i32 {
          %mul3A_241 = arith.constant 80 : i32
          %mul3A_242 = arith.muli %scan3A_240, %mul3A_241 : i32
          %add3A_243 = vector.broadcast %scan3A_240 : i32 to vector<16xi32>
          %add3A_244 = arith.addi %mul3A_10, %add3A_243 : vector<16xi32>
          %gather3A = tpu.vector_load_idx %arg7[%add3A_244] : memref<8256xf32, #tpu.memory_space<vmem>>[vector<16xi32>], vector<16xf32>,
          %add3A_245 = arith.constant 0 : i32
          %add3A_246 = arith.addi %mul3A_242, %add3A_245 : i32
          %swap3A = arith.index_cast %add3A_246 : i32 to index
          %swap3A_247 = tpu.vector_load %arg9[%swap3A] {strides = array<i32>} : memref<10240xf32, #tpu.memory_space<vmem>>, vector<16xf32>,
          tpu.vector_store %arg9[%swap3A], %gather3A {strides = array<i32>} : memref<10240xf32, #tpu.memory_space<vmem>>, vector<16xf32>,
          %add3A_248 = vector.broadcast %scan3A_240 : i32 to vector<16xi32>
          %add3A_249 = arith.addi %mul3A_17, %add3A_248 : vector<16xi32>
          %gather3A_250 = tpu.vector_load_idx %arg7[%add3A_249] : memref<8256xf32, #tpu.memory_space<vmem>>[vector<16xi32>], vector<16xf32>,
          %add3A_251 = arith.constant 16 : i32
          %add3A_252 = arith.addi %mul3A_242, %add3A_251 : i32
          %swap3A_253 = arith.index_cast %add3A_252 : i32 to index
          %swap3A_254 = tpu.vector_load %arg9[%swap3A_253] {strides = array<i32>} : memref<10240xf32, #tpu.memory_space<vmem>>, vector<16xf32>,
          tpu.vector_store %arg9[%swap3A_253], %gather3A_250 {strides = array<i32>} : memref<10240xf32, #tpu.memory_space<vmem>>, vector<16xf32>,
          %add3A_255 = vector.broadcast %scan3A_240 : i32 to vector<16xi32>
          %add3A_256 = arith.addi %mul3A_24, %add3A_255 : vector<16xi32>
          %gather3A_257 = tpu.vector_load_idx %arg7[%add3A_256] : memref<8256xf32, #tpu.memory_space<vmem>>[vector<16xi32>], vector<16xf32>,
          %add3A_258 = arith.constant 32 : i32
          %add3A_259 = arith.addi %mul3A_242, %add3A_258 : i32
          %swap3A_260 = arith.index_cast %add3A_259 : i32 to index
          %swap3A_261 = tpu.vector_load %arg9[%swap3A_260] {strides = array<i32>} : memref<10240xf32, #tpu.memory_space<vmem>>, vector<16xf32>,
          tpu.vector_store %arg9[%swap3A_260], %gather3A_257 {strides = array<i32>} : memref<10240xf32, #tpu.memory_space<vmem>>, vector<16xf32>,
          %add3A_262 = vector.broadcast %scan3A_240 : i32 to vector<16xi32>
          %add3A_263 = arith.addi %mul3A_31, %add3A_262 : vector<16xi32>
          %gather3A_264 = tpu.vector_load_idx %arg7[%add3A_263] : memref<8256xf32, #tpu.memory_space<vmem>>[vector<16xi32>], vector<16xf32>,
          %add3A_265 = arith.constant 48 : i32
          %add3A_266 = arith.addi %mul3A_242, %add3A_265 : i32
          %swap3A_267 = arith.index_cast %add3A_266 : i32 to index
          %swap3A_268 = tpu.vector_load %arg9[%swap3A_267] {strides = array<i32>} : memref<10240xf32, #tpu.memory_space<vmem>>, vector<16xf32>,
          tpu.vector_store %arg9[%swap3A_267], %gather3A_264 {strides = array<i32>} : memref<10240xf32, #tpu.memory_space<vmem>>, vector<16xf32>,
          %scan3A_269 = arith.constant 1 : i32
          %scan3A_270 = arith.addi %scan3A_240, %scan3A_269 : i32
          %mul3A_271 = arith.constant 80 : i32
          %mul3A_272 = arith.muli %scan3A_270, %mul3A_271 : i32
          %add3A_273 = vector.broadcast %scan3A_270 : i32 to vector<16xi32>
          %add3A_274 = arith.addi %mul3A_10, %add3A_273 : vector<16xi32>
          %gather3A_275 = tpu.vector_load_idx %arg7[%add3A_274] : memref<8256xf32, #tpu.memory_space<vmem>>[vector<16xi32>], vector<16xf32>,
          %add3A_276 = arith.constant 0 : i32
          %add3A_277 = arith.addi %mul3A_272, %add3A_276 : i32
          %swap3A_278 = arith.index_cast %add3A_277 : i32 to index
          %swap3A_279 = tpu.vector_load %arg9[%swap3A_278] {strides = array<i32>} : memref<10240xf32, #tpu.memory_space<vmem>>, vector<16xf32>,
          tpu.vector_store %arg9[%swap3A_278], %gather3A_275 {strides = array<i32>} : memref<10240xf32, #tpu.memory_space<vmem>>, vector<16xf32>,
          %add3A_280 = vector.broadcast %scan3A_270 : i32 to vector<16xi32>
          %add3A_281 = arith.addi %mul3A_17, %add3A_280 : vector<16xi32>
          %gather3A_282 = tpu.vector_load_idx %arg7[%add3A_281] : memref<8256xf32, #tpu.memory_space<vmem>>[vector<16xi32>], vector<16xf32>,
          %add3A_283 = arith.constant 16 : i32
          %add3A_284 = arith.addi %mul3A_272, %add3A_283 : i32
          %swap3A_285 = arith.index_cast %add3A_284 : i32 to index
          %swap3A_286 = tpu.vector_load %arg9[%swap3A_285] {strides = array<i32>} : memref<10240xf32, #tpu.memory_space<vmem>>, vector<16xf32>,
          tpu.vector_store %arg9[%swap3A_285], %gather3A_282 {strides = array<i32>} : memref<10240xf32, #tpu.memory_space<vmem>>, vector<16xf32>,
          %add3A_287 = vector.broadcast %scan3A_270 : i32 to vector<16xi32>
          %add3A_288 = arith.addi %mul3A_24, %add3A_287 : vector<16xi32>
          %gather3A_289 = tpu.vector_load_idx %arg7[%add3A_288] : memref<8256xf32, #tpu.memory_space<vmem>>[vector<16xi32>], vector<16xf32>,
          %add3A_290 = arith.constant 32 : i32
          %add3A_291 = arith.addi %mul3A_272, %add3A_290 : i32
          %swap3A_292 = arith.index_cast %add3A_291 : i32 to index
          %swap3A_293 = tpu.vector_load %arg9[%swap3A_292] {strides = array<i32>} : memref<10240xf32, #tpu.memory_space<vmem>>, vector<16xf32>,
          tpu.vector_store %arg9[%swap3A_292], %gather3A_289 {strides = array<i32>} : memref<10240xf32, #tpu.memory_space<vmem>>, vector<16xf32>,
          %add3A_294 = vector.broadcast %scan3A_270 : i32 to vector<16xi32>
          %add3A_295 = arith.addi %mul3A_31, %add3A_294 : vector<16xi32>
          %gather3A_296 = tpu.vector_load_idx %arg7[%add3A_295] : memref<8256xf32, #tpu.memory_space<vmem>>[vector<16xi32>], vector<16xf32>,
          %add3A_297 = arith.constant 48 : i32
          %add3A_298 = arith.addi %mul3A_272, %add3A_297 : i32
          %swap3A_299 = arith.index_cast %add3A_298 : i32 to index
          %swap3A_300 = tpu.vector_load %arg9[%swap3A_299] {strides = array<i32>} : memref<10240xf32, #tpu.memory_space<vmem>>, vector<16xf32>,
          tpu.vector_store %arg9[%swap3A_299], %gather3A_296 {strides = array<i32>} : memref<10240xf32, #tpu.memory_space<vmem>>, vector<16xf32>,
        }
        %scan3A_231 = arith.constant 128 : i32
        %mul3A_232 = arith.constant 32 : i32
        %mul3A_233 = arith.muli %add3A_101, %mul3A_232 : i32
        %add3A_234 = arith.addi %mul3A_233, %add3A : i32
        %mul3A_235 = arith.constant 128 : i32
        %mul3A_236 = arith.muli %add3A_234, %mul3A_235 : i32
        %mul3A_237 = arith.constant 80 : i32
        %mul3A_238 = arith.muli %mul3A_236, %mul3A_237 : i32
        %dma_start3A = tpu.memref_slice %arg4[%mul3A_238] : memref<80000000xf32, #tpu.memory_space<hbm>> -> memref<10240xf32, #tpu.memory_space<hbm>>
        %dma_start3A_239 = tpu.memref_slice %arg4[%mul3A_238] : memref<80000000xf32, #tpu.memory_space<hbm>> -> memref<10240xf32, #tpu.memory_space<hbm>>
        tpu.enqueue_dma source(%arg9 : memref<10240xf32, #tpu.memory_space<vmem>>) target(%dma_start3A_239 : memref<10240xf32, #tpu.memory_space<hbm>>) target_semaphore(%arg14 : memref<!tpu.dma_semaphore, #tpu.memory_space<semaphore_mem>>)
      } else {
      }
    }
    %scan3A_39 = arith.constant 123 : i32
    %sub3A = arith.constant 7812 : i32
    %sub3A_40 = arith.subi %sub3A, %add3A : i32
    %add3A_41 = arith.constant 32 : i32
    %add3A_42 = arith.addi %sub3A_40, %add3A_41 : i32
    %sub3A_43 = arith.constant 1 : i32
    %sub3A_44 = arith.subi %add3A_42, %sub3A_43 : i32
    %jit3A = arith.constant 32 : i32
    %div3A = arith.divsi %sub3A_44, %jit3A : i32
    %sign3A = arith.constant 0 : i32
    %sign3A_45 = arith.cmpi sgt, %sub3A_44, %sign3A : i32
    %sign3A_46 = arith.extui %sign3A_45 : i1 to i32
    %sign3A_47 = arith.constant 0 : i32
    %sign3A_48 = arith.cmpi slt, %sub3A_44, %sign3A_47 : i32
    %sign3A_49 = arith.extui %sign3A_48 : i1 to i32
    %sign3A_50 = arith.subi %sign3A_46, %sign3A_49 : i32
    %sign3A_51 = arith.constant 0 : i32
    %sign3A_52 = arith.cmpi sgt, %jit3A, %sign3A_51 : i32
    %sign3A_53 = arith.extui %sign3A_52 : i1 to i32
    %sign3A_54 = arith.constant 0 : i32
    %sign3A_55 = arith.cmpi slt, %jit3A, %sign3A_54 : i32
    %sign3A_56 = arith.extui %sign3A_55 : i1 to i32
    %sign3A_57 = arith.subi %sign3A_53, %sign3A_56 : i32
    %ne3A = arith.cmpi ne, %sign3A_50, %sign3A_57 : i32
    %rem3A = arith.remsi %sub3A_44, %jit3A : i32
    %ne3A_58 = arith.constant 0 : i32
    %ne3A_59 = arith.cmpi ne, %rem3A, %ne3A_58 : i32
    %and3A = arith.andi %ne3A, %ne3A_59 : i1
    %sub3A_60 = arith.constant 1 : i32
    %sub3A_61 = arith.subi %div3A, %sub3A_60 : i32
    %select_n3A = arith.select %and3A, %sub3A_61, %div3A : i32
    %sub3A_62 = arith.constant 1 : i32
    %sub3A_63 = arith.subi %select_n3A, %sub3A_62 : i32
    %sub3A_64 = arith.constant 2 : i32
    %sub3A_65 = arith.subi %select_n3A, %sub3A_64 : i32
    %rem3A_66 = arith.constant 2 : i32
    %rem3A_67 = arith.remsi %sub3A_63, %rem3A_66 : i32
    %eq3A = arith.constant 0 : i32
    %eq3A_68 = arith.cmpi eq, %rem3A_67, %eq3A : i32
    %convert_element_type3A_69 = arith.extui %eq3A_68 : i1 to i32
    %cond3A_70 = arith.constant 0 : i32
    %cond3A_71 = arith.cmpi ne, %convert_element_type3A_69, %cond3A_70 : i32
    scf.if %cond3A_71 {
      %mul3A_77 = arith.constant 32 : i32
      %mul3A_78 = arith.muli %sub3A_63, %mul3A_77 : i32
      %add3A_79 = arith.addi %mul3A_78, %add3A : i32
      %mul3A_80 = arith.constant 128 : i32
      %mul3A_81 = arith.muli %add3A_79, %mul3A_80 : i32
      %mul3A_82 = arith.constant 80 : i32
      %mul3A_83 = arith.muli %mul3A_81, %mul3A_82 : i32
      %dma_wait3A = tpu.memref_slice %arg4[%mul3A_83] : memref<80000000xf32, #tpu.memory_space<hbm>> -> memref<10240xf32, #tpu.memory_space<hbm>>
      %dma_wait3A_84 = tpu.memref_slice %arg4[%mul3A_83] : memref<80000000xf32, #tpu.memory_space<hbm>> -> memref<10240xf32, #tpu.memory_space<hbm>>
      tpu.wait_dma2 semaphore(%arg13 : memref<!tpu.dma_semaphore, #tpu.memory_space<semaphore_mem>>) src(%arg8 : memref<10240xf32, #tpu.memory_space<vmem>>) dst(%dma_wait3A_84 : memref<10240xf32, #tpu.memory_space<hbm>>)
      %mul3A_85 = arith.constant 32 : i32
      %mul3A_86 = arith.muli %sub3A_65, %mul3A_85 : i32
      %add3A_87 = arith.addi %mul3A_86, %add3A : i32
      %mul3A_88 = arith.constant 128 : i32
      %mul3A_89 = arith.muli %add3A_87, %mul3A_88 : i32
      %mul3A_90 = arith.constant 80 : i32
      %mul3A_91 = arith.muli %mul3A_89, %mul3A_90 : i32
      %dma_wait3A_92 = tpu.memref_slice %arg4[%mul3A_91] : memref<80000000xf32, #tpu.memory_space<hbm>> -> memref<10240xf32, #tpu.memory_space<hbm>>
      %dma_wait3A_93 = tpu.memref_slice %arg4[%mul3A_91] : memref<80000000xf32, #tpu.memory_space<hbm>> -> memref<10240xf32, #tpu.memory_space<hbm>>
      tpu.wait_dma2 semaphore(%arg14 : memref<!tpu.dma_semaphore, #tpu.memory_space<semaphore_mem>>) src(%arg9 : memref<10240xf32, #tpu.memory_space<vmem>>) dst(%dma_wait3A_93 : memref<10240xf32, #tpu.memory_space<hbm>>)
    } else {
      %mul3A_77 = arith.constant 32 : i32
      %mul3A_78 = arith.muli %sub3A_65, %mul3A_77 : i32
      %add3A_79 = arith.addi %mul3A_78, %add3A : i32
      %mul3A_80 = arith.constant 128 : i32
      %mul3A_81 = arith.muli %add3A_79, %mul3A_80 : i32
      %mul3A_82 = arith.constant 80 : i32
      %mul3A_83 = arith.muli %mul3A_81, %mul3A_82 : i32
      %dma_wait3A = tpu.memref_slice %arg4[%mul3A_83] : memref<80000000xf32, #tpu.memory_space<hbm>> -> memref<10240xf32, #tpu.memory_space<hbm>>
      %dma_wait3A_84 = tpu.memref_slice %arg4[%mul3A_83] : memref<80000000xf32, #tpu.memory_space<hbm>> -> memref<10240xf32, #tpu.memory_space<hbm>>
      tpu.wait_dma2 semaphore(%arg13 : memref<!tpu.dma_semaphore, #tpu.memory_space<semaphore_mem>>) src(%arg8 : memref<10240xf32, #tpu.memory_space<vmem>>) dst(%dma_wait3A_84 : memref<10240xf32, #tpu.memory_space<hbm>>)
      %mul3A_85 = arith.constant 32 : i32
      %mul3A_86 = arith.muli %sub3A_63, %mul3A_85 : i32
      %add3A_87 = arith.addi %mul3A_86, %add3A : i32
      %mul3A_88 = arith.constant 128 : i32
      %mul3A_89 = arith.muli %add3A_87, %mul3A_88 : i32
      %mul3A_90 = arith.constant 80 : i32
      %mul3A_91 = arith.muli %mul3A_89, %mul3A_90 : i32
      %dma_wait3A_92 = tpu.memref_slice %arg4[%mul3A_91] : memref<80000000xf32, #tpu.memory_space<hbm>> -> memref<10240xf32, #tpu.memory_space<hbm>>
      %dma_wait3A_93 = tpu.memref_slice %arg4[%mul3A_91] : memref<80000000xf32, #tpu.memory_space<hbm>> -> memref<10240xf32, #tpu.memory_space<hbm>>
      tpu.wait_dma2 semaphore(%arg14 : memref<!tpu.dma_semaphore, #tpu.memory_space<semaphore_mem>>) src(%arg9 : memref<10240xf32, #tpu.memory_space<vmem>>) dst(%dma_wait3A_93 : memref<10240xf32, #tpu.memory_space<hbm>>)
    }
    %eq3A_72 = arith.constant 31 : i32
    %eq3A_73 = arith.cmpi eq, %add3A, %eq3A_72 : i32
    %convert_element_type3A_74 = arith.extui %eq3A_73 : i1 to i32
    %cond3A_75 = arith.constant 0 : i32
    %cond3A_76 = arith.cmpi ne, %convert_element_type3A_74, %cond3A_75 : i32
    scf.if %cond3A_76 {
      tpu.enqueue_dma source(%arg3 : memref<4096xf32, #tpu.memory_space<hbm>>) target(%arg10 : memref<4096xf32, #tpu.memory_space<vmem>>) target_semaphore(%arg11 : memref<!tpu.dma_semaphore, #tpu.memory_space<semaphore_mem>>)
      tpu.wait_dma2 semaphore(%arg11 : memref<!tpu.dma_semaphore, #tpu.memory_space<semaphore_mem>>) src(%arg3 : memref<4096xf32, #tpu.memory_space<hbm>>) dst(%arg10 : memref<4096xf32, #tpu.memory_space<vmem>>)
      %scan3A_77 = arith.constant 0 : i32
      %scan3A_78 = arith.constant 64 : i32
      %scan3A_79 = arith.addi %scan3A_77, %scan3A_78 : i32
      %scan3A_80 = arith.constant 4 : i32
      scf.for %scan3A_96 = %scan3A_77 to %scan3A_79 step %scan3A_80  : i32 {
        %mul3A_97 = arith.constant 64 : i32
        %mul3A_98 = arith.muli %scan3A_96, %mul3A_97 : i32
        %add3A_99 = arith.constant 0 : i32
        %add3A_100 = arith.addi %mul3A_98, %add3A_99 : i32
        %get3A = arith.index_cast %add3A_100 : i32 to index
        %get3A_101 = tpu.vector_load %arg10[%get3A] {strides = array<i32>} : memref<4096xf32, #tpu.memory_space<vmem>>, vector<16xf32>,
        %add3A_102 = arith.constant 0 : i32
        %add3A_103 = arith.addi %add3A_102, %scan3A_96 : i32
        %add3A_104 = vector.broadcast %add3A_103 : i32 to vector<16xi32>
        %add3A_105 = arith.addi %mul3A_3, %add3A_104 : vector<16xi32>
        tpu.vector_store_idx %arg8[%add3A_105], %get3A_101 : memref<10240xf32, #tpu.memory_space<vmem>>[vector<16xi32>], vector<16xf32>,
        %mul3A_106 = arith.constant 64 : i32
        %mul3A_107 = arith.muli %scan3A_96, %mul3A_106 : i32
        %add3A_108 = arith.constant 16 : i32
        %add3A_109 = arith.addi %mul3A_107, %add3A_108 : i32
        %get3A_110 = arith.index_cast %add3A_109 : i32 to index
        %get3A_111 = tpu.vector_load %arg10[%get3A_110] {strides = array<i32>} : memref<4096xf32, #tpu.memory_space<vmem>>, vector<16xf32>,
        %add3A_112 = arith.constant 1280 : i32
        %add3A_113 = arith.addi %add3A_112, %scan3A_96 : i32
        %add3A_114 = vector.broadcast %add3A_113 : i32 to vector<16xi32>
        %add3A_115 = arith.addi %mul3A_3, %add3A_114 : vector<16xi32>
        tpu.vector_store_idx %arg8[%add3A_115], %get3A_111 : memref<10240xf32, #tpu.memory_space<vmem>>[vector<16xi32>], vector<16xf32>,
        %mul3A_116 = arith.constant 64 : i32
        %mul3A_117 = arith.muli %scan3A_96, %mul3A_116 : i32
        %add3A_118 = arith.constant 32 : i32
        %add3A_119 = arith.addi %mul3A_117, %add3A_118 : i32
        %get3A_120 = arith.index_cast %add3A_119 : i32 to index
        %get3A_121 = tpu.vector_load %arg10[%get3A_120] {strides = array<i32>} : memref<4096xf32, #tpu.memory_space<vmem>>, vector<16xf32>,
        %add3A_122 = arith.constant 2560 : i32
        %add3A_123 = arith.addi %add3A_122, %scan3A_96 : i32
        %add3A_124 = vector.broadcast %add3A_123 : i32 to vector<16xi32>
        %add3A_125 = arith.addi %mul3A_3, %add3A_124 : vector<16xi32>
        tpu.vector_store_idx %arg8[%add3A_125], %get3A_121 : memref<10240xf32, #tpu.memory_space<vmem>>[vector<16xi32>], vector<16xf32>,
        %mul3A_126 = arith.constant 64 : i32
        %mul3A_127 = arith.muli %scan3A_96, %mul3A_126 : i32
        %add3A_128 = arith.constant 48 : i32
        %add3A_129 = arith.addi %mul3A_127, %add3A_128 : i32
        %get3A_130 = arith.index_cast %add3A_129 : i32 to index
        %get3A_131 = tpu.vector_load %arg10[%get3A_130] {strides = array<i32>} : memref<4096xf32, #tpu.memory_space<vmem>>, vector<16xf32>,
        %add3A_132 = arith.constant 3840 : i32
        %add3A_133 = arith.addi %add3A_132, %scan3A_96 : i32
        %add3A_134 = vector.broadcast %add3A_133 : i32 to vector<16xi32>
        %add3A_135 = arith.addi %mul3A_3, %add3A_134 : vector<16xi32>
        tpu.vector_store_idx %arg8[%add3A_135], %get3A_131 : memref<10240xf32, #tpu.memory_space<vmem>>[vector<16xi32>], vector<16xf32>,
        %scan3A_136 = arith.constant 1 : i32
        %scan3A_137 = arith.addi %scan3A_96, %scan3A_136 : i32
        %mul3A_138 = arith.constant 64 : i32
        %mul3A_139 = arith.muli %scan3A_137, %mul3A_138 : i32
        %add3A_140 = arith.constant 0 : i32
        %add3A_141 = arith.addi %mul3A_139, %add3A_140 : i32
        %get3A_142 = arith.index_cast %add3A_141 : i32 to index
        %get3A_143 = tpu.vector_load %arg10[%get3A_142] {strides = array<i32>} : memref<4096xf32, #tpu.memory_space<vmem>>, vector<16xf32>,
        %add3A_144 = arith.constant 0 : i32
        %add3A_145 = arith.addi %add3A_144, %scan3A_137 : i32
        %add3A_146 = vector.broadcast %add3A_145 : i32 to vector<16xi32>
        %add3A_147 = arith.addi %mul3A_3, %add3A_146 : vector<16xi32>
        tpu.vector_store_idx %arg8[%add3A_147], %get3A_143 : memref<10240xf32, #tpu.memory_space<vmem>>[vector<16xi32>], vector<16xf32>,
        %mul3A_148 = arith.constant 64 : i32
        %mul3A_149 = arith.muli %scan3A_137, %mul3A_148 : i32
        %add3A_150 = arith.constant 16 : i32
        %add3A_151 = arith.addi %mul3A_149, %add3A_150 : i32
        %get3A_152 = arith.index_cast %add3A_151 : i32 to index
        %get3A_153 = tpu.vector_load %arg10[%get3A_152] {strides = array<i32>} : memref<4096xf32, #tpu.memory_space<vmem>>, vector<16xf32>,
        %add3A_154 = arith.constant 1280 : i32
        %add3A_155 = arith.addi %add3A_154, %scan3A_137 : i32
        %add3A_156 = vector.broadcast %add3A_155 : i32 to vector<16xi32>
        %add3A_157 = arith.addi %mul3A_3, %add3A_156 : vector<16xi32>
        tpu.vector_store_idx %arg8[%add3A_157], %get3A_153 : memref<10240xf32, #tpu.memory_space<vmem>>[vector<16xi32>], vector<16xf32>,
        %mul3A_158 = arith.constant 64 : i32
        %mul3A_159 = arith.muli %scan3A_137, %mul3A_158 : i32
        %add3A_160 = arith.constant 32 : i32
        %add3A_161 = arith.addi %mul3A_159, %add3A_160 : i32
        %get3A_162 = arith.index_cast %add3A_161 : i32 to index
        %get3A_163 = tpu.vector_load %arg10[%get3A_162] {strides = array<i32>} : memref<4096xf32, #tpu.memory_space<vmem>>, vector<16xf32>,
        %add3A_164 = arith.constant 2560 : i32
        %add3A_165 = arith.addi %add3A_164, %scan3A_137 : i32
        %add3A_166 = vector.broadcast %add3A_165 : i32 to vector<16xi32>
        %add3A_167 = arith.addi %mul3A_3, %add3A_166 : vector<16xi32>
        tpu.vector_store_idx %arg8[%add3A_167], %get3A_163 : memref<10240xf32, #tpu.memory_space<vmem>>[vector<16xi32>], vector<16xf32>,
        %mul3A_168 = arith.constant 64 : i32
        %mul3A_169 = arith.muli %scan3A_137, %mul3A_168 : i32
        %add3A_170 = arith.constant 48 : i32
        %add3A_171 = arith.addi %mul3A_169, %add3A_170 : i32
        %get3A_172 = arith.index_cast %add3A_171 : i32 to index
        %get3A_173 = tpu.vector_load %arg10[%get3A_172] {strides = array<i32>} : memref<4096xf32, #tpu.memory_space<vmem>>, vector<16xf32>,
        %add3A_174 = arith.constant 3840 : i32
        %add3A_175 = arith.addi %add3A_174, %scan3A_137 : i32
        %add3A_176 = vector.broadcast %add3A_175 : i32 to vector<16xi32>
        %add3A_177 = arith.addi %mul3A_3, %add3A_176 : vector<16xi32>
        tpu.vector_store_idx %arg8[%add3A_177], %get3A_173 : memref<10240xf32, #tpu.memory_space<vmem>>[vector<16xi32>], vector<16xf32>,
        %scan3A_178 = arith.constant 2 : i32
        %scan3A_179 = arith.addi %scan3A_96, %scan3A_178 : i32
        %mul3A_180 = arith.constant 64 : i32
        %mul3A_181 = arith.muli %scan3A_179, %mul3A_180 : i32
        %add3A_182 = arith.constant 0 : i32
        %add3A_183 = arith.addi %mul3A_181, %add3A_182 : i32
        %get3A_184 = arith.index_cast %add3A_183 : i32 to index
        %get3A_185 = tpu.vector_load %arg10[%get3A_184] {strides = array<i32>} : memref<4096xf32, #tpu.memory_space<vmem>>, vector<16xf32>,
        %add3A_186 = arith.constant 0 : i32
        %add3A_187 = arith.addi %add3A_186, %scan3A_179 : i32
        %add3A_188 = vector.broadcast %add3A_187 : i32 to vector<16xi32>
        %add3A_189 = arith.addi %mul3A_3, %add3A_188 : vector<16xi32>
        tpu.vector_store_idx %arg8[%add3A_189], %get3A_185 : memref<10240xf32, #tpu.memory_space<vmem>>[vector<16xi32>], vector<16xf32>,
        %mul3A_190 = arith.constant 64 : i32
        %mul3A_191 = arith.muli %scan3A_179, %mul3A_190 : i32
        %add3A_192 = arith.constant 16 : i32
        %add3A_193 = arith.addi %mul3A_191, %add3A_192 : i32
        %get3A_194 = arith.index_cast %add3A_193 : i32 to index
        %get3A_195 = tpu.vector_load %arg10[%get3A_194] {strides = array<i32>} : memref<4096xf32, #tpu.memory_space<vmem>>, vector<16xf32>,
        %add3A_196 = arith.constant 1280 : i32
        %add3A_197 = arith.addi %add3A_196, %scan3A_179 : i32
        %add3A_198 = vector.broadcast %add3A_197 : i32 to vector<16xi32>
        %add3A_199 = arith.addi %mul3A_3, %add3A_198 : vector<16xi32>
        tpu.vector_store_idx %arg8[%add3A_199], %get3A_195 : memref<10240xf32, #tpu.memory_space<vmem>>[vector<16xi32>], vector<16xf32>,
        %mul3A_200 = arith.constant 64 : i32
        %mul3A_201 = arith.muli %scan3A_179, %mul3A_200 : i32
        %add3A_202 = arith.constant 32 : i32
        %add3A_203 = arith.addi %mul3A_201, %add3A_202 : i32
        %get3A_204 = arith.index_cast %add3A_203 : i32 to index
        %get3A_205 = tpu.vector_load %arg10[%get3A_204] {strides = array<i32>} : memref<4096xf32, #tpu.memory_space<vmem>>, vector<16xf32>,
        %add3A_206 = arith.constant 2560 : i32
        %add3A_207 = arith.addi %add3A_206, %scan3A_179 : i32
        %add3A_208 = vector.broadcast %add3A_207 : i32 to vector<16xi32>
        %add3A_209 = arith.addi %mul3A_3, %add3A_208 : vector<16xi32>
        tpu.vector_store_idx %arg8[%add3A_209], %get3A_205 : memref<10240xf32, #tpu.memory_space<vmem>>[vector<16xi32>], vector<16xf32>,
        %mul3A_210 = arith.constant 64 : i32
        %mul3A_211 = arith.muli %scan3A_179, %mul3A_210 : i32
        %add3A_212 = arith.constant 48 : i32
        %add3A_213 = arith.addi %mul3A_211, %add3A_212 : i32
        %get3A_214 = arith.index_cast %add3A_213 : i32 to index
        %get3A_215 = tpu.vector_load %arg10[%get3A_214] {strides = array<i32>} : memref<4096xf32, #tpu.memory_space<vmem>>, vector<16xf32>,
        %add3A_216 = arith.constant 3840 : i32
        %add3A_217 = arith.addi %add3A_216, %scan3A_179 : i32
        %add3A_218 = vector.broadcast %add3A_217 : i32 to vector<16xi32>
        %add3A_219 = arith.addi %mul3A_3, %add3A_218 : vector<16xi32>
        tpu.vector_store_idx %arg8[%add3A_219], %get3A_215 : memref<10240xf32, #tpu.memory_space<vmem>>[vector<16xi32>], vector<16xf32>,
        %scan3A_220 = arith.constant 3 : i32
        %scan3A_221 = arith.addi %scan3A_96, %scan3A_220 : i32
        %mul3A_222 = arith.constant 64 : i32
        %mul3A_223 = arith.muli %scan3A_221, %mul3A_222 : i32
        %add3A_224 = arith.constant 0 : i32
        %add3A_225 = arith.addi %mul3A_223, %add3A_224 : i32
        %get3A_226 = arith.index_cast %add3A_225 : i32 to index
        %get3A_227 = tpu.vector_load %arg10[%get3A_226] {strides = array<i32>} : memref<4096xf32, #tpu.memory_space<vmem>>, vector<16xf32>,
        %add3A_228 = arith.constant 0 : i32
        %add3A_229 = arith.addi %add3A_228, %scan3A_221 : i32
        %add3A_230 = vector.broadcast %add3A_229 : i32 to vector<16xi32>
        %add3A_231 = arith.addi %mul3A_3, %add3A_230 : vector<16xi32>
        tpu.vector_store_idx %arg8[%add3A_231], %get3A_227 : memref<10240xf32, #tpu.memory_space<vmem>>[vector<16xi32>], vector<16xf32>,
        %mul3A_232 = arith.constant 64 : i32
        %mul3A_233 = arith.muli %scan3A_221, %mul3A_232 : i32
        %add3A_234 = arith.constant 16 : i32
        %add3A_235 = arith.addi %mul3A_233, %add3A_234 : i32
        %get3A_236 = arith.index_cast %add3A_235 : i32 to index
        %get3A_237 = tpu.vector_load %arg10[%get3A_236] {strides = array<i32>} : memref<4096xf32, #tpu.memory_space<vmem>>, vector<16xf32>,
        %add3A_238 = arith.constant 1280 : i32
        %add3A_239 = arith.addi %add3A_238, %scan3A_221 : i32
        %add3A_240 = vector.broadcast %add3A_239 : i32 to vector<16xi32>
        %add3A_241 = arith.addi %mul3A_3, %add3A_240 : vector<16xi32>
        tpu.vector_store_idx %arg8[%add3A_241], %get3A_237 : memref<10240xf32, #tpu.memory_space<vmem>>[vector<16xi32>], vector<16xf32>,
        %mul3A_242 = arith.constant 64 : i32
        %mul3A_243 = arith.muli %scan3A_221, %mul3A_242 : i32
        %add3A_244 = arith.constant 32 : i32
        %add3A_245 = arith.addi %mul3A_243, %add3A_244 : i32
        %get3A_246 = arith.index_cast %add3A_245 : i32 to index
        %get3A_247 = tpu.vector_load %arg10[%get3A_246] {strides = array<i32>} : memref<4096xf32, #tpu.memory_space<vmem>>, vector<16xf32>,
        %add3A_248 = arith.constant 2560 : i32
        %add3A_249 = arith.addi %add3A_248, %scan3A_221 : i32
        %add3A_250 = vector.broadcast %add3A_249 : i32 to vector<16xi32>
        %add3A_251 = arith.addi %mul3A_3, %add3A_250 : vector<16xi32>
        tpu.vector_store_idx %arg8[%add3A_251], %get3A_247 : memref<10240xf32, #tpu.memory_space<vmem>>[vector<16xi32>], vector<16xf32>,
        %mul3A_252 = arith.constant 64 : i32
        %mul3A_253 = arith.muli %scan3A_221, %mul3A_252 : i32
        %add3A_254 = arith.constant 48 : i32
        %add3A_255 = arith.addi %mul3A_253, %add3A_254 : i32
        %get3A_256 = arith.index_cast %add3A_255 : i32 to index
        %get3A_257 = tpu.vector_load %arg10[%get3A_256] {strides = array<i32>} : memref<4096xf32, #tpu.memory_space<vmem>>, vector<16xf32>,
        %add3A_258 = arith.constant 3840 : i32
        %add3A_259 = arith.addi %add3A_258, %scan3A_221 : i32
        %add3A_260 = vector.broadcast %add3A_259 : i32 to vector<16xi32>
        %add3A_261 = arith.addi %mul3A_3, %add3A_260 : vector<16xi32>
        tpu.vector_store_idx %arg8[%add3A_261], %get3A_257 : memref<10240xf32, #tpu.memory_space<vmem>>[vector<16xi32>], vector<16xf32>,
      }
      %scan3A_81 = arith.constant 64 : i32
      %dma_start3A = arith.constant 0 : i32
      %dma_start3A_82 = tpu.memref_slice %arg8[%dma_start3A] : memref<10240xf32, #tpu.memory_space<vmem>> -> memref<5120xf32, #tpu.memory_space<vmem>>
      %dma_start3A_83 = arith.constant 79994880 : i32
      %dma_start3A_84 = tpu.memref_slice %arg4[%dma_start3A_83] : memref<80000000xf32, #tpu.memory_space<hbm>> -> memref<5120xf32, #tpu.memory_space<hbm>>
      %dma_start3A_85 = arith.constant 79994880 : i32
      %dma_start3A_86 = tpu.memref_slice %arg4[%dma_start3A_85] : memref<80000000xf32, #tpu.memory_space<hbm>> -> memref<5120xf32, #tpu.memory_space<hbm>>
      %dma_start3A_87 = arith.constant 0 : i32
      %dma_start3A_88 = tpu.memref_slice %arg8[%dma_start3A_87] : memref<10240xf32, #tpu.memory_space<vmem>> -> memref<5120xf32, #tpu.memory_space<vmem>>
      tpu.enqueue_dma source(%dma_start3A_88 : memref<5120xf32, #tpu.memory_space<vmem>>) target(%dma_start3A_86 : memref<5120xf32, #tpu.memory_space<hbm>>) target_semaphore(%arg13 : memref<!tpu.dma_semaphore, #tpu.memory_space<semaphore_mem>>)
      %dma_wait3A = arith.constant 0 : i32
      %dma_wait3A_89 = tpu.memref_slice %arg8[%dma_wait3A] : memref<10240xf32, #tpu.memory_space<vmem>> -> memref<5120xf32, #tpu.memory_space<vmem>>
      %dma_wait3A_90 = arith.constant 79994880 : i32
      %dma_wait3A_91 = tpu.memref_slice %arg4[%dma_wait3A_90] : memref<80000000xf32, #tpu.memory_space<hbm>> -> memref<5120xf32, #tpu.memory_space<hbm>>
      %dma_wait3A_92 = arith.constant 79994880 : i32
      %dma_wait3A_93 = tpu.memref_slice %arg4[%dma_wait3A_92] : memref<80000000xf32, #tpu.memory_space<hbm>> -> memref<5120xf32, #tpu.memory_space<hbm>>
      %dma_wait3A_94 = arith.constant 0 : i32
      %dma_wait3A_95 = tpu.memref_slice %arg8[%dma_wait3A_94] : memref<10240xf32, #tpu.memory_space<vmem>> -> memref<5120xf32, #tpu.memory_space<vmem>>
      tpu.wait_dma2 semaphore(%arg13 : memref<!tpu.dma_semaphore, #tpu.memory_space<semaphore_mem>>) src(%dma_wait3A_95 : memref<5120xf32, #tpu.memory_space<vmem>>) dst(%dma_wait3A_93 : memref<5120xf32, #tpu.memory_space<hbm>>)
    } else {
    }
    return
  }
}

</mosaic_0001>

<sc_bundles>
// kernel: kernel.4.cloned.1.call-start
scs
__scs_entry_jumppad:
0x0: {  	(pc) =	sbr.rel $0x88, $3  }
0x1: {  	(tag) =	ssettag $0x0;
	lr =	simm.s32 $0x1  }
0x2: {  	[smem:$0x3F9F] =	sst lr;
	_ =	strace $0xD0000000  }
0x3: {  	_ = 	snop  }
0x4: {  	_ = 	snop  }
0x5: {  	_ = 	snop  }
0x6: {  	_ = 	snop  }
0x7: {  	_ = 	snop  }
__scs_overlays_trampoline_lowered:
0x8: {  	[smem:$0x3FAE] =	sst s0  }
0x9: {  	[smem:$0x3FAF] =	sst s1  }
0xa: {  	[smem:$0x3FB0] =	sst s2  }
0xb: {  	[smem:$0x3FB1] =	sst s3  }
0xc: {  	[smem:$0x3FB2] =	sst s4  }
0xd: {  	[smem:$0x3FB3] =	sst s5  }
0xe: {  	[smem:$0x3FB4] =	sst s6  }
0xf: {  	[smem:$0x3FB5] =	sst s7  }
0x10: {  	[smem:$0x3FB6] =	sst s8  }
0x11: {  	[smem:$0x3FB7] =	sst s9;
	s0 =	simm.s32 @!p0 $0x0  }
0x12: {  	s1 =	sld [smem:$0x3F9D];
	s0 =	simm.s32 @p0 $0x1  }
0x13: {  	[smem:$0x3FB8] =	sst s0;
	s0 =	simm.s32 @!p1 $0x0  }
0x14: {  	s2 =	sld [smem:$0x3F9C];
	s0 =	simm.s32 @p1 $0x1  }
0x15: {  	[smem:$0x3FB9] =	sst s0;
	s0 =	simm.s32 @!p2 $0x0  }
0x16: {  	s3 =	sld [smem:$0x3FDB];
	s0 =	simm.s32 @p2 $0x1  }
0x17: {  	s4 =	simm.s32 $0x1BF5;
	[smem:$0x3FBB] =	sst s0  }
0x18: {  	s0 =	sld [smem:$0x3F9E];
	_ =	swait.ge [sflag:s4], $0x0  }
0x19: {  	s7 =	sld [smem:$0x3F9F]  }
0x1a: {  	s8 =	sadd.s32 $0xFFFFE003, lr  }
0x1b: {  	s9 =	sadd.s32 $0xFFFFFEF7, lr;
	s5 =	simm.s32 $0xFFFFFFFF;
	p2 =	slt.u32 s8, $0xFFFFF086  }
0x1c: {  	p1 =	slt.u32 s9, $0xF7A;
	s5 =	simm.s32 @!p2 $0x0  }
0x1d: {  	s5 =	simm.s32 @p1 $0x1;
	p0 =	seq.s32 s7, s2  }
0x1e: {  	s7 =	smul.u32 @!p0 $0xF7A, s2;
	p2 =	seq.s32 @!p0 s5, $0x0  }
0x1f: {  	s9 =	smul.u32 $0xF7A, s1;
	s8 =	simm.s32 @!p0 $0x1BF5;
	p2 =	por !p2, p0  }
0x20: {  	[sflag:s8] =	ssyncset.s32 @!p0 $0xFFFFF086;
	s6 =	sadd.s32 @!p0 s3, s7;
	s7 =	simm.s32 @!p0 $0x108  }
0x21: {  	s3 =	sadd.s32 s3, s9;
	s6 =	sadd.s32 @!p0 $0x88, s6;
	s7 =	simm.s32 @p2 $0x1082  }
0x22: {  	[simem:s7], [sflag:s8] =	dma.local @!p0 [hbm:s6], $0xF7A  }
0x23: {  	s9 =	sor.u32 $0xD0000000, s2;
	s6 =	simm.s32 $0x108;
	_ =	swait.ge @!p0 [sflag:s8], $0x0  }
0x24: {  	s3 =	sadd.s32 $0x88, s3;
	s6 =	simm.s32 @!p1 $0x1082;
	[sflag:s4] =	ssyncset.s32 $0xFFFFF086  }
0x25: {  	[simem:s6], [sflag:s4] =	dma.local [hbm:s3], $0xF7A  }
0x26: {  	[smem:$0x3F9F] =	sst s1;
	(tag) =	ssettag s2;
	_ =	strace s9  }
0x27: {  	s1 =	sld [smem:$0x3FAF]  }
0x28: {  	s2 =	sld [smem:$0x3FB0]  }
0x29: {  	s4 =	sld [smem:$0x3FB2]  }
0x2a: {  	p0 =	seq.s32 s5, $0x0;
	s5 =	sld [smem:$0x3FB3]  }
0x2b: {  	s6 =	sld [smem:$0x3FB4]  }
0x2c: {  	s7 =	sld [smem:$0x3FB5]  }
0x2d: {  	s3 =	simm.s32 $0x108;
	s8 =	sld [smem:$0x3FB6]  }
0x2e: {  	s3 =	simm.s32 @!p0 $0x1082;
	s9 =	sld [smem:$0x3FB7]  }
0x2f: {  	lr =	sadd.s32 s0, s3;
	s0 =	sld [smem:$0x3FAE]  }
0x30: {  	s3 =	sld [smem:$0x3FB1]  }
0x31: {  	[smem:$0x3FBA] =	sst s10  }
0x32: {  	s10 =	sld [smem:$0x3FB8];
	_ =	sdelay $0x3  }
0x33: {  	p0 =	seq.s32 s10, $0x1;
	s10 =	sld [smem:$0x3FBA];
	_ =	sdelay $0x3  }
0x34: {  	[smem:$0x3FBA] =	sst s10  }
0x35: {  	s10 =	sld [smem:$0x3FB9];
	_ =	sdelay $0x3  }
0x36: {  	p1 =	seq.s32 s10, $0x1;
	s10 =	sld [smem:$0x3FBA];
	_ =	sdelay $0x3  }
0x37: {  	[smem:$0x3FBA] =	sst s10  }
0x38: {  	s10 =	sld [smem:$0x3FBB]  }
0x39: {  	_ = 	snop;
	(pc) =	sbr.ind lr, $3  }
0x3a: {  	_ = 	snop  }
0x3b: {  	_ = 	snop  }
0x3c: {  	p2 =	seq.s32 s10, $0x1;
	s10 =	sld [smem:$0x3FBA]  }
0x3d: {  	_ =	shalt  }
0x3e: {  	_ =	shalt  }
0x3f: {  	_ =	shalt  }
0x40: {  	_ =	shalt  }
0x41: {  	_ =	shalt  }
0x42: {  	_ =	shalt  }
0x43: {  	_ =	shalt  }
0x44: {  	_ =	shalt  }
0x45: {  	_ =	shalt  }
0x46: {  	_ =	shalt  }
0x47: {  	_ =	shalt  }
0x48: {  	_ =	shalt  }
0x49: {  	_ =	shalt  }
0x4a: {  	_ =	shalt  }
0x4b: {  	_ =	shalt  }
0x4c: {  	_ =	shalt  }
0x4d: {  	_ =	shalt  }
0x4e: {  	_ =	shalt  }
0x4f: {  	_ =	shalt  }
0x50: {  	_ =	shalt  }
0x51: {  	_ =	shalt  }
0x52: {  	_ =	shalt  }
0x53: {  	_ =	shalt  }
0x54: {  	_ =	shalt  }
0x55: {  	_ =	shalt  }
0x56: {  	_ =	shalt  }
0x57: {  	_ =	shalt  }
0x58: {  	_ =	shalt  }
0x59: {  	_ =	shalt  }
0x5a: {  	_ =	shalt  }
0x5b: {  	_ =	shalt  }
0x5c: {  	_ =	shalt  }
0x5d: {  	_ =	shalt  }
0x5e: {  	_ =	shalt  }
0x5f: {  	_ =	shalt  }
0x60: {  	_ =	shalt  }
0x61: {  	_ =	shalt  }
0x62: {  	_ =	shalt  }
0x63: {  	_ =	shalt  }
0x64: {  	_ =	shalt  }
0x65: {  	_ =	shalt  }
0x66: {  	_ =	shalt  }
0x67: {  	_ =	shalt  }
0x68: {  	_ =	shalt  }
0x69: {  	_ =	shalt  }
0x6a: {  	_ =	shalt  }
0x6b: {  	_ =	shalt  }
0x6c: {  	_ =	shalt  }
0x6d: {  	_ =	shalt  }
0x6e: {  	_ =	shalt  }
0x6f: {  	_ =	shalt  }
0x70: {  	_ =	shalt  }
0x71: {  	_ =	shalt  }
0x72: {  	_ =	shalt  }
0x73: {  	_ =	shalt  }
0x74: {  	_ =	shalt  }
0x75: {  	_ =	shalt  }
0x76: {  	_ =	shalt  }
0x77: {  	_ =	shalt  }
0x78: {  	_ =	shalt  }
0x79: {  	_ =	shalt  }
0x7a: {  	_ =	shalt  }
0x7b: {  	_ =	shalt  }
0x7c: {  	_ =	shalt  }
0x7d: {  	_ =	shalt  }
0x7e: {  	_ =	shalt  }
0x7f: {  	_ =	shalt  }
0x80: {  	_ =	shalt  }
0x81: {  	_ =	shalt  }
0x82: {  	_ =	shalt  }
0x83: {  	_ =	shalt  }
0x84: {  	_ =	shalt  }
0x85: {  	_ =	shalt  }
0x86: {  	_ =	shalt  }
0x87: {  	_ =	shalt  }
.Lfunc_end0:
.L_simem_size_0:
called_computation_lowered:
.L_overlay_start_0:
0x88: {  	s2 =	sld [smem:$0x3FD9]  }
0x89: {  	s3 =	sld [smem:$0x3FFE];
	_ =	sdelay $0x1  }
0x8a: {  	s1 =	srdreg.scid  }
0x8b: {  	s0 =	sand.u32 $0x1, s1  }
0x8c: {  	s17 =	sshll.u32 s0, $0xA;
	s2 =	sadd.s32 s3, s2  }
0x8d: {  	s2 =	sadd.s32 s2, s17  }
0x8e: {  	[smem:$0x3FC6] =	sst s2  }
0x8f: {  	_ = 	snop  }
0x90: {  	s2 =	sld [smem:$0x3FC8]  }
0x91: {  	s18 =	sld [smem:$0x3FD0];
	(tm) =	ssettm $0x1  }
0x92: {  	s4 =	sld [smem:$0x3FFB];
	_ =	sdelay $0x3  }
0x93: {  	_ =	strace s4  }
0x94: {  	s4 =	sld [smem:$0x3FFC];
	_ =	sdelay $0x3  }
0x95: {  	_ =	strace s4  }
0x96: {  	s4 =	sld [smem:$0x3FFD];
	_ =	sdelay $0x3  }
0x97: {  	_ =	strace s4  }
0x98: {  	_ =	strace $0x8FFFFFFF  }
0x99: {  	s19 =	sld [smem:$0x3FDB];
	_ =	sdelay $0x1  }
0x9a: {  	s5 =	simm.s32 $_scs_section_size  }
0x9b: {  	s6 =	simm.s32 $_size__tile_overlayer_lowered;
	s7 =	simm.s32 $_tile_overlayer_lowered  }
0x9c: {  	s22 =	simm.s32 $0x1BFF;
	s21 =	sshll.u32 s7, $0x1;
	s4 =	sadd.s32 s5, s19  }
0x9d: {  	s8 =	simm.s32 $0x0;
	s20 =	sshll.u32 s6, $0x1;
	s6 =	sadd.s32 s21, s4  }
0x9e: {  	[timem:s8], [sflag:s22] =	dma.local [hbm:s6], s20  }
0x9f: {  	_ =	swait.ge [sflag:s22], s20  }
0xa0: {  	s5 =	ssub.s32 $0x0, s20;
	[sflag:s22] =	ssyncset.done $0x0  }
0xa1: {  	[sflag:s22] =	ssyncadd.s32 s5;
	_ =	sdelay $0x1  }
0xa2: {  	s23 =	simm.s32 $0x1B8B  }
0xa3: {  	_ =	swait.ge [sflag:s23], $0x1  }
0xa4: {  	[sflag:s23] =	ssyncset.done $0x0  }
0xa5: {  	s25 =	simm.s32 $0x1B8E;
	s24 =	sld [smem:$0x3FFE];
	[sflag:s23] =	ssyncadd.s32 $0xFFFFFFFF  }
0xa6: {  	s26 =	simm.s32 $execute0_lowered;
	[smem:$0x3FD2] =	sst s25  }
0xa7: {  	s6 =	sshll.u32 s26, $0x1;
	_ =	strace $0x80000046;
	[dreg:$0x1] =	wrdreg $0xFFFFFFFF  }
0xa8: {  	s28 =	simm.s32 $_size_execute0_lowered;
	s4 =	sadd.s32 s4, s6;
	[dreg:$0x0] =	wrdreg $0x0  }
0xa9: {  	s6 =	sshll.u32 s28, $0x1;
	[dreg:$0x2] =	wrdreg s4  }
0xaa: {  	[dreg:$0x3] =	wrdreg s6  }
0xab: {  	[dreg:$0x4] =	wrdreg $0xC0  }
0xac: {  	_ =	task [dreg:s8], $0x5FFFF  }
0xad: {  	[dreg:$0x1] =	wrdreg $0xFFFFFFFF  }
0xae: {  	[dreg:$0x0] =	wrdreg $0x60  }
0xaf: {  	[dreg:$0x2] =	wrdreg s2  }
0xb0: {  	[dreg:$0x3] =	wrdreg s18  }
0xb1: {  	[dreg:$0x4] =	wrdreg s24  }
0xb2: {  	[dreg:$0x5] =	wrdreg $0x9  }
0xb3: {  	_ =	task.clear_ibuf [dreg:s8], $0x6FFFF;
	_ =	strace $0x90000046  }
0xb4: {  	s29 =	simm.s32 $0x9;
	_ =	strace $0x80000048  }
0xb5: {  	_ =	swait.ge [sflag:s29], $0x1  }
0xb6: {  	[sflag:s29] =	ssyncadd.s32 $0xFFFFFFFF  }
0xb7: {  	_ =	strace $0x90000048  }
0xb8: {  	_ =	sfence  }
0xb9: {  	s30 =	sld [smem:$0x0];
	_ =	sdelay $0x2  }
0xba: {  	s31 =	sshll.u32 s1, $0xD;
	s1 =	sshrl.u32 s1, $0x2  }
0xbb: {  	s3 =	sand.u32 $0x4000, s31;
	s1 =	sadd.s32 s1, s30  }
0xbc: {  	s0 =	sor.u32 s3, s0;
	s1 =	sshll.u32 s1, $0x11  }
0xbd: {  	s0 =	sor.u32 s1, s0  }
0xbe: {  	s0 =	sadd.s32 $0x8F2B, s0  }
0xbf: {  	[sflag:s0] =	ssyncadd.remote.s32 $0x1  }
0xc0: {  	_ =	sfence.sel $0xFFFF  }
0xc1: {  	[dreg:$0x0] =	wrdreg $0xFFFFFFFF;
	(pc) =	sbr.abs _section_cstart, $3  }
0xc2: {  	[dreg:$0x1] =	wrdreg $0xFFFFFFFF  }
0xc3: {  	_ =	task.clear_ibuf [dreg:s8], $0x2FFFF;
	_ =	strace $0x9FFFFFFF  }
0xc4: {  	(tm) =	ssettm $0x7FFFFFFF  }
0xc5: {  	_ =	shalt  }
tec
execute0_lowered:
.L_overlay_start_1:
0x0: {  	(tag) =	ssettag $0x1  }
0x1: {  	s1 =	rddreg [dreg:$0x0];
	s0 =	srdreg.scid  }
0x2: {  	s3 =	stileid.u32;
	s2 =	rddreg [dreg:$0x2]  }
0x3: {  	s4 =	simm.s32 $0x0;
	s25 =	simm.s32 $0x1;
	s28 =	simm.s32 $0x6080  }
0x4: {  	s29 =	simm.s32 $0x2;
	s30 =	simm.s32 $0x8880;
	s31 =	simm.s32 $0x3  }
0x5: {  	s0 =	sand.u32 $0x1, s0;
	s3 =	sshll.u32 s3, $0x1;
	[smem:$0x7FF] =	sst s4  }
0x6: {  	s6 =	sadd.s32 $0xA00, s2;
	s2 =	sadd.s32 $0x989E00, s2;
	s5 =	sor.u32 s0, s3  }
0x7: {  	_ =	strace $0x80000047;
	s0 =	ssub.s32 $0x2, s0;
	[dreg:$0x4] =	wrdreg s2  }
0x8: {  	s2 =	simm.s32 $0x4;
	s3 =	sshll.u32 s5, $0x7;
	s26 =	sshrl.u32 s0, $0x1  }
.Ltmp0:
0x9: {  	v4 =	vlaneseq.u32;
	p0 =	sne.s32 s5, $0x1F;
	s7 =	sadd.s32 s1, s3;
	(pc) =	sbr.rel .LBB2_1-.Ltmp0, $4  }
0xa: {  	v0 =	vmul.u32 $0x81, v4;
	s0 =	ssub.s32 s0, s26;
	s26 =	simm.s32 $0x4000;
	s8 =	sadd.s32 $0xF4280, s7  }
0xb: {  	s15 =	sor.u32 $0x40, s5;
	s9 =	sadd.s32 $0x1E8500, s7;
	s10 =	sadd.s32 $0x2DC780, s7  }
0xc: {  	v4 =	vmul.u32 $0x50, v4;
	v1 =	vadd.s32 $0x810, v0;
	s3 =	simm.s32 $0x0;
	s11 =	sadd.s32 $0x3D0A00, s7;
	s12 =	sadd.s32 $0x4C4C80, s7  }
0xd: {  	v2 =	vadd.s32 $0x1020, v0;
	v3 =	vadd.s32 $0x1830, v0;
	s13 =	sadd.s32 $0x5B8F00, s7;
	s14 =	sadd.s32 $0x6AD180, s7;
	s17 =	smax.u32 s0, $0x1  }
.LBB2_19:
0xe: {  	s3 =	sadd.s32 $0x1, s3  }
0xf: {  	p1 =	sne.s32 s3, s17  }
.Ltmp1:
0x10: {  	_ = 	snop;
	(pc) =	sbr.rel @!p1 .LBB2_20-.Ltmp1, $1  }
0x11: {  	_ =	sdelay $0x3  }
.LBB2_1:
0x12: {  	[tilespmem:s4], [sflag:$0x1] =	stream.linear.gather [hbm4b:s7+s4], $0x400, $0x38;
	[tilespmem:$0xC080] =	vst v63  }
0x13: {  	s0 =	simm.s32 $0x400  }
0x14: {  	[tilespmem:s0], [sflag:$0x1] =	stream.linear.gather [hbm4b:s8+s4], $0x400, $0x38;
	[tilespmem:$0xC080] =	vst v63  }
0x15: {  	s19 =	simm.s32 $0x800  }
0x16: {  	[tilespmem:s19], [sflag:$0x1] =	stream.linear.gather [hbm4b:s9+s4], $0x400, $0x38;
	[tilespmem:$0xC080] =	vst v63  }
0x17: {  	s20 =	simm.s32 $0xC00  }
0x18: {  	[tilespmem:s20], [sflag:$0x1] =	stream.linear.gather [hbm4b:s10+s4], $0x400, $0x38;
	[tilespmem:$0xC080] =	vst v63  }
0x19: {  	s21 =	simm.s32 $0x1000  }
0x1a: {  	[tilespmem:s21], [sflag:$0x1] =	stream.linear.gather [hbm4b:s11+s4], $0x400, $0x38;
	[tilespmem:$0xC080] =	vst v63  }
0x1b: {  	s22 =	simm.s32 $0x1400  }
0x1c: {  	[tilespmem:s22], [sflag:$0x1] =	stream.linear.gather [hbm4b:s12+s4], $0x400, $0x38;
	[tilespmem:$0xC080] =	vst v63  }
.Ltmp2:
0x1d: {  	_ = 	snop;
	(pc) =	sbr.rel .LBB2_2-.Ltmp2, $4  }
0x1e: {  	s23 =	simm.s32 $0x1800  }
0x1f: {  	[tilespmem:s23], [sflag:$0x1] =	stream.linear.gather [hbm4b:s13+s4], $0x400, $0x38;
	[tilespmem:$0xC080] =	vst v63  }
0x20: {  	s24 =	simm.s32 $0x1C00;
	s0 =	simm.s32 $0x0  }
0x21: {  	[tilespmem:s24], [sflag:$0x1] =	stream.linear.gather [hbm4b:s14+s4], $0x400, $0x38;
	[tilespmem:$0xC080] =	vst v63  }
.LBB2_14:
0x22: {  	s0 =	sadd.s32 $0x1, s0  }
0x23: {  	p1 =	sne.s32 s0, $0x7B  }
.Ltmp3:
0x24: {  	_ = 	snop;
	(pc) =	sbr.rel @!p1 .LBB2_15-.Ltmp3, $1  }
0x25: {  	_ =	sdelay $0x3  }
.LBB2_2:
0x26: {  	s19 =	sshll.u32 s0, $0x6  }
0x27: {  	s20 =	sor.u32 s5, s19  }
0x28: {  	s18 =	sor.u32 $0x20, s20  }
0x29: {  	p1 =	sgt.u32 s18, $0x1E83  }
0x2a: {  	s16 =	sshll.u32 @!p1 s18, $0x7;
	s22 =	simm.s32 @!p1 $0x0  }
0x2b: {  	s23 =	simm.s32 @!p1 $0x2000;
	s21 =	sadd.s32 @!p1 s1, s16;
	s16 =	sand.u32 @!p1 $0x1FFFFF80, s16  }
0x2c: {  	[tilespmem:s23], [sflag:$0x2] =	stream.linear.gather @!p1 [hbm4b:s21+s22], $0x400, $0x38;
	[tilespmem:$0xC080] =	vst v63  }
0x2d: {  	s16 =	sadd.s32 @!p1 s1, s16  }
0x2e: {  	s23 =	simm.s32 @!p1 $0x2400;
	s21 =	sadd.s32 @!p1 $0xF4280, s16  }
0x2f: {  	[tilespmem:s23], [sflag:$0x2] =	stream.linear.gather @!p1 [hbm4b:s21+s22], $0x400, $0x38;
	[tilespmem:$0xC080] =	vst v63  }
0x30: {  	s21 =	sadd.s32 @!p1 $0x1E8500, s16;
	s23 =	simm.s32 @!p1 $0x2800  }
0x31: {  	[tilespmem:s23], [sflag:$0x2] =	stream.linear.gather @!p1 [hbm4b:s21+s22], $0x400, $0x38;
	[tilespmem:$0xC080] =	vst v63  }
0x32: {  	s21 =	sadd.s32 @!p1 $0x2DC780, s16;
	s23 =	simm.s32 @!p1 $0x2C00  }
0x33: {  	[tilespmem:s23], [sflag:$0x2] =	stream.linear.gather @!p1 [hbm4b:s21+s22], $0x400, $0x38;
	[tilespmem:$0xC080] =	vst v63  }
0x34: {  	s21 =	sadd.s32 @!p1 $0x3D0A00, s16;
	s23 =	simm.s32 @!p1 $0x3000  }
0x35: {  	[tilespmem:s23], [sflag:$0x2] =	stream.linear.gather @!p1 [hbm4b:s21+s22], $0x400, $0x38;
	[tilespmem:$0xC080] =	vst v63  }
0x36: {  	p3 =	sgt.u32 s20, $0x1E83;
	s21 =	sadd.s32 @!p1 $0x4C4C80, s16;
	s23 =	simm.s32 @!p1 $0x3400  }
0x37: {  	[tilespmem:s23], [sflag:$0x2] =	stream.linear.gather @!p1 [hbm4b:s21+s22], $0x400, $0x38;
	[tilespmem:$0xC080] =	vst v63  }
.Ltmp4:
0x38: {  	_ = 	snop;
	(pc) =	sbr.rel @p3 .LBB2_8-.Ltmp4, $4  }
0x39: {  	s21 =	sadd.s32 @!p1 $0x5B8F00, s16;
	s23 =	simm.s32 @!p1 $0x3800  }
0x3a: {  	[tilespmem:s23], [sflag:$0x2] =	stream.linear.gather @!p1 [hbm4b:s21+s22], $0x400, $0x38;
	[tilespmem:$0xC080] =	vst v63  }
0x3b: {  	p2 =	seq.s32 s0, $0x0;
	s16 =	sadd.s32 @!p1 $0x6AD180, s16;
	s21 =	simm.s32 @!p1 $0x3C00  }
0x3c: {  	[tilespmem:s21], [sflag:$0x2] =	stream.linear.gather @!p1 [hbm4b:s16+s22], $0x400, $0x38;
	[tilespmem:$0xC080] =	vst v63  }
0x3d: {  	s16 =	simm.s32 @!p2 $0x3  }
0x3e: {  	_ =	swait.ge @!p2 [sflag:s16], $0x2800  }
0x3f: {  	[sflag:s16] =	ssyncset.done @!p2 $0x0  }
0x40: {  	[sflag:s16] =	ssyncadd.s32 @!p2 $0xFFFFD800  }
0x41: {  	_ =	swait.ge [sflag:s25], $0x400  }
0x42: {  	[sflag:s25] =	ssyncset.done $0x0  }
0x43: {  	[sflag:s25] =	ssyncadd.s32 $0xFFFFFC00  }
0x44: {  	_ =	swait.ge [sflag:s25], $0x400  }
0x45: {  	[sflag:s25] =	ssyncset.done $0x0  }
0x46: {  	[sflag:s25] =	ssyncadd.s32 $0xFFFFFC00  }
0x47: {  	_ =	swait.ge [sflag:s25], $0x400  }
0x48: {  	[sflag:s25] =	ssyncset.done $0x0  }
0x49: {  	[sflag:s25] =	ssyncadd.s32 $0xFFFFFC00  }
0x4a: {  	_ =	swait.ge [sflag:s25], $0x400  }
0x4b: {  	[sflag:s25] =	ssyncset.done $0x0  }
0x4c: {  	[sflag:s25] =	ssyncadd.s32 $0xFFFFFC00  }
0x4d: {  	_ =	swait.ge [sflag:s25], $0x400  }
0x4e: {  	[sflag:s25] =	ssyncset.done $0x0  }
0x4f: {  	[sflag:s25] =	ssyncadd.s32 $0xFFFFFC00  }
0x50: {  	_ =	swait.ge [sflag:s25], $0x400  }
0x51: {  	[sflag:s25] =	ssyncset.done $0x0  }
0x52: {  	[sflag:s25] =	ssyncadd.s32 $0xFFFFFC00  }
0x53: {  	_ =	swait.ge [sflag:s25], $0x400  }
0x54: {  	[sflag:s25] =	ssyncset.done $0x0  }
0x55: {  	[sflag:s25] =	ssyncadd.s32 $0xFFFFFC00  }
0x56: {  	_ =	swait.ge [sflag:s25], $0x400  }
0x57: {  	[sflag:s25] =	ssyncset.done $0x0  }
0x58: {  	s21 =	simm.s32 $0x100;
	[sflag:s25] =	ssyncadd.s32 $0xFFFFFC00  }
0x59: {  	v5 =	vld [tilespmem:s21+$0xFFFFFF00];
	_ =	sdelay $0x3  }
0x5a: {  	s22 =	simm.s32 $0x4102  }
0x5b: {  	[tilespmem:s22+$0xFFFFFEFE] =	vst v5  }
0x5c: {  	v5 =	vld [tilespmem:s21+$0xFFFFFF10];
	_ =	sdelay $0x4  }
0x5d: {  	[tilespmem:s22+$0xFFFFFF0E] =	vst v5  }
0x5e: {  	v5 =	vld [tilespmem:s21+$0xFFFFFF20];
	_ =	sdelay $0x4  }
0x5f: {  	[tilespmem:s22+$0xFFFFFF1E] =	vst v5  }
0x60: {  	v5 =	vld [tilespmem:s21+$0xFFFFFF30];
	_ =	sdelay $0x4  }
0x61: {  	[tilespmem:s22+$0xFFFFFF2E] =	vst v5  }
0x62: {  	v5 =	vld [tilespmem:s21+$0xFFFFFF40];
	_ =	sdelay $0x4  }
0x63: {  	[tilespmem:s22+$0xFFFFFF3E] =	vst v5  }
0x64: {  	v5 =	vld [tilespmem:s21+$0xFFFFFF50];
	_ =	sdelay $0x4  }
0x65: {  	[tilespmem:s22+$0xFFFFFF4E] =	vst v5  }
0x66: {  	v5 =	vld [tilespmem:s21+$0xFFFFFF60];
	_ =	sdelay $0x4  }
0x67: {  	[tilespmem:s22+$0xFFFFFF5E] =	vst v5  }
0x68: {  	v5 =	vld [tilespmem:s21+$0xFFFFFF70];
	_ =	sdelay $0x4  }
0x69: {  	[tilespmem:s22+$0xFFFFFF6E] =	vst v5  }
0x6a: {  	v5 =	vld [tilespmem:s21+$0xFFFFFF80];
	_ =	sdelay $0x4  }
0x6b: {  	[tilespmem:s22+$0xFFFFFF7F] =	vst v5  }
0x6c: {  	v5 =	vld [tilespmem:s21+$0xFFFFFF90];
	_ =	sdelay $0x4  }
0x6d: {  	[tilespmem:s22+$0xFFFFFF8F] =	vst v5  }
0x6e: {  	v5 =	vld [tilespmem:s21+$0xFFFFFFA0];
	_ =	sdelay $0x4  }
0x6f: {  	[tilespmem:s22+$0xFFFFFF9F] =	vst v5  }
0x70: {  	v5 =	vld [tilespmem:s21+$0xFFFFFFB0];
	_ =	sdelay $0x4  }
0x71: {  	[tilespmem:s22+$0xFFFFFFAF] =	vst v5  }
0x72: {  	v5 =	vld [tilespmem:s21+$0xFFFFFFC0];
	_ =	sdelay $0x4  }
0x73: {  	[tilespmem:s22+$0xFFFFFFBF] =	vst v5  }
0x74: {  	v5 =	vld [tilespmem:s21+$0xFFFFFFD0];
	_ =	sdelay $0x4  }
0x75: {  	[tilespmem:s22+$0xFFFFFFCF] =	vst v5  }
0x76: {  	v5 =	vld [tilespmem:s21+$0xFFFFFFE0];
	_ =	sdelay $0x4  }
0x77: {  	[tilespmem:s22+$0xFFFFFFDF] =	vst v5  }
0x78: {  	v5 =	vld [tilespmem:s21+$0xFFFFFFF0];
	_ =	sdelay $0x4  }
0x79: {  	[tilespmem:s22+$0xFFFFFFEF] =	vst v5  }
0x7a: {  	v5 =	vld [tilespmem:s21+$0x0];
	_ =	sdelay $0x4  }
0x7b: {  	[tilespmem:s22+$0x0] =	vst v5  }
0x7c: {  	v5 =	vld [tilespmem:s21+$0x10];
	_ =	sdelay $0x4  }
0x7d: {  	[tilespmem:s22+$0x10] =	vst v5  }
0x7e: {  	v5 =	vld [tilespmem:s21+$0x20];
	_ =	sdelay $0x4  }
0x7f: {  	[tilespmem:s22+$0x20] =	vst v5  }
0x80: {  	v5 =	vld [tilespmem:s21+$0x30];
	_ =	sdelay $0x4  }
0x81: {  	[tilespmem:s22+$0x30] =	vst v5  }
0x82: {  	v5 =	vld [tilespmem:s21+$0x40];
	_ =	sdelay $0x4  }
0x83: {  	[tilespmem:s22+$0x40] =	vst v5  }
0x84: {  	v5 =	vld [tilespmem:s21+$0x50];
	_ =	sdelay $0x4  }
0x85: {  	[tilespmem:s22+$0x50] =	vst v5  }
0x86: {  	v5 =	vld [tilespmem:s21+$0x60];
	_ =	sdelay $0x4  }
0x87: {  	[tilespmem:s22+$0x60] =	vst v5  }
0x88: {  	v5 =	vld [tilespmem:s21+$0x70];
	_ =	sdelay $0x4  }
0x89: {  	[tilespmem:s22+$0x70] =	vst v5  }
0x8a: {  	v5 =	vld [tilespmem:s21+$0x80];
	_ =	sdelay $0x4  }
0x8b: {  	[tilespmem:s22+$0x81] =	vst v5  }
0x8c: {  	v5 =	vld [tilespmem:s21+$0x90];
	_ =	sdelay $0x4  }
0x8d: {  	[tilespmem:s22+$0x91] =	vst v5  }
0x8e: {  	v5 =	vld [tilespmem:s21+$0xA0];
	_ =	sdelay $0x4  }
0x8f: {  	[tilespmem:s22+$0xA1] =	vst v5  }
0x90: {  	v5 =	vld [tilespmem:s21+$0xB0];
	_ =	sdelay $0x4  }
0x91: {  	[tilespmem:s22+$0xB1] =	vst v5  }
0x92: {  	v5 =	vld [tilespmem:s21+$0xC0];
	_ =	sdelay $0x4  }
0x93: {  	[tilespmem:s22+$0xC1] =	vst v5  }
0x94: {  	v5 =	vld [tilespmem:s21+$0xD0];
	_ =	sdelay $0x4  }
0x95: {  	[tilespmem:s22+$0xD1] =	vst v5  }
0x96: {  	v5 =	vld [tilespmem:s21+$0xE0];
	_ =	sdelay $0x4  }
0x97: {  	[tilespmem:s22+$0xE1] =	vst v5  }
0x98: {  	v5 =	vld [tilespmem:s21+$0xF0];
	_ =	sdelay $0x4  }
0x99: {  	s23 =	simm.s32 $0x0;
	s24 =	simm.s32 $0x300;
	s21 =	simm.s32 $0x60D0;
	[tilespmem:s22+$0xF1] =	vst v5  }
.LBB2_4:
0x9a: {  	v5 =	vld [tilespmem:s24+$0xFFFFFF00];
	s23 =	sadd.s32 $0x4, s23  }
0x9b: {  	p3 =	slt.u32 s23, $0x3C;
	_ =	sdelay $0x2  }
0x9c: {  	s22 =	sadd.s32 $0x204, s22  }
0x9d: {  	[tilespmem:s22+$0xFFFFFEFE] =	vst v5  }
0x9e: {  	v5 =	vld [tilespmem:s24+$0xFFFFFF10];
	_ =	sdelay $0x4  }
0x9f: {  	[tilespmem:s22+$0xFFFFFF0E] =	vst v5  }
0xa0: {  	v5 =	vld [tilespmem:s24+$0xFFFFFF20];
	_ =	sdelay $0x4  }
0xa1: {  	[tilespmem:s22+$0xFFFFFF1E] =	vst v5  }
0xa2: {  	v5 =	vld [tilespmem:s24+$0xFFFFFF30];
	_ =	sdelay $0x4  }
0xa3: {  	[tilespmem:s22+$0xFFFFFF2E] =	vst v5  }
0xa4: {  	v5 =	vld [tilespmem:s24+$0xFFFFFF40];
	_ =	sdelay $0x4  }
0xa5: {  	[tilespmem:s22+$0xFFFFFF3E] =	vst v5  }
0xa6: {  	v5 =	vld [tilespmem:s24+$0xFFFFFF50];
	_ =	sdelay $0x4  }
0xa7: {  	[tilespmem:s22+$0xFFFFFF4E] =	vst v5  }
0xa8: {  	v5 =	vld [tilespmem:s24+$0xFFFFFF60];
	_ =	sdelay $0x4  }
0xa9: {  	[tilespmem:s22+$0xFFFFFF5E] =	vst v5  }
0xaa: {  	v5 =	vld [tilespmem:s24+$0xFFFFFF70];
	_ =	sdelay $0x4  }
0xab: {  	[tilespmem:s22+$0xFFFFFF6E] =	vst v5  }
0xac: {  	v5 =	vld [tilespmem:s24+$0xFFFFFF80];
	_ =	sdelay $0x4  }
0xad: {  	[tilespmem:s22+$0xFFFFFF7F] =	vst v5  }
0xae: {  	v5 =	vld [tilespmem:s24+$0xFFFFFF90];
	_ =	sdelay $0x4  }
0xaf: {  	[tilespmem:s22+$0xFFFFFF8F] =	vst v5  }
0xb0: {  	v5 =	vld [tilespmem:s24+$0xFFFFFFA0];
	_ =	sdelay $0x4  }
0xb1: {  	[tilespmem:s22+$0xFFFFFF9F] =	vst v5  }
0xb2: {  	v5 =	vld [tilespmem:s24+$0xFFFFFFB0];
	_ =	sdelay $0x4  }
0xb3: {  	[tilespmem:s22+$0xFFFFFFAF] =	vst v5  }
0xb4: {  	v5 =	vld [tilespmem:s24+$0xFFFFFFC0];
	_ =	sdelay $0x4  }
0xb5: {  	[tilespmem:s22+$0xFFFFFFBF] =	vst v5  }
0xb6: {  	v5 =	vld [tilespmem:s24+$0xFFFFFFD0];
	_ =	sdelay $0x4  }
0xb7: {  	[tilespmem:s22+$0xFFFFFFCF] =	vst v5  }
0xb8: {  	v5 =	vld [tilespmem:s24+$0xFFFFFFE0];
	_ =	sdelay $0x4  }
0xb9: {  	[tilespmem:s22+$0xFFFFFFDF] =	vst v5  }
0xba: {  	v5 =	vld [tilespmem:s24+$0xFFFFFFF0];
	_ =	sdelay $0x4  }
0xbb: {  	[tilespmem:s22+$0xFFFFFFEF] =	vst v5  }
0xbc: {  	v5 =	vld [tilespmem:s24+$0x0];
	_ =	sdelay $0x4  }
0xbd: {  	[tilespmem:s22+$0x0] =	vst v5  }
0xbe: {  	v5 =	vld [tilespmem:s24+$0x10];
	_ =	sdelay $0x4  }
0xbf: {  	[tilespmem:s22+$0x10] =	vst v5  }
0xc0: {  	v5 =	vld [tilespmem:s24+$0x20];
	_ =	sdelay $0x4  }
0xc1: {  	[tilespmem:s22+$0x20] =	vst v5  }
0xc2: {  	v5 =	vld [tilespmem:s24+$0x30];
	_ =	sdelay $0x4  }
0xc3: {  	[tilespmem:s22+$0x30] =	vst v5  }
0xc4: {  	v5 =	vld [tilespmem:s24+$0x40];
	_ =	sdelay $0x4  }
0xc5: {  	[tilespmem:s22+$0x40] =	vst v5  }
0xc6: {  	v5 =	vld [tilespmem:s24+$0x50];
	_ =	sdelay $0x4  }
0xc7: {  	[tilespmem:s22+$0x50] =	vst v5  }
0xc8: {  	v5 =	vld [tilespmem:s24+$0x60];
	_ =	sdelay $0x4  }
0xc9: {  	[tilespmem:s22+$0x60] =	vst v5  }
0xca: {  	v5 =	vld [tilespmem:s24+$0x70];
	_ =	sdelay $0x4  }
0xcb: {  	[tilespmem:s22+$0x70] =	vst v5  }
0xcc: {  	v5 =	vld [tilespmem:s24+$0x80];
	_ =	sdelay $0x4  }
0xcd: {  	[tilespmem:s22+$0x81] =	vst v5  }
0xce: {  	v5 =	vld [tilespmem:s24+$0x90];
	_ =	sdelay $0x4  }
0xcf: {  	[tilespmem:s22+$0x91] =	vst v5  }
0xd0: {  	v5 =	vld [tilespmem:s24+$0xA0];
	_ =	sdelay $0x4  }
0xd1: {  	[tilespmem:s22+$0xA1] =	vst v5  }
0xd2: {  	v5 =	vld [tilespmem:s24+$0xB0];
	_ =	sdelay $0x4  }
0xd3: {  	[tilespmem:s22+$0xB1] =	vst v5  }
0xd4: {  	v5 =	vld [tilespmem:s24+$0xC0];
	_ =	sdelay $0x4  }
0xd5: {  	[tilespmem:s22+$0xC1] =	vst v5  }
0xd6: {  	v5 =	vld [tilespmem:s24+$0xD0];
	_ =	sdelay $0x4  }
0xd7: {  	[tilespmem:s22+$0xD1] =	vst v5  }
0xd8: {  	v5 =	vld [tilespmem:s24+$0xE0];
	_ =	sdelay $0x4  }
0xd9: {  	[tilespmem:s22+$0xE1] =	vst v5  }
0xda: {  	v5 =	vld [tilespmem:s24+$0xF0]  }
.Ltmp5:
0xdb: {  	(pc) =	sbr.rel @p3 .LBB2_4-.Ltmp5, $2  }
0xdc: {  	_ =	sdelay $0x2  }
0xdd: {  	s16 =	simm.s32 $0x0;
	s24 =	sadd.s32 $0x200, s24;
	[tilespmem:s22+$0xF1] =	vst v5  }
0xde: {  	v5 =	vadd.s32 s16, v0;
	_ =	sdelay $0x4  }
0xdf: {  	v5 =	vld.idx.msk [tilespmem:v5+s26+$0x0], $0xffff  }
0xe0: {  	v6 =	vadd.s32 s16, v1;
	_ =	sdelay $0x3  }
0xe1: {  	[tilespmem:s21+$0xFFFFFFB0] =	vst v5  }
0xe2: {  	v5 =	vld.idx.msk [tilespmem:v6+s26+$0x0], $0xffff  }
0xe3: {  	v6 =	vadd.s32 s16, v2;
	_ =	sdelay $0x3  }
0xe4: {  	[tilespmem:s21+$0xFFFFFFC0] =	vst v5  }
0xe5: {  	v5 =	vld.idx.msk [tilespmem:v6+s26+$0x0], $0xffff  }
0xe6: {  	v6 =	vadd.s32 s16, v3;
	_ =	sdelay $0x3  }
0xe7: {  	[tilespmem:s21+$0xFFFFFFD0] =	vst v5  }
0xe8: {  	s24 =	simm.s32 $0x1;
	v5 =	vld.idx.msk [tilespmem:v6+s26+$0x0], $0xffff  }
0xe9: {  	v6 =	vadd.s32 s24, v0;
	_ =	sdelay $0x3  }
0xea: {  	[tilespmem:s21+$0xFFFFFFE0] =	vst v5  }
0xeb: {  	v5 =	vld.idx.msk [tilespmem:v6+s26+$0x0], $0xffff  }
0xec: {  	v6 =	vadd.s32 s24, v1;
	_ =	sdelay $0x3  }
0xed: {  	[tilespmem:s21+$0x0] =	vst v5  }
0xee: {  	v5 =	vld.idx.msk [tilespmem:v6+s26+$0x0], $0xffff  }
0xef: {  	v6 =	vadd.s32 s24, v2;
	_ =	sdelay $0x3  }
0xf0: {  	[tilespmem:s21+$0x10] =	vst v5  }
0xf1: {  	v5 =	vld.idx.msk [tilespmem:v6+s26+$0x0], $0xffff  }
0xf2: {  	v6 =	vadd.s32 s24, v3;
	_ =	sdelay $0x3  }
0xf3: {  	[tilespmem:s21+$0x20] =	vst v5  }
0xf4: {  	s22 =	simm.s32 $0x2;
	v5 =	vld.idx.msk [tilespmem:v6+s26+$0x0], $0xffff  }
0xf5: {  	s23 =	simm.s32 $0x4;
	v6 =	vadd.s32 s22, v0  }
.LBB2_6:
0xf6: {  	p3 =	slt.u32 s23, $0x7E;
	_ =	sdelay $0x2  }
0xf7: {  	[tilespmem:s21+$0x30] =	vst v5  }
0xf8: {  	v5 =	vld.idx.msk [tilespmem:v6+s26+$0x0], $0xffff;
	_ =	sdelay $0x1  }
0xf9: {  	v6 =	vadd.s32 s22, v1;
	_ =	sdelay $0x2  }
0xfa: {  	s21 =	sadd.s32 $0xA0, s21  }
0xfb: {  	[tilespmem:s21+$0xFFFFFFB0] =	vst v5  }
0xfc: {  	v5 =	vld.idx.msk [tilespmem:v6+s26+$0x0], $0xffff;
	_ =	sdelay $0x1  }
0xfd: {  	v6 =	vadd.s32 s22, v2;
	_ =	sdelay $0x3  }
0xfe: {  	[tilespmem:s21+$0xFFFFFFC0] =	vst v5  }
0xff: {  	v5 =	vld.idx.msk [tilespmem:v6+s26+$0x0], $0xffff;
	_ =	sdelay $0x1  }
0x100: {  	v6 =	vadd.s32 s22, v3;
	_ =	sdelay $0x3  }
0x101: {  	[tilespmem:s21+$0xFFFFFFD0] =	vst v5  }
0x102: {  	v5 =	vld.idx.msk [tilespmem:v6+s26+$0x0], $0xffff  }
0x103: {  	s16 =	sadd.s32 $0x1, s22;
	s22 =	smov.u32 s23  }
0x104: {  	v6 =	vadd.s32 s16, v0;
	_ =	sdelay $0x3  }
0x105: {  	[tilespmem:s21+$0xFFFFFFE0] =	vst v5  }
0x106: {  	v5 =	vld.idx.msk [tilespmem:v6+s26+$0x0], $0xffff;
	_ =	sdelay $0x1  }
0x107: {  	v6 =	vadd.s32 s16, v1;
	_ =	sdelay $0x3  }
0x108: {  	[tilespmem:s21+$0x0] =	vst v5  }
0x109: {  	v5 =	vld.idx.msk [tilespmem:v6+s26+$0x0], $0xffff;
	_ =	sdelay $0x1  }
0x10a: {  	v6 =	vadd.s32 s16, v2;
	_ =	sdelay $0x3  }
0x10b: {  	[tilespmem:s21+$0x10] =	vst v5  }
0x10c: {  	v5 =	vld.idx.msk [tilespmem:v6+s26+$0x0], $0xffff;
	_ =	sdelay $0x1  }
0x10d: {  	v6 =	vadd.s32 s16, v3;
	_ =	sdelay $0x2  }
.Ltmp6:
0x10e: {  	(pc) =	sbr.rel @p3 .LBB2_6-.Ltmp6, $3  }
0x10f: {  	[tilespmem:s21+$0x20] =	vst v5  }
0x110: {  	v5 =	vld.idx.msk [tilespmem:v6+s26+$0x0], $0xffff;
	_ =	sdelay $0x1  }
0x111: {  	s23 =	sadd.s32 $0x2, s23;
	v6 =	vadd.s32 s22, v0  }
0x112: {  	_ =	sdelay $0x2  }
0x113: {  	[tilespmem:s21+$0x30] =	vst v5  }
0x114: {  	v5 =	vld.idx.msk [tilespmem:v6+s26+$0x0], $0xffff  }
0x115: {  	v6 =	vadd.s32 s22, v1;
	_ =	sdelay $0x2  }
0x116: {  	s16 =	sadd.s32 $0xA0, s21  }
0x117: {  	[tilespmem:s16+$0xFFFFFFB0] =	vst v5  }
0x118: {  	v5 =	vld.idx.msk [tilespmem:v6+s26+$0x0], $0xffff  }
0x119: {  	v6 =	vadd.s32 s22, v2;
	_ =	sdelay $0x3  }
0x11a: {  	[tilespmem:s16+$0xFFFFFFC0] =	vst v5  }
0x11b: {  	v5 =	vld.idx.msk [tilespmem:v6+s26+$0x0], $0xffff  }
0x11c: {  	v6 =	vadd.s32 s22, v3;
	_ =	sdelay $0x3  }
0x11d: {  	[tilespmem:s16+$0xFFFFFFD0] =	vst v5  }
0x11e: {  	s23 =	sadd.s32 $0x1, s22;
	v5 =	vld.idx.msk [tilespmem:v6+s26+$0x0], $0xffff  }
0x11f: {  	v6 =	vadd.s32 s23, v0;
	_ =	sdelay $0x3  }
0x120: {  	[tilespmem:s16+$0xFFFFFFE0] =	vst v5  }
0x121: {  	v5 =	vld.idx.msk [tilespmem:v6+s26+$0x0], $0xffff  }
0x122: {  	v6 =	vadd.s32 s23, v1;
	_ =	sdelay $0x3  }
0x123: {  	[tilespmem:s16+$0x0] =	vst v5  }
0x124: {  	v5 =	vld.idx.msk [tilespmem:v6+s26+$0x0], $0xffff  }
0x125: {  	v6 =	vadd.s32 s23, v2;
	_ =	sdelay $0x3  }
0x126: {  	[tilespmem:s16+$0x10] =	vst v5  }
0x127: {  	v5 =	vld.idx.msk [tilespmem:v6+s26+$0x0], $0xffff  }
0x128: {  	v6 =	vadd.s32 s23, v3;
	_ =	sdelay $0x3  }
0x129: {  	[tilespmem:s16+$0x20] =	vst v5  }
0x12a: {  	v5 =	vld.idx.msk [tilespmem:v6+s26+$0x0], $0xffff;
	_ =	sdelay $0x2  }
0x12b: {  	s20 =	smul.u32 $0x500, s20;
	_ =	sdelay $0x1  }
0x12c: {  	s24 =	sadd.s32 s6, s20;
	[tilespmem:s16+$0x30] =	vst v5  }
0x12d: {  	[hbm4b:s24+s4] =	stream.linear.scatter [tilespmem:s28], [sflag:$0x3], $0x2800, $0x38;
	[tilespmem:$0xC080] =	vst v63  }
.LBB2_8:
0x12e: {  	s16 =	sadd.s32 s15, s19  }
0x12f: {  	p3 =	sgt.u32 s16, $0x1E83  }
0x130: {  	s16 =	sshll.u32 @!p3 s16, $0x7  }
0x131: {  	s20 =	simm.s32 @!p3 $0x0;
	s19 =	sadd.s32 @!p3 s1, s16;
	s16 =	sand.u32 @!p3 $0x1FFFFF80, s16  }
0x132: {  	[tilespmem:s20], [sflag:$0x1] =	stream.linear.gather @!p3 [hbm4b:s19+s20], $0x400, $0x38;
	[tilespmem:$0xC080] =	vst v63  }
0x133: {  	s16 =	sadd.s32 @!p3 s1, s16  }
0x134: {  	s21 =	simm.s32 @!p3 $0x400;
	s19 =	sadd.s32 @!p3 $0xF4280, s16  }
0x135: {  	[tilespmem:s21], [sflag:$0x1] =	stream.linear.gather @!p3 [hbm4b:s19+s20], $0x400, $0x38;
	[tilespmem:$0xC080] =	vst v63  }
0x136: {  	s19 =	sadd.s32 @!p3 $0x1E8500, s16;
	s21 =	simm.s32 @!p3 $0x800  }
0x137: {  	[tilespmem:s21], [sflag:$0x1] =	stream.linear.gather @!p3 [hbm4b:s19+s20], $0x400, $0x38;
	[tilespmem:$0xC080] =	vst v63  }
0x138: {  	s19 =	sadd.s32 @!p3 $0x2DC780, s16;
	s21 =	simm.s32 @!p3 $0xC00  }
0x139: {  	[tilespmem:s21], [sflag:$0x1] =	stream.linear.gather @!p3 [hbm4b:s19+s20], $0x400, $0x38;
	[tilespmem:$0xC080] =	vst v63  }
0x13a: {  	s19 =	sadd.s32 @!p3 $0x3D0A00, s16;
	s21 =	simm.s32 @!p3 $0x1000  }
0x13b: {  	[tilespmem:s21], [sflag:$0x1] =	stream.linear.gather @!p3 [hbm4b:s19+s20], $0x400, $0x38;
	[tilespmem:$0xC080] =	vst v63  }
0x13c: {  	s19 =	sadd.s32 @!p3 $0x4C4C80, s16;
	s21 =	simm.s32 @!p3 $0x1400  }
0x13d: {  	[tilespmem:s21], [sflag:$0x1] =	stream.linear.gather @!p3 [hbm4b:s19+s20], $0x400, $0x38;
	[tilespmem:$0xC080] =	vst v63  }
.Ltmp7:
0x13e: {  	_ = 	snop;
	(pc) =	sbr.rel @p1 .LBB2_14-.Ltmp7, $4  }
0x13f: {  	s19 =	sadd.s32 @!p3 $0x5B8F00, s16;
	s21 =	simm.s32 @!p3 $0x1800  }
0x140: {  	[tilespmem:s21], [sflag:$0x1] =	stream.linear.gather @!p3 [hbm4b:s19+s20], $0x400, $0x38;
	[tilespmem:$0xC080] =	vst v63  }
0x141: {  	s16 =	sadd.s32 @!p3 $0x6AD180, s16;
	s19 =	simm.s32 @!p3 $0x1C00  }
0x142: {  	[tilespmem:s19], [sflag:$0x1] =	stream.linear.gather @!p3 [hbm4b:s16+s20], $0x400, $0x38;
	[tilespmem:$0xC080] =	vst v63  }
0x143: {  	s16 =	simm.s32 @!p2 $0x4  }
0x144: {  	_ =	swait.ge @!p2 [sflag:s16], $0x2800  }
0x145: {  	[sflag:s16] =	ssyncset.done @!p2 $0x0  }
0x146: {  	[sflag:s16] =	ssyncadd.s32 @!p2 $0xFFFFD800  }
0x147: {  	_ =	swait.ge [sflag:s29], $0x400  }
0x148: {  	[sflag:s29] =	ssyncset.done $0x0  }
0x149: {  	[sflag:s29] =	ssyncadd.s32 $0xFFFFFC00  }
0x14a: {  	_ =	swait.ge [sflag:s29], $0x400  }
0x14b: {  	[sflag:s29] =	ssyncset.done $0x0  }
0x14c: {  	[sflag:s29] =	ssyncadd.s32 $0xFFFFFC00  }
0x14d: {  	_ =	swait.ge [sflag:s29], $0x400  }
0x14e: {  	[sflag:s29] =	ssyncset.done $0x0  }
0x14f: {  	[sflag:s29] =	ssyncadd.s32 $0xFFFFFC00  }
0x150: {  	_ =	swait.ge [sflag:s29], $0x400  }
0x151: {  	[sflag:s29] =	ssyncset.done $0x0  }
0x152: {  	[sflag:s29] =	ssyncadd.s32 $0xFFFFFC00  }
0x153: {  	_ =	swait.ge [sflag:s29], $0x400  }
0x154: {  	[sflag:s29] =	ssyncset.done $0x0  }
0x155: {  	[sflag:s29] =	ssyncadd.s32 $0xFFFFFC00  }
0x156: {  	_ =	swait.ge [sflag:s29], $0x400  }
0x157: {  	[sflag:s29] =	ssyncset.done $0x0  }
0x158: {  	[sflag:s29] =	ssyncadd.s32 $0xFFFFFC00  }
0x159: {  	_ =	swait.ge [sflag:s29], $0x400  }
0x15a: {  	[sflag:s29] =	ssyncset.done $0x0  }
0x15b: {  	[sflag:s29] =	ssyncadd.s32 $0xFFFFFC00  }
0x15c: {  	_ =	swait.ge [sflag:s29], $0x400  }
0x15d: {  	[sflag:s29] =	ssyncset.done $0x0  }
0x15e: {  	s19 =	simm.s32 $0x2100;
	[sflag:s29] =	ssyncadd.s32 $0xFFFFFC00  }
0x15f: {  	v5 =	vld [tilespmem:s19+$0xFFFFFF00];
	_ =	sdelay $0x3  }
0x160: {  	s20 =	simm.s32 $0x4102  }
0x161: {  	[tilespmem:s20+$0xFFFFFEFE] =	vst v5  }
0x162: {  	v5 =	vld [tilespmem:s19+$0xFFFFFF10];
	_ =	sdelay $0x4  }
0x163: {  	[tilespmem:s20+$0xFFFFFF0E] =	vst v5  }
0x164: {  	v5 =	vld [tilespmem:s19+$0xFFFFFF20];
	_ =	sdelay $0x4  }
0x165: {  	[tilespmem:s20+$0xFFFFFF1E] =	vst v5  }
0x166: {  	v5 =	vld [tilespmem:s19+$0xFFFFFF30];
	_ =	sdelay $0x4  }
0x167: {  	[tilespmem:s20+$0xFFFFFF2E] =	vst v5  }
0x168: {  	v5 =	vld [tilespmem:s19+$0xFFFFFF40];
	_ =	sdelay $0x4  }
0x169: {  	[tilespmem:s20+$0xFFFFFF3E] =	vst v5  }
0x16a: {  	v5 =	vld [tilespmem:s19+$0xFFFFFF50];
	_ =	sdelay $0x4  }
0x16b: {  	[tilespmem:s20+$0xFFFFFF4E] =	vst v5  }
0x16c: {  	v5 =	vld [tilespmem:s19+$0xFFFFFF60];
	_ =	sdelay $0x4  }
0x16d: {  	[tilespmem:s20+$0xFFFFFF5E] =	vst v5  }
0x16e: {  	v5 =	vld [tilespmem:s19+$0xFFFFFF70];
	_ =	sdelay $0x4  }
0x16f: {  	[tilespmem:s20+$0xFFFFFF6E] =	vst v5  }
0x170: {  	v5 =	vld [tilespmem:s19+$0xFFFFFF80];
	_ =	sdelay $0x4  }
0x171: {  	[tilespmem:s20+$0xFFFFFF7F] =	vst v5  }
0x172: {  	v5 =	vld [tilespmem:s19+$0xFFFFFF90];
	_ =	sdelay $0x4  }
0x173: {  	[tilespmem:s20+$0xFFFFFF8F] =	vst v5  }
0x174: {  	v5 =	vld [tilespmem:s19+$0xFFFFFFA0];
	_ =	sdelay $0x4  }
0x175: {  	[tilespmem:s20+$0xFFFFFF9F] =	vst v5  }
0x176: {  	v5 =	vld [tilespmem:s19+$0xFFFFFFB0];
	_ =	sdelay $0x4  }
0x177: {  	[tilespmem:s20+$0xFFFFFFAF] =	vst v5  }
0x178: {  	v5 =	vld [tilespmem:s19+$0xFFFFFFC0];
	_ =	sdelay $0x4  }
0x179: {  	[tilespmem:s20+$0xFFFFFFBF] =	vst v5  }
0x17a: {  	v5 =	vld [tilespmem:s19+$0xFFFFFFD0];
	_ =	sdelay $0x4  }
0x17b: {  	[tilespmem:s20+$0xFFFFFFCF] =	vst v5  }
0x17c: {  	v5 =	vld [tilespmem:s19+$0xFFFFFFE0];
	_ =	sdelay $0x4  }
0x17d: {  	[tilespmem:s20+$0xFFFFFFDF] =	vst v5  }
0x17e: {  	v5 =	vld [tilespmem:s19+$0xFFFFFFF0];
	_ =	sdelay $0x4  }
0x17f: {  	[tilespmem:s20+$0xFFFFFFEF] =	vst v5  }
0x180: {  	v5 =	vld [tilespmem:s19+$0x0];
	_ =	sdelay $0x4  }
0x181: {  	[tilespmem:s20+$0x0] =	vst v5  }
0x182: {  	v5 =	vld [tilespmem:s19+$0x10];
	_ =	sdelay $0x4  }
0x183: {  	[tilespmem:s20+$0x10] =	vst v5  }
0x184: {  	v5 =	vld [tilespmem:s19+$0x20];
	_ =	sdelay $0x4  }
0x185: {  	[tilespmem:s20+$0x20] =	vst v5  }
0x186: {  	v5 =	vld [tilespmem:s19+$0x30];
	_ =	sdelay $0x4  }
0x187: {  	[tilespmem:s20+$0x30] =	vst v5  }
0x188: {  	v5 =	vld [tilespmem:s19+$0x40];
	_ =	sdelay $0x4  }
0x189: {  	[tilespmem:s20+$0x40] =	vst v5  }
0x18a: {  	v5 =	vld [tilespmem:s19+$0x50];
	_ =	sdelay $0x4  }
0x18b: {  	[tilespmem:s20+$0x50] =	vst v5  }
0x18c: {  	v5 =	vld [tilespmem:s19+$0x60];
	_ =	sdelay $0x4  }
0x18d: {  	[tilespmem:s20+$0x60] =	vst v5  }
0x18e: {  	v5 =	vld [tilespmem:s19+$0x70];
	_ =	sdelay $0x4  }
0x18f: {  	[tilespmem:s20+$0x70] =	vst v5  }
0x190: {  	v5 =	vld [tilespmem:s19+$0x80];
	_ =	sdelay $0x4  }
0x191: {  	[tilespmem:s20+$0x81] =	vst v5  }
0x192: {  	v5 =	vld [tilespmem:s19+$0x90];
	_ =	sdelay $0x4  }
0x193: {  	[tilespmem:s20+$0x91] =	vst v5  }
0x194: {  	v5 =	vld [tilespmem:s19+$0xA0];
	_ =	sdelay $0x4  }
0x195: {  	[tilespmem:s20+$0xA1] =	vst v5  }
0x196: {  	v5 =	vld [tilespmem:s19+$0xB0];
	_ =	sdelay $0x4  }
0x197: {  	[tilespmem:s20+$0xB1] =	vst v5  }
0x198: {  	v5 =	vld [tilespmem:s19+$0xC0];
	_ =	sdelay $0x4  }
0x199: {  	[tilespmem:s20+$0xC1] =	vst v5  }
0x19a: {  	v5 =	vld [tilespmem:s19+$0xD0];
	_ =	sdelay $0x4  }
0x19b: {  	[tilespmem:s20+$0xD1] =	vst v5  }
0x19c: {  	v5 =	vld [tilespmem:s19+$0xE0];
	_ =	sdelay $0x4  }
0x19d: {  	[tilespmem:s20+$0xE1] =	vst v5  }
0x19e: {  	v5 =	vld [tilespmem:s19+$0xF0];
	_ =	sdelay $0x4  }
0x19f: {  	s21 =	simm.s32 $0x0;
	s22 =	simm.s32 $0x2300;
	s19 =	simm.s32 $0x88D0;
	[tilespmem:s20+$0xF1] =	vst v5  }
.LBB2_10:
0x1a0: {  	v5 =	vld [tilespmem:s22+$0xFFFFFF00];
	s21 =	sadd.s32 $0x4, s21  }
0x1a1: {  	p1 =	slt.u32 s21, $0x3C;
	_ =	sdelay $0x2  }
0x1a2: {  	s20 =	sadd.s32 $0x204, s20  }
0x1a3: {  	[tilespmem:s20+$0xFFFFFEFE] =	vst v5  }
0x1a4: {  	v5 =	vld [tilespmem:s22+$0xFFFFFF10];
	_ =	sdelay $0x4  }
0x1a5: {  	[tilespmem:s20+$0xFFFFFF0E] =	vst v5  }
0x1a6: {  	v5 =	vld [tilespmem:s22+$0xFFFFFF20];
	_ =	sdelay $0x4  }
0x1a7: {  	[tilespmem:s20+$0xFFFFFF1E] =	vst v5  }
0x1a8: {  	v5 =	vld [tilespmem:s22+$0xFFFFFF30];
	_ =	sdelay $0x4  }
0x1a9: {  	[tilespmem:s20+$0xFFFFFF2E] =	vst v5  }
0x1aa: {  	v5 =	vld [tilespmem:s22+$0xFFFFFF40];
	_ =	sdelay $0x4  }
0x1ab: {  	[tilespmem:s20+$0xFFFFFF3E] =	vst v5  }
0x1ac: {  	v5 =	vld [tilespmem:s22+$0xFFFFFF50];
	_ =	sdelay $0x4  }
0x1ad: {  	[tilespmem:s20+$0xFFFFFF4E] =	vst v5  }
0x1ae: {  	v5 =	vld [tilespmem:s22+$0xFFFFFF60];
	_ =	sdelay $0x4  }
0x1af: {  	[tilespmem:s20+$0xFFFFFF5E] =	vst v5  }
0x1b0: {  	v5 =	vld [tilespmem:s22+$0xFFFFFF70];
	_ =	sdelay $0x4  }
0x1b1: {  	[tilespmem:s20+$0xFFFFFF6E] =	vst v5  }
0x1b2: {  	v5 =	vld [tilespmem:s22+$0xFFFFFF80];
	_ =	sdelay $0x4  }
0x1b3: {  	[tilespmem:s20+$0xFFFFFF7F] =	vst v5  }
0x1b4: {  	v5 =	vld [tilespmem:s22+$0xFFFFFF90];
	_ =	sdelay $0x4  }
0x1b5: {  	[tilespmem:s20+$0xFFFFFF8F] =	vst v5  }
0x1b6: {  	v5 =	vld [tilespmem:s22+$0xFFFFFFA0];
	_ =	sdelay $0x4  }
0x1b7: {  	[tilespmem:s20+$0xFFFFFF9F] =	vst v5  }
0x1b8: {  	v5 =	vld [tilespmem:s22+$0xFFFFFFB0];
	_ =	sdelay $0x4  }
0x1b9: {  	[tilespmem:s20+$0xFFFFFFAF] =	vst v5  }
0x1ba: {  	v5 =	vld [tilespmem:s22+$0xFFFFFFC0];
	_ =	sdelay $0x4  }
0x1bb: {  	[tilespmem:s20+$0xFFFFFFBF] =	vst v5  }
0x1bc: {  	v5 =	vld [tilespmem:s22+$0xFFFFFFD0];
	_ =	sdelay $0x4  }
0x1bd: {  	[tilespmem:s20+$0xFFFFFFCF] =	vst v5  }
0x1be: {  	v5 =	vld [tilespmem:s22+$0xFFFFFFE0];
	_ =	sdelay $0x4  }
0x1bf: {  	[tilespmem:s20+$0xFFFFFFDF] =	vst v5  }
0x1c0: {  	v5 =	vld [tilespmem:s22+$0xFFFFFFF0];
	_ =	sdelay $0x4  }
0x1c1: {  	[tilespmem:s20+$0xFFFFFFEF] =	vst v5  }
0x1c2: {  	v5 =	vld [tilespmem:s22+$0x0];
	_ =	sdelay $0x4  }
0x1c3: {  	[tilespmem:s20+$0x0] =	vst v5  }
0x1c4: {  	v5 =	vld [tilespmem:s22+$0x10];
	_ =	sdelay $0x4  }
0x1c5: {  	[tilespmem:s20+$0x10] =	vst v5  }
0x1c6: {  	v5 =	vld [tilespmem:s22+$0x20];
	_ =	sdelay $0x4  }
0x1c7: {  	[tilespmem:s20+$0x20] =	vst v5  }
0x1c8: {  	v5 =	vld [tilespmem:s22+$0x30];
	_ =	sdelay $0x4  }
0x1c9: {  	[tilespmem:s20+$0x30] =	vst v5  }
0x1ca: {  	v5 =	vld [tilespmem:s22+$0x40];
	_ =	sdelay $0x4  }
0x1cb: {  	[tilespmem:s20+$0x40] =	vst v5  }
0x1cc: {  	v5 =	vld [tilespmem:s22+$0x50];
	_ =	sdelay $0x4  }
0x1cd: {  	[tilespmem:s20+$0x50] =	vst v5  }
0x1ce: {  	v5 =	vld [tilespmem:s22+$0x60];
	_ =	sdelay $0x4  }
0x1cf: {  	[tilespmem:s20+$0x60] =	vst v5  }
0x1d0: {  	v5 =	vld [tilespmem:s22+$0x70];
	_ =	sdelay $0x4  }
0x1d1: {  	[tilespmem:s20+$0x70] =	vst v5  }
0x1d2: {  	v5 =	vld [tilespmem:s22+$0x80];
	_ =	sdelay $0x4  }
0x1d3: {  	[tilespmem:s20+$0x81] =	vst v5  }
0x1d4: {  	v5 =	vld [tilespmem:s22+$0x90];
	_ =	sdelay $0x4  }
0x1d5: {  	[tilespmem:s20+$0x91] =	vst v5  }
0x1d6: {  	v5 =	vld [tilespmem:s22+$0xA0];
	_ =	sdelay $0x4  }
0x1d7: {  	[tilespmem:s20+$0xA1] =	vst v5  }
0x1d8: {  	v5 =	vld [tilespmem:s22+$0xB0];
	_ =	sdelay $0x4  }
0x1d9: {  	[tilespmem:s20+$0xB1] =	vst v5  }
0x1da: {  	v5 =	vld [tilespmem:s22+$0xC0];
	_ =	sdelay $0x4  }
0x1db: {  	[tilespmem:s20+$0xC1] =	vst v5  }
0x1dc: {  	v5 =	vld [tilespmem:s22+$0xD0];
	_ =	sdelay $0x4  }
0x1dd: {  	[tilespmem:s20+$0xD1] =	vst v5  }
0x1de: {  	v5 =	vld [tilespmem:s22+$0xE0];
	_ =	sdelay $0x4  }
0x1df: {  	[tilespmem:s20+$0xE1] =	vst v5  }
0x1e0: {  	v5 =	vld [tilespmem:s22+$0xF0]  }
.Ltmp8:
0x1e1: {  	(pc) =	sbr.rel @p1 .LBB2_10-.Ltmp8, $2  }
0x1e2: {  	_ =	sdelay $0x2  }
0x1e3: {  	s16 =	simm.s32 $0x0;
	s22 =	sadd.s32 $0x200, s22;
	[tilespmem:s20+$0xF1] =	vst v5  }
0x1e4: {  	v5 =	vadd.s32 s16, v0;
	_ =	sdelay $0x4  }
0x1e5: {  	v5 =	vld.idx.msk [tilespmem:v5+s26+$0x0], $0xffff  }
0x1e6: {  	v6 =	vadd.s32 s16, v1;
	_ =	sdelay $0x3  }
0x1e7: {  	[tilespmem:s19+$0xFFFFFFB0] =	vst v5  }
0x1e8: {  	v5 =	vld.idx.msk [tilespmem:v6+s26+$0x0], $0xffff  }
0x1e9: {  	v6 =	vadd.s32 s16, v2;
	_ =	sdelay $0x3  }
0x1ea: {  	[tilespmem:s19+$0xFFFFFFC0] =	vst v5  }
0x1eb: {  	v5 =	vld.idx.msk [tilespmem:v6+s26+$0x0], $0xffff  }
0x1ec: {  	v6 =	vadd.s32 s16, v3;
	_ =	sdelay $0x3  }
0x1ed: {  	[tilespmem:s19+$0xFFFFFFD0] =	vst v5  }
0x1ee: {  	s24 =	simm.s32 $0x1;
	v5 =	vld.idx.msk [tilespmem:v6+s26+$0x0], $0xffff  }
0x1ef: {  	v6 =	vadd.s32 s24, v0;
	_ =	sdelay $0x3  }
0x1f0: {  	[tilespmem:s19+$0xFFFFFFE0] =	vst v5  }
0x1f1: {  	v5 =	vld.idx.msk [tilespmem:v6+s26+$0x0], $0xffff  }
0x1f2: {  	v6 =	vadd.s32 s24, v1;
	_ =	sdelay $0x3  }
0x1f3: {  	[tilespmem:s19+$0x0] =	vst v5  }
0x1f4: {  	v5 =	vld.idx.msk [tilespmem:v6+s26+$0x0], $0xffff  }
0x1f5: {  	v6 =	vadd.s32 s24, v2;
	_ =	sdelay $0x3  }
0x1f6: {  	[tilespmem:s19+$0x10] =	vst v5  }
0x1f7: {  	v5 =	vld.idx.msk [tilespmem:v6+s26+$0x0], $0xffff  }
0x1f8: {  	v6 =	vadd.s32 s24, v3;
	_ =	sdelay $0x3  }
0x1f9: {  	[tilespmem:s19+$0x20] =	vst v5  }
0x1fa: {  	s20 =	simm.s32 $0x2;
	v5 =	vld.idx.msk [tilespmem:v6+s26+$0x0], $0xffff  }
0x1fb: {  	s21 =	simm.s32 $0x4;
	v6 =	vadd.s32 s20, v0  }
.LBB2_12:
0x1fc: {  	p1 =	slt.u32 s21, $0x7E;
	_ =	sdelay $0x2  }
0x1fd: {  	[tilespmem:s19+$0x30] =	vst v5  }
0x1fe: {  	v5 =	vld.idx.msk [tilespmem:v6+s26+$0x0], $0xffff;
	_ =	sdelay $0x1  }
0x1ff: {  	v6 =	vadd.s32 s20, v1;
	_ =	sdelay $0x2  }
0x200: {  	s19 =	sadd.s32 $0xA0, s19  }
0x201: {  	[tilespmem:s19+$0xFFFFFFB0] =	vst v5  }
0x202: {  	v5 =	vld.idx.msk [tilespmem:v6+s26+$0x0], $0xffff;
	_ =	sdelay $0x1  }
0x203: {  	v6 =	vadd.s32 s20, v2;
	_ =	sdelay $0x3  }
0x204: {  	[tilespmem:s19+$0xFFFFFFC0] =	vst v5  }
0x205: {  	v5 =	vld.idx.msk [tilespmem:v6+s26+$0x0], $0xffff;
	_ =	sdelay $0x1  }
0x206: {  	v6 =	vadd.s32 s20, v3;
	_ =	sdelay $0x3  }
0x207: {  	[tilespmem:s19+$0xFFFFFFD0] =	vst v5  }
0x208: {  	v5 =	vld.idx.msk [tilespmem:v6+s26+$0x0], $0xffff  }
0x209: {  	s16 =	sadd.s32 $0x1, s20;
	s20 =	smov.u32 s21  }
0x20a: {  	v6 =	vadd.s32 s16, v0;
	_ =	sdelay $0x3  }
0x20b: {  	[tilespmem:s19+$0xFFFFFFE0] =	vst v5  }
0x20c: {  	v5 =	vld.idx.msk [tilespmem:v6+s26+$0x0], $0xffff;
	_ =	sdelay $0x1  }
0x20d: {  	v6 =	vadd.s32 s16, v1;
	_ =	sdelay $0x3  }
0x20e: {  	[tilespmem:s19+$0x0] =	vst v5  }
0x20f: {  	v5 =	vld.idx.msk [tilespmem:v6+s26+$0x0], $0xffff;
	_ =	sdelay $0x1  }
0x210: {  	v6 =	vadd.s32 s16, v2;
	_ =	sdelay $0x3  }
0x211: {  	[tilespmem:s19+$0x10] =	vst v5  }
0x212: {  	v5 =	vld.idx.msk [tilespmem:v6+s26+$0x0], $0xffff;
	_ =	sdelay $0x1  }
0x213: {  	v6 =	vadd.s32 s16, v3;
	_ =	sdelay $0x2  }
.Ltmp9:
0x214: {  	(pc) =	sbr.rel @p1 .LBB2_12-.Ltmp9, $3  }
0x215: {  	[tilespmem:s19+$0x20] =	vst v5  }
0x216: {  	v5 =	vld.idx.msk [tilespmem:v6+s26+$0x0], $0xffff;
	_ =	sdelay $0x1  }
0x217: {  	s21 =	sadd.s32 $0x2, s21;
	v6 =	vadd.s32 s20, v0  }
0x218: {  	_ =	sdelay $0x2  }
0x219: {  	[tilespmem:s19+$0x30] =	vst v5  }
0x21a: {  	v5 =	vld.idx.msk [tilespmem:v6+s26+$0x0], $0xffff  }
0x21b: {  	v6 =	vadd.s32 s20, v1;
	_ =	sdelay $0x2  }
0x21c: {  	s16 =	sadd.s32 $0xA0, s19  }
0x21d: {  	[tilespmem:s16+$0xFFFFFFB0] =	vst v5  }
0x21e: {  	v5 =	vld.idx.msk [tilespmem:v6+s26+$0x0], $0xffff  }
0x21f: {  	v6 =	vadd.s32 s20, v2;
	_ =	sdelay $0x3  }
0x220: {  	[tilespmem:s16+$0xFFFFFFC0] =	vst v5  }
0x221: {  	v5 =	vld.idx.msk [tilespmem:v6+s26+$0x0], $0xffff  }
0x222: {  	v6 =	vadd.s32 s20, v3;
	_ =	sdelay $0x3  }
0x223: {  	[tilespmem:s16+$0xFFFFFFD0] =	vst v5  }
0x224: {  	s23 =	sadd.s32 $0x1, s20;
	v5 =	vld.idx.msk [tilespmem:v6+s26+$0x0], $0xffff  }
0x225: {  	v6 =	vadd.s32 s23, v0;
	_ =	sdelay $0x3  }
0x226: {  	[tilespmem:s16+$0xFFFFFFE0] =	vst v5  }
0x227: {  	v5 =	vld.idx.msk [tilespmem:v6+s26+$0x0], $0xffff  }
0x228: {  	v6 =	vadd.s32 s23, v1;
	_ =	sdelay $0x3  }
0x229: {  	[tilespmem:s16+$0x0] =	vst v5  }
0x22a: {  	v5 =	vld.idx.msk [tilespmem:v6+s26+$0x0], $0xffff  }
0x22b: {  	v6 =	vadd.s32 s23, v2;
	_ =	sdelay $0x3  }
0x22c: {  	[tilespmem:s16+$0x10] =	vst v5  }
0x22d: {  	v5 =	vld.idx.msk [tilespmem:v6+s26+$0x0], $0xffff  }
0x22e: {  	v6 =	vadd.s32 s23, v3;
	_ =	sdelay $0x3  }
0x22f: {  	[tilespmem:s16+$0x20] =	vst v5  }
0x230: {  	v5 =	vld.idx.msk [tilespmem:v6+s26+$0x0], $0xffff;
	_ =	sdelay $0x1  }
.Ltmp10:
0x231: {  	_ = 	snop;
	(pc) =	sbr.rel .LBB2_14-.Ltmp10, $3  }
0x232: {  	s18 =	smul.u32 $0x500, s18;
	_ =	sdelay $0x1  }
0x233: {  	s24 =	sadd.s32 s6, s18;
	[tilespmem:s16+$0x30] =	vst v5  }
0x234: {  	[hbm4b:s24+s4] =	stream.linear.scatter [tilespmem:s30], [sflag:$0x4], $0x2800, $0x38;
	[tilespmem:$0xC080] =	vst v63  }
.LBB2_15:
0x235: {  	_ =	swait.ge [sflag:s31], $0x2800  }
.Ltmp11:
0x236: {  	[sflag:s31] =	ssyncset.done $0x0;
	(pc) =	sbr.rel @p0 .LBB2_19-.Ltmp11, $4  }
0x237: {  	[sflag:s31] =	ssyncadd.s32 $0xFFFFD800  }
0x238: {  	_ =	swait.ge [sflag:s2], $0x2800  }
0x239: {  	[sflag:s2] =	ssyncset.done $0x0  }
0x23a: {  	[sflag:s2] =	ssyncadd.s32 $0xFFFFD800  }
0x23b: {  	s0 =	simm.s32 $0x0;
	s16 =	rddreg [dreg:$0x1];
	s18 =	simm.s32 $0xB080  }
0x23c: {  	[tilespmem:s18], [sflag:$0x1] =	stream.linear.gather [hbm4b:s16+s0], $0x1000, $0x38;
	[tilespmem:$0xC080] =	vst v63  }
0x23d: {  	_ =	swait.ge [sflag:s25], $0x1000  }
0x23e: {  	[sflag:s25] =	ssyncset.done $0x0  }
0x23f: {  	s16 =	simm.s32 $0xB100;
	[sflag:s25] =	ssyncadd.s32 $0xFFFFF000  }
0x240: {  	v6 =	vadd.s32 s0, v4;
	v5 =	vld [tilespmem:s16+$0xFFFFFF80];
	_ =	sdelay $0x4  }
0x241: {  	s24 =	simm.s32 $0x500;
	[tilespmem:v6+s28+$0x0] =	vst.idx.msk $0xffff, v5  }
0x242: {  	v6 =	vadd.s32 s24, v4;
	v5 =	vld [tilespmem:s16+$0xFFFFFF90];
	_ =	sdelay $0x4  }
0x243: {  	s18 =	simm.s32 $0xA00;
	[tilespmem:v6+s28+$0x0] =	vst.idx.msk $0xffff, v5  }
0x244: {  	v6 =	vadd.s32 s18, v4;
	v5 =	vld [tilespmem:s16+$0xFFFFFFA0];
	_ =	sdelay $0x4  }
0x245: {  	s19 =	simm.s32 $0xF00;
	[tilespmem:v6+s28+$0x0] =	vst.idx.msk $0xffff, v5  }
0x246: {  	v6 =	vadd.s32 s19, v4;
	v5 =	vld [tilespmem:s16+$0xFFFFFFB0];
	_ =	sdelay $0x4  }
0x247: {  	s20 =	simm.s32 $0x1;
	[tilespmem:v6+s28+$0x0] =	vst.idx.msk $0xffff, v5  }
0x248: {  	v6 =	vadd.s32 s20, v4;
	v5 =	vld [tilespmem:s16+$0xFFFFFFC0];
	_ =	sdelay $0x3  }
0x249: {  	s21 =	simm.s32 $0x40  }
0x24a: {  	s22 =	sor.u32 $0x50, s21;
	s19 =	simm.s32 $0x501;
	[tilespmem:v6+s28+$0x0] =	vst.idx.msk $0xffff, v5  }
0x24b: {  	v6 =	vadd.s32 s19, v4;
	v5 =	vld [tilespmem:s22+$0xB080];
	_ =	sdelay $0x4  }
0x24c: {  	s23 =	sor.u32 $0x60, s21;
	s24 =	simm.s32 $0xA01;
	[tilespmem:v6+s28+$0x0] =	vst.idx.msk $0xffff, v5  }
0x24d: {  	v6 =	vadd.s32 s24, v4;
	v5 =	vld [tilespmem:s23+$0xB080];
	_ =	sdelay $0x4  }
0x24e: {  	s0 =	sor.u32 $0x70, s21;
	s19 =	simm.s32 $0xF01;
	[tilespmem:v6+s28+$0x0] =	vst.idx.msk $0xffff, v5  }
0x24f: {  	v6 =	vadd.s32 s19, v4;
	v5 =	vld [tilespmem:s0+$0xB080];
	_ =	sdelay $0x4  }
0x250: {  	s20 =	simm.s32 $0x2;
	[tilespmem:v6+s28+$0x0] =	vst.idx.msk $0xffff, v5  }
0x251: {  	v6 =	vadd.s32 s20, v4;
	v5 =	vld [tilespmem:s16+$0x0];
	_ =	sdelay $0x4  }
0x252: {  	s21 =	simm.s32 $0x502;
	[tilespmem:v6+s28+$0x0] =	vst.idx.msk $0xffff, v5  }
0x253: {  	v6 =	vadd.s32 s21, v4;
	v5 =	vld [tilespmem:s16+$0x10];
	_ =	sdelay $0x4  }
0x254: {  	s22 =	simm.s32 $0xA02;
	[tilespmem:v6+s28+$0x0] =	vst.idx.msk $0xffff, v5  }
0x255: {  	v6 =	vadd.s32 s22, v4;
	v5 =	vld [tilespmem:s16+$0x20];
	_ =	sdelay $0x4  }
0x256: {  	s23 =	simm.s32 $0xF02;
	[tilespmem:v6+s28+$0x0] =	vst.idx.msk $0xffff, v5  }
0x257: {  	v6 =	vadd.s32 s23, v4;
	v5 =	vld [tilespmem:s16+$0x30];
	_ =	sdelay $0x4  }
0x258: {  	s24 =	simm.s32 $0x3;
	[tilespmem:v6+s28+$0x0] =	vst.idx.msk $0xffff, v5  }
0x259: {  	v6 =	vadd.s32 s24, v4;
	v5 =	vld [tilespmem:s16+$0x40];
	_ =	sdelay $0x3  }
0x25a: {  	s19 =	simm.s32 $0xC0  }
0x25b: {  	s18 =	sor.u32 $0x50, s19;
	s20 =	simm.s32 $0x503;
	[tilespmem:v6+s28+$0x0] =	vst.idx.msk $0xffff, v5  }
0x25c: {  	v6 =	vadd.s32 s20, v4;
	v5 =	vld [tilespmem:s18+$0xB080];
	_ =	sdelay $0x4  }
0x25d: {  	s21 =	sor.u32 $0x60, s19;
	s22 =	simm.s32 $0xA03;
	[tilespmem:v6+s28+$0x0] =	vst.idx.msk $0xffff, v5  }
0x25e: {  	v6 =	vadd.s32 s22, v4;
	v5 =	vld [tilespmem:s21+$0xB080];
	_ =	sdelay $0x4  }
0x25f: {  	s23 =	sor.u32 $0x70, s19;
	s24 =	simm.s32 $0xF03;
	[tilespmem:v6+s28+$0x0] =	vst.idx.msk $0xffff, v5  }
0x260: {  	v6 =	vadd.s32 s24, v4;
	v5 =	vld [tilespmem:s23+$0xB080];
	_ =	sdelay $0x4  }
0x261: {  	s0 =	simm.s32 $0x4;
	s18 =	simm.s32 $0xB200;
	[tilespmem:v6+s28+$0x0] =	vst.idx.msk $0xffff, v5  }
0x262: {  	s20 =	simm.s32 $0x8;
	v6 =	vadd.s32 s0, v4;
	v5 =	vld [tilespmem:s18+$0xFFFFFF80]  }
.LBB2_17:
0x263: {  	p1 =	slt.u32 s20, $0x3C;
	_ =	sdelay $0x3  }
0x264: {  	s16 =	sadd.s32 $0x500, s0;
	[tilespmem:v6+s28+$0x0] =	vst.idx.msk $0xffff, v5  }
0x265: {  	v6 =	vadd.s32 s16, v4;
	v5 =	vld [tilespmem:s18+$0xFFFFFF90];
	_ =	sdelay $0x4  }
0x266: {  	s16 =	sadd.s32 $0xA00, s0;
	[tilespmem:v6+s28+$0x0] =	vst.idx.msk $0xffff, v5  }
0x267: {  	v6 =	vadd.s32 s16, v4;
	v5 =	vld [tilespmem:s18+$0xFFFFFFA0];
	_ =	sdelay $0x4  }
0x268: {  	s16 =	sadd.s32 $0xF00, s0;
	[tilespmem:v6+s28+$0x0] =	vst.idx.msk $0xffff, v5  }
0x269: {  	v6 =	vadd.s32 s16, v4;
	v5 =	vld [tilespmem:s18+$0xFFFFFFB0];
	_ =	sdelay $0x4  }
0x26a: {  	s16 =	sadd.s32 $0x1, s0;
	[tilespmem:v6+s28+$0x0] =	vst.idx.msk $0xffff, v5  }
0x26b: {  	v6 =	vadd.s32 s16, v4;
	v5 =	vld [tilespmem:s18+$0xFFFFFFC0];
	_ =	sdelay $0x2  }
0x26c: {  	s19 =	sadd.s32 $0x100, s19  }
0x26d: {  	s16 =	sadd.s32 $0xFFFFFF80, s19  }
0x26e: {  	s22 =	sadd.s32 $0x501, s0;
	s21 =	sor.u32 $0x50, s16;
	[tilespmem:v6+s28+$0x0] =	vst.idx.msk $0xffff, v5  }
0x26f: {  	v6 =	vadd.s32 s22, v4;
	v5 =	vld [tilespmem:s21+$0xB080];
	_ =	sdelay $0x4  }
0x270: {  	s22 =	sadd.s32 $0xA01, s0;
	s21 =	sor.u32 $0x60, s16;
	[tilespmem:v6+s28+$0x0] =	vst.idx.msk $0xffff, v5  }
0x271: {  	v6 =	vadd.s32 s22, v4;
	v5 =	vld [tilespmem:s21+$0xB080];
	_ =	sdelay $0x4  }
0x272: {  	s16 =	sor.u32 $0x70, s16;
	s21 =	sadd.s32 $0xF01, s0;
	[tilespmem:v6+s28+$0x0] =	vst.idx.msk $0xffff, v5  }
0x273: {  	v6 =	vadd.s32 s21, v4;
	v5 =	vld [tilespmem:s16+$0xB080];
	_ =	sdelay $0x4  }
0x274: {  	s16 =	sadd.s32 $0x2, s0;
	[tilespmem:v6+s28+$0x0] =	vst.idx.msk $0xffff, v5  }
0x275: {  	v6 =	vadd.s32 s16, v4;
	v5 =	vld [tilespmem:s18+$0x0];
	_ =	sdelay $0x4  }
0x276: {  	s16 =	sadd.s32 $0x502, s0;
	[tilespmem:v6+s28+$0x0] =	vst.idx.msk $0xffff, v5  }
0x277: {  	v6 =	vadd.s32 s16, v4;
	v5 =	vld [tilespmem:s18+$0x10];
	_ =	sdelay $0x4  }
0x278: {  	s16 =	sadd.s32 $0xA02, s0;
	[tilespmem:v6+s28+$0x0] =	vst.idx.msk $0xffff, v5  }
0x279: {  	v6 =	vadd.s32 s16, v4;
	v5 =	vld [tilespmem:s18+$0x20];
	_ =	sdelay $0x4  }
0x27a: {  	s16 =	sadd.s32 $0xF02, s0;
	[tilespmem:v6+s28+$0x0] =	vst.idx.msk $0xffff, v5  }
0x27b: {  	v6 =	vadd.s32 s16, v4;
	v5 =	vld [tilespmem:s18+$0x30];
	_ =	sdelay $0x4  }
0x27c: {  	s16 =	sadd.s32 $0x3, s0;
	[tilespmem:v6+s28+$0x0] =	vst.idx.msk $0xffff, v5  }
0x27d: {  	v6 =	vadd.s32 s16, v4;
	v5 =	vld [tilespmem:s18+$0x40];
	_ =	sdelay $0x4  }
0x27e: {  	s21 =	sadd.s32 $0x503, s0;
	s16 =	sor.u32 $0x50, s19;
	[tilespmem:v6+s28+$0x0] =	vst.idx.msk $0xffff, v5  }
0x27f: {  	v6 =	vadd.s32 s21, v4;
	v5 =	vld [tilespmem:s16+$0xB080];
	_ =	sdelay $0x4  }
0x280: {  	s21 =	sadd.s32 $0xA03, s0;
	s16 =	sor.u32 $0x60, s19;
	[tilespmem:v6+s28+$0x0] =	vst.idx.msk $0xffff, v5  }
0x281: {  	v6 =	vadd.s32 s21, v4;
	v5 =	vld [tilespmem:s16+$0xB080];
	_ =	sdelay $0x4  }
0x282: {  	s21 =	sadd.s32 $0xF03, s0;
	s0 =	smov.u32 s20;
	s16 =	sor.u32 $0x70, s19;
	[tilespmem:v6+s28+$0x0] =	vst.idx.msk $0xffff, v5  }
0x283: {  	v6 =	vadd.s32 s21, v4;
	v5 =	vld [tilespmem:s16+$0xB080];
	_ =	sdelay $0x1  }
.Ltmp12:
0x284: {  	(pc) =	sbr.rel @p1 .LBB2_17-.Ltmp12, $3  }
0x285: {  	_ =	sdelay $0x1  }
0x286: {  	s18 =	sadd.s32 $0x100, s18;
	[tilespmem:v6+s28+$0x0] =	vst.idx.msk $0xffff, v5  }
0x287: {  	s20 =	sadd.s32 $0x4, s20;
	v6 =	vadd.s32 s0, v4;
	v5 =	vld [tilespmem:s18+$0xFFFFFF80]  }
0x288: {  	_ =	sdelay $0x3  }
0x289: {  	s16 =	sadd.s32 $0x500, s0;
	[tilespmem:v6+s28+$0x0] =	vst.idx.msk $0xffff, v5  }
0x28a: {  	v6 =	vadd.s32 s16, v4;
	v5 =	vld [tilespmem:s18+$0xFFFFFF90];
	_ =	sdelay $0x4  }
0x28b: {  	s24 =	sadd.s32 $0xA00, s0;
	[tilespmem:v6+s28+$0x0] =	vst.idx.msk $0xffff, v5  }
0x28c: {  	v6 =	vadd.s32 s24, v4;
	v5 =	vld [tilespmem:s18+$0xFFFFFFA0];
	_ =	sdelay $0x4  }
0x28d: {  	s20 =	sadd.s32 $0xF00, s0;
	[tilespmem:v6+s28+$0x0] =	vst.idx.msk $0xffff, v5  }
0x28e: {  	v6 =	vadd.s32 s20, v4;
	v5 =	vld [tilespmem:s18+$0xFFFFFFB0];
	_ =	sdelay $0x4  }
0x28f: {  	s21 =	sadd.s32 $0x1, s0;
	[tilespmem:v6+s28+$0x0] =	vst.idx.msk $0xffff, v5  }
0x290: {  	v6 =	vadd.s32 s21, v4;
	v5 =	vld [tilespmem:s18+$0xFFFFFFC0];
	_ =	sdelay $0x2  }
0x291: {  	s16 =	sadd.s32 $0x100, s19  }
0x292: {  	s19 =	sadd.s32 $0xFFFFFF80, s16  }
0x293: {  	s20 =	sor.u32 $0x50, s19;
	s21 =	sadd.s32 $0x501, s0;
	[tilespmem:v6+s28+$0x0] =	vst.idx.msk $0xffff, v5  }
0x294: {  	v6 =	vadd.s32 s21, v4;
	v5 =	vld [tilespmem:s20+$0xB080];
	_ =	sdelay $0x4  }
0x295: {  	s23 =	sadd.s32 $0xA01, s0;
	s22 =	sor.u32 $0x60, s19;
	[tilespmem:v6+s28+$0x0] =	vst.idx.msk $0xffff, v5  }
0x296: {  	v6 =	vadd.s32 s23, v4;
	v5 =	vld [tilespmem:s22+$0xB080];
	_ =	sdelay $0x4  }
0x297: {  	s24 =	sadd.s32 $0xF01, s0;
	s19 =	sor.u32 $0x70, s19;
	[tilespmem:v6+s28+$0x0] =	vst.idx.msk $0xffff, v5  }
0x298: {  	v6 =	vadd.s32 s24, v4;
	v5 =	vld [tilespmem:s19+$0xB080];
	_ =	sdelay $0x4  }
0x299: {  	s20 =	sadd.s32 $0x2, s0;
	[tilespmem:v6+s28+$0x0] =	vst.idx.msk $0xffff, v5  }
0x29a: {  	v6 =	vadd.s32 s20, v4;
	v5 =	vld [tilespmem:s18+$0x0];
	_ =	sdelay $0x4  }
0x29b: {  	s21 =	sadd.s32 $0x502, s0;
	[tilespmem:v6+s28+$0x0] =	vst.idx.msk $0xffff, v5  }
0x29c: {  	v6 =	vadd.s32 s21, v4;
	v5 =	vld [tilespmem:s18+$0x10];
	_ =	sdelay $0x4  }
0x29d: {  	s22 =	sadd.s32 $0xA02, s0;
	[tilespmem:v6+s28+$0x0] =	vst.idx.msk $0xffff, v5  }
0x29e: {  	v6 =	vadd.s32 s22, v4;
	v5 =	vld [tilespmem:s18+$0x20];
	_ =	sdelay $0x4  }
0x29f: {  	s23 =	sadd.s32 $0xF02, s0;
	[tilespmem:v6+s28+$0x0] =	vst.idx.msk $0xffff, v5  }
0x2a0: {  	v6 =	vadd.s32 s23, v4;
	v5 =	vld [tilespmem:s18+$0x30];
	_ =	sdelay $0x4  }
0x2a1: {  	s24 =	sadd.s32 $0x3, s0;
	[tilespmem:v6+s28+$0x0] =	vst.idx.msk $0xffff, v5  }
0x2a2: {  	v6 =	vadd.s32 s24, v4;
	v5 =	vld [tilespmem:s18+$0x40];
	_ =	sdelay $0x4  }
0x2a3: {  	s19 =	sor.u32 $0x50, s16;
	s20 =	sadd.s32 $0x503, s0;
	[tilespmem:v6+s28+$0x0] =	vst.idx.msk $0xffff, v5  }
0x2a4: {  	v6 =	vadd.s32 s20, v4;
	v5 =	vld [tilespmem:s19+$0xB080];
	_ =	sdelay $0x4  }
0x2a5: {  	s21 =	sor.u32 $0x60, s16;
	s22 =	sadd.s32 $0xA03, s0;
	[tilespmem:v6+s28+$0x0] =	vst.idx.msk $0xffff, v5  }
0x2a6: {  	v6 =	vadd.s32 s22, v4;
	v5 =	vld [tilespmem:s21+$0xB080];
	_ =	sdelay $0x4  }
0x2a7: {  	s16 =	sor.u32 $0x70, s16;
	s23 =	sadd.s32 $0xF03, s0;
	[tilespmem:v6+s28+$0x0] =	vst.idx.msk $0xffff, v5  }
0x2a8: {  	v6 =	vadd.s32 s23, v4;
	v5 =	vld [tilespmem:s16+$0xB080];
	_ =	sdelay $0x4  }
.Ltmp13:
0x2a9: {  	s24 =	rddreg [dreg:$0x4];
	[tilespmem:v6+s28+$0x0] =	vst.idx.msk $0xffff, v5;
	(pc) =	sbr.rel .LBB2_19-.Ltmp13, $4  }
0x2aa: {  	[hbm4b:s24+s4] =	stream.linear.scatter [tilespmem:s28], [sflag:$0x3], $0x1400, $0x38;
	[tilespmem:$0xC080] =	vst v63  }
0x2ab: {  	_ =	swait.ge [sflag:s31], $0x1400  }
0x2ac: {  	[sflag:s31] =	ssyncset.done $0x0  }
0x2ad: {  	[sflag:s31] =	ssyncadd.s32 $0xFFFFEC00  }
.LBB2_20:
0x2ae: {  	_ =	sfence.sel $0x180000  }
0x2af: {  	[bflag:$0x0] =	sbarrier.arrive $0xFFFF  }
0x2b0: {  	_ =	strace $0x90000047  }
0x2b1: {  	s0 =	stileid.u32;
	[bflag:$0x2] =	sbarrier.arrive $0xFFFF  }
0x2b2: {  	p0 =	sne.s32 s0, $0x0;
	s0 =	rddreg [dreg:$0x3]  }
0x2b3: {  	s0 =	sadd.s32 @!p0 $0x100000, s0  }
0x2b4: {  	[sflag:s0] =	ssyncadd.tile.s32 @!p0 $0x1;
	_ =	shalt  }
.Lfunc_end2:
_tile_overlayer_lowered:
.L_overlay_start_2:
0x2b5: {  	(tag) =	ssettag $0x2  }
0x2b6: {  	s0 =	rddreg [dreg:$0x0];
	s2 =	stileid.u32  }
0x2b7: {  	s1 =	rddreg [dreg:$0x1];
	p0 =	sne.s32 s2, $0x0  }
0x2b8: {  	s3 =	rddreg [dreg:$0x2];
	[bflag:$0x3] =	sbarrier.arrive $0xFFFF;
	s2 =	simm.s32 @!p0 $0x1C05  }
0x2b9: {  	[timem:s3], [sflag:s2] =	dma.local @!p0 [hbm:s0], s1  }
0x2ba: {  	s0 =	simm.s32 @!p0 $0x5  }
0x2bb: {  	_ =	swait.ge @!p0 [sflag:s0], s1  }
0x2bc: {  	s1 =	ssub.s32 @!p0 $0x0, s1;
	[sflag:s0] =	ssyncset.done @!p0 $0x0  }
0x2bd: {  	[sflag:s0] =	ssyncadd.s32 @!p0 s1  }
0x2be: {  	[bflag:$0x3] =	sbarrier.arrive $0xFFFF  }
0x2bf: {  	_ =	shalt  }

// kernel: kernel.7.cloned.1.call-start
scs
__scs_entry_jumppad:
0x0: {  	(pc) =	sbr.rel $0x88, $3  }
0x1: {  	(tag) =	ssettag $0x0;
	lr =	simm.s32 $0x1  }
0x2: {  	[smem:$0x3F9F] =	sst lr;
	_ =	strace $0xD0000000  }
0x3: {  	_ = 	snop  }
0x4: {  	_ = 	snop  }
0x5: {  	_ = 	snop  }
0x6: {  	_ = 	snop  }
0x7: {  	_ = 	snop  }
__scs_overlays_trampoline_lowered:
0x8: {  	[smem:$0x3FAE] =	sst s0  }
0x9: {  	[smem:$0x3FAF] =	sst s1  }
0xa: {  	[smem:$0x3FB0] =	sst s2  }
0xb: {  	[smem:$0x3FB1] =	sst s3  }
0xc: {  	[smem:$0x3FB2] =	sst s4  }
0xd: {  	[smem:$0x3FB3] =	sst s5  }
0xe: {  	[smem:$0x3FB4] =	sst s6  }
0xf: {  	[smem:$0x3FB5] =	sst s7  }
0x10: {  	[smem:$0x3FB6] =	sst s8  }
0x11: {  	[smem:$0x3FB7] =	sst s9;
	s0 =	simm.s32 @!p0 $0x0  }
0x12: {  	s1 =	sld [smem:$0x3F9D];
	s0 =	simm.s32 @p0 $0x1  }
0x13: {  	[smem:$0x3FB8] =	sst s0;
	s0 =	simm.s32 @!p1 $0x0  }
0x14: {  	s2 =	sld [smem:$0x3F9C];
	s0 =	simm.s32 @p1 $0x1  }
0x15: {  	[smem:$0x3FB9] =	sst s0;
	s0 =	simm.s32 @!p2 $0x0  }
0x16: {  	s3 =	sld [smem:$0x3FDB];
	s0 =	simm.s32 @p2 $0x1  }
0x17: {  	s4 =	simm.s32 $0x1BF5;
	[smem:$0x3FBB] =	sst s0  }
0x18: {  	s0 =	sld [smem:$0x3F9E];
	_ =	swait.ge [sflag:s4], $0x0  }
0x19: {  	s7 =	sld [smem:$0x3F9F]  }
0x1a: {  	s8 =	sadd.s32 $0xFFFFE003, lr  }
0x1b: {  	s9 =	sadd.s32 $0xFFFFFEF7, lr;
	s5 =	simm.s32 $0xFFFFFFFF;
	p2 =	slt.u32 s8, $0xFFFFF086  }
0x1c: {  	p1 =	slt.u32 s9, $0xF7A;
	s5 =	simm.s32 @!p2 $0x0  }
0x1d: {  	s5 =	simm.s32 @p1 $0x1;
	p0 =	seq.s32 s7, s2  }
0x1e: {  	s7 =	smul.u32 @!p0 $0xF7A, s2;
	p2 =	seq.s32 @!p0 s5, $0x0  }
0x1f: {  	s9 =	smul.u32 $0xF7A, s1;
	s8 =	simm.s32 @!p0 $0x1BF5;
	p2 =	por !p2, p0  }
0x20: {  	[sflag:s8] =	ssyncset.s32 @!p0 $0xFFFFF086;
	s6 =	sadd.s32 @!p0 s3, s7;
	s7 =	simm.s32 @!p0 $0x108  }
0x21: {  	s3 =	sadd.s32 s3, s9;
	s6 =	sadd.s32 @!p0 $0x88, s6;
	s7 =	simm.s32 @p2 $0x1082  }
0x22: {  	[simem:s7], [sflag:s8] =	dma.local @!p0 [hbm:s6], $0xF7A  }
0x23: {  	s9 =	sor.u32 $0xD0000000, s2;
	s6 =	simm.s32 $0x108;
	_ =	swait.ge @!p0 [sflag:s8], $0x0  }
0x24: {  	s3 =	sadd.s32 $0x88, s3;
	s6 =	simm.s32 @!p1 $0x1082;
	[sflag:s4] =	ssyncset.s32 $0xFFFFF086  }
0x25: {  	[simem:s6], [sflag:s4] =	dma.local [hbm:s3], $0xF7A  }
0x26: {  	[smem:$0x3F9F] =	sst s1;
	(tag) =	ssettag s2;
	_ =	strace s9  }
0x27: {  	s1 =	sld [smem:$0x3FAF]  }
0x28: {  	s2 =	sld [smem:$0x3FB0]  }
0x29: {  	s4 =	sld [smem:$0x3FB2]  }
0x2a: {  	p0 =	seq.s32 s5, $0x0;
	s5 =	sld [smem:$0x3FB3]  }
0x2b: {  	s6 =	sld [smem:$0x3FB4]  }
0x2c: {  	s7 =	sld [smem:$0x3FB5]  }
0x2d: {  	s3 =	simm.s32 $0x108;
	s8 =	sld [smem:$0x3FB6]  }
0x2e: {  	s3 =	simm.s32 @!p0 $0x1082;
	s9 =	sld [smem:$0x3FB7]  }
0x2f: {  	lr =	sadd.s32 s0, s3;
	s0 =	sld [smem:$0x3FAE]  }
0x30: {  	s3 =	sld [smem:$0x3FB1]  }
0x31: {  	[smem:$0x3FBA] =	sst s10  }
0x32: {  	s10 =	sld [smem:$0x3FB8];
	_ =	sdelay $0x3  }
0x33: {  	p0 =	seq.s32 s10, $0x1;
	s10 =	sld [smem:$0x3FBA];
	_ =	sdelay $0x3  }
0x34: {  	[smem:$0x3FBA] =	sst s10  }
0x35: {  	s10 =	sld [smem:$0x3FB9];
	_ =	sdelay $0x3  }
0x36: {  	p1 =	seq.s32 s10, $0x1;
	s10 =	sld [smem:$0x3FBA];
	_ =	sdelay $0x3  }
0x37: {  	[smem:$0x3FBA] =	sst s10  }
0x38: {  	s10 =	sld [smem:$0x3FBB]  }
0x39: {  	_ = 	snop;
	(pc) =	sbr.ind lr, $3  }
0x3a: {  	_ = 	snop  }
0x3b: {  	_ = 	snop  }
0x3c: {  	p2 =	seq.s32 s10, $0x1;
	s10 =	sld [smem:$0x3FBA]  }
0x3d: {  	_ =	shalt  }
0x3e: {  	_ =	shalt  }
0x3f: {  	_ =	shalt  }
0x40: {  	_ =	shalt  }
0x41: {  	_ =	shalt  }
0x42: {  	_ =	shalt  }
0x43: {  	_ =	shalt  }
0x44: {  	_ =	shalt  }
0x45: {  	_ =	shalt  }
0x46: {  	_ =	shalt  }
0x47: {  	_ =	shalt  }
0x48: {  	_ =	shalt  }
0x49: {  	_ =	shalt  }
0x4a: {  	_ =	shalt  }
0x4b: {  	_ =	shalt  }
0x4c: {  	_ =	shalt  }
0x4d: {  	_ =	shalt  }
0x4e: {  	_ =	shalt  }
0x4f: {  	_ =	shalt  }
0x50: {  	_ =	shalt  }
0x51: {  	_ =	shalt  }
0x52: {  	_ =	shalt  }
0x53: {  	_ =	shalt  }
0x54: {  	_ =	shalt  }
0x55: {  	_ =	shalt  }
0x56: {  	_ =	shalt  }
0x57: {  	_ =	shalt  }
0x58: {  	_ =	shalt  }
0x59: {  	_ =	shalt  }
0x5a: {  	_ =	shalt  }
0x5b: {  	_ =	shalt  }
0x5c: {  	_ =	shalt  }
0x5d: {  	_ =	shalt  }
0x5e: {  	_ =	shalt  }
0x5f: {  	_ =	shalt  }
0x60: {  	_ =	shalt  }
0x61: {  	_ =	shalt  }
0x62: {  	_ =	shalt  }
0x63: {  	_ =	shalt  }
0x64: {  	_ =	shalt  }
0x65: {  	_ =	shalt  }
0x66: {  	_ =	shalt  }
0x67: {  	_ =	shalt  }
0x68: {  	_ =	shalt  }
0x69: {  	_ =	shalt  }
0x6a: {  	_ =	shalt  }
0x6b: {  	_ =	shalt  }
0x6c: {  	_ =	shalt  }
0x6d: {  	_ =	shalt  }
0x6e: {  	_ =	shalt  }
0x6f: {  	_ =	shalt  }
0x70: {  	_ =	shalt  }
0x71: {  	_ =	shalt  }
0x72: {  	_ =	shalt  }
0x73: {  	_ =	shalt  }
0x74: {  	_ =	shalt  }
0x75: {  	_ =	shalt  }
0x76: {  	_ =	shalt  }
0x77: {  	_ =	shalt  }
0x78: {  	_ =	shalt  }
0x79: {  	_ =	shalt  }
0x7a: {  	_ =	shalt  }
0x7b: {  	_ =	shalt  }
0x7c: {  	_ =	shalt  }
0x7d: {  	_ =	shalt  }
0x7e: {  	_ =	shalt  }
0x7f: {  	_ =	shalt  }
0x80: {  	_ =	shalt  }
0x81: {  	_ =	shalt  }
0x82: {  	_ =	shalt  }
0x83: {  	_ =	shalt  }
0x84: {  	_ =	shalt  }
0x85: {  	_ =	shalt  }
0x86: {  	_ =	shalt  }
0x87: {  	_ =	shalt  }
.Lfunc_end0:
.L_simem_size_0:
called_computation.1_lowered:
.L_overlay_start_0:
0x88: {  	s2 =	sld [smem:$0x3FD9]  }
0x89: {  	s3 =	sld [smem:$0x3FFE];
	_ =	sdelay $0x1  }
0x8a: {  	s1 =	srdreg.scid  }
0x8b: {  	s0 =	sand.u32 $0x1, s1  }
0x8c: {  	s17 =	sshll.u32 s0, $0xA;
	s2 =	sadd.s32 s3, s2  }
0x8d: {  	s2 =	sadd.s32 s2, s17  }
0x8e: {  	[smem:$0x3FC6] =	sst s2  }
0x8f: {  	_ = 	snop  }
0x90: {  	s2 =	sld [smem:$0x3FD0];
	(tm) =	ssettm $0x1  }
0x91: {  	s18 =	sld [smem:$0x3FFB];
	_ =	sdelay $0x3  }
0x92: {  	_ =	strace s18  }
0x93: {  	s3 =	sld [smem:$0x3FFC];
	_ =	sdelay $0x3  }
0x94: {  	_ =	strace s3  }
0x95: {  	s3 =	sld [smem:$0x3FFD];
	_ =	sdelay $0x3  }
0x96: {  	_ =	strace s3  }
0x97: {  	_ =	strace $0x8FFFFFFF  }
0x98: {  	s19 =	sld [smem:$0x3FDB];
	_ =	sdelay $0x1  }
0x99: {  	s4 =	simm.s32 $_scs_section_size  }
0x9a: {  	s5 =	simm.s32 $_size__tile_overlayer_lowered;
	s6 =	simm.s32 $_tile_overlayer_lowered  }
0x9b: {  	s22 =	simm.s32 $0x1BFF;
	s21 =	sshll.u32 s6, $0x1;
	s3 =	sadd.s32 s4, s19  }
0x9c: {  	s7 =	simm.s32 $0x0;
	s20 =	sshll.u32 s5, $0x1;
	s5 =	sadd.s32 s21, s3  }
0x9d: {  	[timem:s7], [sflag:s22] =	dma.local [hbm:s5], s20  }
0x9e: {  	_ =	swait.ge [sflag:s22], s20  }
0x9f: {  	s4 =	ssub.s32 $0x0, s20;
	[sflag:s22] =	ssyncset.done $0x0  }
0xa0: {  	[sflag:s22] =	ssyncadd.s32 s4;
	_ =	sdelay $0x1  }
0xa1: {  	s23 =	simm.s32 $0x1B8B  }
0xa2: {  	_ =	swait.ge [sflag:s23], $0x1  }
0xa3: {  	[sflag:s23] =	ssyncset.done $0x0  }
0xa4: {  	s25 =	simm.s32 $0x1B8E;
	s24 =	sld [smem:$0x3FFE];
	[sflag:s23] =	ssyncadd.s32 $0xFFFFFFFF  }
0xa5: {  	s26 =	simm.s32 $execute0_lowered;
	[smem:$0x3FD2] =	sst s25  }
0xa6: {  	s5 =	sshll.u32 s26, $0x1;
	_ =	strace $0x80000049;
	[dreg:$0x1] =	wrdreg $0xFFFFFFFF  }
0xa7: {  	s28 =	simm.s32 $_size_execute0_lowered;
	s3 =	sadd.s32 s3, s5;
	[dreg:$0x0] =	wrdreg $0x0  }
0xa8: {  	s5 =	sshll.u32 s28, $0x1;
	[dreg:$0x2] =	wrdreg s3  }
0xa9: {  	[dreg:$0x3] =	wrdreg s5  }
0xaa: {  	[dreg:$0x4] =	wrdreg $0xC0  }
0xab: {  	_ =	task [dreg:s7], $0x5FFFF  }
0xac: {  	[dreg:$0x1] =	wrdreg $0xFFFFFFFF  }
0xad: {  	[dreg:$0x0] =	wrdreg $0x60  }
0xae: {  	[dreg:$0x2] =	wrdreg s24  }
0xaf: {  	[dreg:$0x3] =	wrdreg s2  }
0xb0: {  	[dreg:$0x4] =	wrdreg $0x9  }
0xb1: {  	_ =	task.clear_ibuf [dreg:s7], $0x5FFFF;
	_ =	strace $0x90000049  }
0xb2: {  	s29 =	simm.s32 $0x9;
	_ =	strace $0x8000004B  }
0xb3: {  	_ =	swait.ge [sflag:s29], $0x1  }
0xb4: {  	[sflag:s29] =	ssyncadd.s32 $0xFFFFFFFF  }
0xb5: {  	_ =	strace $0x9000004B  }
0xb6: {  	_ =	sfence  }
0xb7: {  	s30 =	sld [smem:$0x0];
	_ =	sdelay $0x2  }
0xb8: {  	s31 =	sshll.u32 s1, $0xD;
	s1 =	sshrl.u32 s1, $0x2  }
0xb9: {  	s3 =	sand.u32 $0x4000, s31;
	s1 =	sadd.s32 s1, s30  }
0xba: {  	s0 =	sor.u32 s3, s0;
	s1 =	sshll.u32 s1, $0x11  }
0xbb: {  	s0 =	sor.u32 s1, s0  }
0xbc: {  	s0 =	sadd.s32 $0x8F2B, s0  }
0xbd: {  	[sflag:s0] =	ssyncadd.remote.s32 $0x1  }
0xbe: {  	_ =	sfence.sel $0xFFFF  }
0xbf: {  	[dreg:$0x0] =	wrdreg $0xFFFFFFFF;
	(pc) =	sbr.abs _section_cstart, $3  }
0xc0: {  	[dreg:$0x1] =	wrdreg $0xFFFFFFFF  }
0xc1: {  	_ =	task.clear_ibuf [dreg:s7], $0x2FFFF;
	_ =	strace $0x9FFFFFFF  }
0xc2: {  	(tm) =	ssettm $0x7FFFFFFF  }
0xc3: {  	_ =	shalt  }
tec
execute0_lowered:
.L_overlay_start_1:
0x0: {  	(tag) =	ssettag $0x1  }
0x1: {  	s0 =	rddreg [dreg:$0x0]  }
0x2: {  	s2 =	rddreg [dreg:$0x1];
	s1 =	srdreg.scid  }
0x3: {  	s3 =	stileid.u32;
	s5 =	simm.s32 $0x0;
	s13 =	simm.s32 $0x100  }
0x4: {  	s14 =	simm.s32 $0x1;
	s16 =	simm.s32 $0x2;
	s17 =	simm.s32 $0x5200  }
0x5: {  	s18 =	simm.s32 $0x3;
	s19 =	simm.s32 $0x12200;
	s20 =	simm.s32 $0x800  }
0x6: {  	s21 =	simm.s32 $0x8000;
	s22 =	simm.s32 $0xA200;
	s23 =	simm.s32 $0x4  }
0x7: {  	s1 =	sand.u32 $0x1, s1;
	s4 =	sshll.u32 s3, $0x1;
	[smem:$0x7FF] =	sst s5  }
0x8: {  	s24 =	sor.u32 s1, s4;
	_ =	strace $0x8000004A;
	s4 =	sadd.s32 $0x98A200, s0  }
0x9: {  	s1 =	ssub.s32 $0x2, s1;
	s6 =	smul.u32 $0x6400, s24;
	s7 =	sshll.u32 s24, $0xA  }
0xa: {  	s5 =	smul.u32 $0x64, s24;
	s25 =	sshrl.u32 s1, $0x1;
	s7 =	sand.u32 $0xC00, s7  }
0xb: {  	s1 =	ssub.s32 s1, s25;
	s25 =	simm.s32 $0x5;
	s8 =	sand.u32 $0xFF000, s6  }
0xc: {  	s6 =	sadd.s32 $0xA00, s0;
	s9 =	sadd.s32 $0x63, s5;
	s10 =	sor.u32 $0x1, s5  }
0xd: {  	s31 =	smax.u32 s1, $0x1;
	s7 =	sor.u32 s7, s8;
	s28 =	sshll.u32 s9, $0x8  }
0xe: {  	s29 =	sshll.u32 s9, $0xB;
	[dreg:$0x6] =	wrdreg s31;
	s7 =	sshrl.u32 s7, $0x3  }
0xf: {  	s30 =	sand.u32 $0xFF8000, s29;
	s26 =	sadd.s32 s4, s7;
	s7 =	sand.u32 $0xF00, s28  }
0x10: {  	[dreg:$0x3] =	wrdreg s26;
	s3 =	sadd.s32 $0x20, s26;
	s7 =	sadd.s32 s2, s7  }
0x11: {  	v0 =	vlaneseq.u32;
	s9 =	sadd.s32 $0x98A220, s0;
	[dreg:$0x4] =	wrdreg s3;
	s0 =	sadd.s32 s30, s7  }
0x12: {  	v0 =	vmul.u32 $0x41, v0;
	s1 =	simm.s32 $0x0;
	s26 =	simm.s32 $0x6;
	[dreg:$0x5] =	wrdreg s0  }
.LBB2_1:
0x13: {  	[dreg:$0x7] =	wrdreg s1  }
0x14: {  	s0 =	simm.s32 $0x0;
	s30 =	rddreg [dreg:$0x3]  }
0x15: {  	[tilespmem:s0], [sflag:$0x1] =	stream.linear.gather [hbm4b:s30+s0], $0x100, $0x38;
	[tilespmem:$0x16300] =	vst v63  }
0x16: {  	s31 =	rddreg [dreg:$0x4];
	s29 =	simm.s32 $0x0  }
0x17: {  	[tilespmem:s13], [sflag:$0x2] =	stream.linear.gather [hbm4b:s31+s0], $0x100, $0x38;
	[tilespmem:$0x16300] =	vst v63  }
.LBB2_2:
0x18: {  	p0 =	seq.s32 s29, $0x0  }
.Ltmp0:
0x19: {  	_ = 	snop;
	(pc) =	sbr.rel @p0 .LBB2_19-.Ltmp0, $1  }
0x1a: {  	_ =	sdelay $0x3  }
0x1b: {  	_ =	swait.ge [sflag:s25], $0x4000  }
0x1c: {  	[sflag:s25] =	ssyncset.done $0x0  }
0x1d: {  	[sflag:s25] =	ssyncadd.s32 $0xFFFFC000  }
0x1e: {  	_ =	swait.ge [sflag:s14], $0x100  }
0x1f: {  	s30 =	sshll.u32 s29, $0x1;
	[sflag:s14] =	ssyncset.done $0x0  }
0x20: {  	s31 =	simm.s32 $0x0;
	s0 =	simm.s32 $0x200;
	[sflag:s14] =	ssyncadd.s32 $0xFFFFFF00  }
0x21: {  	[tilespmem:s0], [sflag:$0x3] =	stream.indirect.gather [hbm4b:s6+s13], $0x50, s31, s13, $0xb8;
	[tilespmem:$0x16300] =	vst v63  }
0x22: {  	s0 =	sadd.s32 s5, s30;
	_ =	swait.ge [sflag:s23], $0x5000  }
0x23: {  	s1 =	sshll.u32 s0, $0x5;
	[sflag:s23] =	ssyncset.done $0x0  }
0x24: {  	s1 =	sadd.s32 s1, s9;
	[sflag:s23] =	ssyncadd.s32 $0xFFFFB000  }
0x25: {  	[tilespmem:s13], [sflag:$0x2] =	stream.linear.gather [hbm4b:s1+s31], $0x100, $0x38;
	[tilespmem:$0x16300] =	vst v63  }
0x26: {  	s1 =	simm.s32 $0x52A0  }
0x27: {  	v1 =	vld [tilespmem:s1+$0xFFFFFF60];
	_ =	sdelay $0x3  }
0x28: {  	s7 =	simm.s32 $0x12282  }
0x29: {  	[tilespmem:s7+$0xFFFFFF7E] =	vst v1  }
0x2a: {  	v1 =	vld [tilespmem:s1+$0xFFFFFF70];
	_ =	sdelay $0x3  }
0x2b: {  	s8 =	sand.u32 $0x3FFC, s31  }
0x2c: {  	[tilespmem:s8+$0x12210] =	vst v1  }
0x2d: {  	v1 =	vld [tilespmem:s1+$0xFFFFFF80];
	_ =	sdelay $0x4  }
0x2e: {  	[tilespmem:s8+$0x12220] =	vst v1  }
0x2f: {  	v1 =	vld [tilespmem:s1+$0xFFFFFF90];
	_ =	sdelay $0x4  }
0x30: {  	[tilespmem:s8+$0x12230] =	vst v1  }
0x31: {  	v1 =	vld [tilespmem:s1+$0xFFFFFFB0];
	_ =	sdelay $0x4  }
0x32: {  	[tilespmem:s7+$0xFFFFFFBF] =	vst v1  }
0x33: {  	v1 =	vld [tilespmem:s1+$0xFFFFFFC0];
	_ =	sdelay $0x2  }
0x34: {  	s15 =	simm.s32 $0x41  }
0x35: {  	s8 =	sand.u32 $0x7FFD, s15  }
0x36: {  	[tilespmem:s8+$0x12210] =	vst v1  }
0x37: {  	v1 =	vld [tilespmem:s1+$0xFFFFFFD0];
	_ =	sdelay $0x4  }
0x38: {  	[tilespmem:s8+$0x12220] =	vst v1  }
0x39: {  	v1 =	vld [tilespmem:s1+$0xFFFFFFE0];
	_ =	sdelay $0x4  }
0x3a: {  	[tilespmem:s8+$0x12230] =	vst v1  }
0x3b: {  	v1 =	vld [tilespmem:s1+$0x0];
	_ =	sdelay $0x4  }
0x3c: {  	[tilespmem:s7+$0x0] =	vst v1  }
0x3d: {  	v1 =	vld [tilespmem:s1+$0x10];
	_ =	sdelay $0x2  }
0x3e: {  	s24 =	simm.s32 $0x82  }
0x3f: {  	s8 =	sand.u32 $0x7FFE, s24  }
0x40: {  	[tilespmem:s8+$0x12210] =	vst v1  }
0x41: {  	v1 =	vld [tilespmem:s1+$0x20];
	_ =	sdelay $0x4  }
0x42: {  	[tilespmem:s8+$0x12220] =	vst v1  }
0x43: {  	v1 =	vld [tilespmem:s1+$0x30];
	_ =	sdelay $0x4  }
0x44: {  	[tilespmem:s8+$0x12230] =	vst v1  }
0x45: {  	v1 =	vld [tilespmem:s1+$0x50];
	_ =	sdelay $0x4  }
0x46: {  	[tilespmem:s7+$0x41] =	vst v1  }
0x47: {  	v1 =	vld [tilespmem:s1+$0x60];
	_ =	sdelay $0x2  }
0x48: {  	s28 =	simm.s32 $0xC3  }
0x49: {  	s7 =	sand.u32 $0x7FFF, s28  }
0x4a: {  	[tilespmem:s7+$0x12210] =	vst v1  }
0x4b: {  	v1 =	vld [tilespmem:s1+$0x70];
	_ =	sdelay $0x4  }
0x4c: {  	[tilespmem:s7+$0x12220] =	vst v1  }
0x4d: {  	v1 =	vld [tilespmem:s1+$0x80];
	_ =	sdelay $0x3  }
0x4e: {  	s11 =	simm.s32 $0x12386;
	s12 =	simm.s32 $0x0;
	s8 =	simm.s32 $0x0  }
.LBB2_4:
0x4f: {  	s8 =	sadd.s32 $0x4, s8;
	[tilespmem:s7+$0x12230] =	vst v1;
	s12 =	sadd.s32 $0x104, s12;
	s1 =	sadd.s32 $0x140, s1  }
0x50: {  	v1 =	vld [tilespmem:s1+$0xFFFFFF60];
	p0 =	slt.u32 s8, $0xFC;
	_ =	sdelay $0x4  }
0x51: {  	[tilespmem:s11+$0xFFFFFF7E] =	vst v1  }
0x52: {  	v1 =	vld [tilespmem:s1+$0xFFFFFF70];
	_ =	sdelay $0x3  }
0x53: {  	s7 =	sand.u32 $0x3FFC, s12  }
0x54: {  	[tilespmem:s7+$0x12210] =	vst v1  }
0x55: {  	v1 =	vld [tilespmem:s1+$0xFFFFFF80];
	_ =	sdelay $0x4  }
0x56: {  	[tilespmem:s7+$0x12220] =	vst v1  }
0x57: {  	v1 =	vld [tilespmem:s1+$0xFFFFFF90];
	_ =	sdelay $0x4  }
0x58: {  	[tilespmem:s7+$0x12230] =	vst v1  }
0x59: {  	v1 =	vld [tilespmem:s1+$0xFFFFFFB0];
	_ =	sdelay $0x4  }
0x5a: {  	[tilespmem:s11+$0xFFFFFFBF] =	vst v1  }
0x5b: {  	v1 =	vld [tilespmem:s1+$0xFFFFFFC0];
	_ =	sdelay $0x2  }
0x5c: {  	s7 =	sadd.s32 $0x41, s12  }
0x5d: {  	s7 =	sand.u32 $0x7FFD, s7  }
0x5e: {  	[tilespmem:s7+$0x12210] =	vst v1  }
0x5f: {  	v1 =	vld [tilespmem:s1+$0xFFFFFFD0];
	_ =	sdelay $0x4  }
0x60: {  	[tilespmem:s7+$0x12220] =	vst v1  }
0x61: {  	v1 =	vld [tilespmem:s1+$0xFFFFFFE0];
	_ =	sdelay $0x4  }
0x62: {  	[tilespmem:s7+$0x12230] =	vst v1  }
0x63: {  	v1 =	vld [tilespmem:s1+$0x0];
	_ =	sdelay $0x4  }
0x64: {  	[tilespmem:s11+$0x0] =	vst v1  }
0x65: {  	v1 =	vld [tilespmem:s1+$0x10];
	_ =	sdelay $0x2  }
0x66: {  	s7 =	sadd.s32 $0x82, s12  }
0x67: {  	s7 =	sand.u32 $0x7FFE, s7  }
0x68: {  	[tilespmem:s7+$0x12210] =	vst v1  }
0x69: {  	v1 =	vld [tilespmem:s1+$0x20];
	_ =	sdelay $0x4  }
0x6a: {  	[tilespmem:s7+$0x12220] =	vst v1  }
0x6b: {  	v1 =	vld [tilespmem:s1+$0x30];
	_ =	sdelay $0x4  }
0x6c: {  	[tilespmem:s7+$0x12230] =	vst v1  }
0x6d: {  	v1 =	vld [tilespmem:s1+$0x50];
	_ =	sdelay $0x4  }
0x6e: {  	[tilespmem:s11+$0x41] =	vst v1  }
0x6f: {  	v1 =	vld [tilespmem:s1+$0x60];
	_ =	sdelay $0x2  }
0x70: {  	s7 =	sadd.s32 $0xC3, s12  }
0x71: {  	s7 =	sand.u32 $0x7FFF, s7  }
0x72: {  	[tilespmem:s7+$0x12210] =	vst v1  }
0x73: {  	v1 =	vld [tilespmem:s1+$0x70];
	_ =	sdelay $0x4  }
0x74: {  	[tilespmem:s7+$0x12220] =	vst v1  }
.Ltmp1:
0x75: {  	v1 =	vld [tilespmem:s1+$0x80];
	(pc) =	sbr.rel @p0 .LBB2_4-.Ltmp1, $2  }
0x76: {  	_ =	sdelay $0x2  }
0x77: {  	s11 =	sadd.s32 $0x104, s11  }
0x78: {  	s8 =	simm.s32 $0x0  }
0x79: {  	s1 =	simm.s32 $0x0;
	s8 =	sand.u32 $0x1, s8  }
0x7a: {  	s12 =	simm.s32 $0x0;
	s11 =	sand.u32 $0x6, s1;
	s3 =	smul.u32 $0x2080, s8  }
0x7b: {  	s12 =	sor.u32 s11, s12  }
0x7c: {  	s28 =	sor.u32 s12, s3  }
0x7d: {  	v2 =	vadd.s32 s28, v0;
	_ =	sdelay $0x3  }
0x7e: {  	[tilespmem:s7+$0x12230] =	vst v1;
	s3 =	sadd.s32 s3, s12  }
0x7f: {  	s28 =	sadd.s32 $0x410, s3;
	v1 =	vld.idx.msk [tilespmem:v2+s19+$0x0], $0xffff  }
0x80: {  	v2 =	vadd.s32 s28, v0  }
0x81: {  	s8 =	sshll.u32 s8, $0xA;
	s12 =	sshll.u32 s11, $0x7  }
0x82: {  	s15 =	simm.s32 $0x0;
	s7 =	sor.u32 s12, s8  }
0x83: {  	s7 =	sor.u32 s15, s7  }
0x84: {  	[tilespmem:s7+$0xE200] =	vst v1  }
0x85: {  	s24 =	sadd.s32 $0x820, s3;
	v1 =	vld.idx.msk [tilespmem:v2+s19+$0x0], $0xffff  }
0x86: {  	v2 =	vadd.s32 s24, v0;
	_ =	sdelay $0x3  }
0x87: {  	[tilespmem:s7+$0xE210] =	vst v1  }
0x88: {  	s28 =	sadd.s32 $0xC30, s3;
	v1 =	vld.idx.msk [tilespmem:v2+s19+$0x0], $0xffff  }
0x89: {  	v2 =	vadd.s32 s28, v0;
	_ =	sdelay $0x3  }
0x8a: {  	[tilespmem:s7+$0xE220] =	vst v1  }
0x8b: {  	s11 =	sadd.s32 $0x1040, s3;
	v1 =	vld.idx.msk [tilespmem:v2+s19+$0x0], $0xffff  }
0x8c: {  	v2 =	vadd.s32 s11, v0;
	_ =	sdelay $0x3  }
0x8d: {  	[tilespmem:s7+$0xE230] =	vst v1  }
0x8e: {  	s12 =	sadd.s32 $0x1450, s3;
	v1 =	vld.idx.msk [tilespmem:v2+s19+$0x0], $0xffff  }
0x8f: {  	v2 =	vadd.s32 s12, v0;
	_ =	sdelay $0x3  }
0x90: {  	s8 =	sand.u32 $0xFFFFFFF0, s31;
	[tilespmem:s7+$0xE240] =	vst v1  }
0x91: {  	s15 =	sadd.s32 $0x1860, s3;
	s24 =	ssub.s32 $0x0, s8;
	v1 =	vld.idx.msk [tilespmem:v2+s19+$0x0], $0xffff  }
0x92: {  	s28 =	sadd.s32 $0x1, s24;
	v2 =	vadd.s32 s15, v0  }
0x93: {  	s12 =	sshll.u32 s28, $0x18  }
0x94: {  	s12 =	sshra.s32 s12, $0x1F  }
0x95: {  	s12 =	sand.u32 $0x7, s12  }
0x96: {  	s12 =	sadd.s32 s12, s28;
	[tilespmem:s7+$0xE250] =	vst v1  }
0x97: {  	s3 =	sadd.s32 $0x1C70, s3;
	s12 =	sshll.u32 s12, $0x18;
	v1 =	vld.idx.msk [tilespmem:v2+s19+$0x0], $0xffff  }
0x98: {  	s11 =	sshra.s32 s28, $0x1F;
	s15 =	sshra.s32 s12, $0x1B;
	v2 =	vadd.s32 s3, v0  }
0x99: {  	s24 =	simm.s32 $0x0;
	s3 =	sadd.s32 s15, s11  }
0x9a: {  	s11 =	sand.u32 $0x7FFFFFF8, s24;
	s28 =	smul.u32 $0x2078, s3  }
0x9b: {  	s11 =	ssub.s32 $0xFFFFFFFE, s11  }
0x9c: {  	s12 =	sadd.s32 s28, s11;
	[tilespmem:s7+$0xE260] =	vst v1  }
0x9d: {  	s11 =	sadd.s32 $0x3, s12;
	v1 =	vld.idx.msk [tilespmem:v2+s19+$0x0], $0xffff  }
0x9e: {  	v2 =	vadd.s32 s11, v0;
	_ =	sdelay $0x3  }
0x9f: {  	s15 =	sshll.u32 s3, $0x3;
	s11 =	ssub.s32 $0xFFFFFFFE, s8;
	[tilespmem:s7+$0xE270] =	vst v1  }
0xa0: {  	s24 =	sadd.s32 $0x413, s12;
	s7 =	ssub.s32 s11, s15;
	v1 =	vld.idx.msk [tilespmem:v2+s19+$0x0], $0xffff  }
0xa1: {  	s3 =	sshll.u32 s3, $0xC;
	s7 =	sshll.u32 s7, $0x9;
	v2 =	vadd.s32 s24, v0  }
0xa2: {  	s3 =	sshra.s32 s3, $0x2;
	s7 =	sadd.s32 $0x600, s7  }
0xa3: {  	s3 =	sadd.s32 $0x0, s3;
	s7 =	sshra.s32 s7, $0x2  }
0xa4: {  	s11 =	sadd.s32 s7, s3  }
0xa5: {  	[tilespmem:s11+$0xE200] =	vst v1  }
0xa6: {  	s28 =	sadd.s32 $0x823, s12;
	v1 =	vld.idx.msk [tilespmem:v2+s19+$0x0], $0xffff  }
0xa7: {  	v2 =	vadd.s32 s28, v0;
	_ =	sdelay $0x3  }
0xa8: {  	[tilespmem:s11+$0xE210] =	vst v1  }
0xa9: {  	s7 =	sadd.s32 $0xC33, s12;
	v1 =	vld.idx.msk [tilespmem:v2+s19+$0x0], $0xffff  }
0xaa: {  	v2 =	vadd.s32 s7, v0;
	_ =	sdelay $0x3  }
0xab: {  	[tilespmem:s11+$0xE220] =	vst v1  }
0xac: {  	s8 =	sadd.s32 $0x1043, s12;
	v1 =	vld.idx.msk [tilespmem:v2+s19+$0x0], $0xffff  }
0xad: {  	v2 =	vadd.s32 s8, v0;
	_ =	sdelay $0x3  }
0xae: {  	[tilespmem:s11+$0xE230] =	vst v1  }
0xaf: {  	s15 =	sadd.s32 $0x1453, s12;
	v1 =	vld.idx.msk [tilespmem:v2+s19+$0x0], $0xffff  }
0xb0: {  	v2 =	vadd.s32 s15, v0;
	_ =	sdelay $0x3  }
0xb1: {  	[tilespmem:s11+$0xE240] =	vst v1  }
0xb2: {  	s24 =	sadd.s32 $0x1863, s12;
	v1 =	vld.idx.msk [tilespmem:v2+s19+$0x0], $0xffff  }
0xb3: {  	v2 =	vadd.s32 s24, v0;
	_ =	sdelay $0x3  }
0xb4: {  	[tilespmem:s11+$0xE250] =	vst v1  }
0xb5: {  	s28 =	sadd.s32 $0x1C73, s12;
	v1 =	vld.idx.msk [tilespmem:v2+s19+$0x0], $0xffff  }
0xb6: {  	v2 =	vadd.s32 s28, v0  }
.LBB2_6:
0xb7: {  	s8 =	smov.u32 s1;
	s1 =	sadd.s32 $0x2, s1  }
0xb8: {  	s3 =	sshrl.u32 s1, $0x3;
	p0 =	slt.u32 s1, $0x7E  }
0xb9: {  	s12 =	sshrl.u32 s1, $0x4;
	s3 =	sand.u32 $0x1, s3  }
0xba: {  	s28 =	sand.u32 $0x6, s1;
	s7 =	sshll.u32 s12, $0x3;
	s24 =	smul.u32 $0x2080, s3;
	[tilespmem:s11+$0xE260] =	vst v1  }
0xbb: {  	s7 =	sor.u32 s28, s7;
	v1 =	vld.idx.msk [tilespmem:v2+s19+$0x0], $0xffff  }
0xbc: {  	s15 =	sor.u32 s7, s24  }
0xbd: {  	v2 =	vadd.s32 s15, v0;
	_ =	sdelay $0x3  }
0xbe: {  	[tilespmem:s11+$0xE270] =	vst v1  }
0xbf: {  	s7 =	sadd.s32 s24, s7;
	v1 =	vld.idx.msk [tilespmem:v2+s19+$0x0], $0xffff  }
0xc0: {  	s11 =	sadd.s32 $0x410, s7  }
0xc1: {  	v2 =	vadd.s32 s11, v0  }
0xc2: {  	s3 =	sshll.u32 s3, $0xA;
	s15 =	sshll.u32 s28, $0x7  }
0xc3: {  	s3 =	sor.u32 s15, s3;
	s11 =	sshll.u32 s12, $0xB  }
0xc4: {  	s12 =	sor.u32 s11, s3  }
0xc5: {  	[tilespmem:s12+$0xE200] =	vst v1  }
0xc6: {  	v1 =	vld.idx.msk [tilespmem:v2+s19+$0x0], $0xffff  }
0xc7: {  	s3 =	sadd.s32 $0x820, s7  }
0xc8: {  	v2 =	vadd.s32 s3, v0;
	_ =	sdelay $0x3  }
0xc9: {  	[tilespmem:s12+$0xE210] =	vst v1  }
0xca: {  	v1 =	vld.idx.msk [tilespmem:v2+s19+$0x0], $0xffff  }
0xcb: {  	s3 =	sadd.s32 $0xC30, s7  }
0xcc: {  	v2 =	vadd.s32 s3, v0;
	_ =	sdelay $0x3  }
0xcd: {  	[tilespmem:s12+$0xE220] =	vst v1  }
0xce: {  	v1 =	vld.idx.msk [tilespmem:v2+s19+$0x0], $0xffff  }
0xcf: {  	s3 =	sadd.s32 $0x1040, s7  }
0xd0: {  	v2 =	vadd.s32 s3, v0;
	_ =	sdelay $0x3  }
0xd1: {  	[tilespmem:s12+$0xE230] =	vst v1  }
0xd2: {  	v1 =	vld.idx.msk [tilespmem:v2+s19+$0x0], $0xffff  }
0xd3: {  	s3 =	sadd.s32 $0x1450, s7  }
0xd4: {  	v2 =	vadd.s32 s3, v0;
	_ =	sdelay $0x3  }
0xd5: {  	[tilespmem:s12+$0xE240] =	vst v1  }
0xd6: {  	v1 =	vld.idx.msk [tilespmem:v2+s19+$0x0], $0xffff  }
0xd7: {  	s31 =	sadd.s32 $0x2, s31;
	s3 =	sadd.s32 $0x1860, s7  }
0xd8: {  	s15 =	sand.u32 $0xFFFFFFF0, s31;
	v2 =	vadd.s32 s3, v0  }
0xd9: {  	s3 =	ssub.s32 s1, s15  }
0xda: {  	s3 =	sadd.s32 $0x1, s3  }
0xdb: {  	s24 =	sshll.u32 s3, $0x18  }
0xdc: {  	s24 =	sshra.s32 s24, $0x1F;
	[tilespmem:s12+$0xE250] =	vst v1  }
0xdd: {  	s24 =	sand.u32 $0x7, s24;
	v1 =	vld.idx.msk [tilespmem:v2+s19+$0x0], $0xffff  }
0xde: {  	s7 =	sadd.s32 $0x1C70, s7;
	s24 =	sadd.s32 s24, s3  }
0xdf: {  	v2 =	vadd.s32 s7, v0;
	s7 =	sshll.u32 s24, $0x18  }
0xe0: {  	s3 =	sshra.s32 s3, $0x1F;
	s7 =	sshra.s32 s7, $0x1B  }
0xe1: {  	s3 =	sadd.s32 s7, s3;
	s7 =	sshrl.u32 s31, $0x1  }
0xe2: {  	s24 =	smul.u32 $0x2078, s3;
	s7 =	sand.u32 $0x7FFFFFF8, s7  }
0xe3: {  	s7 =	ssub.s32 s8, s7;
	[tilespmem:s12+$0xE260] =	vst v1  }
0xe4: {  	s7 =	sadd.s32 s24, s7;
	v1 =	vld.idx.msk [tilespmem:v2+s19+$0x0], $0xffff  }
0xe5: {  	s24 =	sadd.s32 $0x3, s7  }
0xe6: {  	v2 =	vadd.s32 s24, v0;
	_ =	sdelay $0x3  }
0xe7: {  	[tilespmem:s12+$0xE270] =	vst v1  }
0xe8: {  	s8 =	ssub.s32 s8, s15;
	s12 =	sshll.u32 s3, $0x3;
	v1 =	vld.idx.msk [tilespmem:v2+s19+$0x0], $0xffff  }
0xe9: {  	s8 =	ssub.s32 s8, s12;
	s12 =	sadd.s32 $0x413, s7  }
0xea: {  	s3 =	sshll.u32 s3, $0xC;
	s8 =	sshll.u32 s8, $0x9;
	v2 =	vadd.s32 s12, v0  }
0xeb: {  	s3 =	sshra.s32 s3, $0x2;
	s8 =	sadd.s32 $0x600, s8  }
0xec: {  	s3 =	sadd.s32 s3, s11;
	s8 =	sshra.s32 s8, $0x2  }
0xed: {  	s11 =	sadd.s32 s8, s3  }
0xee: {  	[tilespmem:s11+$0xE200] =	vst v1  }
0xef: {  	v1 =	vld.idx.msk [tilespmem:v2+s19+$0x0], $0xffff  }
0xf0: {  	s3 =	sadd.s32 $0x823, s7  }
0xf1: {  	v2 =	vadd.s32 s3, v0;
	_ =	sdelay $0x3  }
0xf2: {  	[tilespmem:s11+$0xE210] =	vst v1  }
0xf3: {  	v1 =	vld.idx.msk [tilespmem:v2+s19+$0x0], $0xffff  }
0xf4: {  	s3 =	sadd.s32 $0xC33, s7  }
0xf5: {  	v2 =	vadd.s32 s3, v0;
	_ =	sdelay $0x3  }
0xf6: {  	[tilespmem:s11+$0xE220] =	vst v1  }
0xf7: {  	v1 =	vld.idx.msk [tilespmem:v2+s19+$0x0], $0xffff  }
0xf8: {  	s3 =	sadd.s32 $0x1043, s7  }
0xf9: {  	v2 =	vadd.s32 s3, v0;
	_ =	sdelay $0x3  }
0xfa: {  	[tilespmem:s11+$0xE230] =	vst v1  }
0xfb: {  	v1 =	vld.idx.msk [tilespmem:v2+s19+$0x0], $0xffff  }
0xfc: {  	s3 =	sadd.s32 $0x1453, s7  }
0xfd: {  	v2 =	vadd.s32 s3, v0;
	_ =	sdelay $0x3  }
0xfe: {  	[tilespmem:s11+$0xE240] =	vst v1  }
0xff: {  	v1 =	vld.idx.msk [tilespmem:v2+s19+$0x0], $0xffff  }
0x100: {  	s3 =	sadd.s32 $0x1863, s7  }
0x101: {  	v2 =	vadd.s32 s3, v0;
	_ =	sdelay $0x2  }
.Ltmp2:
0x102: {  	(pc) =	sbr.rel @p0 .LBB2_6-.Ltmp2, $4  }
0x103: {  	[tilespmem:s11+$0xE250] =	vst v1  }
0x104: {  	v1 =	vld.idx.msk [tilespmem:v2+s19+$0x0], $0xffff  }
0x105: {  	s3 =	sadd.s32 $0x1C73, s7  }
0x106: {  	v2 =	vadd.s32 s3, v0  }
0x107: {  	s0 =	sadd.s32 $0xFFFFFFFF, s0  }
0x108: {  	s1 =	sshra.s32 s0, $0x1F  }
0x109: {  	s3 =	sshrl.u32 s1, $0x1C  }
0x10a: {  	[tilespmem:s11+$0xE260] =	vst v1;
	s3 =	sadd.s32 s3, s0  }
0x10b: {  	v1 =	vld.idx.msk [tilespmem:v2+s19+$0x0], $0xffff;
	s3 =	sshrl.u32 s3, $0x4  }
0x10c: {  	s0 =	sshll.u32 s0, $0xB;
	s1 =	sadd.s32 s1, s3  }
0x10d: {  	s0 =	sand.u32 $0x7800, s0;
	s1 =	sshll.u32 s1, $0x12  }
0x10e: {  	s0 =	sor.u32 s0, s1  }
0x10f: {  	s0 =	sshrl.u32 s0, $0x3  }
.Ltmp3:
0x110: {  	s31 =	simm.s32 $0xE200;
	[tilespmem:s11+$0xE270] =	vst v1;
	s0 =	sadd.s32 s2, s0;
	(pc) =	sbr.rel .LBB2_8-.Ltmp3, $4  }
0x111: {  	[hbm4b:s0+s20] =	stream.strided.scatter [tilespmem:s31], [sflag:$0x6], $0x4000, s21, s20, $0x38;
	[tilespmem:$0x16300] =	vst v63  }
0x112: {  	_ =	swait.ge [sflag:s26], $0x4000  }
0x113: {  	[sflag:s26] =	ssyncset.done $0x0  }
0x114: {  	s30 =	sadd.s32 s30, s10;
	[sflag:s26] =	ssyncadd.s32 $0xFFFFC000  }
.LBB2_19:
0x115: {  	_ =	swait.ge [sflag:s14], $0x100  }
0x116: {  	s0 =	simm.s32 $0x0;
	[sflag:s14] =	ssyncset.done $0x0  }
0x117: {  	s1 =	simm.s32 $0x200;
	s30 =	smov.u32 s10;
	[sflag:s14] =	ssyncadd.s32 $0xFFFFFF00  }
0x118: {  	[tilespmem:s1], [sflag:$0x3] =	stream.indirect.gather [hbm4b:s6+s13], $0x50, s0, s13, $0xb8;
	[tilespmem:$0x16300] =	vst v63  }
.LBB2_8:
0x119: {  	_ =	swait.ge [sflag:s16], $0x100  }
0x11a: {  	p0 =	seq.s32 s29, $0x31;
	[sflag:s16] =	ssyncset.done $0x0  }
0x11b: {  	s0 =	sshll.u32 @!p0 s30, $0x5;
	[sflag:s16] =	ssyncadd.s32 $0xFFFFFF00  }
0x11c: {  	[tilespmem:s17], [sflag:$0x4] =	stream.indirect.gather [hbm4b:s6+s13], $0x50, s13, s13, $0xb8;
	[tilespmem:$0x16300] =	vst v63  }
0x11d: {  	s0 =	sadd.s32 @!p0 $0x20, s0;
	_ =	swait.ge [sflag:s18], $0x5000  }
0x11e: {  	s0 =	sand.u32 @!p0 $0xFFFFFC0, s0;
	[sflag:s18] =	ssyncset.done $0x0  }
0x11f: {  	s1 =	simm.s32 @!p0 $0x0;
	s0 =	sadd.s32 @!p0 s4, s0;
	[sflag:s18] =	ssyncadd.s32 $0xFFFFB000  }
0x120: {  	[tilespmem:s1], [sflag:$0x1] =	stream.linear.gather @!p0 [hbm4b:s0+s1], $0x100, $0x38;
	[tilespmem:$0x16300] =	vst v63  }
0x121: {  	s1 =	simm.s32 $0x2A0  }
0x122: {  	v1 =	vld [tilespmem:s1+$0xFFFFFF60];
	_ =	sdelay $0x3  }
0x123: {  	s3 =	simm.s32 $0x12282  }
0x124: {  	[tilespmem:s3+$0xFFFFFF7E] =	vst v1  }
0x125: {  	v1 =	vld [tilespmem:s1+$0xFFFFFF70];
	_ =	sdelay $0x2  }
0x126: {  	s0 =	simm.s32 $0x0  }
0x127: {  	s7 =	sand.u32 $0x3FFC, s0  }
0x128: {  	[tilespmem:s7+$0x12210] =	vst v1  }
0x129: {  	v1 =	vld [tilespmem:s1+$0xFFFFFF80];
	_ =	sdelay $0x4  }
0x12a: {  	[tilespmem:s7+$0x12220] =	vst v1  }
0x12b: {  	v1 =	vld [tilespmem:s1+$0xFFFFFF90];
	_ =	sdelay $0x4  }
0x12c: {  	[tilespmem:s7+$0x12230] =	vst v1  }
0x12d: {  	v1 =	vld [tilespmem:s1+$0xFFFFFFB0];
	_ =	sdelay $0x4  }
0x12e: {  	[tilespmem:s3+$0xFFFFFFBF] =	vst v1  }
0x12f: {  	v1 =	vld [tilespmem:s1+$0xFFFFFFC0];
	_ =	sdelay $0x2  }
0x130: {  	s24 =	simm.s32 $0x41  }
0x131: {  	s7 =	sand.u32 $0x7FFD, s24  }
0x132: {  	[tilespmem:s7+$0x12210] =	vst v1  }
0x133: {  	v1 =	vld [tilespmem:s1+$0xFFFFFFD0];
	_ =	sdelay $0x4  }
0x134: {  	[tilespmem:s7+$0x12220] =	vst v1  }
0x135: {  	v1 =	vld [tilespmem:s1+$0xFFFFFFE0];
	_ =	sdelay $0x4  }
0x136: {  	[tilespmem:s7+$0x12230] =	vst v1  }
0x137: {  	v1 =	vld [tilespmem:s1+$0x0];
	_ =	sdelay $0x4  }
0x138: {  	[tilespmem:s3+$0x0] =	vst v1  }
0x139: {  	v1 =	vld [tilespmem:s1+$0x10];
	_ =	sdelay $0x2  }
0x13a: {  	s28 =	simm.s32 $0x82  }
0x13b: {  	s7 =	sand.u32 $0x7FFE, s28  }
0x13c: {  	[tilespmem:s7+$0x12210] =	vst v1  }
0x13d: {  	v1 =	vld [tilespmem:s1+$0x20];
	_ =	sdelay $0x4  }
0x13e: {  	[tilespmem:s7+$0x12220] =	vst v1  }
0x13f: {  	v1 =	vld [tilespmem:s1+$0x30];
	_ =	sdelay $0x4  }
0x140: {  	[tilespmem:s7+$0x12230] =	vst v1  }
0x141: {  	v1 =	vld [tilespmem:s1+$0x50];
	_ =	sdelay $0x4  }
0x142: {  	[tilespmem:s3+$0x41] =	vst v1  }
0x143: {  	v1 =	vld [tilespmem:s1+$0x60];
	_ =	sdelay $0x2  }
0x144: {  	s31 =	simm.s32 $0xC3  }
0x145: {  	s7 =	sand.u32 $0x7FFF, s31  }
0x146: {  	[tilespmem:s7+$0x12210] =	vst v1  }
0x147: {  	v1 =	vld [tilespmem:s1+$0x70];
	_ =	sdelay $0x4  }
0x148: {  	[tilespmem:s7+$0x12220] =	vst v1  }
0x149: {  	v1 =	vld [tilespmem:s1+$0x80];
	_ =	sdelay $0x3  }
0x14a: {  	s8 =	simm.s32 $0x0;
	s11 =	simm.s32 $0x12386;
	s12 =	simm.s32 $0x0  }
.LBB2_9:
0x14b: {  	s8 =	sadd.s32 $0x4, s8;
	[tilespmem:s7+$0x12230] =	vst v1;
	s12 =	sadd.s32 $0x104, s12;
	s1 =	sadd.s32 $0x140, s1  }
0x14c: {  	v1 =	vld [tilespmem:s1+$0xFFFFFF60];
	p0 =	slt.u32 s8, $0xFC;
	_ =	sdelay $0x4  }
0x14d: {  	[tilespmem:s11+$0xFFFFFF7E] =	vst v1  }
0x14e: {  	v1 =	vld [tilespmem:s1+$0xFFFFFF70];
	_ =	sdelay $0x3  }
0x14f: {  	s3 =	sand.u32 $0x3FFC, s12  }
0x150: {  	[tilespmem:s3+$0x12210] =	vst v1  }
0x151: {  	v1 =	vld [tilespmem:s1+$0xFFFFFF80];
	_ =	sdelay $0x4  }
0x152: {  	[tilespmem:s3+$0x12220] =	vst v1  }
0x153: {  	v1 =	vld [tilespmem:s1+$0xFFFFFF90];
	_ =	sdelay $0x4  }
0x154: {  	[tilespmem:s3+$0x12230] =	vst v1  }
0x155: {  	v1 =	vld [tilespmem:s1+$0xFFFFFFB0];
	_ =	sdelay $0x4  }
0x156: {  	[tilespmem:s11+$0xFFFFFFBF] =	vst v1  }
0x157: {  	v1 =	vld [tilespmem:s1+$0xFFFFFFC0];
	_ =	sdelay $0x2  }
0x158: {  	s3 =	sadd.s32 $0x41, s12  }
0x159: {  	s3 =	sand.u32 $0x7FFD, s3  }
0x15a: {  	[tilespmem:s3+$0x12210] =	vst v1  }
0x15b: {  	v1 =	vld [tilespmem:s1+$0xFFFFFFD0];
	_ =	sdelay $0x4  }
0x15c: {  	[tilespmem:s3+$0x12220] =	vst v1  }
0x15d: {  	v1 =	vld [tilespmem:s1+$0xFFFFFFE0];
	_ =	sdelay $0x4  }
0x15e: {  	[tilespmem:s3+$0x12230] =	vst v1  }
0x15f: {  	v1 =	vld [tilespmem:s1+$0x0];
	_ =	sdelay $0x4  }
0x160: {  	[tilespmem:s11+$0x0] =	vst v1  }
0x161: {  	v1 =	vld [tilespmem:s1+$0x10];
	_ =	sdelay $0x2  }
0x162: {  	s3 =	sadd.s32 $0x82, s12  }
0x163: {  	s3 =	sand.u32 $0x7FFE, s3  }
0x164: {  	[tilespmem:s3+$0x12210] =	vst v1  }
0x165: {  	v1 =	vld [tilespmem:s1+$0x20];
	_ =	sdelay $0x4  }
0x166: {  	[tilespmem:s3+$0x12220] =	vst v1  }
0x167: {  	v1 =	vld [tilespmem:s1+$0x30];
	_ =	sdelay $0x4  }
0x168: {  	[tilespmem:s3+$0x12230] =	vst v1  }
0x169: {  	v1 =	vld [tilespmem:s1+$0x50];
	_ =	sdelay $0x4  }
0x16a: {  	[tilespmem:s11+$0x41] =	vst v1  }
0x16b: {  	v1 =	vld [tilespmem:s1+$0x60];
	_ =	sdelay $0x2  }
0x16c: {  	s3 =	sadd.s32 $0xC3, s12  }
0x16d: {  	s7 =	sand.u32 $0x7FFF, s3  }
0x16e: {  	[tilespmem:s7+$0x12210] =	vst v1  }
0x16f: {  	v1 =	vld [tilespmem:s1+$0x70];
	_ =	sdelay $0x4  }
0x170: {  	[tilespmem:s7+$0x12220] =	vst v1  }
.Ltmp4:
0x171: {  	v1 =	vld [tilespmem:s1+$0x80];
	(pc) =	sbr.rel @p0 .LBB2_9-.Ltmp4, $2  }
0x172: {  	_ =	sdelay $0x2  }
0x173: {  	s11 =	sadd.s32 $0x104, s11  }
0x174: {  	s3 =	simm.s32 $0x0  }
0x175: {  	s1 =	simm.s32 $0x0;
	s3 =	sand.u32 $0x1, s3  }
0x176: {  	s11 =	simm.s32 $0x0;
	s8 =	sand.u32 $0x6, s1;
	s12 =	smul.u32 $0x2080, s3  }
0x177: {  	s11 =	sor.u32 s8, s11  }
0x178: {  	s15 =	sor.u32 s11, s12  }
0x179: {  	v2 =	vadd.s32 s15, v0;
	_ =	sdelay $0x3  }
0x17a: {  	[tilespmem:s7+$0x12230] =	vst v1;
	s7 =	sadd.s32 s12, s11  }
0x17b: {  	s11 =	sadd.s32 $0x410, s7;
	v1 =	vld.idx.msk [tilespmem:v2+s19+$0x0], $0xffff  }
0x17c: {  	v2 =	vadd.s32 s11, v0  }
0x17d: {  	s3 =	sshll.u32 s3, $0xA;
	s8 =	sshll.u32 s8, $0x7  }
0x17e: {  	s24 =	simm.s32 $0x0;
	s3 =	sor.u32 s8, s3  }
0x17f: {  	s3 =	sor.u32 s24, s3  }
0x180: {  	[tilespmem:s3+$0xA200] =	vst v1  }
0x181: {  	s28 =	sadd.s32 $0x820, s7;
	v1 =	vld.idx.msk [tilespmem:v2+s19+$0x0], $0xffff  }
0x182: {  	v2 =	vadd.s32 s28, v0;
	_ =	sdelay $0x3  }
0x183: {  	[tilespmem:s3+$0xA210] =	vst v1  }
0x184: {  	s31 =	sadd.s32 $0xC30, s7;
	v1 =	vld.idx.msk [tilespmem:v2+s19+$0x0], $0xffff  }
0x185: {  	v2 =	vadd.s32 s31, v0;
	_ =	sdelay $0x3  }
0x186: {  	[tilespmem:s3+$0xA220] =	vst v1  }
0x187: {  	s11 =	sadd.s32 $0x1040, s7;
	v1 =	vld.idx.msk [tilespmem:v2+s19+$0x0], $0xffff  }
0x188: {  	v2 =	vadd.s32 s11, v0;
	_ =	sdelay $0x3  }
0x189: {  	[tilespmem:s3+$0xA230] =	vst v1  }
0x18a: {  	s12 =	sadd.s32 $0x1450, s7;
	v1 =	vld.idx.msk [tilespmem:v2+s19+$0x0], $0xffff  }
0x18b: {  	v2 =	vadd.s32 s12, v0;
	_ =	sdelay $0x3  }
0x18c: {  	s8 =	sand.u32 $0xFFFFFFF0, s0;
	[tilespmem:s3+$0xA240] =	vst v1  }
0x18d: {  	s24 =	ssub.s32 $0x0, s8;
	s15 =	sadd.s32 $0x1860, s7;
	v1 =	vld.idx.msk [tilespmem:v2+s19+$0x0], $0xffff  }
0x18e: {  	s28 =	sadd.s32 $0x1, s24;
	v2 =	vadd.s32 s15, v0  }
0x18f: {  	s12 =	sshll.u32 s28, $0x18  }
0x190: {  	s12 =	sshra.s32 s12, $0x1F  }
0x191: {  	s12 =	sand.u32 $0x7, s12  }
0x192: {  	s12 =	sadd.s32 s12, s28;
	[tilespmem:s3+$0xA250] =	vst v1  }
0x193: {  	s7 =	sadd.s32 $0x1C70, s7;
	s12 =	sshll.u32 s12, $0x18;
	v1 =	vld.idx.msk [tilespmem:v2+s19+$0x0], $0xffff  }
0x194: {  	s11 =	sshra.s32 s28, $0x1F;
	s31 =	sshra.s32 s12, $0x1B;
	v2 =	vadd.s32 s7, v0  }
0x195: {  	s12 =	simm.s32 $0x0;
	s7 =	sadd.s32 s31, s11  }
0x196: {  	s11 =	sand.u32 $0x7FFFFFF8, s12;
	s15 =	smul.u32 $0x2078, s7  }
0x197: {  	s11 =	ssub.s32 $0xFFFFFFFE, s11  }
0x198: {  	s12 =	sadd.s32 s15, s11;
	[tilespmem:s3+$0xA260] =	vst v1  }
0x199: {  	s11 =	sadd.s32 $0x3, s12;
	v1 =	vld.idx.msk [tilespmem:v2+s19+$0x0], $0xffff  }
0x19a: {  	v2 =	vadd.s32 s11, v0;
	_ =	sdelay $0x3  }
0x19b: {  	s24 =	ssub.s32 $0xFFFFFFFE, s8;
	s28 =	sshll.u32 s7, $0x3;
	[tilespmem:s3+$0xA270] =	vst v1  }
0x19c: {  	s31 =	sadd.s32 $0x413, s12;
	s3 =	ssub.s32 s24, s28;
	v1 =	vld.idx.msk [tilespmem:v2+s19+$0x0], $0xffff  }
0x19d: {  	s7 =	sshll.u32 s7, $0xC;
	s3 =	sshll.u32 s3, $0x9;
	v2 =	vadd.s32 s31, v0  }
0x19e: {  	s7 =	sshra.s32 s7, $0x2;
	s3 =	sadd.s32 $0x600, s3  }
0x19f: {  	s7 =	sadd.s32 $0x0, s7;
	s3 =	sshra.s32 s3, $0x2  }
0x1a0: {  	s11 =	sadd.s32 s3, s7  }
0x1a1: {  	[tilespmem:s11+$0xA200] =	vst v1  }
0x1a2: {  	s7 =	sadd.s32 $0x823, s12;
	v1 =	vld.idx.msk [tilespmem:v2+s19+$0x0], $0xffff  }
0x1a3: {  	v2 =	vadd.s32 s7, v0;
	_ =	sdelay $0x3  }
0x1a4: {  	[tilespmem:s11+$0xA210] =	vst v1  }
0x1a5: {  	s8 =	sadd.s32 $0xC33, s12;
	v1 =	vld.idx.msk [tilespmem:v2+s19+$0x0], $0xffff  }
0x1a6: {  	v2 =	vadd.s32 s8, v0;
	_ =	sdelay $0x3  }
0x1a7: {  	[tilespmem:s11+$0xA220] =	vst v1  }
0x1a8: {  	s15 =	sadd.s32 $0x1043, s12;
	v1 =	vld.idx.msk [tilespmem:v2+s19+$0x0], $0xffff  }
0x1a9: {  	v2 =	vadd.s32 s15, v0;
	_ =	sdelay $0x3  }
0x1aa: {  	[tilespmem:s11+$0xA230] =	vst v1  }
0x1ab: {  	s24 =	sadd.s32 $0x1453, s12;
	v1 =	vld.idx.msk [tilespmem:v2+s19+$0x0], $0xffff  }
0x1ac: {  	v2 =	vadd.s32 s24, v0;
	_ =	sdelay $0x3  }
0x1ad: {  	[tilespmem:s11+$0xA240] =	vst v1  }
0x1ae: {  	s28 =	sadd.s32 $0x1863, s12;
	v1 =	vld.idx.msk [tilespmem:v2+s19+$0x0], $0xffff  }
0x1af: {  	v2 =	vadd.s32 s28, v0;
	_ =	sdelay $0x3  }
0x1b0: {  	[tilespmem:s11+$0xA250] =	vst v1  }
0x1b1: {  	s31 =	sadd.s32 $0x1C73, s12;
	v1 =	vld.idx.msk [tilespmem:v2+s19+$0x0], $0xffff  }
0x1b2: {  	v2 =	vadd.s32 s31, v0  }
.LBB2_11:
0x1b3: {  	s8 =	smov.u32 s1;
	s1 =	sadd.s32 $0x2, s1  }
0x1b4: {  	s3 =	sshrl.u32 s1, $0x3;
	p0 =	slt.u32 s1, $0x7E  }
0x1b5: {  	s12 =	sshrl.u32 s1, $0x4;
	s3 =	sand.u32 $0x1, s3  }
0x1b6: {  	s15 =	sand.u32 $0x6, s1;
	s7 =	sshll.u32 s12, $0x3;
	s24 =	smul.u32 $0x2080, s3;
	[tilespmem:s11+$0xA260] =	vst v1  }
0x1b7: {  	s7 =	sor.u32 s15, s7;
	v1 =	vld.idx.msk [tilespmem:v2+s19+$0x0], $0xffff  }
0x1b8: {  	s28 =	sor.u32 s7, s24  }
0x1b9: {  	v2 =	vadd.s32 s28, v0;
	_ =	sdelay $0x3  }
0x1ba: {  	[tilespmem:s11+$0xA270] =	vst v1  }
0x1bb: {  	s7 =	sadd.s32 s24, s7;
	v1 =	vld.idx.msk [tilespmem:v2+s19+$0x0], $0xffff  }
0x1bc: {  	s11 =	sadd.s32 $0x410, s7  }
0x1bd: {  	v2 =	vadd.s32 s11, v0  }
0x1be: {  	s3 =	sshll.u32 s3, $0xA;
	s15 =	sshll.u32 s15, $0x7  }
0x1bf: {  	s3 =	sor.u32 s15, s3;
	s11 =	sshll.u32 s12, $0xB  }
0x1c0: {  	s12 =	sor.u32 s11, s3  }
0x1c1: {  	[tilespmem:s12+$0xA200] =	vst v1  }
0x1c2: {  	v1 =	vld.idx.msk [tilespmem:v2+s19+$0x0], $0xffff  }
0x1c3: {  	s3 =	sadd.s32 $0x820, s7  }
0x1c4: {  	v2 =	vadd.s32 s3, v0;
	_ =	sdelay $0x3  }
0x1c5: {  	[tilespmem:s12+$0xA210] =	vst v1  }
0x1c6: {  	v1 =	vld.idx.msk [tilespmem:v2+s19+$0x0], $0xffff  }
0x1c7: {  	s3 =	sadd.s32 $0xC30, s7  }
0x1c8: {  	v2 =	vadd.s32 s3, v0;
	_ =	sdelay $0x3  }
0x1c9: {  	[tilespmem:s12+$0xA220] =	vst v1  }
0x1ca: {  	v1 =	vld.idx.msk [tilespmem:v2+s19+$0x0], $0xffff  }
0x1cb: {  	s3 =	sadd.s32 $0x1040, s7  }
0x1cc: {  	v2 =	vadd.s32 s3, v0;
	_ =	sdelay $0x3  }
0x1cd: {  	[tilespmem:s12+$0xA230] =	vst v1  }
0x1ce: {  	v1 =	vld.idx.msk [tilespmem:v2+s19+$0x0], $0xffff  }
0x1cf: {  	s3 =	sadd.s32 $0x1450, s7  }
0x1d0: {  	v2 =	vadd.s32 s3, v0;
	_ =	sdelay $0x3  }
0x1d1: {  	[tilespmem:s12+$0xA240] =	vst v1  }
0x1d2: {  	v1 =	vld.idx.msk [tilespmem:v2+s19+$0x0], $0xffff  }
0x1d3: {  	s0 =	sadd.s32 $0x2, s0;
	s3 =	sadd.s32 $0x1860, s7  }
0x1d4: {  	s15 =	sand.u32 $0xFFFFFFF0, s0;
	v2 =	vadd.s32 s3, v0  }
0x1d5: {  	s3 =	ssub.s32 s1, s15  }
0x1d6: {  	s3 =	sadd.s32 $0x1, s3  }
0x1d7: {  	s24 =	sshll.u32 s3, $0x18  }
0x1d8: {  	s24 =	sshra.s32 s24, $0x1F;
	[tilespmem:s12+$0xA250] =	vst v1  }
0x1d9: {  	s24 =	sand.u32 $0x7, s24;
	v1 =	vld.idx.msk [tilespmem:v2+s19+$0x0], $0xffff  }
0x1da: {  	s7 =	sadd.s32 $0x1C70, s7;
	s24 =	sadd.s32 s24, s3  }
0x1db: {  	v2 =	vadd.s32 s7, v0;
	s7 =	sshll.u32 s24, $0x18  }
0x1dc: {  	s3 =	sshra.s32 s3, $0x1F;
	s7 =	sshra.s32 s7, $0x1B  }
0x1dd: {  	s3 =	sadd.s32 s7, s3;
	s7 =	sshrl.u32 s0, $0x1  }
0x1de: {  	s24 =	smul.u32 $0x2078, s3;
	s7 =	sand.u32 $0x7FFFFFF8, s7  }
0x1df: {  	s7 =	ssub.s32 s8, s7;
	[tilespmem:s12+$0xA260] =	vst v1  }
0x1e0: {  	s7 =	sadd.s32 s24, s7;
	v1 =	vld.idx.msk [tilespmem:v2+s19+$0x0], $0xffff  }
0x1e1: {  	s24 =	sadd.s32 $0x3, s7  }
0x1e2: {  	v2 =	vadd.s32 s24, v0;
	_ =	sdelay $0x3  }
0x1e3: {  	[tilespmem:s12+$0xA270] =	vst v1  }
0x1e4: {  	s8 =	ssub.s32 s8, s15;
	s12 =	sshll.u32 s3, $0x3;
	v1 =	vld.idx.msk [tilespmem:v2+s19+$0x0], $0xffff  }
0x1e5: {  	s8 =	ssub.s32 s8, s12;
	s12 =	sadd.s32 $0x413, s7  }
0x1e6: {  	s3 =	sshll.u32 s3, $0xC;
	s8 =	sshll.u32 s8, $0x9;
	v2 =	vadd.s32 s12, v0  }
0x1e7: {  	s3 =	sshra.s32 s3, $0x2;
	s8 =	sadd.s32 $0x600, s8  }
0x1e8: {  	s3 =	sadd.s32 s3, s11;
	s8 =	sshra.s32 s8, $0x2  }
0x1e9: {  	s11 =	sadd.s32 s8, s3  }
0x1ea: {  	[tilespmem:s11+$0xA200] =	vst v1  }
0x1eb: {  	v1 =	vld.idx.msk [tilespmem:v2+s19+$0x0], $0xffff  }
0x1ec: {  	s3 =	sadd.s32 $0x823, s7  }
0x1ed: {  	v2 =	vadd.s32 s3, v0;
	_ =	sdelay $0x3  }
0x1ee: {  	[tilespmem:s11+$0xA210] =	vst v1  }
0x1ef: {  	v1 =	vld.idx.msk [tilespmem:v2+s19+$0x0], $0xffff  }
0x1f0: {  	s3 =	sadd.s32 $0xC33, s7  }
0x1f1: {  	v2 =	vadd.s32 s3, v0;
	_ =	sdelay $0x3  }
0x1f2: {  	[tilespmem:s11+$0xA220] =	vst v1  }
0x1f3: {  	v1 =	vld.idx.msk [tilespmem:v2+s19+$0x0], $0xffff  }
0x1f4: {  	s3 =	sadd.s32 $0x1043, s7  }
0x1f5: {  	v2 =	vadd.s32 s3, v0;
	_ =	sdelay $0x3  }
0x1f6: {  	[tilespmem:s11+$0xA230] =	vst v1  }
0x1f7: {  	v1 =	vld.idx.msk [tilespmem:v2+s19+$0x0], $0xffff  }
0x1f8: {  	s3 =	sadd.s32 $0x1453, s7  }
0x1f9: {  	v2 =	vadd.s32 s3, v0;
	_ =	sdelay $0x3  }
0x1fa: {  	[tilespmem:s11+$0xA240] =	vst v1  }
0x1fb: {  	v1 =	vld.idx.msk [tilespmem:v2+s19+$0x0], $0xffff  }
0x1fc: {  	s3 =	sadd.s32 $0x1863, s7  }
0x1fd: {  	v2 =	vadd.s32 s3, v0;
	_ =	sdelay $0x2  }
.Ltmp5:
0x1fe: {  	(pc) =	sbr.rel @p0 .LBB2_11-.Ltmp5, $4  }
0x1ff: {  	[tilespmem:s11+$0xA250] =	vst v1  }
0x200: {  	v1 =	vld.idx.msk [tilespmem:v2+s19+$0x0], $0xffff  }
0x201: {  	s3 =	sadd.s32 $0x1C73, s7  }
0x202: {  	v2 =	vadd.s32 s3, v0  }
0x203: {  	_ =	sdelay $0x2  }
0x204: {  	[tilespmem:s11+$0xA260] =	vst v1  }
0x205: {  	s29 =	sadd.s32 $0x1, s29;
	v1 =	vld.idx.msk [tilespmem:v2+s19+$0x0], $0xffff  }
0x206: {  	s0 =	sadd.s32 $0xFFFFFFFF, s30;
	p0 =	sne.s32 s29, $0x32  }
.Ltmp6:
0x207: {  	s1 =	sshll.u32 s0, $0x8;
	(pc) =	sbr.rel @p0 .LBB2_2-.Ltmp6, $4  }
0x208: {  	s0 =	sshll.u32 s0, $0xB;
	s1 =	sand.u32 $0xE00, s1  }
0x209: {  	s0 =	sand.u32 $0xFFF8000, s0;
	s1 =	sadd.s32 s2, s1  }
0x20a: {  	s0 =	sadd.s32 s0, s1;
	[tilespmem:s11+$0xA270] =	vst v1  }
0x20b: {  	[hbm4b:s0+s20] =	stream.strided.scatter [tilespmem:s22], [sflag:$0x5], $0x4000, s21, s20, $0x38;
	[tilespmem:$0x16300] =	vst v63  }
0x20c: {  	_ =	swait.ge [sflag:s23], $0x5000  }
0x20d: {  	[sflag:s23] =	ssyncset.done $0x0  }
0x20e: {  	s1 =	simm.s32 $0x52A0;
	[sflag:s23] =	ssyncadd.s32 $0xFFFFB000  }
0x20f: {  	v1 =	vld [tilespmem:s1+$0xFFFFFF60];
	_ =	sdelay $0x3  }
0x210: {  	s3 =	simm.s32 $0x12282  }
0x211: {  	[tilespmem:s3+$0xFFFFFF7E] =	vst v1  }
0x212: {  	v1 =	vld [tilespmem:s1+$0xFFFFFF70];
	_ =	sdelay $0x2  }
0x213: {  	s0 =	simm.s32 $0x0  }
0x214: {  	s7 =	sand.u32 $0x3FFC, s0  }
0x215: {  	[tilespmem:s7+$0x12210] =	vst v1  }
0x216: {  	v1 =	vld [tilespmem:s1+$0xFFFFFF80];
	_ =	sdelay $0x4  }
0x217: {  	[tilespmem:s7+$0x12220] =	vst v1  }
0x218: {  	v1 =	vld [tilespmem:s1+$0xFFFFFF90];
	_ =	sdelay $0x4  }
0x219: {  	[tilespmem:s7+$0x12230] =	vst v1  }
0x21a: {  	v1 =	vld [tilespmem:s1+$0xFFFFFFB0];
	_ =	sdelay $0x4  }
0x21b: {  	[tilespmem:s3+$0xFFFFFFBF] =	vst v1  }
0x21c: {  	v1 =	vld [tilespmem:s1+$0xFFFFFFC0];
	_ =	sdelay $0x2  }
0x21d: {  	s29 =	simm.s32 $0x41  }
0x21e: {  	s7 =	sand.u32 $0x7FFD, s29  }
0x21f: {  	[tilespmem:s7+$0x12210] =	vst v1  }
0x220: {  	v1 =	vld [tilespmem:s1+$0xFFFFFFD0];
	_ =	sdelay $0x4  }
0x221: {  	[tilespmem:s7+$0x12220] =	vst v1  }
0x222: {  	v1 =	vld [tilespmem:s1+$0xFFFFFFE0];
	_ =	sdelay $0x4  }
0x223: {  	[tilespmem:s7+$0x12230] =	vst v1  }
0x224: {  	v1 =	vld [tilespmem:s1+$0x0];
	_ =	sdelay $0x4  }
0x225: {  	[tilespmem:s3+$0x0] =	vst v1  }
0x226: {  	v1 =	vld [tilespmem:s1+$0x10];
	_ =	sdelay $0x2  }
0x227: {  	s30 =	simm.s32 $0x82  }
0x228: {  	s7 =	sand.u32 $0x7FFE, s30  }
0x229: {  	[tilespmem:s7+$0x12210] =	vst v1  }
0x22a: {  	v1 =	vld [tilespmem:s1+$0x20];
	_ =	sdelay $0x4  }
0x22b: {  	[tilespmem:s7+$0x12220] =	vst v1  }
0x22c: {  	v1 =	vld [tilespmem:s1+$0x30];
	_ =	sdelay $0x4  }
0x22d: {  	[tilespmem:s7+$0x12230] =	vst v1  }
0x22e: {  	v1 =	vld [tilespmem:s1+$0x50];
	_ =	sdelay $0x4  }
0x22f: {  	[tilespmem:s3+$0x41] =	vst v1  }
0x230: {  	v1 =	vld [tilespmem:s1+$0x60];
	_ =	sdelay $0x2  }
0x231: {  	s31 =	simm.s32 $0xC3  }
0x232: {  	s7 =	sand.u32 $0x7FFF, s31  }
0x233: {  	[tilespmem:s7+$0x12210] =	vst v1  }
0x234: {  	v1 =	vld [tilespmem:s1+$0x70];
	_ =	sdelay $0x4  }
0x235: {  	[tilespmem:s7+$0x12220] =	vst v1  }
0x236: {  	v1 =	vld [tilespmem:s1+$0x80];
	_ =	sdelay $0x3  }
0x237: {  	s8 =	simm.s32 $0x0;
	s11 =	simm.s32 $0x12386;
	s12 =	simm.s32 $0x0  }
.LBB2_14:
0x238: {  	s8 =	sadd.s32 $0x4, s8;
	[tilespmem:s7+$0x12230] =	vst v1;
	s12 =	sadd.s32 $0x104, s12;
	s1 =	sadd.s32 $0x140, s1  }
0x239: {  	v1 =	vld [tilespmem:s1+$0xFFFFFF60];
	p0 =	slt.u32 s8, $0xFC;
	_ =	sdelay $0x4  }
0x23a: {  	[tilespmem:s11+$0xFFFFFF7E] =	vst v1  }
0x23b: {  	v1 =	vld [tilespmem:s1+$0xFFFFFF70];
	_ =	sdelay $0x3  }
0x23c: {  	s3 =	sand.u32 $0x3FFC, s12  }
0x23d: {  	[tilespmem:s3+$0x12210] =	vst v1  }
0x23e: {  	v1 =	vld [tilespmem:s1+$0xFFFFFF80];
	_ =	sdelay $0x4  }
0x23f: {  	[tilespmem:s3+$0x12220] =	vst v1  }
0x240: {  	v1 =	vld [tilespmem:s1+$0xFFFFFF90];
	_ =	sdelay $0x4  }
0x241: {  	[tilespmem:s3+$0x12230] =	vst v1  }
0x242: {  	v1 =	vld [tilespmem:s1+$0xFFFFFFB0];
	_ =	sdelay $0x4  }
0x243: {  	[tilespmem:s11+$0xFFFFFFBF] =	vst v1  }
0x244: {  	v1 =	vld [tilespmem:s1+$0xFFFFFFC0];
	_ =	sdelay $0x2  }
0x245: {  	s3 =	sadd.s32 $0x41, s12  }
0x246: {  	s3 =	sand.u32 $0x7FFD, s3  }
0x247: {  	[tilespmem:s3+$0x12210] =	vst v1  }
0x248: {  	v1 =	vld [tilespmem:s1+$0xFFFFFFD0];
	_ =	sdelay $0x4  }
0x249: {  	[tilespmem:s3+$0x12220] =	vst v1  }
0x24a: {  	v1 =	vld [tilespmem:s1+$0xFFFFFFE0];
	_ =	sdelay $0x4  }
0x24b: {  	[tilespmem:s3+$0x12230] =	vst v1  }
0x24c: {  	v1 =	vld [tilespmem:s1+$0x0];
	_ =	sdelay $0x4  }
0x24d: {  	[tilespmem:s11+$0x0] =	vst v1  }
0x24e: {  	v1 =	vld [tilespmem:s1+$0x10];
	_ =	sdelay $0x2  }
0x24f: {  	s3 =	sadd.s32 $0x82, s12  }
0x250: {  	s3 =	sand.u32 $0x7FFE, s3  }
0x251: {  	[tilespmem:s3+$0x12210] =	vst v1  }
0x252: {  	v1 =	vld [tilespmem:s1+$0x20];
	_ =	sdelay $0x4  }
0x253: {  	[tilespmem:s3+$0x12220] =	vst v1  }
0x254: {  	v1 =	vld [tilespmem:s1+$0x30];
	_ =	sdelay $0x4  }
0x255: {  	[tilespmem:s3+$0x12230] =	vst v1  }
0x256: {  	v1 =	vld [tilespmem:s1+$0x50];
	_ =	sdelay $0x4  }
0x257: {  	[tilespmem:s11+$0x41] =	vst v1  }
0x258: {  	v1 =	vld [tilespmem:s1+$0x60];
	_ =	sdelay $0x2  }
0x259: {  	s3 =	sadd.s32 $0xC3, s12  }
0x25a: {  	s7 =	sand.u32 $0x7FFF, s3  }
0x25b: {  	[tilespmem:s7+$0x12210] =	vst v1  }
0x25c: {  	v1 =	vld [tilespmem:s1+$0x70];
	_ =	sdelay $0x4  }
0x25d: {  	[tilespmem:s7+$0x12220] =	vst v1  }
.Ltmp7:
0x25e: {  	v1 =	vld [tilespmem:s1+$0x80];
	(pc) =	sbr.rel @p0 .LBB2_14-.Ltmp7, $2  }
0x25f: {  	_ =	sdelay $0x2  }
0x260: {  	s11 =	sadd.s32 $0x104, s11  }
0x261: {  	s3 =	simm.s32 $0x0  }
0x262: {  	s1 =	simm.s32 $0x0;
	s3 =	sand.u32 $0x1, s3  }
0x263: {  	s11 =	simm.s32 $0x0;
	s8 =	sand.u32 $0x6, s1;
	s12 =	smul.u32 $0x2080, s3  }
0x264: {  	s11 =	sor.u32 s8, s11  }
0x265: {  	s15 =	sor.u32 s11, s12  }
0x266: {  	v2 =	vadd.s32 s15, v0;
	_ =	sdelay $0x3  }
0x267: {  	[tilespmem:s7+$0x12230] =	vst v1;
	s7 =	sadd.s32 s12, s11  }
0x268: {  	s11 =	sadd.s32 $0x410, s7;
	v1 =	vld.idx.msk [tilespmem:v2+s19+$0x0], $0xffff  }
0x269: {  	v2 =	vadd.s32 s11, v0  }
0x26a: {  	s3 =	sshll.u32 s3, $0xA;
	s8 =	sshll.u32 s8, $0x7  }
0x26b: {  	s3 =	sor.u32 s8, s3;
	s12 =	simm.s32 $0x0  }
0x26c: {  	s3 =	sor.u32 s12, s3  }
0x26d: {  	[tilespmem:s3+$0xE200] =	vst v1  }
0x26e: {  	s15 =	sadd.s32 $0x820, s7;
	v1 =	vld.idx.msk [tilespmem:v2+s19+$0x0], $0xffff  }
0x26f: {  	v2 =	vadd.s32 s15, v0;
	_ =	sdelay $0x3  }
0x270: {  	[tilespmem:s3+$0xE210] =	vst v1  }
0x271: {  	s24 =	sadd.s32 $0xC30, s7;
	v1 =	vld.idx.msk [tilespmem:v2+s19+$0x0], $0xffff  }
0x272: {  	v2 =	vadd.s32 s24, v0;
	_ =	sdelay $0x3  }
0x273: {  	[tilespmem:s3+$0xE220] =	vst v1  }
0x274: {  	s28 =	sadd.s32 $0x1040, s7;
	v1 =	vld.idx.msk [tilespmem:v2+s19+$0x0], $0xffff  }
0x275: {  	v2 =	vadd.s32 s28, v0;
	_ =	sdelay $0x3  }
0x276: {  	[tilespmem:s3+$0xE230] =	vst v1  }
0x277: {  	s29 =	sadd.s32 $0x1450, s7;
	v1 =	vld.idx.msk [tilespmem:v2+s19+$0x0], $0xffff  }
0x278: {  	v2 =	vadd.s32 s29, v0;
	_ =	sdelay $0x3  }
0x279: {  	s8 =	sand.u32 $0xFFFFFFF0, s0;
	[tilespmem:s3+$0xE240] =	vst v1  }
0x27a: {  	s31 =	ssub.s32 $0x0, s8;
	s30 =	sadd.s32 $0x1860, s7;
	v1 =	vld.idx.msk [tilespmem:v2+s19+$0x0], $0xffff  }
0x27b: {  	s15 =	sadd.s32 $0x1, s31;
	v2 =	vadd.s32 s30, v0  }
0x27c: {  	s12 =	sshll.u32 s15, $0x18  }
0x27d: {  	s12 =	sshra.s32 s12, $0x1F  }
0x27e: {  	s12 =	sand.u32 $0x7, s12  }
0x27f: {  	s12 =	sadd.s32 s12, s15;
	[tilespmem:s3+$0xE250] =	vst v1  }
0x280: {  	s7 =	sadd.s32 $0x1C70, s7;
	s12 =	sshll.u32 s12, $0x18;
	v1 =	vld.idx.msk [tilespmem:v2+s19+$0x0], $0xffff  }
0x281: {  	s11 =	sshra.s32 s15, $0x1F;
	s24 =	sshra.s32 s12, $0x1B;
	v2 =	vadd.s32 s7, v0  }
0x282: {  	s28 =	simm.s32 $0x0;
	s7 =	sadd.s32 s24, s11  }
0x283: {  	s11 =	sand.u32 $0x7FFFFFF8, s28;
	s29 =	smul.u32 $0x2078, s7  }
0x284: {  	s11 =	ssub.s32 $0xFFFFFFFE, s11  }
0x285: {  	s12 =	sadd.s32 s29, s11;
	[tilespmem:s3+$0xE260] =	vst v1  }
0x286: {  	s11 =	sadd.s32 $0x3, s12;
	v1 =	vld.idx.msk [tilespmem:v2+s19+$0x0], $0xffff  }
0x287: {  	v2 =	vadd.s32 s11, v0;
	_ =	sdelay $0x3  }
0x288: {  	s30 =	ssub.s32 $0xFFFFFFFE, s8;
	s31 =	sshll.u32 s7, $0x3;
	[tilespmem:s3+$0xE270] =	vst v1  }
0x289: {  	s11 =	sadd.s32 $0x413, s12;
	s3 =	ssub.s32 s30, s31;
	v1 =	vld.idx.msk [tilespmem:v2+s19+$0x0], $0xffff  }
0x28a: {  	s7 =	sshll.u32 s7, $0xC;
	s3 =	sshll.u32 s3, $0x9;
	v2 =	vadd.s32 s11, v0  }
0x28b: {  	s7 =	sshra.s32 s7, $0x2;
	s3 =	sadd.s32 $0x600, s3  }
0x28c: {  	s7 =	sadd.s32 $0x0, s7;
	s3 =	sshra.s32 s3, $0x2  }
0x28d: {  	s11 =	sadd.s32 s3, s7  }
0x28e: {  	[tilespmem:s11+$0xE200] =	vst v1  }
0x28f: {  	s15 =	sadd.s32 $0x823, s12;
	v1 =	vld.idx.msk [tilespmem:v2+s19+$0x0], $0xffff  }
0x290: {  	v2 =	vadd.s32 s15, v0;
	_ =	sdelay $0x3  }
0x291: {  	[tilespmem:s11+$0xE210] =	vst v1  }
0x292: {  	s24 =	sadd.s32 $0xC33, s12;
	v1 =	vld.idx.msk [tilespmem:v2+s19+$0x0], $0xffff  }
0x293: {  	v2 =	vadd.s32 s24, v0;
	_ =	sdelay $0x3  }
0x294: {  	[tilespmem:s11+$0xE220] =	vst v1  }
0x295: {  	s28 =	sadd.s32 $0x1043, s12;
	v1 =	vld.idx.msk [tilespmem:v2+s19+$0x0], $0xffff  }
0x296: {  	v2 =	vadd.s32 s28, v0;
	_ =	sdelay $0x3  }
0x297: {  	[tilespmem:s11+$0xE230] =	vst v1  }
0x298: {  	s29 =	sadd.s32 $0x1453, s12;
	v1 =	vld.idx.msk [tilespmem:v2+s19+$0x0], $0xffff  }
0x299: {  	v2 =	vadd.s32 s29, v0;
	_ =	sdelay $0x3  }
0x29a: {  	[tilespmem:s11+$0xE240] =	vst v1  }
0x29b: {  	s30 =	sadd.s32 $0x1863, s12;
	v1 =	vld.idx.msk [tilespmem:v2+s19+$0x0], $0xffff  }
0x29c: {  	v2 =	vadd.s32 s30, v0;
	_ =	sdelay $0x3  }
0x29d: {  	[tilespmem:s11+$0xE250] =	vst v1  }
0x29e: {  	s31 =	sadd.s32 $0x1C73, s12;
	v1 =	vld.idx.msk [tilespmem:v2+s19+$0x0], $0xffff  }
0x29f: {  	v2 =	vadd.s32 s31, v0  }
.LBB2_16:
0x2a0: {  	s8 =	smov.u32 s1;
	s1 =	sadd.s32 $0x2, s1  }
0x2a1: {  	s3 =	sshrl.u32 s1, $0x3;
	p0 =	slt.u32 s1, $0x7E  }
0x2a2: {  	s12 =	sshrl.u32 s1, $0x4;
	s3 =	sand.u32 $0x1, s3  }
0x2a3: {  	s15 =	sand.u32 $0x6, s1;
	s7 =	sshll.u32 s12, $0x3;
	s24 =	smul.u32 $0x2080, s3;
	[tilespmem:s11+$0xE260] =	vst v1  }
0x2a4: {  	s7 =	sor.u32 s15, s7;
	v1 =	vld.idx.msk [tilespmem:v2+s19+$0x0], $0xffff  }
0x2a5: {  	s28 =	sor.u32 s7, s24  }
0x2a6: {  	v2 =	vadd.s32 s28, v0;
	_ =	sdelay $0x3  }
0x2a7: {  	[tilespmem:s11+$0xE270] =	vst v1  }
0x2a8: {  	s7 =	sadd.s32 s24, s7;
	v1 =	vld.idx.msk [tilespmem:v2+s19+$0x0], $0xffff  }
0x2a9: {  	s11 =	sadd.s32 $0x410, s7  }
0x2aa: {  	v2 =	vadd.s32 s11, v0  }
0x2ab: {  	s3 =	sshll.u32 s3, $0xA;
	s15 =	sshll.u32 s15, $0x7  }
0x2ac: {  	s3 =	sor.u32 s15, s3;
	s11 =	sshll.u32 s12, $0xB  }
0x2ad: {  	s12 =	sor.u32 s11, s3  }
0x2ae: {  	[tilespmem:s12+$0xE200] =	vst v1  }
0x2af: {  	v1 =	vld.idx.msk [tilespmem:v2+s19+$0x0], $0xffff  }
0x2b0: {  	s3 =	sadd.s32 $0x820, s7  }
0x2b1: {  	v2 =	vadd.s32 s3, v0;
	_ =	sdelay $0x3  }
0x2b2: {  	[tilespmem:s12+$0xE210] =	vst v1  }
0x2b3: {  	v1 =	vld.idx.msk [tilespmem:v2+s19+$0x0], $0xffff  }
0x2b4: {  	s3 =	sadd.s32 $0xC30, s7  }
0x2b5: {  	v2 =	vadd.s32 s3, v0;
	_ =	sdelay $0x3  }
0x2b6: {  	[tilespmem:s12+$0xE220] =	vst v1  }
0x2b7: {  	v1 =	vld.idx.msk [tilespmem:v2+s19+$0x0], $0xffff  }
0x2b8: {  	s3 =	sadd.s32 $0x1040, s7  }
0x2b9: {  	v2 =	vadd.s32 s3, v0;
	_ =	sdelay $0x3  }
0x2ba: {  	[tilespmem:s12+$0xE230] =	vst v1  }
0x2bb: {  	v1 =	vld.idx.msk [tilespmem:v2+s19+$0x0], $0xffff  }
0x2bc: {  	s3 =	sadd.s32 $0x1450, s7  }
0x2bd: {  	v2 =	vadd.s32 s3, v0;
	_ =	sdelay $0x3  }
0x2be: {  	[tilespmem:s12+$0xE240] =	vst v1  }
0x2bf: {  	v1 =	vld.idx.msk [tilespmem:v2+s19+$0x0], $0xffff  }
0x2c0: {  	s0 =	sadd.s32 $0x2, s0;
	s3 =	sadd.s32 $0x1860, s7  }
0x2c1: {  	s15 =	sand.u32 $0xFFFFFFF0, s0;
	v2 =	vadd.s32 s3, v0  }
0x2c2: {  	s3 =	ssub.s32 s1, s15  }
0x2c3: {  	s3 =	sadd.s32 $0x1, s3  }
0x2c4: {  	s24 =	sshll.u32 s3, $0x18  }
0x2c5: {  	s24 =	sshra.s32 s24, $0x1F;
	[tilespmem:s12+$0xE250] =	vst v1  }
0x2c6: {  	s24 =	sand.u32 $0x7, s24;
	v1 =	vld.idx.msk [tilespmem:v2+s19+$0x0], $0xffff  }
0x2c7: {  	s7 =	sadd.s32 $0x1C70, s7;
	s24 =	sadd.s32 s24, s3  }
0x2c8: {  	v2 =	vadd.s32 s7, v0;
	s7 =	sshll.u32 s24, $0x18  }
0x2c9: {  	s3 =	sshra.s32 s3, $0x1F;
	s7 =	sshra.s32 s7, $0x1B  }
0x2ca: {  	s3 =	sadd.s32 s7, s3;
	s7 =	sshrl.u32 s0, $0x1  }
0x2cb: {  	s24 =	smul.u32 $0x2078, s3;
	s7 =	sand.u32 $0x7FFFFFF8, s7  }
0x2cc: {  	s7 =	ssub.s32 s8, s7;
	[tilespmem:s12+$0xE260] =	vst v1  }
0x2cd: {  	s7 =	sadd.s32 s24, s7;
	v1 =	vld.idx.msk [tilespmem:v2+s19+$0x0], $0xffff  }
0x2ce: {  	s24 =	sadd.s32 $0x3, s7  }
0x2cf: {  	v2 =	vadd.s32 s24, v0;
	_ =	sdelay $0x3  }
0x2d0: {  	[tilespmem:s12+$0xE270] =	vst v1  }
0x2d1: {  	s8 =	ssub.s32 s8, s15;
	s12 =	sshll.u32 s3, $0x3;
	v1 =	vld.idx.msk [tilespmem:v2+s19+$0x0], $0xffff  }
0x2d2: {  	s8 =	ssub.s32 s8, s12;
	s12 =	sadd.s32 $0x413, s7  }
0x2d3: {  	s3 =	sshll.u32 s3, $0xC;
	s8 =	sshll.u32 s8, $0x9;
	v2 =	vadd.s32 s12, v0  }
0x2d4: {  	s3 =	sshra.s32 s3, $0x2;
	s8 =	sadd.s32 $0x600, s8  }
0x2d5: {  	s3 =	sadd.s32 s3, s11;
	s8 =	sshra.s32 s8, $0x2  }
0x2d6: {  	s11 =	sadd.s32 s8, s3  }
0x2d7: {  	[tilespmem:s11+$0xE200] =	vst v1  }
0x2d8: {  	v1 =	vld.idx.msk [tilespmem:v2+s19+$0x0], $0xffff  }
0x2d9: {  	s3 =	sadd.s32 $0x823, s7  }
0x2da: {  	v2 =	vadd.s32 s3, v0;
	_ =	sdelay $0x3  }
0x2db: {  	[tilespmem:s11+$0xE210] =	vst v1  }
0x2dc: {  	v1 =	vld.idx.msk [tilespmem:v2+s19+$0x0], $0xffff  }
0x2dd: {  	s3 =	sadd.s32 $0xC33, s7  }
0x2de: {  	v2 =	vadd.s32 s3, v0;
	_ =	sdelay $0x3  }
0x2df: {  	[tilespmem:s11+$0xE220] =	vst v1  }
0x2e0: {  	v1 =	vld.idx.msk [tilespmem:v2+s19+$0x0], $0xffff  }
0x2e1: {  	s3 =	sadd.s32 $0x1043, s7  }
0x2e2: {  	v2 =	vadd.s32 s3, v0;
	_ =	sdelay $0x3  }
0x2e3: {  	[tilespmem:s11+$0xE230] =	vst v1  }
0x2e4: {  	v1 =	vld.idx.msk [tilespmem:v2+s19+$0x0], $0xffff  }
0x2e5: {  	s3 =	sadd.s32 $0x1453, s7  }
0x2e6: {  	v2 =	vadd.s32 s3, v0;
	_ =	sdelay $0x3  }
0x2e7: {  	[tilespmem:s11+$0xE240] =	vst v1  }
0x2e8: {  	v1 =	vld.idx.msk [tilespmem:v2+s19+$0x0], $0xffff  }
0x2e9: {  	s3 =	sadd.s32 $0x1863, s7  }
0x2ea: {  	v2 =	vadd.s32 s3, v0;
	_ =	sdelay $0x2  }
.Ltmp8:
0x2eb: {  	(pc) =	sbr.rel @p0 .LBB2_16-.Ltmp8, $4  }
0x2ec: {  	[tilespmem:s11+$0xE250] =	vst v1  }
0x2ed: {  	v1 =	vld.idx.msk [tilespmem:v2+s19+$0x0], $0xffff  }
0x2ee: {  	s3 =	sadd.s32 $0x1C73, s7  }
0x2ef: {  	v2 =	vadd.s32 s3, v0  }
0x2f0: {  	_ =	sdelay $0x2  }
0x2f1: {  	[tilespmem:s11+$0xE260] =	vst v1  }
0x2f2: {  	v1 =	vld.idx.msk [tilespmem:v2+s19+$0x0], $0xffff;
	_ =	sdelay $0x4  }
0x2f3: {  	s0 =	rddreg [dreg:$0x5];
	s1 =	simm.s32 $0xE200;
	[tilespmem:s11+$0xE270] =	vst v1  }
0x2f4: {  	[hbm4b:s0+s20] =	stream.strided.scatter [tilespmem:s1], [sflag:$0x6], $0x4000, s21, s20, $0x38;
	[tilespmem:$0x16300] =	vst v63  }
0x2f5: {  	_ =	swait.ge [sflag:s25], $0x4000  }
0x2f6: {  	[sflag:s25] =	ssyncset.done $0x0  }
0x2f7: {  	[sflag:s25] =	ssyncadd.s32 $0xFFFFC000  }
0x2f8: {  	_ =	swait.ge [sflag:s26], $0x4000  }
0x2f9: {  	s30 =	rddreg [dreg:$0x7]  }
0x2fa: {  	s31 =	rddreg [dreg:$0x6];
	s1 =	sadd.s32 $0x1, s30  }
0x2fb: {  	p0 =	sne.s32 s1, s31  }
.Ltmp9:
0x2fc: {  	_ = 	snop;
	(pc) =	sbr.rel @p0 .LBB2_1-.Ltmp9, $3  }
0x2fd: {  	_ =	sdelay $0x1  }
0x2fe: {  	[sflag:s26] =	ssyncset.done $0x0  }
0x2ff: {  	[sflag:s26] =	ssyncadd.s32 $0xFFFFC000  }
0x300: {  	_ =	sfence.sel $0x180000  }
0x301: {  	[bflag:$0x0] =	sbarrier.arrive $0xFFFF  }
0x302: {  	_ =	strace $0x9000004A  }
0x303: {  	s0 =	stileid.u32;
	[bflag:$0x2] =	sbarrier.arrive $0xFFFF  }
0x304: {  	p0 =	sne.s32 s0, $0x0;
	s0 =	rddreg [dreg:$0x2]  }
0x305: {  	s0 =	sadd.s32 @!p0 $0x100000, s0  }
0x306: {  	[sflag:s0] =	ssyncadd.tile.s32 @!p0 $0x1;
	_ =	shalt  }
.Lfunc_end2:
_tile_overlayer_lowered:
.L_overlay_start_2:
0x307: {  	(tag) =	ssettag $0x2  }
0x308: {  	s0 =	rddreg [dreg:$0x0];
	s2 =	stileid.u32  }
0x309: {  	s1 =	rddreg [dreg:$0x1];
	p0 =	sne.s32 s2, $0x0  }
0x30a: {  	s3 =	rddreg [dreg:$0x2];
	[bflag:$0x3] =	sbarrier.arrive $0xFFFF;
	s2 =	simm.s32 @!p0 $0x1C07  }
0x30b: {  	[timem:s3], [sflag:s2] =	dma.local @!p0 [hbm:s0], s1  }
0x30c: {  	s0 =	simm.s32 @!p0 $0x7  }
0x30d: {  	_ =	swait.ge @!p0 [sflag:s0], s1  }
0x30e: {  	s1 =	ssub.s32 @!p0 $0x0, s1;
	[sflag:s0] =	ssyncset.done @!p0 $0x0  }
0x30f: {  	[sflag:s0] =	ssyncadd.s32 @!p0 s1  }
0x310: {  	[bflag:$0x3] =	sbarrier.arrive $0xFFFF  }
0x311: {  	_ =	shalt  }

</sc_bundles>
